<compile_context>
chip_gen: v7x
topology: tpu7x:2x2x1
jax: 0.10.2.dev20260603
libtpu: 0.0.44.dev20260713+nightly
codegen_flags: <defaults>
</compile_context>

<pallas_src>
import functools

import jax
import jax.numpy as jnp
from jax import lax
from jax.experimental import pallas as pl
from jax.experimental.pallas import tpu as pltpu
from jax.experimental.pallas import tpu_sc as plsc

NC = 2
NS = 16
NW = NC * NS
LANES = 16
C = 128
NG = C // LANES


W_T = 8192
QG = W_T // 4


@functools.lru_cache(maxsize=None)
def _build_transpose(D, N):
    nfull = N // W_T
    nblk = nfull + 1

    def body(t_ref, tail_ref, o_ref):
        i = pl.program_id(0)
        t = jnp.where(i < nfull, t_ref[...], tail_ref[...])
        parts = [t[:, q * QG:(q + 1) * QG].T for q in range(4)]
        o_ref[...] = jnp.concatenate(parts, axis=1)

    call = pl.pallas_call(
        body,
        grid=(nblk,),
        in_specs=[
            pl.BlockSpec((D, W_T),
                         lambda i: (0, jnp.minimum(i, nfull - 1))),
            pl.BlockSpec((D, W_T), lambda i: (0, 0)),
        ],
        out_specs=pl.BlockSpec((QG, 4 * D), lambda i: (i, 0)),
        out_shape=jax.ShapeDtypeStruct((nblk * QG, 4 * D), jnp.float32),
    )

    def run(tT):
        tail = jnp.pad(tT[:, nfull * W_T:],
                       ((0, 0), (0, nblk * W_T - N)))
        return call(tT, tail)

    return run


def _sigma(v):
    return (v & -W_T) + ((v & (QG - 1)) << 2) + ((v >> 11) & 3)


@functools.lru_cache(maxsize=None)
def _build_sc_gather(B, D, K, NU, NI):
    DIN = 2 * (K + 1) * D
    BPW = B // NW
    NCH = BPW // C
    f32, i32 = jnp.float32, jnp.int32
    mesh = plsc.VectorSubcoreMesh(core_axis_name="c", subcore_axis_name="s",
                                  num_cores=NC, num_subcores=NS)

    @functools.partial(
        pl.kernel,
        out_type=(jax.ShapeDtypeStruct((DIN // 128, B, 128), f32),
                  jax.ShapeDtypeStruct((B,), f32)),
        mesh=mesh,
        compiler_params=pltpu.CompilerParams(use_tc_tiling_on_sc=False,
                                             needs_layout_passes=False),
        scratch_types=[
            pltpu.VMEM((2, C), i32),
            pltpu.VMEM((2, C), i32),
            pltpu.VMEM((2, K, C), i32),
            pltpu.VMEM((2, K, C), i32),
            pltpu.VMEM((2, C, D), f32),
            pltpu.VMEM((2, K, C, D), f32),
            pltpu.VMEM((2, C), f32),
            pltpu.VMEM((C,), f32),
            pltpu.SemaphoreType.DMA,
            pltpu.SemaphoreType.DMA,
            pltpu.SemaphoreType.DMA,
            pltpu.SemaphoreType.DMA,
            pltpu.SemaphoreType.DMA,
        ],
    )
    def sc_gather(uembp, iembp, utk, itk, ubias, ibias,
                  user, item, x_out, bias_out,
                  qidx, qsig, tkrows, nids, selfe, nei, bvals, bsum,
                  semq, sems, semt, semn, semw):
        wid = lax.axis_index("s") * NC + lax.axis_index("c")
        iota = lax.iota(i32, LANES)
        zf = jnp.zeros((LANES,), f32)
        qtab = (user, item)
        etabp = (uembp, iembp)
        ttab = (utk, itk)
        btab = (ubias, ibias)

        def chunk_body(t, _):
            base = wid * BPW + t * C
            d0 = [pltpu.async_copy(qtab[s].at[pl.ds(base, C)], qidx.at[s], semq)
                  for s in range(2)]
            for d in d0:
                d.wait()
            for s in range(2):
                def s_body(g, _, s=s):
                    sl = pl.ds(g * LANES, LANES)
                    qsig[s, sl] = _sigma(qidx[s, sl])
                    return _
                lax.fori_loop(0, NG, s_body, None)
            d1 = []
            for s in range(2):
                d1.append(pltpu.async_copy(etabp[s].at[qsig.at[s]], selfe.at[s], sems))
                d1.append(pltpu.async_copy(btab[s].at[qidx.at[s]], bvals.at[s], sems))
            for s, nrows in ((0, NU), (1, NI)):
                def g_body(g, _, s=s, nrows=nrows):
                    u16 = qidx[s, pl.ds(g * LANES, LANES)]
                    for k in range(K):
                        tkrows[s, k, pl.ds(g * LANES, LANES)] = u16 + k * nrows
                    return _
                lax.fori_loop(0, NG, g_body, None)
            d2 = []
            for s in range(2):
                for k in range(K):
                    d2.append(pltpu.async_copy(ttab[s].at[tkrows.at[s, k]],
                                               nids.at[s, k], semt))
            for d in d2:
                d.wait()
            for s in range(2):
                for k in range(K):
                    def p_body(g, _, s=s, k=k):
                        sl = pl.ds(g * LANES, LANES)
                        tkrows[s, k, sl] = _sigma(nids[s, k, sl])
                        return _
                    lax.fori_loop(0, NG, p_body, None)
            d3 = []
            for s in range(2):
                for k in range(K):
                    d3.append(pltpu.async_copy(etabp[s].at[tkrows.at[s, k]],
                                               nei.at[s, k], semn))
            for d in d1:
                d.wait()
            for d in d3:
                d.wait()
            for s in range(2):
                for k in range(K):
                    def f_body(g, _, s=s, k=k):
                        ids16 = nids[s, k, pl.ds(g * LANES, LANES)]
                        mn = jnp.min(ids16)

                        @pl.when(mn == 0)
                        def _fix():
                            z = ids16 == 0
                            rows = g * LANES + iota
                            ssp = jnp.full((LANES,), s, i32)
                            ksp = jnp.full((LANES,), k, i32)
                            for j in range(D):
                                plsc.store_scatter(
                                    nei, [ssp, ksp, rows, jnp.full((LANES,), j, i32)],
                                    zf, mask=z)
                        return _
                    lax.fori_loop(0, NG, f_body, None)
            def b_body(g, _):
                sl = pl.ds(g * LANES, LANES)
                bsum[sl] = bvals[0, sl] + bvals[1, sl]
                return _
            lax.fori_loop(0, NG, b_body, None)
            dw = []
            for s in range(2):
                col0 = s * (DIN // 2)
                panels = [(col0, selfe.at[s])]
                panels += [(col0 + D + k * D, nei.at[s, k]) for k in range(K)]
                for c0, src in panels:
                    dw.append(pltpu.async_copy(
                        src,
                        x_out.at[c0 // 128, pl.ds(base, C), pl.ds(c0 % 128, D)],
                        semw))
            dw.append(pltpu.async_copy(bsum, bias_out.at[pl.ds(base, C)], semw))
            for d in dw:
                d.wait()
            return _

        lax.fori_loop(0, NCH, chunk_body, None)

    return sc_gather


@functools.lru_cache(maxsize=None)
def _build_mlp(B, DIN, H1, H2, H3, bsz=2048):
    f32 = jnp.float32

    def body(x3_ref, bias_ref, w1, b1, w2, b2, w3, b3, wp, bp, out_ref):
        x3 = x3_ref[...]
        x = jnp.concatenate([x3[j] for j in range(DIN // 128)], axis=1)
        h = jnp.maximum(jnp.dot(x, w1[...], preferred_element_type=f32)
                        + b1[...][None, :], 0.0)
        h = jnp.maximum(jnp.dot(h, w2[...], preferred_element_type=f32)
                        + b2[...][None, :], 0.0)
        h = jnp.maximum(jnp.dot(h, w3[...], preferred_element_type=f32)
                        + b3[...][None, :], 0.0)
        p = jnp.dot(h, wp[...], preferred_element_type=f32)
        out_ref[...] = p + bp[...][None, :] + bias_ref[...]

    return pl.pallas_call(
        body,
        grid=(B // bsz,),
        in_specs=[
            pl.BlockSpec((DIN // 128, bsz, 128), lambda i: (0, i, 0)),
            pl.BlockSpec((bsz, 1), lambda i: (i, 0)),
            pl.BlockSpec((DIN, H1), lambda i: (0, 0)),
            pl.BlockSpec((H1,), lambda i: (0,)),
            pl.BlockSpec((H1, H2), lambda i: (0, 0)),
            pl.BlockSpec((H2,), lambda i: (0,)),
            pl.BlockSpec((H2, H3), lambda i: (0, 0)),
            pl.BlockSpec((H3,), lambda i: (0,)),
            pl.BlockSpec((H3, 1), lambda i: (0, 0)),
            pl.BlockSpec((1,), lambda i: (0,)),
        ],
        out_specs=pl.BlockSpec((bsz, 1), lambda i: (i, 0)),
        out_shape=jax.ShapeDtypeStruct((B, 1), f32),
    )


def kernel(user_emb_w, item_emb_w, W1, b1, W2, b2, W3, b3, Wp, bp,
           user_bias_w, item_bias_w, user, item, user_topk, item_topk):
    B = user.shape[0]
    D = user_emb_w.shape[1]
    K = user_topk.shape[1]
    DIN = 2 * (K + 1) * D
    NU = user_emb_w.shape[0]
    NI = item_emb_w.shape[0]
    tu = _build_transpose(D, NU)(user_emb_w.T)
    ti = _build_transpose(D, NI)(item_emb_w.T)
    uemb_rm = tu.reshape(tu.shape[0] * 4, D)
    iemb_rm = ti.reshape(ti.shape[0] * 4, D)
    sc_gather = _build_sc_gather(B, D, K, NU, NI)
    x, bias = sc_gather(uemb_rm, iemb_rm,
                        user_topk.T.reshape(-1), item_topk.T.reshape(-1),
                        user_bias_w.reshape(-1), item_bias_w.reshape(-1),
                        user, item)
    mlp = _build_mlp(B, DIN, W1.shape[1], W2.shape[1], W3.shape[1])
    pred = mlp(x, bias.reshape(B, 1), W1, b1, W2, b2, W3, b3, Wp, bp)
    return pred[:, 0]

# --- scband reference (transcript-rebuilt; emitter-appended) ---
"""Pipeline reference for scband-neighbor-aware-64673617543324 (READ-ONLY COPY).

The authoritative reference and input builder live on the scoring server;
editing this copy changes nothing except your own understanding.
"""

import jax, jax.numpy as jnp
import numpy as np

N_USERS = 1000000
N_ITEMS = 1000000
D = 32
K = 5
B = 16384

def setup_inputs(seed: int = 0):
    key = jax.random.key(seed)
    ks = jax.random.split(key, 12)
    user_emb_w = jax.random.normal(ks[0], (N_USERS + 1, D), dtype=jnp.float32) * 0.1
    item_emb_w = jax.random.normal(ks[1], (N_ITEMS + 1, D), dtype=jnp.float32) * 0.1
    user_topk = jax.random.randint(ks[2], (N_USERS + 1, K), 0, N_USERS + 1, dtype=jnp.int32)
    item_topk = jax.random.randint(ks[3], (N_ITEMS + 1, K), 0, N_ITEMS + 1, dtype=jnp.int32)
    user = jax.random.randint(ks[4], (B,), 0, N_USERS + 1, dtype=jnp.int32)
    item = jax.random.randint(ks[5], (B,), 0, N_ITEMS + 1, dtype=jnp.int32)
    din = 2 * (K + 1) * D
    h1 = din * 2 // 3
    h2 = din // 3
    h3 = din // 6
    W1 = jax.random.normal(ks[6], (din, h1), dtype=jnp.float32) * 0.05
    b1 = jnp.zeros((h1,), dtype=jnp.float32)
    W2 = jax.random.normal(ks[7], (h1, h2), dtype=jnp.float32) * 0.05
    b2 = jnp.zeros((h2,), dtype=jnp.float32)
    W3 = jax.random.normal(ks[8], (h2, h3), dtype=jnp.float32) * 0.05
    b3 = jnp.zeros((h3,), dtype=jnp.float32)
    Wp = jax.random.normal(ks[9], (h3, 1), dtype=jnp.float32) * 0.05
    bp = jnp.zeros((1,), dtype=jnp.float32)
    user_bias_w = jnp.zeros((N_USERS + 1, 1), dtype=jnp.float32)
    item_bias_w = jnp.zeros((N_ITEMS + 1, 1), dtype=jnp.float32)
    return {
        'user_emb_w': user_emb_w, 'item_emb_w': item_emb_w,
        'W1': W1, 'b1': b1, 'W2': W2, 'b2': b2, 'W3': W3, 'b3': b3,
        'Wp': Wp, 'bp': bp,
        'user_bias_w': user_bias_w, 'item_bias_w': item_bias_w,
        'user': user, 'item': item,
        'user_topk': user_topk, 'item_topk': item_topk,
    }

def reference(user_emb_w, item_emb_w, W1, b1, W2, b2, W3, b3, Wp, bp, user_bias_w, item_bias_w, user, item, user_topk, item_topk):
    u_t = jnp.take(user_emb_w, user, axis=0)
    i_t = jnp.take(item_emb_w, item, axis=0)
    u_nei_ids = jnp.take(user_topk, user, axis=0)
    i_nei_ids = jnp.take(item_topk, item, axis=0)
    u_ne = jnp.take(user_emb_w, u_nei_ids, axis=0)
    i_ne = jnp.take(item_emb_w, i_nei_ids, axis=0)
    u_ne = jnp.where((u_nei_ids == 0)[..., None], 0.0, u_ne)
    i_ne = jnp.where((i_nei_ids == 0)[..., None], 0.0, i_ne)
    u_cat = jnp.concatenate([u_t, u_ne.reshape(u_t.shape[0], -1)], axis=-1)
    i_cat = jnp.concatenate([i_t, i_ne.reshape(i_t.shape[0], -1)], axis=-1)
    x = jnp.concatenate([u_cat, i_cat], axis=-1)
    h = jax.nn.relu(x @ W1 + b1)
    h = jax.nn.relu(h @ W2 + b2)
    h = jax.nn.relu(h @ W3 + b3)
    pred = (h @ Wp + bp).squeeze(-1)
    pred = pred + jnp.take(user_bias_w, user, axis=0).squeeze(-1) + jnp.take(item_bias_w, item, axis=0).squeeze(-1)
    return pred

if __name__ == "__main__":
    import jax
    _d = setup_inputs()
    print(jax.jit(kernel)(*tuple(_d.values())))

</pallas_src>

<mosaic_0001>
#map = affine_map<(d0, d1) -> (0, 0)>
#map1 = affine_map<(d0, d1) -> (0)>
#map2 = affine_map<(d0, d1) -> (0, 0, 0)>
module attributes {stable_mosaic.version = 14 : i64} {
  func.func @sc_gather(%arg0: i32, %arg1: i32, %arg2: memref<1007616x32xf32, #tpu.memory_space<hbm>>, %arg3: memref<1007616x32xf32, #tpu.memory_space<hbm>>, %arg4: memref<5000005xi32, #tpu.memory_space<hbm>>, %arg5: memref<5000005xi32, #tpu.memory_space<hbm>>, %arg6: memref<1000001xf32, #tpu.memory_space<hbm>>, %arg7: memref<1000001xf32, #tpu.memory_space<hbm>>, %arg8: memref<16384xi32, #tpu.memory_space<hbm>>, %arg9: memref<16384xi32, #tpu.memory_space<hbm>>, %arg10: memref<3x16384x128xf32, #tpu.memory_space<hbm>>, %arg11: memref<16384xf32, #tpu.memory_space<hbm>>, %arg12: memref<2x128xi32, #tpu.memory_space<vmem>>, %arg13: memref<2x128xi32, #tpu.memory_space<vmem>>, %arg14: memref<2x5x128xi32, #tpu.memory_space<vmem>>, %arg15: memref<2x5x128xi32, #tpu.memory_space<vmem>>, %arg16: memref<2x128x32xf32, #tpu.memory_space<vmem>>, %arg17: memref<2x5x128x32xf32, #tpu.memory_space<vmem>>, %arg18: memref<2x128xf32, #tpu.memory_space<vmem>>, %arg19: memref<128xf32, #tpu.memory_space<vmem>>, %arg20: memref<!tpu.dma_semaphore, #tpu.memory_space<semaphore_mem>>, %arg21: memref<!tpu.dma_semaphore, #tpu.memory_space<semaphore_mem>>, %arg22: memref<!tpu.dma_semaphore, #tpu.memory_space<semaphore_mem>>, %arg23: memref<!tpu.dma_semaphore, #tpu.memory_space<semaphore_mem>>, %arg24: memref<!tpu.dma_semaphore, #tpu.memory_space<semaphore_mem>>) attributes {dimension_semantics = [#tpu.dimension_semantics<core_parallel>, #tpu.dimension_semantics<subcore_parallel>], iteration_bounds = array<i64: 2, 16>, scalar_prefetch = 0 : i64, scratch_operands = 13 : i64, tpu.core_type = #tpu.core_type<sc_vector_subcore>, window_params = [{transform_indices = #map}, {transform_indices = #map}, {transform_indices = #map1}, {transform_indices = #map1}, {transform_indices = #map1}, {transform_indices = #map1}, {transform_indices = #map1}, {transform_indices = #map1}, {transform_indices = #map2}, {transform_indices = #map1}]} {
    %mul3A = arith.constant 2 : i32
    %mul3A_0 = arith.muli %arg1, %mul3A : i32
    %add3A = arith.addi %mul3A_0, %arg0 : i32
    %iota3A = tpu.iota {dimensions = array<i32: 0>} : vector<16xi32>
    %broadcast_in_dim3A = arith.constant 0.000000e+00 : f32
    %broadcast_in_dim3A_1 = vector.broadcast %broadcast_in_dim3A : f32 to vector<16xf32>
    %scan3A = arith.constant 0 : i32
    %scan3A_2 = arith.constant 4 : i32
    %scan3A_3 = arith.addi %scan3A, %scan3A_2 : i32
    %scan3A_4 = arith.constant 1 : i32
    scf.for %scan3A_6 = %scan3A to %scan3A_3 step %scan3A_4  : i32 {
      %mul3A_7 = arith.constant 512 : i32
      %mul3A_8 = arith.muli %add3A, %mul3A_7 : i32
      %mul3A_9 = arith.constant 128 : i32
      %mul3A_10 = arith.muli %scan3A_6, %mul3A_9 : i32
      %add3A_11 = arith.addi %mul3A_8, %mul3A_10 : i32
      %dma_start3A = arith.constant 0 : i32
      %dma_start3A_12 = arith.constant 0 : i32
      %dma_start3A_13 = tpu.memref_slice %arg12[%dma_start3A, %dma_start3A_12] : memref<2x128xi32, #tpu.memory_space<vmem>> -> memref<1x128xi32, #tpu.memory_space<vmem>>
      %dma_start3A_14 = tpu.memref_squeeze %dma_start3A_13 : memref<1x128xi32, #tpu.memory_space<vmem>> -> memref<128xi32, #tpu.memory_space<vmem>>
      %dma_start3A_15 = tpu.memref_slice %arg8[%add3A_11] : memref<16384xi32, #tpu.memory_space<hbm>> -> memref<128xi32, #tpu.memory_space<hbm>>
      %dma_start3A_16 = arith.constant 0 : i32
      %dma_start3A_17 = tpu.memref_slice %arg12[%dma_start3A, %dma_start3A_16] : memref<2x128xi32, #tpu.memory_space<vmem>> -> memref<1x128xi32, #tpu.memory_space<vmem>>
      %dma_start3A_18 = tpu.memref_squeeze %dma_start3A_17 : memref<1x128xi32, #tpu.memory_space<vmem>> -> memref<128xi32, #tpu.memory_space<vmem>>
      %dma_start3A_19 = tpu.memref_slice %arg8[%add3A_11] : memref<16384xi32, #tpu.memory_space<hbm>> -> memref<128xi32, #tpu.memory_space<hbm>>
      tpu.enqueue_dma source(%dma_start3A_19 : memref<128xi32, #tpu.memory_space<hbm>>) target(%dma_start3A_18 : memref<128xi32, #tpu.memory_space<vmem>>) target_semaphore(%arg20 : memref<!tpu.dma_semaphore, #tpu.memory_space<semaphore_mem>>)
      %dma_start3A_20 = arith.constant 1 : i32
      %dma_start3A_21 = arith.constant 0 : i32
      %dma_start3A_22 = tpu.memref_slice %arg12[%dma_start3A_20, %dma_start3A_21] : memref<2x128xi32, #tpu.memory_space<vmem>> -> memref<1x128xi32, #tpu.memory_space<vmem>>
      %dma_start3A_23 = tpu.memref_squeeze %dma_start3A_22 : memref<1x128xi32, #tpu.memory_space<vmem>> -> memref<128xi32, #tpu.memory_space<vmem>>
      %dma_start3A_24 = tpu.memref_slice %arg9[%add3A_11] : memref<16384xi32, #tpu.memory_space<hbm>> -> memref<128xi32, #tpu.memory_space<hbm>>
      %dma_start3A_25 = arith.constant 0 : i32
      %dma_start3A_26 = tpu.memref_slice %arg12[%dma_start3A_20, %dma_start3A_25] : memref<2x128xi32, #tpu.memory_space<vmem>> -> memref<1x128xi32, #tpu.memory_space<vmem>>
      %dma_start3A_27 = tpu.memref_squeeze %dma_start3A_26 : memref<1x128xi32, #tpu.memory_space<vmem>> -> memref<128xi32, #tpu.memory_space<vmem>>
      %dma_start3A_28 = tpu.memref_slice %arg9[%add3A_11] : memref<16384xi32, #tpu.memory_space<hbm>> -> memref<128xi32, #tpu.memory_space<hbm>>
      tpu.enqueue_dma source(%dma_start3A_28 : memref<128xi32, #tpu.memory_space<hbm>>) target(%dma_start3A_27 : memref<128xi32, #tpu.memory_space<vmem>>) target_semaphore(%arg20 : memref<!tpu.dma_semaphore, #tpu.memory_space<semaphore_mem>>)
      %dma_wait3A = arith.constant 0 : i32
      %dma_wait3A_29 = arith.constant 0 : i32
      %dma_wait3A_30 = tpu.memref_slice %arg12[%dma_wait3A, %dma_wait3A_29] : memref<2x128xi32, #tpu.memory_space<vmem>> -> memref<1x128xi32, #tpu.memory_space<vmem>>
      %dma_wait3A_31 = tpu.memref_squeeze %dma_wait3A_30 : memref<1x128xi32, #tpu.memory_space<vmem>> -> memref<128xi32, #tpu.memory_space<vmem>>
      %dma_wait3A_32 = tpu.memref_slice %arg8[%add3A_11] : memref<16384xi32, #tpu.memory_space<hbm>> -> memref<128xi32, #tpu.memory_space<hbm>>
      %dma_wait3A_33 = arith.constant 0 : i32
      %dma_wait3A_34 = tpu.memref_slice %arg12[%dma_wait3A, %dma_wait3A_33] : memref<2x128xi32, #tpu.memory_space<vmem>> -> memref<1x128xi32, #tpu.memory_space<vmem>>
      %dma_wait3A_35 = tpu.memref_squeeze %dma_wait3A_34 : memref<1x128xi32, #tpu.memory_space<vmem>> -> memref<128xi32, #tpu.memory_space<vmem>>
      %dma_wait3A_36 = tpu.memref_slice %arg8[%add3A_11] : memref<16384xi32, #tpu.memory_space<hbm>> -> memref<128xi32, #tpu.memory_space<hbm>>
      tpu.wait_dma2 semaphore(%arg20 : memref<!tpu.dma_semaphore, #tpu.memory_space<semaphore_mem>>) src(%dma_wait3A_36 : memref<128xi32, #tpu.memory_space<hbm>>) dst(%dma_wait3A_35 : memref<128xi32, #tpu.memory_space<vmem>>)
      %dma_wait3A_37 = arith.constant 1 : i32
      %dma_wait3A_38 = arith.constant 0 : i32
      %dma_wait3A_39 = tpu.memref_slice %arg12[%dma_wait3A_37, %dma_wait3A_38] : memref<2x128xi32, #tpu.memory_space<vmem>> -> memref<1x128xi32, #tpu.memory_space<vmem>>
      %dma_wait3A_40 = tpu.memref_squeeze %dma_wait3A_39 : memref<1x128xi32, #tpu.memory_space<vmem>> -> memref<128xi32, #tpu.memory_space<vmem>>
      %dma_wait3A_41 = tpu.memref_slice %arg9[%add3A_11] : memref<16384xi32, #tpu.memory_space<hbm>> -> memref<128xi32, #tpu.memory_space<hbm>>
      %dma_wait3A_42 = arith.constant 0 : i32
      %dma_wait3A_43 = tpu.memref_slice %arg12[%dma_wait3A_37, %dma_wait3A_42] : memref<2x128xi32, #tpu.memory_space<vmem>> -> memref<1x128xi32, #tpu.memory_space<vmem>>
      %dma_wait3A_44 = tpu.memref_squeeze %dma_wait3A_43 : memref<1x128xi32, #tpu.memory_space<vmem>> -> memref<128xi32, #tpu.memory_space<vmem>>
      %dma_wait3A_45 = tpu.memref_slice %arg9[%add3A_11] : memref<16384xi32, #tpu.memory_space<hbm>> -> memref<128xi32, #tpu.memory_space<hbm>>
      tpu.wait_dma2 semaphore(%arg20 : memref<!tpu.dma_semaphore, #tpu.memory_space<semaphore_mem>>) src(%dma_wait3A_45 : memref<128xi32, #tpu.memory_space<hbm>>) dst(%dma_wait3A_44 : memref<128xi32, #tpu.memory_space<vmem>>)
      %scan3A_46 = arith.constant 0 : i32
      %scan3A_47 = arith.constant 8 : i32
      %scan3A_48 = arith.addi %scan3A_46, %scan3A_47 : i32
      %scan3A_49 = arith.constant 1 : i32
      scf.for %scan3A_1187 = %scan3A_46 to %scan3A_48 step %scan3A_49  : i32 {
        %mul3A_1188 = arith.constant 16 : i32
        %mul3A_1189 = arith.muli %scan3A_1187, %mul3A_1188 : i32
        %get3A = arith.constant 0 : i32
        %get3A_1190 = arith.index_cast %get3A : i32 to index
        %get3A_1191 = arith.index_cast %mul3A_1189 : i32 to index
        %get3A_1192 = tpu.vector_load %arg12[%get3A_1190, %get3A_1191] {strides = array<i32>} : memref<2x128xi32, #tpu.memory_space<vmem>>, vector<16xi32>,
        %and3A = arith.constant -8192 : i32
        %and3A_1193 = vector.broadcast %and3A : i32 to vector<16xi32>
        %and3A_1194 = arith.andi %get3A_1192, %and3A_1193 : vector<16xi32>
        %and3A_1195 = arith.constant 2047 : i32
        %and3A_1196 = vector.broadcast %and3A_1195 : i32 to vector<16xi32>
        %and3A_1197 = arith.andi %get3A_1192, %and3A_1196 : vector<16xi32>
        %shift_left3A = arith.constant 2 : i32
        %shift_left3A_1198 = vector.broadcast %shift_left3A : i32 to vector<16xi32>
        %shift_left3A_1199 = arith.shli %and3A_1197, %shift_left3A_1198 : vector<16xi32>
        %add3A_1200 = arith.addi %and3A_1194, %shift_left3A_1199 : vector<16xi32>
        %shift_right_arithmetic3A = arith.constant 11 : i32
        %shift_right_arithmetic3A_1201 = vector.broadcast %shift_right_arithmetic3A : i32 to vector<16xi32>
        %shift_right_arithmetic3A_1202 = arith.shrsi %get3A_1192, %shift_right_arithmetic3A_1201 : vector<16xi32>
        %and3A_1203 = arith.constant 3 : i32
        %and3A_1204 = vector.broadcast %and3A_1203 : i32 to vector<16xi32>
        %and3A_1205 = arith.andi %shift_right_arithmetic3A_1202, %and3A_1204 : vector<16xi32>
        %add3A_1206 = arith.addi %add3A_1200, %and3A_1205 : vector<16xi32>
        %swap3A = arith.constant 0 : i32
        %swap3A_1207 = arith.index_cast %swap3A : i32 to index
        %swap3A_1208 = arith.index_cast %mul3A_1189 : i32 to index
        %swap3A_1209 = tpu.vector_load %arg13[%swap3A_1207, %swap3A_1208] {strides = array<i32>} : memref<2x128xi32, #tpu.memory_space<vmem>>, vector<16xi32>,
        tpu.vector_store %arg13[%swap3A_1207, %swap3A_1208], %add3A_1206 {strides = array<i32>} : memref<2x128xi32, #tpu.memory_space<vmem>>, vector<16xi32>,
      }
      %scan3A_50 = arith.constant 8 : i32
      %scan3A_51 = arith.constant 0 : i32
      %scan3A_52 = arith.constant 8 : i32
      %scan3A_53 = arith.addi %scan3A_51, %scan3A_52 : i32
      %scan3A_54 = arith.constant 1 : i32
      scf.for %scan3A_1187 = %scan3A_51 to %scan3A_53 step %scan3A_54  : i32 {
        %mul3A_1188 = arith.constant 16 : i32
        %mul3A_1189 = arith.muli %scan3A_1187, %mul3A_1188 : i32
        %get3A = arith.constant 1 : i32
        %get3A_1190 = arith.index_cast %get3A : i32 to index
        %get3A_1191 = arith.index_cast %mul3A_1189 : i32 to index
        %get3A_1192 = tpu.vector_load %arg12[%get3A_1190, %get3A_1191] {strides = array<i32>} : memref<2x128xi32, #tpu.memory_space<vmem>>, vector<16xi32>,
        %and3A = arith.constant -8192 : i32
        %and3A_1193 = vector.broadcast %and3A : i32 to vector<16xi32>
        %and3A_1194 = arith.andi %get3A_1192, %and3A_1193 : vector<16xi32>
        %and3A_1195 = arith.constant 2047 : i32
        %and3A_1196 = vector.broadcast %and3A_1195 : i32 to vector<16xi32>
        %and3A_1197 = arith.andi %get3A_1192, %and3A_1196 : vector<16xi32>
        %shift_left3A = arith.constant 2 : i32
        %shift_left3A_1198 = vector.broadcast %shift_left3A : i32 to vector<16xi32>
        %shift_left3A_1199 = arith.shli %and3A_1197, %shift_left3A_1198 : vector<16xi32>
        %add3A_1200 = arith.addi %and3A_1194, %shift_left3A_1199 : vector<16xi32>
        %shift_right_arithmetic3A = arith.constant 11 : i32
        %shift_right_arithmetic3A_1201 = vector.broadcast %shift_right_arithmetic3A : i32 to vector<16xi32>
        %shift_right_arithmetic3A_1202 = arith.shrsi %get3A_1192, %shift_right_arithmetic3A_1201 : vector<16xi32>
        %and3A_1203 = arith.constant 3 : i32
        %and3A_1204 = vector.broadcast %and3A_1203 : i32 to vector<16xi32>
        %and3A_1205 = arith.andi %shift_right_arithmetic3A_1202, %and3A_1204 : vector<16xi32>
        %add3A_1206 = arith.addi %add3A_1200, %and3A_1205 : vector<16xi32>
        %swap3A = arith.constant 1 : i32
        %swap3A_1207 = arith.index_cast %swap3A : i32 to index
        %swap3A_1208 = arith.index_cast %mul3A_1189 : i32 to index
        %swap3A_1209 = tpu.vector_load %arg13[%swap3A_1207, %swap3A_1208] {strides = array<i32>} : memref<2x128xi32, #tpu.memory_space<vmem>>, vector<16xi32>,
        tpu.vector_store %arg13[%swap3A_1207, %swap3A_1208], %add3A_1206 {strides = array<i32>} : memref<2x128xi32, #tpu.memory_space<vmem>>, vector<16xi32>,
      }
      %scan3A_55 = arith.constant 8 : i32
      %dma_start3A_56 = arith.constant 0 : i32
      %dma_start3A_57 = arith.constant 0 : i32
      %dma_start3A_58 = arith.constant 0 : i32
      %dma_start3A_59 = arith.constant 0 : i32
      %dma_start3A_60 = tpu.memref_slice %arg16[%dma_start3A_57, %dma_start3A_58, %dma_start3A_59] : memref<2x128x32xf32, #tpu.memory_space<vmem>> -> memref<1x128x32xf32, #tpu.memory_space<vmem>>
      %dma_start3A_61 = tpu.memref_squeeze %dma_start3A_60 : memref<1x128x32xf32, #tpu.memory_space<vmem>> -> memref<128x32xf32, #tpu.memory_space<vmem>>
      %dma_start3A_62 = arith.constant 0 : i32
      %dma_start3A_63 = tpu.memref_slice %arg13[%dma_start3A_56, %dma_start3A_62] : memref<2x128xi32, #tpu.memory_space<vmem>> -> memref<1x128xi32, #tpu.memory_space<vmem>>
      %dma_start3A_64 = tpu.memref_squeeze %dma_start3A_63 : memref<1x128xi32, #tpu.memory_space<vmem>> -> memref<128xi32, #tpu.memory_space<vmem>>
      %dma_start3A_65 = arith.constant 0 : i32
      %dma_start3A_66 = arith.constant 0 : i32
      %dma_start3A_67 = tpu.memref_slice %arg2[%dma_start3A_65, %dma_start3A_66] : memref<1007616x32xf32, #tpu.memory_space<hbm>> -> memref<1007616x32xf32, #tpu.memory_space<hbm>>
      tpu.enqueue_indirect_dma source(%dma_start3A_67 : memref<1007616x32xf32, #tpu.memory_space<hbm>>) target(%dma_start3A_61 : memref<128x32xf32, #tpu.memory_space<vmem>>) offsets(%dma_start3A_64 : memref<128xi32, #tpu.memory_space<vmem>>) semaphore(%arg21 : memref<!tpu.dma_semaphore, #tpu.memory_space<semaphore_mem>>)
      %dma_start3A_68 = arith.constant 0 : i32
      %dma_start3A_69 = arith.constant 0 : i32
      %dma_start3A_70 = arith.constant 0 : i32
      %dma_start3A_71 = tpu.memref_slice %arg18[%dma_start3A_69, %dma_start3A_70] : memref<2x128xf32, #tpu.memory_space<vmem>> -> memref<1x128xf32, #tpu.memory_space<vmem>>
      %dma_start3A_72 = tpu.memref_squeeze %dma_start3A_71 : memref<1x128xf32, #tpu.memory_space<vmem>> -> memref<128xf32, #tpu.memory_space<vmem>>
      %dma_start3A_73 = arith.constant 0 : i32
      %dma_start3A_74 = tpu.memref_slice %arg12[%dma_start3A_68, %dma_start3A_73] : memref<2x128xi32, #tpu.memory_space<vmem>> -> memref<1x128xi32, #tpu.memory_space<vmem>>
      %dma_start3A_75 = tpu.memref_squeeze %dma_start3A_74 : memref<1x128xi32, #tpu.memory_space<vmem>> -> memref<128xi32, #tpu.memory_space<vmem>>
      %dma_start3A_76 = arith.constant 0 : i32
      %dma_start3A_77 = tpu.memref_slice %arg6[%dma_start3A_76] : memref<1000001xf32, #tpu.memory_space<hbm>> -> memref<1000001xf32, #tpu.memory_space<hbm>>
      tpu.enqueue_indirect_dma source(%dma_start3A_77 : memref<1000001xf32, #tpu.memory_space<hbm>>) target(%dma_start3A_72 : memref<128xf32, #tpu.memory_space<vmem>>) offsets(%dma_start3A_75 : memref<128xi32, #tpu.memory_space<vmem>>) semaphore(%arg21 : memref<!tpu.dma_semaphore, #tpu.memory_space<semaphore_mem>>)
      %dma_start3A_78 = arith.constant 1 : i32
      %dma_start3A_79 = arith.constant 1 : i32
      %dma_start3A_80 = arith.constant 0 : i32
      %dma_start3A_81 = arith.constant 0 : i32
      %dma_start3A_82 = tpu.memref_slice %arg16[%dma_start3A_79, %dma_start3A_80, %dma_start3A_81] : memref<2x128x32xf32, #tpu.memory_space<vmem>> -> memref<1x128x32xf32, #tpu.memory_space<vmem>>
      %dma_start3A_83 = tpu.memref_squeeze %dma_start3A_82 : memref<1x128x32xf32, #tpu.memory_space<vmem>> -> memref<128x32xf32, #tpu.memory_space<vmem>>
      %dma_start3A_84 = arith.constant 0 : i32
      %dma_start3A_85 = tpu.memref_slice %arg13[%dma_start3A_78, %dma_start3A_84] : memref<2x128xi32, #tpu.memory_space<vmem>> -> memref<1x128xi32, #tpu.memory_space<vmem>>
      %dma_start3A_86 = tpu.memref_squeeze %dma_start3A_85 : memref<1x128xi32, #tpu.memory_space<vmem>> -> memref<128xi32, #tpu.memory_space<vmem>>
      %dma_start3A_87 = arith.constant 0 : i32
      %dma_start3A_88 = arith.constant 0 : i32
      %dma_start3A_89 = tpu.memref_slice %arg3[%dma_start3A_87, %dma_start3A_88] : memref<1007616x32xf32, #tpu.memory_space<hbm>> -> memref<1007616x32xf32, #tpu.memory_space<hbm>>
      tpu.enqueue_indirect_dma source(%dma_start3A_89 : memref<1007616x32xf32, #tpu.memory_space<hbm>>) target(%dma_start3A_83 : memref<128x32xf32, #tpu.memory_space<vmem>>) offsets(%dma_start3A_86 : memref<128xi32, #tpu.memory_space<vmem>>) semaphore(%arg21 : memref<!tpu.dma_semaphore, #tpu.memory_space<semaphore_mem>>)
      %dma_start3A_90 = arith.constant 1 : i32
      %dma_start3A_91 = arith.constant 1 : i32
      %dma_start3A_92 = arith.constant 0 : i32
      %dma_start3A_93 = tpu.memref_slice %arg18[%dma_start3A_91, %dma_start3A_92] : memref<2x128xf32, #tpu.memory_space<vmem>> -> memref<1x128xf32, #tpu.memory_space<vmem>>
      %dma_start3A_94 = tpu.memref_squeeze %dma_start3A_93 : memref<1x128xf32, #tpu.memory_space<vmem>> -> memref<128xf32, #tpu.memory_space<vmem>>
      %dma_start3A_95 = arith.constant 0 : i32
      %dma_start3A_96 = tpu.memref_slice %arg12[%dma_start3A_90, %dma_start3A_95] : memref<2x128xi32, #tpu.memory_space<vmem>> -> memref<1x128xi32, #tpu.memory_space<vmem>>
      %dma_start3A_97 = tpu.memref_squeeze %dma_start3A_96 : memref<1x128xi32, #tpu.memory_space<vmem>> -> memref<128xi32, #tpu.memory_space<vmem>>
      %dma_start3A_98 = arith.constant 0 : i32
      %dma_start3A_99 = tpu.memref_slice %arg7[%dma_start3A_98] : memref<1000001xf32, #tpu.memory_space<hbm>> -> memref<1000001xf32, #tpu.memory_space<hbm>>
      tpu.enqueue_indirect_dma source(%dma_start3A_99 : memref<1000001xf32, #tpu.memory_space<hbm>>) target(%dma_start3A_94 : memref<128xf32, #tpu.memory_space<vmem>>) offsets(%dma_start3A_97 : memref<128xi32, #tpu.memory_space<vmem>>) semaphore(%arg21 : memref<!tpu.dma_semaphore, #tpu.memory_space<semaphore_mem>>)
      %scan3A_100 = arith.constant 0 : i32
      %scan3A_101 = arith.constant 8 : i32
      %scan3A_102 = arith.addi %scan3A_100, %scan3A_101 : i32
      %scan3A_103 = arith.constant 1 : i32
      scf.for %scan3A_1187 = %scan3A_100 to %scan3A_102 step %scan3A_103  : i32 {
        %mul3A_1188 = arith.constant 16 : i32
        %mul3A_1189 = arith.muli %scan3A_1187, %mul3A_1188 : i32
        %get3A = arith.constant 0 : i32
        %get3A_1190 = arith.index_cast %get3A : i32 to index
        %get3A_1191 = arith.index_cast %mul3A_1189 : i32 to index
        %get3A_1192 = tpu.vector_load %arg12[%get3A_1190, %get3A_1191] {strides = array<i32>} : memref<2x128xi32, #tpu.memory_space<vmem>>, vector<16xi32>,
        %add3A_1193 = arith.constant 0 : i32
        %add3A_1194 = vector.broadcast %add3A_1193 : i32 to vector<16xi32>
        %add3A_1195 = arith.addi %get3A_1192, %add3A_1194 : vector<16xi32>
        %mul3A_1196 = arith.constant 16 : i32
        %mul3A_1197 = arith.muli %scan3A_1187, %mul3A_1196 : i32
        %swap3A = arith.constant 0 : i32
        %swap3A_1198 = arith.constant 0 : i32
        %swap3A_1199 = arith.index_cast %swap3A : i32 to index
        %swap3A_1200 = arith.index_cast %swap3A_1198 : i32 to index
        %swap3A_1201 = arith.index_cast %mul3A_1197 : i32 to index
        %swap3A_1202 = tpu.vector_load %arg14[%swap3A_1199, %swap3A_1200, %swap3A_1201] {strides = array<i32>} : memref<2x5x128xi32, #tpu.memory_space<vmem>>, vector<16xi32>,
        tpu.vector_store %arg14[%swap3A_1199, %swap3A_1200, %swap3A_1201], %add3A_1195 {strides = array<i32>} : memref<2x5x128xi32, #tpu.memory_space<vmem>>, vector<16xi32>,
        %add3A_1203 = arith.constant 1000001 : i32
        %add3A_1204 = vector.broadcast %add3A_1203 : i32 to vector<16xi32>
        %add3A_1205 = arith.addi %get3A_1192, %add3A_1204 : vector<16xi32>
        %mul3A_1206 = arith.constant 16 : i32
        %mul3A_1207 = arith.muli %scan3A_1187, %mul3A_1206 : i32
        %swap3A_1208 = arith.constant 0 : i32
        %swap3A_1209 = arith.constant 1 : i32
        %swap3A_1210 = arith.index_cast %swap3A_1208 : i32 to index
        %swap3A_1211 = arith.index_cast %swap3A_1209 : i32 to index
        %swap3A_1212 = arith.index_cast %mul3A_1207 : i32 to index
        %swap3A_1213 = tpu.vector_load %arg14[%swap3A_1210, %swap3A_1211, %swap3A_1212] {strides = array<i32>} : memref<2x5x128xi32, #tpu.memory_space<vmem>>, vector<16xi32>,
        tpu.vector_store %arg14[%swap3A_1210, %swap3A_1211, %swap3A_1212], %add3A_1205 {strides = array<i32>} : memref<2x5x128xi32, #tpu.memory_space<vmem>>, vector<16xi32>,
        %add3A_1214 = arith.constant 2000002 : i32
        %add3A_1215 = vector.broadcast %add3A_1214 : i32 to vector<16xi32>
        %add3A_1216 = arith.addi %get3A_1192, %add3A_1215 : vector<16xi32>
        %mul3A_1217 = arith.constant 16 : i32
        %mul3A_1218 = arith.muli %scan3A_1187, %mul3A_1217 : i32
        %swap3A_1219 = arith.constant 0 : i32
        %swap3A_1220 = arith.constant 2 : i32
        %swap3A_1221 = arith.index_cast %swap3A_1219 : i32 to index
        %swap3A_1222 = arith.index_cast %swap3A_1220 : i32 to index
        %swap3A_1223 = arith.index_cast %mul3A_1218 : i32 to index
        %swap3A_1224 = tpu.vector_load %arg14[%swap3A_1221, %swap3A_1222, %swap3A_1223] {strides = array<i32>} : memref<2x5x128xi32, #tpu.memory_space<vmem>>, vector<16xi32>,
        tpu.vector_store %arg14[%swap3A_1221, %swap3A_1222, %swap3A_1223], %add3A_1216 {strides = array<i32>} : memref<2x5x128xi32, #tpu.memory_space<vmem>>, vector<16xi32>,
        %add3A_1225 = arith.constant 3000003 : i32
        %add3A_1226 = vector.broadcast %add3A_1225 : i32 to vector<16xi32>
        %add3A_1227 = arith.addi %get3A_1192, %add3A_1226 : vector<16xi32>
        %mul3A_1228 = arith.constant 16 : i32
        %mul3A_1229 = arith.muli %scan3A_1187, %mul3A_1228 : i32
        %swap3A_1230 = arith.constant 0 : i32
        %swap3A_1231 = arith.constant 3 : i32
        %swap3A_1232 = arith.index_cast %swap3A_1230 : i32 to index
        %swap3A_1233 = arith.index_cast %swap3A_1231 : i32 to index
        %swap3A_1234 = arith.index_cast %mul3A_1229 : i32 to index
        %swap3A_1235 = tpu.vector_load %arg14[%swap3A_1232, %swap3A_1233, %swap3A_1234] {strides = array<i32>} : memref<2x5x128xi32, #tpu.memory_space<vmem>>, vector<16xi32>,
        tpu.vector_store %arg14[%swap3A_1232, %swap3A_1233, %swap3A_1234], %add3A_1227 {strides = array<i32>} : memref<2x5x128xi32, #tpu.memory_space<vmem>>, vector<16xi32>,
        %add3A_1236 = arith.constant 4000004 : i32
        %add3A_1237 = vector.broadcast %add3A_1236 : i32 to vector<16xi32>
        %add3A_1238 = arith.addi %get3A_1192, %add3A_1237 : vector<16xi32>
        %mul3A_1239 = arith.constant 16 : i32
        %mul3A_1240 = arith.muli %scan3A_1187, %mul3A_1239 : i32
        %swap3A_1241 = arith.constant 0 : i32
        %swap3A_1242 = arith.constant 4 : i32
        %swap3A_1243 = arith.index_cast %swap3A_1241 : i32 to index
        %swap3A_1244 = arith.index_cast %swap3A_1242 : i32 to index
        %swap3A_1245 = arith.index_cast %mul3A_1240 : i32 to index
        %swap3A_1246 = tpu.vector_load %arg14[%swap3A_1243, %swap3A_1244, %swap3A_1245] {strides = array<i32>} : memref<2x5x128xi32, #tpu.memory_space<vmem>>, vector<16xi32>,
        tpu.vector_store %arg14[%swap3A_1243, %swap3A_1244, %swap3A_1245], %add3A_1238 {strides = array<i32>} : memref<2x5x128xi32, #tpu.memory_space<vmem>>, vector<16xi32>,
      }
      %scan3A_104 = arith.constant 8 : i32
      %scan3A_105 = arith.constant 0 : i32
      %scan3A_106 = arith.constant 8 : i32
      %scan3A_107 = arith.addi %scan3A_105, %scan3A_106 : i32
      %scan3A_108 = arith.constant 1 : i32
      scf.for %scan3A_1187 = %scan3A_105 to %scan3A_107 step %scan3A_108  : i32 {
        %mul3A_1188 = arith.constant 16 : i32
        %mul3A_1189 = arith.muli %scan3A_1187, %mul3A_1188 : i32
        %get3A = arith.constant 1 : i32
        %get3A_1190 = arith.index_cast %get3A : i32 to index
        %get3A_1191 = arith.index_cast %mul3A_1189 : i32 to index
        %get3A_1192 = tpu.vector_load %arg12[%get3A_1190, %get3A_1191] {strides = array<i32>} : memref<2x128xi32, #tpu.memory_space<vmem>>, vector<16xi32>,
        %add3A_1193 = arith.constant 0 : i32
        %add3A_1194 = vector.broadcast %add3A_1193 : i32 to vector<16xi32>
        %add3A_1195 = arith.addi %get3A_1192, %add3A_1194 : vector<16xi32>
        %mul3A_1196 = arith.constant 16 : i32
        %mul3A_1197 = arith.muli %scan3A_1187, %mul3A_1196 : i32
        %swap3A = arith.constant 1 : i32
        %swap3A_1198 = arith.constant 0 : i32
        %swap3A_1199 = arith.index_cast %swap3A : i32 to index
        %swap3A_1200 = arith.index_cast %swap3A_1198 : i32 to index
        %swap3A_1201 = arith.index_cast %mul3A_1197 : i32 to index
        %swap3A_1202 = tpu.vector_load %arg14[%swap3A_1199, %swap3A_1200, %swap3A_1201] {strides = array<i32>} : memref<2x5x128xi32, #tpu.memory_space<vmem>>, vector<16xi32>,
        tpu.vector_store %arg14[%swap3A_1199, %swap3A_1200, %swap3A_1201], %add3A_1195 {strides = array<i32>} : memref<2x5x128xi32, #tpu.memory_space<vmem>>, vector<16xi32>,
        %add3A_1203 = arith.constant 1000001 : i32
        %add3A_1204 = vector.broadcast %add3A_1203 : i32 to vector<16xi32>
        %add3A_1205 = arith.addi %get3A_1192, %add3A_1204 : vector<16xi32>
        %mul3A_1206 = arith.constant 16 : i32
        %mul3A_1207 = arith.muli %scan3A_1187, %mul3A_1206 : i32
        %swap3A_1208 = arith.constant 1 : i32
        %swap3A_1209 = arith.constant 1 : i32
        %swap3A_1210 = arith.index_cast %swap3A_1208 : i32 to index
        %swap3A_1211 = arith.index_cast %swap3A_1209 : i32 to index
        %swap3A_1212 = arith.index_cast %mul3A_1207 : i32 to index
        %swap3A_1213 = tpu.vector_load %arg14[%swap3A_1210, %swap3A_1211, %swap3A_1212] {strides = array<i32>} : memref<2x5x128xi32, #tpu.memory_space<vmem>>, vector<16xi32>,
        tpu.vector_store %arg14[%swap3A_1210, %swap3A_1211, %swap3A_1212], %add3A_1205 {strides = array<i32>} : memref<2x5x128xi32, #tpu.memory_space<vmem>>, vector<16xi32>,
        %add3A_1214 = arith.constant 2000002 : i32
        %add3A_1215 = vector.broadcast %add3A_1214 : i32 to vector<16xi32>
        %add3A_1216 = arith.addi %get3A_1192, %add3A_1215 : vector<16xi32>
        %mul3A_1217 = arith.constant 16 : i32
        %mul3A_1218 = arith.muli %scan3A_1187, %mul3A_1217 : i32
        %swap3A_1219 = arith.constant 1 : i32
        %swap3A_1220 = arith.constant 2 : i32
        %swap3A_1221 = arith.index_cast %swap3A_1219 : i32 to index
        %swap3A_1222 = arith.index_cast %swap3A_1220 : i32 to index
        %swap3A_1223 = arith.index_cast %mul3A_1218 : i32 to index
        %swap3A_1224 = tpu.vector_load %arg14[%swap3A_1221, %swap3A_1222, %swap3A_1223] {strides = array<i32>} : memref<2x5x128xi32, #tpu.memory_space<vmem>>, vector<16xi32>,
        tpu.vector_store %arg14[%swap3A_1221, %swap3A_1222, %swap3A_1223], %add3A_1216 {strides = array<i32>} : memref<2x5x128xi32, #tpu.memory_space<vmem>>, vector<16xi32>,
        %add3A_1225 = arith.constant 3000003 : i32
        %add3A_1226 = vector.broadcast %add3A_1225 : i32 to vector<16xi32>
        %add3A_1227 = arith.addi %get3A_1192, %add3A_1226 : vector<16xi32>
        %mul3A_1228 = arith.constant 16 : i32
        %mul3A_1229 = arith.muli %scan3A_1187, %mul3A_1228 : i32
        %swap3A_1230 = arith.constant 1 : i32
        %swap3A_1231 = arith.constant 3 : i32
        %swap3A_1232 = arith.index_cast %swap3A_1230 : i32 to index
        %swap3A_1233 = arith.index_cast %swap3A_1231 : i32 to index
        %swap3A_1234 = arith.index_cast %mul3A_1229 : i32 to index
        %swap3A_1235 = tpu.vector_load %arg14[%swap3A_1232, %swap3A_1233, %swap3A_1234] {strides = array<i32>} : memref<2x5x128xi32, #tpu.memory_space<vmem>>, vector<16xi32>,
        tpu.vector_store %arg14[%swap3A_1232, %swap3A_1233, %swap3A_1234], %add3A_1227 {strides = array<i32>} : memref<2x5x128xi32, #tpu.memory_space<vmem>>, vector<16xi32>,
        %add3A_1236 = arith.constant 4000004 : i32
        %add3A_1237 = vector.broadcast %add3A_1236 : i32 to vector<16xi32>
        %add3A_1238 = arith.addi %get3A_1192, %add3A_1237 : vector<16xi32>
        %mul3A_1239 = arith.constant 16 : i32
        %mul3A_1240 = arith.muli %scan3A_1187, %mul3A_1239 : i32
        %swap3A_1241 = arith.constant 1 : i32
        %swap3A_1242 = arith.constant 4 : i32
        %swap3A_1243 = arith.index_cast %swap3A_1241 : i32 to index
        %swap3A_1244 = arith.index_cast %swap3A_1242 : i32 to index
        %swap3A_1245 = arith.index_cast %mul3A_1240 : i32 to index
        %swap3A_1246 = tpu.vector_load %arg14[%swap3A_1243, %swap3A_1244, %swap3A_1245] {strides = array<i32>} : memref<2x5x128xi32, #tpu.memory_space<vmem>>, vector<16xi32>,
        tpu.vector_store %arg14[%swap3A_1243, %swap3A_1244, %swap3A_1245], %add3A_1238 {strides = array<i32>} : memref<2x5x128xi32, #tpu.memory_space<vmem>>, vector<16xi32>,
      }
      %scan3A_109 = arith.constant 8 : i32
      %dma_start3A_110 = arith.constant 0 : i32
      %dma_start3A_111 = arith.constant 0 : i32
      %dma_start3A_112 = arith.constant 0 : i32
      %dma_start3A_113 = arith.constant 0 : i32
      %dma_start3A_114 = arith.constant 0 : i32
      %dma_start3A_115 = tpu.memref_slice %arg15[%dma_start3A_112, %dma_start3A_113, %dma_start3A_114] : memref<2x5x128xi32, #tpu.memory_space<vmem>> -> memref<1x1x128xi32, #tpu.memory_space<vmem>>
      %dma_start3A_116 = tpu.memref_squeeze %dma_start3A_115 : memref<1x1x128xi32, #tpu.memory_space<vmem>> -> memref<128xi32, #tpu.memory_space<vmem>>
      %dma_start3A_117 = arith.constant 0 : i32
      %dma_start3A_118 = tpu.memref_slice %arg14[%dma_start3A_110, %dma_start3A_111, %dma_start3A_117] : memref<2x5x128xi32, #tpu.memory_space<vmem>> -> memref<1x1x128xi32, #tpu.memory_space<vmem>>
      %dma_start3A_119 = tpu.memref_squeeze %dma_start3A_118 : memref<1x1x128xi32, #tpu.memory_space<vmem>> -> memref<128xi32, #tpu.memory_space<vmem>>
      %dma_start3A_120 = arith.constant 0 : i32
      %dma_start3A_121 = tpu.memref_slice %arg4[%dma_start3A_120] : memref<5000005xi32, #tpu.memory_space<hbm>> -> memref<5000005xi32, #tpu.memory_space<hbm>>
      tpu.enqueue_indirect_dma source(%dma_start3A_121 : memref<5000005xi32, #tpu.memory_space<hbm>>) target(%dma_start3A_116 : memref<128xi32, #tpu.memory_space<vmem>>) offsets(%dma_start3A_119 : memref<128xi32, #tpu.memory_space<vmem>>) semaphore(%arg22 : memref<!tpu.dma_semaphore, #tpu.memory_space<semaphore_mem>>)
      %dma_start3A_122 = arith.constant 0 : i32
      %dma_start3A_123 = arith.constant 1 : i32
      %dma_start3A_124 = arith.constant 0 : i32
      %dma_start3A_125 = arith.constant 1 : i32
      %dma_start3A_126 = arith.constant 0 : i32
      %dma_start3A_127 = tpu.memref_slice %arg15[%dma_start3A_124, %dma_start3A_125, %dma_start3A_126] : memref<2x5x128xi32, #tpu.memory_space<vmem>> -> memref<1x1x128xi32, #tpu.memory_space<vmem>>
      %dma_start3A_128 = tpu.memref_squeeze %dma_start3A_127 : memref<1x1x128xi32, #tpu.memory_space<vmem>> -> memref<128xi32, #tpu.memory_space<vmem>>
      %dma_start3A_129 = arith.constant 0 : i32
      %dma_start3A_130 = tpu.memref_slice %arg14[%dma_start3A_122, %dma_start3A_123, %dma_start3A_129] : memref<2x5x128xi32, #tpu.memory_space<vmem>> -> memref<1x1x128xi32, #tpu.memory_space<vmem>>
      %dma_start3A_131 = tpu.memref_squeeze %dma_start3A_130 : memref<1x1x128xi32, #tpu.memory_space<vmem>> -> memref<128xi32, #tpu.memory_space<vmem>>
      %dma_start3A_132 = arith.constant 0 : i32
      %dma_start3A_133 = tpu.memref_slice %arg4[%dma_start3A_132] : memref<5000005xi32, #tpu.memory_space<hbm>> -> memref<5000005xi32, #tpu.memory_space<hbm>>
      tpu.enqueue_indirect_dma source(%dma_start3A_133 : memref<5000005xi32, #tpu.memory_space<hbm>>) target(%dma_start3A_128 : memref<128xi32, #tpu.memory_space<vmem>>) offsets(%dma_start3A_131 : memref<128xi32, #tpu.memory_space<vmem>>) semaphore(%arg22 : memref<!tpu.dma_semaphore, #tpu.memory_space<semaphore_mem>>)
      %dma_start3A_134 = arith.constant 0 : i32
      %dma_start3A_135 = arith.constant 2 : i32
      %dma_start3A_136 = arith.constant 0 : i32
      %dma_start3A_137 = arith.constant 2 : i32
      %dma_start3A_138 = arith.constant 0 : i32
      %dma_start3A_139 = tpu.memref_slice %arg15[%dma_start3A_136, %dma_start3A_137, %dma_start3A_138] : memref<2x5x128xi32, #tpu.memory_space<vmem>> -> memref<1x1x128xi32, #tpu.memory_space<vmem>>
      %dma_start3A_140 = tpu.memref_squeeze %dma_start3A_139 : memref<1x1x128xi32, #tpu.memory_space<vmem>> -> memref<128xi32, #tpu.memory_space<vmem>>
      %dma_start3A_141 = arith.constant 0 : i32
      %dma_start3A_142 = tpu.memref_slice %arg14[%dma_start3A_134, %dma_start3A_135, %dma_start3A_141] : memref<2x5x128xi32, #tpu.memory_space<vmem>> -> memref<1x1x128xi32, #tpu.memory_space<vmem>>
      %dma_start3A_143 = tpu.memref_squeeze %dma_start3A_142 : memref<1x1x128xi32, #tpu.memory_space<vmem>> -> memref<128xi32, #tpu.memory_space<vmem>>
      %dma_start3A_144 = arith.constant 0 : i32
      %dma_start3A_145 = tpu.memref_slice %arg4[%dma_start3A_144] : memref<5000005xi32, #tpu.memory_space<hbm>> -> memref<5000005xi32, #tpu.memory_space<hbm>>
      tpu.enqueue_indirect_dma source(%dma_start3A_145 : memref<5000005xi32, #tpu.memory_space<hbm>>) target(%dma_start3A_140 : memref<128xi32, #tpu.memory_space<vmem>>) offsets(%dma_start3A_143 : memref<128xi32, #tpu.memory_space<vmem>>) semaphore(%arg22 : memref<!tpu.dma_semaphore, #tpu.memory_space<semaphore_mem>>)
      %dma_start3A_146 = arith.constant 0 : i32
      %dma_start3A_147 = arith.constant 3 : i32
      %dma_start3A_148 = arith.constant 0 : i32
      %dma_start3A_149 = arith.constant 3 : i32
      %dma_start3A_150 = arith.constant 0 : i32
      %dma_start3A_151 = tpu.memref_slice %arg15[%dma_start3A_148, %dma_start3A_149, %dma_start3A_150] : memref<2x5x128xi32, #tpu.memory_space<vmem>> -> memref<1x1x128xi32, #tpu.memory_space<vmem>>
      %dma_start3A_152 = tpu.memref_squeeze %dma_start3A_151 : memref<1x1x128xi32, #tpu.memory_space<vmem>> -> memref<128xi32, #tpu.memory_space<vmem>>
      %dma_start3A_153 = arith.constant 0 : i32
      %dma_start3A_154 = tpu.memref_slice %arg14[%dma_start3A_146, %dma_start3A_147, %dma_start3A_153] : memref<2x5x128xi32, #tpu.memory_space<vmem>> -> memref<1x1x128xi32, #tpu.memory_space<vmem>>
      %dma_start3A_155 = tpu.memref_squeeze %dma_start3A_154 : memref<1x1x128xi32, #tpu.memory_space<vmem>> -> memref<128xi32, #tpu.memory_space<vmem>>
      %dma_start3A_156 = arith.constant 0 : i32
      %dma_start3A_157 = tpu.memref_slice %arg4[%dma_start3A_156] : memref<5000005xi32, #tpu.memory_space<hbm>> -> memref<5000005xi32, #tpu.memory_space<hbm>>
      tpu.enqueue_indirect_dma source(%dma_start3A_157 : memref<5000005xi32, #tpu.memory_space<hbm>>) target(%dma_start3A_152 : memref<128xi32, #tpu.memory_space<vmem>>) offsets(%dma_start3A_155 : memref<128xi32, #tpu.memory_space<vmem>>) semaphore(%arg22 : memref<!tpu.dma_semaphore, #tpu.memory_space<semaphore_mem>>)
      %dma_start3A_158 = arith.constant 0 : i32
      %dma_start3A_159 = arith.constant 4 : i32
      %dma_start3A_160 = arith.constant 0 : i32
      %dma_start3A_161 = arith.constant 4 : i32
      %dma_start3A_162 = arith.constant 0 : i32
      %dma_start3A_163 = tpu.memref_slice %arg15[%dma_start3A_160, %dma_start3A_161, %dma_start3A_162] : memref<2x5x128xi32, #tpu.memory_space<vmem>> -> memref<1x1x128xi32, #tpu.memory_space<vmem>>
      %dma_start3A_164 = tpu.memref_squeeze %dma_start3A_163 : memref<1x1x128xi32, #tpu.memory_space<vmem>> -> memref<128xi32, #tpu.memory_space<vmem>>
      %dma_start3A_165 = arith.constant 0 : i32
      %dma_start3A_166 = tpu.memref_slice %arg14[%dma_start3A_158, %dma_start3A_159, %dma_start3A_165] : memref<2x5x128xi32, #tpu.memory_space<vmem>> -> memref<1x1x128xi32, #tpu.memory_space<vmem>>
      %dma_start3A_167 = tpu.memref_squeeze %dma_start3A_166 : memref<1x1x128xi32, #tpu.memory_space<vmem>> -> memref<128xi32, #tpu.memory_space<vmem>>
      %dma_start3A_168 = arith.constant 0 : i32
      %dma_start3A_169 = tpu.memref_slice %arg4[%dma_start3A_168] : memref<5000005xi32, #tpu.memory_space<hbm>> -> memref<5000005xi32, #tpu.memory_space<hbm>>
      tpu.enqueue_indirect_dma source(%dma_start3A_169 : memref<5000005xi32, #tpu.memory_space<hbm>>) target(%dma_start3A_164 : memref<128xi32, #tpu.memory_space<vmem>>) offsets(%dma_start3A_167 : memref<128xi32, #tpu.memory_space<vmem>>) semaphore(%arg22 : memref<!tpu.dma_semaphore, #tpu.memory_space<semaphore_mem>>)
      %dma_start3A_170 = arith.constant 1 : i32
      %dma_start3A_171 = arith.constant 0 : i32
      %dma_start3A_172 = arith.constant 1 : i32
      %dma_start3A_173 = arith.constant 0 : i32
      %dma_start3A_174 = arith.constant 0 : i32
      %dma_start3A_175 = tpu.memref_slice %arg15[%dma_start3A_172, %dma_start3A_173, %dma_start3A_174] : memref<2x5x128xi32, #tpu.memory_space<vmem>> -> memref<1x1x128xi32, #tpu.memory_space<vmem>>
      %dma_start3A_176 = tpu.memref_squeeze %dma_start3A_175 : memref<1x1x128xi32, #tpu.memory_space<vmem>> -> memref<128xi32, #tpu.memory_space<vmem>>
      %dma_start3A_177 = arith.constant 0 : i32
      %dma_start3A_178 = tpu.memref_slice %arg14[%dma_start3A_170, %dma_start3A_171, %dma_start3A_177] : memref<2x5x128xi32, #tpu.memory_space<vmem>> -> memref<1x1x128xi32, #tpu.memory_space<vmem>>
      %dma_start3A_179 = tpu.memref_squeeze %dma_start3A_178 : memref<1x1x128xi32, #tpu.memory_space<vmem>> -> memref<128xi32, #tpu.memory_space<vmem>>
      %dma_start3A_180 = arith.constant 0 : i32
      %dma_start3A_181 = tpu.memref_slice %arg5[%dma_start3A_180] : memref<5000005xi32, #tpu.memory_space<hbm>> -> memref<5000005xi32, #tpu.memory_space<hbm>>
      tpu.enqueue_indirect_dma source(%dma_start3A_181 : memref<5000005xi32, #tpu.memory_space<hbm>>) target(%dma_start3A_176 : memref<128xi32, #tpu.memory_space<vmem>>) offsets(%dma_start3A_179 : memref<128xi32, #tpu.memory_space<vmem>>) semaphore(%arg22 : memref<!tpu.dma_semaphore, #tpu.memory_space<semaphore_mem>>)
      %dma_start3A_182 = arith.constant 1 : i32
      %dma_start3A_183 = arith.constant 1 : i32
      %dma_start3A_184 = arith.constant 1 : i32
      %dma_start3A_185 = arith.constant 1 : i32
      %dma_start3A_186 = arith.constant 0 : i32
      %dma_start3A_187 = tpu.memref_slice %arg15[%dma_start3A_184, %dma_start3A_185, %dma_start3A_186] : memref<2x5x128xi32, #tpu.memory_space<vmem>> -> memref<1x1x128xi32, #tpu.memory_space<vmem>>
      %dma_start3A_188 = tpu.memref_squeeze %dma_start3A_187 : memref<1x1x128xi32, #tpu.memory_space<vmem>> -> memref<128xi32, #tpu.memory_space<vmem>>
      %dma_start3A_189 = arith.constant 0 : i32
      %dma_start3A_190 = tpu.memref_slice %arg14[%dma_start3A_182, %dma_start3A_183, %dma_start3A_189] : memref<2x5x128xi32, #tpu.memory_space<vmem>> -> memref<1x1x128xi32, #tpu.memory_space<vmem>>
      %dma_start3A_191 = tpu.memref_squeeze %dma_start3A_190 : memref<1x1x128xi32, #tpu.memory_space<vmem>> -> memref<128xi32, #tpu.memory_space<vmem>>
      %dma_start3A_192 = arith.constant 0 : i32
      %dma_start3A_193 = tpu.memref_slice %arg5[%dma_start3A_192] : memref<5000005xi32, #tpu.memory_space<hbm>> -> memref<5000005xi32, #tpu.memory_space<hbm>>
      tpu.enqueue_indirect_dma source(%dma_start3A_193 : memref<5000005xi32, #tpu.memory_space<hbm>>) target(%dma_start3A_188 : memref<128xi32, #tpu.memory_space<vmem>>) offsets(%dma_start3A_191 : memref<128xi32, #tpu.memory_space<vmem>>) semaphore(%arg22 : memref<!tpu.dma_semaphore, #tpu.memory_space<semaphore_mem>>)
      %dma_start3A_194 = arith.constant 1 : i32
      %dma_start3A_195 = arith.constant 2 : i32
      %dma_start3A_196 = arith.constant 1 : i32
      %dma_start3A_197 = arith.constant 2 : i32
      %dma_start3A_198 = arith.constant 0 : i32
      %dma_start3A_199 = tpu.memref_slice %arg15[%dma_start3A_196, %dma_start3A_197, %dma_start3A_198] : memref<2x5x128xi32, #tpu.memory_space<vmem>> -> memref<1x1x128xi32, #tpu.memory_space<vmem>>
      %dma_start3A_200 = tpu.memref_squeeze %dma_start3A_199 : memref<1x1x128xi32, #tpu.memory_space<vmem>> -> memref<128xi32, #tpu.memory_space<vmem>>
      %dma_start3A_201 = arith.constant 0 : i32
      %dma_start3A_202 = tpu.memref_slice %arg14[%dma_start3A_194, %dma_start3A_195, %dma_start3A_201] : memref<2x5x128xi32, #tpu.memory_space<vmem>> -> memref<1x1x128xi32, #tpu.memory_space<vmem>>
      %dma_start3A_203 = tpu.memref_squeeze %dma_start3A_202 : memref<1x1x128xi32, #tpu.memory_space<vmem>> -> memref<128xi32, #tpu.memory_space<vmem>>
      %dma_start3A_204 = arith.constant 0 : i32
      %dma_start3A_205 = tpu.memref_slice %arg5[%dma_start3A_204] : memref<5000005xi32, #tpu.memory_space<hbm>> -> memref<5000005xi32, #tpu.memory_space<hbm>>
      tpu.enqueue_indirect_dma source(%dma_start3A_205 : memref<5000005xi32, #tpu.memory_space<hbm>>) target(%dma_start3A_200 : memref<128xi32, #tpu.memory_space<vmem>>) offsets(%dma_start3A_203 : memref<128xi32, #tpu.memory_space<vmem>>) semaphore(%arg22 : memref<!tpu.dma_semaphore, #tpu.memory_space<semaphore_mem>>)
      %dma_start3A_206 = arith.constant 1 : i32
      %dma_start3A_207 = arith.constant 3 : i32
      %dma_start3A_208 = arith.constant 1 : i32
      %dma_start3A_209 = arith.constant 3 : i32
      %dma_start3A_210 = arith.constant 0 : i32
      %dma_start3A_211 = tpu.memref_slice %arg15[%dma_start3A_208, %dma_start3A_209, %dma_start3A_210] : memref<2x5x128xi32, #tpu.memory_space<vmem>> -> memref<1x1x128xi32, #tpu.memory_space<vmem>>
      %dma_start3A_212 = tpu.memref_squeeze %dma_start3A_211 : memref<1x1x128xi32, #tpu.memory_space<vmem>> -> memref<128xi32, #tpu.memory_space<vmem>>
      %dma_start3A_213 = arith.constant 0 : i32
      %dma_start3A_214 = tpu.memref_slice %arg14[%dma_start3A_206, %dma_start3A_207, %dma_start3A_213] : memref<2x5x128xi32, #tpu.memory_space<vmem>> -> memref<1x1x128xi32, #tpu.memory_space<vmem>>
      %dma_start3A_215 = tpu.memref_squeeze %dma_start3A_214 : memref<1x1x128xi32, #tpu.memory_space<vmem>> -> memref<128xi32, #tpu.memory_space<vmem>>
      %dma_start3A_216 = arith.constant 0 : i32
      %dma_start3A_217 = tpu.memref_slice %arg5[%dma_start3A_216] : memref<5000005xi32, #tpu.memory_space<hbm>> -> memref<5000005xi32, #tpu.memory_space<hbm>>
      tpu.enqueue_indirect_dma source(%dma_start3A_217 : memref<5000005xi32, #tpu.memory_space<hbm>>) target(%dma_start3A_212 : memref<128xi32, #tpu.memory_space<vmem>>) offsets(%dma_start3A_215 : memref<128xi32, #tpu.memory_space<vmem>>) semaphore(%arg22 : memref<!tpu.dma_semaphore, #tpu.memory_space<semaphore_mem>>)
      %dma_start3A_218 = arith.constant 1 : i32
      %dma_start3A_219 = arith.constant 4 : i32
      %dma_start3A_220 = arith.constant 1 : i32
      %dma_start3A_221 = arith.constant 4 : i32
      %dma_start3A_222 = arith.constant 0 : i32
      %dma_start3A_223 = tpu.memref_slice %arg15[%dma_start3A_220, %dma_start3A_221, %dma_start3A_222] : memref<2x5x128xi32, #tpu.memory_space<vmem>> -> memref<1x1x128xi32, #tpu.memory_space<vmem>>
      %dma_start3A_224 = tpu.memref_squeeze %dma_start3A_223 : memref<1x1x128xi32, #tpu.memory_space<vmem>> -> memref<128xi32, #tpu.memory_space<vmem>>
      %dma_start3A_225 = arith.constant 0 : i32
      %dma_start3A_226 = tpu.memref_slice %arg14[%dma_start3A_218, %dma_start3A_219, %dma_start3A_225] : memref<2x5x128xi32, #tpu.memory_space<vmem>> -> memref<1x1x128xi32, #tpu.memory_space<vmem>>
      %dma_start3A_227 = tpu.memref_squeeze %dma_start3A_226 : memref<1x1x128xi32, #tpu.memory_space<vmem>> -> memref<128xi32, #tpu.memory_space<vmem>>
      %dma_start3A_228 = arith.constant 0 : i32
      %dma_start3A_229 = tpu.memref_slice %arg5[%dma_start3A_228] : memref<5000005xi32, #tpu.memory_space<hbm>> -> memref<5000005xi32, #tpu.memory_space<hbm>>
      tpu.enqueue_indirect_dma source(%dma_start3A_229 : memref<5000005xi32, #tpu.memory_space<hbm>>) target(%dma_start3A_224 : memref<128xi32, #tpu.memory_space<vmem>>) offsets(%dma_start3A_227 : memref<128xi32, #tpu.memory_space<vmem>>) semaphore(%arg22 : memref<!tpu.dma_semaphore, #tpu.memory_space<semaphore_mem>>)
      %dma_wait3A_230 = arith.constant 0 : i32
      %dma_wait3A_231 = arith.constant 0 : i32
      %dma_wait3A_232 = arith.constant 0 : i32
      %dma_wait3A_233 = arith.constant 0 : i32
      %dma_wait3A_234 = arith.constant 0 : i32
      %dma_wait3A_235 = tpu.memref_slice %arg15[%dma_wait3A_232, %dma_wait3A_233, %dma_wait3A_234] : memref<2x5x128xi32, #tpu.memory_space<vmem>> -> memref<1x1x128xi32, #tpu.memory_space<vmem>>
      %dma_wait3A_236 = tpu.memref_squeeze %dma_wait3A_235 : memref<1x1x128xi32, #tpu.memory_space<vmem>> -> memref<128xi32, #tpu.memory_space<vmem>>
      %dma_wait3A_237 = arith.constant 0 : i32
      %dma_wait3A_238 = tpu.memref_slice %arg14[%dma_wait3A_230, %dma_wait3A_231, %dma_wait3A_237] : memref<2x5x128xi32, #tpu.memory_space<vmem>> -> memref<1x1x128xi32, #tpu.memory_space<vmem>>
      %dma_wait3A_239 = tpu.memref_squeeze %dma_wait3A_238 : memref<1x1x128xi32, #tpu.memory_space<vmem>> -> memref<128xi32, #tpu.memory_space<vmem>>
      %dma_wait3A_240 = arith.constant 0 : i32
      %dma_wait3A_241 = tpu.memref_slice %arg4[%dma_wait3A_240] : memref<5000005xi32, #tpu.memory_space<hbm>> -> memref<5000005xi32, #tpu.memory_space<hbm>>
      tpu.wait_indirect_dma semaphore(%arg22 : memref<!tpu.dma_semaphore, #tpu.memory_space<semaphore_mem>>) src(%dma_wait3A_241 : memref<5000005xi32, #tpu.memory_space<hbm>>) dst(%dma_wait3A_236 : memref<128xi32, #tpu.memory_space<vmem>>)
      %dma_wait3A_242 = arith.constant 0 : i32
      %dma_wait3A_243 = arith.constant 1 : i32
      %dma_wait3A_244 = arith.constant 0 : i32
      %dma_wait3A_245 = arith.constant 1 : i32
      %dma_wait3A_246 = arith.constant 0 : i32
      %dma_wait3A_247 = tpu.memref_slice %arg15[%dma_wait3A_244, %dma_wait3A_245, %dma_wait3A_246] : memref<2x5x128xi32, #tpu.memory_space<vmem>> -> memref<1x1x128xi32, #tpu.memory_space<vmem>>
      %dma_wait3A_248 = tpu.memref_squeeze %dma_wait3A_247 : memref<1x1x128xi32, #tpu.memory_space<vmem>> -> memref<128xi32, #tpu.memory_space<vmem>>
      %dma_wait3A_249 = arith.constant 0 : i32
      %dma_wait3A_250 = tpu.memref_slice %arg14[%dma_wait3A_242, %dma_wait3A_243, %dma_wait3A_249] : memref<2x5x128xi32, #tpu.memory_space<vmem>> -> memref<1x1x128xi32, #tpu.memory_space<vmem>>
      %dma_wait3A_251 = tpu.memref_squeeze %dma_wait3A_250 : memref<1x1x128xi32, #tpu.memory_space<vmem>> -> memref<128xi32, #tpu.memory_space<vmem>>
      %dma_wait3A_252 = arith.constant 0 : i32
      %dma_wait3A_253 = tpu.memref_slice %arg4[%dma_wait3A_252] : memref<5000005xi32, #tpu.memory_space<hbm>> -> memref<5000005xi32, #tpu.memory_space<hbm>>
      tpu.wait_indirect_dma semaphore(%arg22 : memref<!tpu.dma_semaphore, #tpu.memory_space<semaphore_mem>>) src(%dma_wait3A_253 : memref<5000005xi32, #tpu.memory_space<hbm>>) dst(%dma_wait3A_248 : memref<128xi32, #tpu.memory_space<vmem>>)
      %dma_wait3A_254 = arith.constant 0 : i32
      %dma_wait3A_255 = arith.constant 2 : i32
      %dma_wait3A_256 = arith.constant 0 : i32
      %dma_wait3A_257 = arith.constant 2 : i32
      %dma_wait3A_258 = arith.constant 0 : i32
      %dma_wait3A_259 = tpu.memref_slice %arg15[%dma_wait3A_256, %dma_wait3A_257, %dma_wait3A_258] : memref<2x5x128xi32, #tpu.memory_space<vmem>> -> memref<1x1x128xi32, #tpu.memory_space<vmem>>
      %dma_wait3A_260 = tpu.memref_squeeze %dma_wait3A_259 : memref<1x1x128xi32, #tpu.memory_space<vmem>> -> memref<128xi32, #tpu.memory_space<vmem>>
      %dma_wait3A_261 = arith.constant 0 : i32
      %dma_wait3A_262 = tpu.memref_slice %arg14[%dma_wait3A_254, %dma_wait3A_255, %dma_wait3A_261] : memref<2x5x128xi32, #tpu.memory_space<vmem>> -> memref<1x1x128xi32, #tpu.memory_space<vmem>>
      %dma_wait3A_263 = tpu.memref_squeeze %dma_wait3A_262 : memref<1x1x128xi32, #tpu.memory_space<vmem>> -> memref<128xi32, #tpu.memory_space<vmem>>
      %dma_wait3A_264 = arith.constant 0 : i32
      %dma_wait3A_265 = tpu.memref_slice %arg4[%dma_wait3A_264] : memref<5000005xi32, #tpu.memory_space<hbm>> -> memref<5000005xi32, #tpu.memory_space<hbm>>
      tpu.wait_indirect_dma semaphore(%arg22 : memref<!tpu.dma_semaphore, #tpu.memory_space<semaphore_mem>>) src(%dma_wait3A_265 : memref<5000005xi32, #tpu.memory_space<hbm>>) dst(%dma_wait3A_260 : memref<128xi32, #tpu.memory_space<vmem>>)
      %dma_wait3A_266 = arith.constant 0 : i32
      %dma_wait3A_267 = arith.constant 3 : i32
      %dma_wait3A_268 = arith.constant 0 : i32
      %dma_wait3A_269 = arith.constant 3 : i32
      %dma_wait3A_270 = arith.constant 0 : i32
      %dma_wait3A_271 = tpu.memref_slice %arg15[%dma_wait3A_268, %dma_wait3A_269, %dma_wait3A_270] : memref<2x5x128xi32, #tpu.memory_space<vmem>> -> memref<1x1x128xi32, #tpu.memory_space<vmem>>
      %dma_wait3A_272 = tpu.memref_squeeze %dma_wait3A_271 : memref<1x1x128xi32, #tpu.memory_space<vmem>> -> memref<128xi32, #tpu.memory_space<vmem>>
      %dma_wait3A_273 = arith.constant 0 : i32
      %dma_wait3A_274 = tpu.memref_slice %arg14[%dma_wait3A_266, %dma_wait3A_267, %dma_wait3A_273] : memref<2x5x128xi32, #tpu.memory_space<vmem>> -> memref<1x1x128xi32, #tpu.memory_space<vmem>>
      %dma_wait3A_275 = tpu.memref_squeeze %dma_wait3A_274 : memref<1x1x128xi32, #tpu.memory_space<vmem>> -> memref<128xi32, #tpu.memory_space<vmem>>
      %dma_wait3A_276 = arith.constant 0 : i32
      %dma_wait3A_277 = tpu.memref_slice %arg4[%dma_wait3A_276] : memref<5000005xi32, #tpu.memory_space<hbm>> -> memref<5000005xi32, #tpu.memory_space<hbm>>
      tpu.wait_indirect_dma semaphore(%arg22 : memref<!tpu.dma_semaphore, #tpu.memory_space<semaphore_mem>>) src(%dma_wait3A_277 : memref<5000005xi32, #tpu.memory_space<hbm>>) dst(%dma_wait3A_272 : memref<128xi32, #tpu.memory_space<vmem>>)
      %dma_wait3A_278 = arith.constant 0 : i32
      %dma_wait3A_279 = arith.constant 4 : i32
      %dma_wait3A_280 = arith.constant 0 : i32
      %dma_wait3A_281 = arith.constant 4 : i32
      %dma_wait3A_282 = arith.constant 0 : i32
      %dma_wait3A_283 = tpu.memref_slice %arg15[%dma_wait3A_280, %dma_wait3A_281, %dma_wait3A_282] : memref<2x5x128xi32, #tpu.memory_space<vmem>> -> memref<1x1x128xi32, #tpu.memory_space<vmem>>
      %dma_wait3A_284 = tpu.memref_squeeze %dma_wait3A_283 : memref<1x1x128xi32, #tpu.memory_space<vmem>> -> memref<128xi32, #tpu.memory_space<vmem>>
      %dma_wait3A_285 = arith.constant 0 : i32
      %dma_wait3A_286 = tpu.memref_slice %arg14[%dma_wait3A_278, %dma_wait3A_279, %dma_wait3A_285] : memref<2x5x128xi32, #tpu.memory_space<vmem>> -> memref<1x1x128xi32, #tpu.memory_space<vmem>>
      %dma_wait3A_287 = tpu.memref_squeeze %dma_wait3A_286 : memref<1x1x128xi32, #tpu.memory_space<vmem>> -> memref<128xi32, #tpu.memory_space<vmem>>
      %dma_wait3A_288 = arith.constant 0 : i32
      %dma_wait3A_289 = tpu.memref_slice %arg4[%dma_wait3A_288] : memref<5000005xi32, #tpu.memory_space<hbm>> -> memref<5000005xi32, #tpu.memory_space<hbm>>
      tpu.wait_indirect_dma semaphore(%arg22 : memref<!tpu.dma_semaphore, #tpu.memory_space<semaphore_mem>>) src(%dma_wait3A_289 : memref<5000005xi32, #tpu.memory_space<hbm>>) dst(%dma_wait3A_284 : memref<128xi32, #tpu.memory_space<vmem>>)
      %dma_wait3A_290 = arith.constant 1 : i32
      %dma_wait3A_291 = arith.constant 0 : i32
      %dma_wait3A_292 = arith.constant 1 : i32
      %dma_wait3A_293 = arith.constant 0 : i32
      %dma_wait3A_294 = arith.constant 0 : i32
      %dma_wait3A_295 = tpu.memref_slice %arg15[%dma_wait3A_292, %dma_wait3A_293, %dma_wait3A_294] : memref<2x5x128xi32, #tpu.memory_space<vmem>> -> memref<1x1x128xi32, #tpu.memory_space<vmem>>
      %dma_wait3A_296 = tpu.memref_squeeze %dma_wait3A_295 : memref<1x1x128xi32, #tpu.memory_space<vmem>> -> memref<128xi32, #tpu.memory_space<vmem>>
      %dma_wait3A_297 = arith.constant 0 : i32
      %dma_wait3A_298 = tpu.memref_slice %arg14[%dma_wait3A_290, %dma_wait3A_291, %dma_wait3A_297] : memref<2x5x128xi32, #tpu.memory_space<vmem>> -> memref<1x1x128xi32, #tpu.memory_space<vmem>>
      %dma_wait3A_299 = tpu.memref_squeeze %dma_wait3A_298 : memref<1x1x128xi32, #tpu.memory_space<vmem>> -> memref<128xi32, #tpu.memory_space<vmem>>
      %dma_wait3A_300 = arith.constant 0 : i32
      %dma_wait3A_301 = tpu.memref_slice %arg5[%dma_wait3A_300] : memref<5000005xi32, #tpu.memory_space<hbm>> -> memref<5000005xi32, #tpu.memory_space<hbm>>
      tpu.wait_indirect_dma semaphore(%arg22 : memref<!tpu.dma_semaphore, #tpu.memory_space<semaphore_mem>>) src(%dma_wait3A_301 : memref<5000005xi32, #tpu.memory_space<hbm>>) dst(%dma_wait3A_296 : memref<128xi32, #tpu.memory_space<vmem>>)
      %dma_wait3A_302 = arith.constant 1 : i32
      %dma_wait3A_303 = arith.constant 1 : i32
      %dma_wait3A_304 = arith.constant 1 : i32
      %dma_wait3A_305 = arith.constant 1 : i32
      %dma_wait3A_306 = arith.constant 0 : i32
      %dma_wait3A_307 = tpu.memref_slice %arg15[%dma_wait3A_304, %dma_wait3A_305, %dma_wait3A_306] : memref<2x5x128xi32, #tpu.memory_space<vmem>> -> memref<1x1x128xi32, #tpu.memory_space<vmem>>
      %dma_wait3A_308 = tpu.memref_squeeze %dma_wait3A_307 : memref<1x1x128xi32, #tpu.memory_space<vmem>> -> memref<128xi32, #tpu.memory_space<vmem>>
      %dma_wait3A_309 = arith.constant 0 : i32
      %dma_wait3A_310 = tpu.memref_slice %arg14[%dma_wait3A_302, %dma_wait3A_303, %dma_wait3A_309] : memref<2x5x128xi32, #tpu.memory_space<vmem>> -> memref<1x1x128xi32, #tpu.memory_space<vmem>>
      %dma_wait3A_311 = tpu.memref_squeeze %dma_wait3A_310 : memref<1x1x128xi32, #tpu.memory_space<vmem>> -> memref<128xi32, #tpu.memory_space<vmem>>
      %dma_wait3A_312 = arith.constant 0 : i32
      %dma_wait3A_313 = tpu.memref_slice %arg5[%dma_wait3A_312] : memref<5000005xi32, #tpu.memory_space<hbm>> -> memref<5000005xi32, #tpu.memory_space<hbm>>
      tpu.wait_indirect_dma semaphore(%arg22 : memref<!tpu.dma_semaphore, #tpu.memory_space<semaphore_mem>>) src(%dma_wait3A_313 : memref<5000005xi32, #tpu.memory_space<hbm>>) dst(%dma_wait3A_308 : memref<128xi32, #tpu.memory_space<vmem>>)
      %dma_wait3A_314 = arith.constant 1 : i32
      %dma_wait3A_315 = arith.constant 2 : i32
      %dma_wait3A_316 = arith.constant 1 : i32
      %dma_wait3A_317 = arith.constant 2 : i32
      %dma_wait3A_318 = arith.constant 0 : i32
      %dma_wait3A_319 = tpu.memref_slice %arg15[%dma_wait3A_316, %dma_wait3A_317, %dma_wait3A_318] : memref<2x5x128xi32, #tpu.memory_space<vmem>> -> memref<1x1x128xi32, #tpu.memory_space<vmem>>
      %dma_wait3A_320 = tpu.memref_squeeze %dma_wait3A_319 : memref<1x1x128xi32, #tpu.memory_space<vmem>> -> memref<128xi32, #tpu.memory_space<vmem>>
      %dma_wait3A_321 = arith.constant 0 : i32
      %dma_wait3A_322 = tpu.memref_slice %arg14[%dma_wait3A_314, %dma_wait3A_315, %dma_wait3A_321] : memref<2x5x128xi32, #tpu.memory_space<vmem>> -> memref<1x1x128xi32, #tpu.memory_space<vmem>>
      %dma_wait3A_323 = tpu.memref_squeeze %dma_wait3A_322 : memref<1x1x128xi32, #tpu.memory_space<vmem>> -> memref<128xi32, #tpu.memory_space<vmem>>
      %dma_wait3A_324 = arith.constant 0 : i32
      %dma_wait3A_325 = tpu.memref_slice %arg5[%dma_wait3A_324] : memref<5000005xi32, #tpu.memory_space<hbm>> -> memref<5000005xi32, #tpu.memory_space<hbm>>
      tpu.wait_indirect_dma semaphore(%arg22 : memref<!tpu.dma_semaphore, #tpu.memory_space<semaphore_mem>>) src(%dma_wait3A_325 : memref<5000005xi32, #tpu.memory_space<hbm>>) dst(%dma_wait3A_320 : memref<128xi32, #tpu.memory_space<vmem>>)
      %dma_wait3A_326 = arith.constant 1 : i32
      %dma_wait3A_327 = arith.constant 3 : i32
      %dma_wait3A_328 = arith.constant 1 : i32
      %dma_wait3A_329 = arith.constant 3 : i32
      %dma_wait3A_330 = arith.constant 0 : i32
      %dma_wait3A_331 = tpu.memref_slice %arg15[%dma_wait3A_328, %dma_wait3A_329, %dma_wait3A_330] : memref<2x5x128xi32, #tpu.memory_space<vmem>> -> memref<1x1x128xi32, #tpu.memory_space<vmem>>
      %dma_wait3A_332 = tpu.memref_squeeze %dma_wait3A_331 : memref<1x1x128xi32, #tpu.memory_space<vmem>> -> memref<128xi32, #tpu.memory_space<vmem>>
      %dma_wait3A_333 = arith.constant 0 : i32
      %dma_wait3A_334 = tpu.memref_slice %arg14[%dma_wait3A_326, %dma_wait3A_327, %dma_wait3A_333] : memref<2x5x128xi32, #tpu.memory_space<vmem>> -> memref<1x1x128xi32, #tpu.memory_space<vmem>>
      %dma_wait3A_335 = tpu.memref_squeeze %dma_wait3A_334 : memref<1x1x128xi32, #tpu.memory_space<vmem>> -> memref<128xi32, #tpu.memory_space<vmem>>
      %dma_wait3A_336 = arith.constant 0 : i32
      %dma_wait3A_337 = tpu.memref_slice %arg5[%dma_wait3A_336] : memref<5000005xi32, #tpu.memory_space<hbm>> -> memref<5000005xi32, #tpu.memory_space<hbm>>
      tpu.wait_indirect_dma semaphore(%arg22 : memref<!tpu.dma_semaphore, #tpu.memory_space<semaphore_mem>>) src(%dma_wait3A_337 : memref<5000005xi32, #tpu.memory_space<hbm>>) dst(%dma_wait3A_332 : memref<128xi32, #tpu.memory_space<vmem>>)
      %dma_wait3A_338 = arith.constant 1 : i32
      %dma_wait3A_339 = arith.constant 4 : i32
      %dma_wait3A_340 = arith.constant 1 : i32
      %dma_wait3A_341 = arith.constant 4 : i32
      %dma_wait3A_342 = arith.constant 0 : i32
      %dma_wait3A_343 = tpu.memref_slice %arg15[%dma_wait3A_340, %dma_wait3A_341, %dma_wait3A_342] : memref<2x5x128xi32, #tpu.memory_space<vmem>> -> memref<1x1x128xi32, #tpu.memory_space<vmem>>
      %dma_wait3A_344 = tpu.memref_squeeze %dma_wait3A_343 : memref<1x1x128xi32, #tpu.memory_space<vmem>> -> memref<128xi32, #tpu.memory_space<vmem>>
      %dma_wait3A_345 = arith.constant 0 : i32
      %dma_wait3A_346 = tpu.memref_slice %arg14[%dma_wait3A_338, %dma_wait3A_339, %dma_wait3A_345] : memref<2x5x128xi32, #tpu.memory_space<vmem>> -> memref<1x1x128xi32, #tpu.memory_space<vmem>>
      %dma_wait3A_347 = tpu.memref_squeeze %dma_wait3A_346 : memref<1x1x128xi32, #tpu.memory_space<vmem>> -> memref<128xi32, #tpu.memory_space<vmem>>
      %dma_wait3A_348 = arith.constant 0 : i32
      %dma_wait3A_349 = tpu.memref_slice %arg5[%dma_wait3A_348] : memref<5000005xi32, #tpu.memory_space<hbm>> -> memref<5000005xi32, #tpu.memory_space<hbm>>
      tpu.wait_indirect_dma semaphore(%arg22 : memref<!tpu.dma_semaphore, #tpu.memory_space<semaphore_mem>>) src(%dma_wait3A_349 : memref<5000005xi32, #tpu.memory_space<hbm>>) dst(%dma_wait3A_344 : memref<128xi32, #tpu.memory_space<vmem>>)
      %scan3A_350 = arith.constant 0 : i32
      %scan3A_351 = arith.constant 8 : i32
      %scan3A_352 = arith.addi %scan3A_350, %scan3A_351 : i32
      %scan3A_353 = arith.constant 1 : i32
      scf.for %scan3A_1187 = %scan3A_350 to %scan3A_352 step %scan3A_353  : i32 {
        %mul3A_1188 = arith.constant 16 : i32
        %mul3A_1189 = arith.muli %scan3A_1187, %mul3A_1188 : i32
        %get3A = arith.constant 0 : i32
        %get3A_1190 = arith.constant 0 : i32
        %get3A_1191 = arith.index_cast %get3A : i32 to index
        %get3A_1192 = arith.index_cast %get3A_1190 : i32 to index
        %get3A_1193 = arith.index_cast %mul3A_1189 : i32 to index
        %get3A_1194 = tpu.vector_load %arg15[%get3A_1191, %get3A_1192, %get3A_1193] {strides = array<i32>} : memref<2x5x128xi32, #tpu.memory_space<vmem>>, vector<16xi32>,
        %and3A = arith.constant -8192 : i32
        %and3A_1195 = vector.broadcast %and3A : i32 to vector<16xi32>
        %and3A_1196 = arith.andi %get3A_1194, %and3A_1195 : vector<16xi32>
        %and3A_1197 = arith.constant 2047 : i32
        %and3A_1198 = vector.broadcast %and3A_1197 : i32 to vector<16xi32>
        %and3A_1199 = arith.andi %get3A_1194, %and3A_1198 : vector<16xi32>
        %shift_left3A = arith.constant 2 : i32
        %shift_left3A_1200 = vector.broadcast %shift_left3A : i32 to vector<16xi32>
        %shift_left3A_1201 = arith.shli %and3A_1199, %shift_left3A_1200 : vector<16xi32>
        %add3A_1202 = arith.addi %and3A_1196, %shift_left3A_1201 : vector<16xi32>
        %shift_right_arithmetic3A = arith.constant 11 : i32
        %shift_right_arithmetic3A_1203 = vector.broadcast %shift_right_arithmetic3A : i32 to vector<16xi32>
        %shift_right_arithmetic3A_1204 = arith.shrsi %get3A_1194, %shift_right_arithmetic3A_1203 : vector<16xi32>
        %and3A_1205 = arith.constant 3 : i32
        %and3A_1206 = vector.broadcast %and3A_1205 : i32 to vector<16xi32>
        %and3A_1207 = arith.andi %shift_right_arithmetic3A_1204, %and3A_1206 : vector<16xi32>
        %add3A_1208 = arith.addi %add3A_1202, %and3A_1207 : vector<16xi32>
        %swap3A = arith.constant 0 : i32
        %swap3A_1209 = arith.constant 0 : i32
        %swap3A_1210 = arith.index_cast %swap3A : i32 to index
        %swap3A_1211 = arith.index_cast %swap3A_1209 : i32 to index
        %swap3A_1212 = arith.index_cast %mul3A_1189 : i32 to index
        %swap3A_1213 = tpu.vector_load %arg14[%swap3A_1210, %swap3A_1211, %swap3A_1212] {strides = array<i32>} : memref<2x5x128xi32, #tpu.memory_space<vmem>>, vector<16xi32>,
        tpu.vector_store %arg14[%swap3A_1210, %swap3A_1211, %swap3A_1212], %add3A_1208 {strides = array<i32>} : memref<2x5x128xi32, #tpu.memory_space<vmem>>, vector<16xi32>,
      }
      %scan3A_354 = arith.constant 8 : i32
      %scan3A_355 = arith.constant 0 : i32
      %scan3A_356 = arith.constant 8 : i32
      %scan3A_357 = arith.addi %scan3A_355, %scan3A_356 : i32
      %scan3A_358 = arith.constant 1 : i32
      scf.for %scan3A_1187 = %scan3A_355 to %scan3A_357 step %scan3A_358  : i32 {
        %mul3A_1188 = arith.constant 16 : i32
        %mul3A_1189 = arith.muli %scan3A_1187, %mul3A_1188 : i32
        %get3A = arith.constant 0 : i32
        %get3A_1190 = arith.constant 1 : i32
        %get3A_1191 = arith.index_cast %get3A : i32 to index
        %get3A_1192 = arith.index_cast %get3A_1190 : i32 to index
        %get3A_1193 = arith.index_cast %mul3A_1189 : i32 to index
        %get3A_1194 = tpu.vector_load %arg15[%get3A_1191, %get3A_1192, %get3A_1193] {strides = array<i32>} : memref<2x5x128xi32, #tpu.memory_space<vmem>>, vector<16xi32>,
        %and3A = arith.constant -8192 : i32
        %and3A_1195 = vector.broadcast %and3A : i32 to vector<16xi32>
        %and3A_1196 = arith.andi %get3A_1194, %and3A_1195 : vector<16xi32>
        %and3A_1197 = arith.constant 2047 : i32
        %and3A_1198 = vector.broadcast %and3A_1197 : i32 to vector<16xi32>
        %and3A_1199 = arith.andi %get3A_1194, %and3A_1198 : vector<16xi32>
        %shift_left3A = arith.constant 2 : i32
        %shift_left3A_1200 = vector.broadcast %shift_left3A : i32 to vector<16xi32>
        %shift_left3A_1201 = arith.shli %and3A_1199, %shift_left3A_1200 : vector<16xi32>
        %add3A_1202 = arith.addi %and3A_1196, %shift_left3A_1201 : vector<16xi32>
        %shift_right_arithmetic3A = arith.constant 11 : i32
        %shift_right_arithmetic3A_1203 = vector.broadcast %shift_right_arithmetic3A : i32 to vector<16xi32>
        %shift_right_arithmetic3A_1204 = arith.shrsi %get3A_1194, %shift_right_arithmetic3A_1203 : vector<16xi32>
        %and3A_1205 = arith.constant 3 : i32
        %and3A_1206 = vector.broadcast %and3A_1205 : i32 to vector<16xi32>
        %and3A_1207 = arith.andi %shift_right_arithmetic3A_1204, %and3A_1206 : vector<16xi32>
        %add3A_1208 = arith.addi %add3A_1202, %and3A_1207 : vector<16xi32>
        %swap3A = arith.constant 0 : i32
        %swap3A_1209 = arith.constant 1 : i32
        %swap3A_1210 = arith.index_cast %swap3A : i32 to index
        %swap3A_1211 = arith.index_cast %swap3A_1209 : i32 to index
        %swap3A_1212 = arith.index_cast %mul3A_1189 : i32 to index
        %swap3A_1213 = tpu.vector_load %arg14[%swap3A_1210, %swap3A_1211, %swap3A_1212] {strides = array<i32>} : memref<2x5x128xi32, #tpu.memory_space<vmem>>, vector<16xi32>,
        tpu.vector_store %arg14[%swap3A_1210, %swap3A_1211, %swap3A_1212], %add3A_1208 {strides = array<i32>} : memref<2x5x128xi32, #tpu.memory_space<vmem>>, vector<16xi32>,
      }
      %scan3A_359 = arith.constant 8 : i32
      %scan3A_360 = arith.constant 0 : i32
      %scan3A_361 = arith.constant 8 : i32
      %scan3A_362 = arith.addi %scan3A_360, %scan3A_361 : i32
      %scan3A_363 = arith.constant 1 : i32
      scf.for %scan3A_1187 = %scan3A_360 to %scan3A_362 step %scan3A_363  : i32 {
        %mul3A_1188 = arith.constant 16 : i32
        %mul3A_1189 = arith.muli %scan3A_1187, %mul3A_1188 : i32
        %get3A = arith.constant 0 : i32
        %get3A_1190 = arith.constant 2 : i32
        %get3A_1191 = arith.index_cast %get3A : i32 to index
        %get3A_1192 = arith.index_cast %get3A_1190 : i32 to index
        %get3A_1193 = arith.index_cast %mul3A_1189 : i32 to index
        %get3A_1194 = tpu.vector_load %arg15[%get3A_1191, %get3A_1192, %get3A_1193] {strides = array<i32>} : memref<2x5x128xi32, #tpu.memory_space<vmem>>, vector<16xi32>,
        %and3A = arith.constant -8192 : i32
        %and3A_1195 = vector.broadcast %and3A : i32 to vector<16xi32>
        %and3A_1196 = arith.andi %get3A_1194, %and3A_1195 : vector<16xi32>
        %and3A_1197 = arith.constant 2047 : i32
        %and3A_1198 = vector.broadcast %and3A_1197 : i32 to vector<16xi32>
        %and3A_1199 = arith.andi %get3A_1194, %and3A_1198 : vector<16xi32>
        %shift_left3A = arith.constant 2 : i32
        %shift_left3A_1200 = vector.broadcast %shift_left3A : i32 to vector<16xi32>
        %shift_left3A_1201 = arith.shli %and3A_1199, %shift_left3A_1200 : vector<16xi32>
        %add3A_1202 = arith.addi %and3A_1196, %shift_left3A_1201 : vector<16xi32>
        %shift_right_arithmetic3A = arith.constant 11 : i32
        %shift_right_arithmetic3A_1203 = vector.broadcast %shift_right_arithmetic3A : i32 to vector<16xi32>
        %shift_right_arithmetic3A_1204 = arith.shrsi %get3A_1194, %shift_right_arithmetic3A_1203 : vector<16xi32>
        %and3A_1205 = arith.constant 3 : i32
        %and3A_1206 = vector.broadcast %and3A_1205 : i32 to vector<16xi32>
        %and3A_1207 = arith.andi %shift_right_arithmetic3A_1204, %and3A_1206 : vector<16xi32>
        %add3A_1208 = arith.addi %add3A_1202, %and3A_1207 : vector<16xi32>
        %swap3A = arith.constant 0 : i32
        %swap3A_1209 = arith.constant 2 : i32
        %swap3A_1210 = arith.index_cast %swap3A : i32 to index
        %swap3A_1211 = arith.index_cast %swap3A_1209 : i32 to index
        %swap3A_1212 = arith.index_cast %mul3A_1189 : i32 to index
        %swap3A_1213 = tpu.vector_load %arg14[%swap3A_1210, %swap3A_1211, %swap3A_1212] {strides = array<i32>} : memref<2x5x128xi32, #tpu.memory_space<vmem>>, vector<16xi32>,
        tpu.vector_store %arg14[%swap3A_1210, %swap3A_1211, %swap3A_1212], %add3A_1208 {strides = array<i32>} : memref<2x5x128xi32, #tpu.memory_space<vmem>>, vector<16xi32>,
      }
      %scan3A_364 = arith.constant 8 : i32
      %scan3A_365 = arith.constant 0 : i32
      %scan3A_366 = arith.constant 8 : i32
      %scan3A_367 = arith.addi %scan3A_365, %scan3A_366 : i32
      %scan3A_368 = arith.constant 1 : i32
      scf.for %scan3A_1187 = %scan3A_365 to %scan3A_367 step %scan3A_368  : i32 {
        %mul3A_1188 = arith.constant 16 : i32
        %mul3A_1189 = arith.muli %scan3A_1187, %mul3A_1188 : i32
        %get3A = arith.constant 0 : i32
        %get3A_1190 = arith.constant 3 : i32
        %get3A_1191 = arith.index_cast %get3A : i32 to index
        %get3A_1192 = arith.index_cast %get3A_1190 : i32 to index
        %get3A_1193 = arith.index_cast %mul3A_1189 : i32 to index
        %get3A_1194 = tpu.vector_load %arg15[%get3A_1191, %get3A_1192, %get3A_1193] {strides = array<i32>} : memref<2x5x128xi32, #tpu.memory_space<vmem>>, vector<16xi32>,
        %and3A = arith.constant -8192 : i32
        %and3A_1195 = vector.broadcast %and3A : i32 to vector<16xi32>
        %and3A_1196 = arith.andi %get3A_1194, %and3A_1195 : vector<16xi32>
        %and3A_1197 = arith.constant 2047 : i32
        %and3A_1198 = vector.broadcast %and3A_1197 : i32 to vector<16xi32>
        %and3A_1199 = arith.andi %get3A_1194, %and3A_1198 : vector<16xi32>
        %shift_left3A = arith.constant 2 : i32
        %shift_left3A_1200 = vector.broadcast %shift_left3A : i32 to vector<16xi32>
        %shift_left3A_1201 = arith.shli %and3A_1199, %shift_left3A_1200 : vector<16xi32>
        %add3A_1202 = arith.addi %and3A_1196, %shift_left3A_1201 : vector<16xi32>
        %shift_right_arithmetic3A = arith.constant 11 : i32
        %shift_right_arithmetic3A_1203 = vector.broadcast %shift_right_arithmetic3A : i32 to vector<16xi32>
        %shift_right_arithmetic3A_1204 = arith.shrsi %get3A_1194, %shift_right_arithmetic3A_1203 : vector<16xi32>
        %and3A_1205 = arith.constant 3 : i32
        %and3A_1206 = vector.broadcast %and3A_1205 : i32 to vector<16xi32>
        %and3A_1207 = arith.andi %shift_right_arithmetic3A_1204, %and3A_1206 : vector<16xi32>
        %add3A_1208 = arith.addi %add3A_1202, %and3A_1207 : vector<16xi32>
        %swap3A = arith.constant 0 : i32
        %swap3A_1209 = arith.constant 3 : i32
        %swap3A_1210 = arith.index_cast %swap3A : i32 to index
        %swap3A_1211 = arith.index_cast %swap3A_1209 : i32 to index
        %swap3A_1212 = arith.index_cast %mul3A_1189 : i32 to index
        %swap3A_1213 = tpu.vector_load %arg14[%swap3A_1210, %swap3A_1211, %swap3A_1212] {strides = array<i32>} : memref<2x5x128xi32, #tpu.memory_space<vmem>>, vector<16xi32>,
        tpu.vector_store %arg14[%swap3A_1210, %swap3A_1211, %swap3A_1212], %add3A_1208 {strides = array<i32>} : memref<2x5x128xi32, #tpu.memory_space<vmem>>, vector<16xi32>,
      }
      %scan3A_369 = arith.constant 8 : i32
      %scan3A_370 = arith.constant 0 : i32
      %scan3A_371 = arith.constant 8 : i32
      %scan3A_372 = arith.addi %scan3A_370, %scan3A_371 : i32
      %scan3A_373 = arith.constant 1 : i32
      scf.for %scan3A_1187 = %scan3A_370 to %scan3A_372 step %scan3A_373  : i32 {
        %mul3A_1188 = arith.constant 16 : i32
        %mul3A_1189 = arith.muli %scan3A_1187, %mul3A_1188 : i32
        %get3A = arith.constant 0 : i32
        %get3A_1190 = arith.constant 4 : i32
        %get3A_1191 = arith.index_cast %get3A : i32 to index
        %get3A_1192 = arith.index_cast %get3A_1190 : i32 to index
        %get3A_1193 = arith.index_cast %mul3A_1189 : i32 to index
        %get3A_1194 = tpu.vector_load %arg15[%get3A_1191, %get3A_1192, %get3A_1193] {strides = array<i32>} : memref<2x5x128xi32, #tpu.memory_space<vmem>>, vector<16xi32>,
        %and3A = arith.constant -8192 : i32
        %and3A_1195 = vector.broadcast %and3A : i32 to vector<16xi32>
        %and3A_1196 = arith.andi %get3A_1194, %and3A_1195 : vector<16xi32>
        %and3A_1197 = arith.constant 2047 : i32
        %and3A_1198 = vector.broadcast %and3A_1197 : i32 to vector<16xi32>
        %and3A_1199 = arith.andi %get3A_1194, %and3A_1198 : vector<16xi32>
        %shift_left3A = arith.constant 2 : i32
        %shift_left3A_1200 = vector.broadcast %shift_left3A : i32 to vector<16xi32>
        %shift_left3A_1201 = arith.shli %and3A_1199, %shift_left3A_1200 : vector<16xi32>
        %add3A_1202 = arith.addi %and3A_1196, %shift_left3A_1201 : vector<16xi32>
        %shift_right_arithmetic3A = arith.constant 11 : i32
        %shift_right_arithmetic3A_1203 = vector.broadcast %shift_right_arithmetic3A : i32 to vector<16xi32>
        %shift_right_arithmetic3A_1204 = arith.shrsi %get3A_1194, %shift_right_arithmetic3A_1203 : vector<16xi32>
        %and3A_1205 = arith.constant 3 : i32
        %and3A_1206 = vector.broadcast %and3A_1205 : i32 to vector<16xi32>
        %and3A_1207 = arith.andi %shift_right_arithmetic3A_1204, %and3A_1206 : vector<16xi32>
        %add3A_1208 = arith.addi %add3A_1202, %and3A_1207 : vector<16xi32>
        %swap3A = arith.constant 0 : i32
        %swap3A_1209 = arith.constant 4 : i32
        %swap3A_1210 = arith.index_cast %swap3A : i32 to index
        %swap3A_1211 = arith.index_cast %swap3A_1209 : i32 to index
        %swap3A_1212 = arith.index_cast %mul3A_1189 : i32 to index
        %swap3A_1213 = tpu.vector_load %arg14[%swap3A_1210, %swap3A_1211, %swap3A_1212] {strides = array<i32>} : memref<2x5x128xi32, #tpu.memory_space<vmem>>, vector<16xi32>,
        tpu.vector_store %arg14[%swap3A_1210, %swap3A_1211, %swap3A_1212], %add3A_1208 {strides = array<i32>} : memref<2x5x128xi32, #tpu.memory_space<vmem>>, vector<16xi32>,
      }
      %scan3A_374 = arith.constant 8 : i32
      %scan3A_375 = arith.constant 0 : i32
      %scan3A_376 = arith.constant 8 : i32
      %scan3A_377 = arith.addi %scan3A_375, %scan3A_376 : i32
      %scan3A_378 = arith.constant 1 : i32
      scf.for %scan3A_1187 = %scan3A_375 to %scan3A_377 step %scan3A_378  : i32 {
        %mul3A_1188 = arith.constant 16 : i32
        %mul3A_1189 = arith.muli %scan3A_1187, %mul3A_1188 : i32
        %get3A = arith.constant 1 : i32
        %get3A_1190 = arith.constant 0 : i32
        %get3A_1191 = arith.index_cast %get3A : i32 to index
        %get3A_1192 = arith.index_cast %get3A_1190 : i32 to index
        %get3A_1193 = arith.index_cast %mul3A_1189 : i32 to index
        %get3A_1194 = tpu.vector_load %arg15[%get3A_1191, %get3A_1192, %get3A_1193] {strides = array<i32>} : memref<2x5x128xi32, #tpu.memory_space<vmem>>, vector<16xi32>,
        %and3A = arith.constant -8192 : i32
        %and3A_1195 = vector.broadcast %and3A : i32 to vector<16xi32>
        %and3A_1196 = arith.andi %get3A_1194, %and3A_1195 : vector<16xi32>
        %and3A_1197 = arith.constant 2047 : i32
        %and3A_1198 = vector.broadcast %and3A_1197 : i32 to vector<16xi32>
        %and3A_1199 = arith.andi %get3A_1194, %and3A_1198 : vector<16xi32>
        %shift_left3A = arith.constant 2 : i32
        %shift_left3A_1200 = vector.broadcast %shift_left3A : i32 to vector<16xi32>
        %shift_left3A_1201 = arith.shli %and3A_1199, %shift_left3A_1200 : vector<16xi32>
        %add3A_1202 = arith.addi %and3A_1196, %shift_left3A_1201 : vector<16xi32>
        %shift_right_arithmetic3A = arith.constant 11 : i32
        %shift_right_arithmetic3A_1203 = vector.broadcast %shift_right_arithmetic3A : i32 to vector<16xi32>
        %shift_right_arithmetic3A_1204 = arith.shrsi %get3A_1194, %shift_right_arithmetic3A_1203 : vector<16xi32>
        %and3A_1205 = arith.constant 3 : i32
        %and3A_1206 = vector.broadcast %and3A_1205 : i32 to vector<16xi32>
        %and3A_1207 = arith.andi %shift_right_arithmetic3A_1204, %and3A_1206 : vector<16xi32>
        %add3A_1208 = arith.addi %add3A_1202, %and3A_1207 : vector<16xi32>
        %swap3A = arith.constant 1 : i32
        %swap3A_1209 = arith.constant 0 : i32
        %swap3A_1210 = arith.index_cast %swap3A : i32 to index
        %swap3A_1211 = arith.index_cast %swap3A_1209 : i32 to index
        %swap3A_1212 = arith.index_cast %mul3A_1189 : i32 to index
        %swap3A_1213 = tpu.vector_load %arg14[%swap3A_1210, %swap3A_1211, %swap3A_1212] {strides = array<i32>} : memref<2x5x128xi32, #tpu.memory_space<vmem>>, vector<16xi32>,
        tpu.vector_store %arg14[%swap3A_1210, %swap3A_1211, %swap3A_1212], %add3A_1208 {strides = array<i32>} : memref<2x5x128xi32, #tpu.memory_space<vmem>>, vector<16xi32>,
      }
      %scan3A_379 = arith.constant 8 : i32
      %scan3A_380 = arith.constant 0 : i32
      %scan3A_381 = arith.constant 8 : i32
      %scan3A_382 = arith.addi %scan3A_380, %scan3A_381 : i32
      %scan3A_383 = arith.constant 1 : i32
      scf.for %scan3A_1187 = %scan3A_380 to %scan3A_382 step %scan3A_383  : i32 {
        %mul3A_1188 = arith.constant 16 : i32
        %mul3A_1189 = arith.muli %scan3A_1187, %mul3A_1188 : i32
        %get3A = arith.constant 1 : i32
        %get3A_1190 = arith.constant 1 : i32
        %get3A_1191 = arith.index_cast %get3A : i32 to index
        %get3A_1192 = arith.index_cast %get3A_1190 : i32 to index
        %get3A_1193 = arith.index_cast %mul3A_1189 : i32 to index
        %get3A_1194 = tpu.vector_load %arg15[%get3A_1191, %get3A_1192, %get3A_1193] {strides = array<i32>} : memref<2x5x128xi32, #tpu.memory_space<vmem>>, vector<16xi32>,
        %and3A = arith.constant -8192 : i32
        %and3A_1195 = vector.broadcast %and3A : i32 to vector<16xi32>
        %and3A_1196 = arith.andi %get3A_1194, %and3A_1195 : vector<16xi32>
        %and3A_1197 = arith.constant 2047 : i32
        %and3A_1198 = vector.broadcast %and3A_1197 : i32 to vector<16xi32>
        %and3A_1199 = arith.andi %get3A_1194, %and3A_1198 : vector<16xi32>
        %shift_left3A = arith.constant 2 : i32
        %shift_left3A_1200 = vector.broadcast %shift_left3A : i32 to vector<16xi32>
        %shift_left3A_1201 = arith.shli %and3A_1199, %shift_left3A_1200 : vector<16xi32>
        %add3A_1202 = arith.addi %and3A_1196, %shift_left3A_1201 : vector<16xi32>
        %shift_right_arithmetic3A = arith.constant 11 : i32
        %shift_right_arithmetic3A_1203 = vector.broadcast %shift_right_arithmetic3A : i32 to vector<16xi32>
        %shift_right_arithmetic3A_1204 = arith.shrsi %get3A_1194, %shift_right_arithmetic3A_1203 : vector<16xi32>
        %and3A_1205 = arith.constant 3 : i32
        %and3A_1206 = vector.broadcast %and3A_1205 : i32 to vector<16xi32>
        %and3A_1207 = arith.andi %shift_right_arithmetic3A_1204, %and3A_1206 : vector<16xi32>
        %add3A_1208 = arith.addi %add3A_1202, %and3A_1207 : vector<16xi32>
        %swap3A = arith.constant 1 : i32
        %swap3A_1209 = arith.constant 1 : i32
        %swap3A_1210 = arith.index_cast %swap3A : i32 to index
        %swap3A_1211 = arith.index_cast %swap3A_1209 : i32 to index
        %swap3A_1212 = arith.index_cast %mul3A_1189 : i32 to index
        %swap3A_1213 = tpu.vector_load %arg14[%swap3A_1210, %swap3A_1211, %swap3A_1212] {strides = array<i32>} : memref<2x5x128xi32, #tpu.memory_space<vmem>>, vector<16xi32>,
        tpu.vector_store %arg14[%swap3A_1210, %swap3A_1211, %swap3A_1212], %add3A_1208 {strides = array<i32>} : memref<2x5x128xi32, #tpu.memory_space<vmem>>, vector<16xi32>,
      }
      %scan3A_384 = arith.constant 8 : i32
      %scan3A_385 = arith.constant 0 : i32
      %scan3A_386 = arith.constant 8 : i32
      %scan3A_387 = arith.addi %scan3A_385, %scan3A_386 : i32
      %scan3A_388 = arith.constant 1 : i32
      scf.for %scan3A_1187 = %scan3A_385 to %scan3A_387 step %scan3A_388  : i32 {
        %mul3A_1188 = arith.constant 16 : i32
        %mul3A_1189 = arith.muli %scan3A_1187, %mul3A_1188 : i32
        %get3A = arith.constant 1 : i32
        %get3A_1190 = arith.constant 2 : i32
        %get3A_1191 = arith.index_cast %get3A : i32 to index
        %get3A_1192 = arith.index_cast %get3A_1190 : i32 to index
        %get3A_1193 = arith.index_cast %mul3A_1189 : i32 to index
        %get3A_1194 = tpu.vector_load %arg15[%get3A_1191, %get3A_1192, %get3A_1193] {strides = array<i32>} : memref<2x5x128xi32, #tpu.memory_space<vmem>>, vector<16xi32>,
        %and3A = arith.constant -8192 : i32
        %and3A_1195 = vector.broadcast %and3A : i32 to vector<16xi32>
        %and3A_1196 = arith.andi %get3A_1194, %and3A_1195 : vector<16xi32>
        %and3A_1197 = arith.constant 2047 : i32
        %and3A_1198 = vector.broadcast %and3A_1197 : i32 to vector<16xi32>
        %and3A_1199 = arith.andi %get3A_1194, %and3A_1198 : vector<16xi32>
        %shift_left3A = arith.constant 2 : i32
        %shift_left3A_1200 = vector.broadcast %shift_left3A : i32 to vector<16xi32>
        %shift_left3A_1201 = arith.shli %and3A_1199, %shift_left3A_1200 : vector<16xi32>
        %add3A_1202 = arith.addi %and3A_1196, %shift_left3A_1201 : vector<16xi32>
        %shift_right_arithmetic3A = arith.constant 11 : i32
        %shift_right_arithmetic3A_1203 = vector.broadcast %shift_right_arithmetic3A : i32 to vector<16xi32>
        %shift_right_arithmetic3A_1204 = arith.shrsi %get3A_1194, %shift_right_arithmetic3A_1203 : vector<16xi32>
        %and3A_1205 = arith.constant 3 : i32
        %and3A_1206 = vector.broadcast %and3A_1205 : i32 to vector<16xi32>
        %and3A_1207 = arith.andi %shift_right_arithmetic3A_1204, %and3A_1206 : vector<16xi32>
        %add3A_1208 = arith.addi %add3A_1202, %and3A_1207 : vector<16xi32>
        %swap3A = arith.constant 1 : i32
        %swap3A_1209 = arith.constant 2 : i32
        %swap3A_1210 = arith.index_cast %swap3A : i32 to index
        %swap3A_1211 = arith.index_cast %swap3A_1209 : i32 to index
        %swap3A_1212 = arith.index_cast %mul3A_1189 : i32 to index
        %swap3A_1213 = tpu.vector_load %arg14[%swap3A_1210, %swap3A_1211, %swap3A_1212] {strides = array<i32>} : memref<2x5x128xi32, #tpu.memory_space<vmem>>, vector<16xi32>,
        tpu.vector_store %arg14[%swap3A_1210, %swap3A_1211, %swap3A_1212], %add3A_1208 {strides = array<i32>} : memref<2x5x128xi32, #tpu.memory_space<vmem>>, vector<16xi32>,
      }
      %scan3A_389 = arith.constant 8 : i32
      %scan3A_390 = arith.constant 0 : i32
      %scan3A_391 = arith.constant 8 : i32
      %scan3A_392 = arith.addi %scan3A_390, %scan3A_391 : i32
      %scan3A_393 = arith.constant 1 : i32
      scf.for %scan3A_1187 = %scan3A_390 to %scan3A_392 step %scan3A_393  : i32 {
        %mul3A_1188 = arith.constant 16 : i32
        %mul3A_1189 = arith.muli %scan3A_1187, %mul3A_1188 : i32
        %get3A = arith.constant 1 : i32
        %get3A_1190 = arith.constant 3 : i32
        %get3A_1191 = arith.index_cast %get3A : i32 to index
        %get3A_1192 = arith.index_cast %get3A_1190 : i32 to index
        %get3A_1193 = arith.index_cast %mul3A_1189 : i32 to index
        %get3A_1194 = tpu.vector_load %arg15[%get3A_1191, %get3A_1192, %get3A_1193] {strides = array<i32>} : memref<2x5x128xi32, #tpu.memory_space<vmem>>, vector<16xi32>,
        %and3A = arith.constant -8192 : i32
        %and3A_1195 = vector.broadcast %and3A : i32 to vector<16xi32>
        %and3A_1196 = arith.andi %get3A_1194, %and3A_1195 : vector<16xi32>
        %and3A_1197 = arith.constant 2047 : i32
        %and3A_1198 = vector.broadcast %and3A_1197 : i32 to vector<16xi32>
        %and3A_1199 = arith.andi %get3A_1194, %and3A_1198 : vector<16xi32>
        %shift_left3A = arith.constant 2 : i32
        %shift_left3A_1200 = vector.broadcast %shift_left3A : i32 to vector<16xi32>
        %shift_left3A_1201 = arith.shli %and3A_1199, %shift_left3A_1200 : vector<16xi32>
        %add3A_1202 = arith.addi %and3A_1196, %shift_left3A_1201 : vector<16xi32>
        %shift_right_arithmetic3A = arith.constant 11 : i32
        %shift_right_arithmetic3A_1203 = vector.broadcast %shift_right_arithmetic3A : i32 to vector<16xi32>
        %shift_right_arithmetic3A_1204 = arith.shrsi %get3A_1194, %shift_right_arithmetic3A_1203 : vector<16xi32>
        %and3A_1205 = arith.constant 3 : i32
        %and3A_1206 = vector.broadcast %and3A_1205 : i32 to vector<16xi32>
        %and3A_1207 = arith.andi %shift_right_arithmetic3A_1204, %and3A_1206 : vector<16xi32>
        %add3A_1208 = arith.addi %add3A_1202, %and3A_1207 : vector<16xi32>
        %swap3A = arith.constant 1 : i32
        %swap3A_1209 = arith.constant 3 : i32
        %swap3A_1210 = arith.index_cast %swap3A : i32 to index
        %swap3A_1211 = arith.index_cast %swap3A_1209 : i32 to index
        %swap3A_1212 = arith.index_cast %mul3A_1189 : i32 to index
        %swap3A_1213 = tpu.vector_load %arg14[%swap3A_1210, %swap3A_1211, %swap3A_1212] {strides = array<i32>} : memref<2x5x128xi32, #tpu.memory_space<vmem>>, vector<16xi32>,
        tpu.vector_store %arg14[%swap3A_1210, %swap3A_1211, %swap3A_1212], %add3A_1208 {strides = array<i32>} : memref<2x5x128xi32, #tpu.memory_space<vmem>>, vector<16xi32>,
      }
      %scan3A_394 = arith.constant 8 : i32
      %scan3A_395 = arith.constant 0 : i32
      %scan3A_396 = arith.constant 8 : i32
      %scan3A_397 = arith.addi %scan3A_395, %scan3A_396 : i32
      %scan3A_398 = arith.constant 1 : i32
      scf.for %scan3A_1187 = %scan3A_395 to %scan3A_397 step %scan3A_398  : i32 {
        %mul3A_1188 = arith.constant 16 : i32
        %mul3A_1189 = arith.muli %scan3A_1187, %mul3A_1188 : i32
        %get3A = arith.constant 1 : i32
        %get3A_1190 = arith.constant 4 : i32
        %get3A_1191 = arith.index_cast %get3A : i32 to index
        %get3A_1192 = arith.index_cast %get3A_1190 : i32 to index
        %get3A_1193 = arith.index_cast %mul3A_1189 : i32 to index
        %get3A_1194 = tpu.vector_load %arg15[%get3A_1191, %get3A_1192, %get3A_1193] {strides = array<i32>} : memref<2x5x128xi32, #tpu.memory_space<vmem>>, vector<16xi32>,
        %and3A = arith.constant -8192 : i32
        %and3A_1195 = vector.broadcast %and3A : i32 to vector<16xi32>
        %and3A_1196 = arith.andi %get3A_1194, %and3A_1195 : vector<16xi32>
        %and3A_1197 = arith.constant 2047 : i32
        %and3A_1198 = vector.broadcast %and3A_1197 : i32 to vector<16xi32>
        %and3A_1199 = arith.andi %get3A_1194, %and3A_1198 : vector<16xi32>
        %shift_left3A = arith.constant 2 : i32
        %shift_left3A_1200 = vector.broadcast %shift_left3A : i32 to vector<16xi32>
        %shift_left3A_1201 = arith.shli %and3A_1199, %shift_left3A_1200 : vector<16xi32>
        %add3A_1202 = arith.addi %and3A_1196, %shift_left3A_1201 : vector<16xi32>
        %shift_right_arithmetic3A = arith.constant 11 : i32
        %shift_right_arithmetic3A_1203 = vector.broadcast %shift_right_arithmetic3A : i32 to vector<16xi32>
        %shift_right_arithmetic3A_1204 = arith.shrsi %get3A_1194, %shift_right_arithmetic3A_1203 : vector<16xi32>
        %and3A_1205 = arith.constant 3 : i32
        %and3A_1206 = vector.broadcast %and3A_1205 : i32 to vector<16xi32>
        %and3A_1207 = arith.andi %shift_right_arithmetic3A_1204, %and3A_1206 : vector<16xi32>
        %add3A_1208 = arith.addi %add3A_1202, %and3A_1207 : vector<16xi32>
        %swap3A = arith.constant 1 : i32
        %swap3A_1209 = arith.constant 4 : i32
        %swap3A_1210 = arith.index_cast %swap3A : i32 to index
        %swap3A_1211 = arith.index_cast %swap3A_1209 : i32 to index
        %swap3A_1212 = arith.index_cast %mul3A_1189 : i32 to index
        %swap3A_1213 = tpu.vector_load %arg14[%swap3A_1210, %swap3A_1211, %swap3A_1212] {strides = array<i32>} : memref<2x5x128xi32, #tpu.memory_space<vmem>>, vector<16xi32>,
        tpu.vector_store %arg14[%swap3A_1210, %swap3A_1211, %swap3A_1212], %add3A_1208 {strides = array<i32>} : memref<2x5x128xi32, #tpu.memory_space<vmem>>, vector<16xi32>,
      }
      %scan3A_399 = arith.constant 8 : i32
      %dma_start3A_400 = arith.constant 0 : i32
      %dma_start3A_401 = arith.constant 0 : i32
      %dma_start3A_402 = arith.constant 0 : i32
      %dma_start3A_403 = arith.constant 0 : i32
      %dma_start3A_404 = arith.constant 0 : i32
      %dma_start3A_405 = arith.constant 0 : i32
      %dma_start3A_406 = tpu.memref_slice %arg17[%dma_start3A_402, %dma_start3A_403, %dma_start3A_404, %dma_start3A_405] : memref<2x5x128x32xf32, #tpu.memory_space<vmem>> -> memref<1x1x128x32xf32, #tpu.memory_space<vmem>>
      %dma_start3A_407 = tpu.memref_squeeze %dma_start3A_406 : memref<1x1x128x32xf32, #tpu.memory_space<vmem>> -> memref<128x32xf32, #tpu.memory_space<vmem>>
      %dma_start3A_408 = arith.constant 0 : i32
      %dma_start3A_409 = tpu.memref_slice %arg14[%dma_start3A_400, %dma_start3A_401, %dma_start3A_408] : memref<2x5x128xi32, #tpu.memory_space<vmem>> -> memref<1x1x128xi32, #tpu.memory_space<vmem>>
      %dma_start3A_410 = tpu.memref_squeeze %dma_start3A_409 : memref<1x1x128xi32, #tpu.memory_space<vmem>> -> memref<128xi32, #tpu.memory_space<vmem>>
      %dma_start3A_411 = arith.constant 0 : i32
      %dma_start3A_412 = arith.constant 0 : i32
      %dma_start3A_413 = tpu.memref_slice %arg2[%dma_start3A_411, %dma_start3A_412] : memref<1007616x32xf32, #tpu.memory_space<hbm>> -> memref<1007616x32xf32, #tpu.memory_space<hbm>>
      tpu.enqueue_indirect_dma source(%dma_start3A_413 : memref<1007616x32xf32, #tpu.memory_space<hbm>>) target(%dma_start3A_407 : memref<128x32xf32, #tpu.memory_space<vmem>>) offsets(%dma_start3A_410 : memref<128xi32, #tpu.memory_space<vmem>>) semaphore(%arg23 : memref<!tpu.dma_semaphore, #tpu.memory_space<semaphore_mem>>)
      %dma_start3A_414 = arith.constant 0 : i32
      %dma_start3A_415 = arith.constant 1 : i32
      %dma_start3A_416 = arith.constant 0 : i32
      %dma_start3A_417 = arith.constant 1 : i32
      %dma_start3A_418 = arith.constant 0 : i32
      %dma_start3A_419 = arith.constant 0 : i32
      %dma_start3A_420 = tpu.memref_slice %arg17[%dma_start3A_416, %dma_start3A_417, %dma_start3A_418, %dma_start3A_419] : memref<2x5x128x32xf32, #tpu.memory_space<vmem>> -> memref<1x1x128x32xf32, #tpu.memory_space<vmem>>
      %dma_start3A_421 = tpu.memref_squeeze %dma_start3A_420 : memref<1x1x128x32xf32, #tpu.memory_space<vmem>> -> memref<128x32xf32, #tpu.memory_space<vmem>>
      %dma_start3A_422 = arith.constant 0 : i32
      %dma_start3A_423 = tpu.memref_slice %arg14[%dma_start3A_414, %dma_start3A_415, %dma_start3A_422] : memref<2x5x128xi32, #tpu.memory_space<vmem>> -> memref<1x1x128xi32, #tpu.memory_space<vmem>>
      %dma_start3A_424 = tpu.memref_squeeze %dma_start3A_423 : memref<1x1x128xi32, #tpu.memory_space<vmem>> -> memref<128xi32, #tpu.memory_space<vmem>>
      %dma_start3A_425 = arith.constant 0 : i32
      %dma_start3A_426 = arith.constant 0 : i32
      %dma_start3A_427 = tpu.memref_slice %arg2[%dma_start3A_425, %dma_start3A_426] : memref<1007616x32xf32, #tpu.memory_space<hbm>> -> memref<1007616x32xf32, #tpu.memory_space<hbm>>
      tpu.enqueue_indirect_dma source(%dma_start3A_427 : memref<1007616x32xf32, #tpu.memory_space<hbm>>) target(%dma_start3A_421 : memref<128x32xf32, #tpu.memory_space<vmem>>) offsets(%dma_start3A_424 : memref<128xi32, #tpu.memory_space<vmem>>) semaphore(%arg23 : memref<!tpu.dma_semaphore, #tpu.memory_space<semaphore_mem>>)
      %dma_start3A_428 = arith.constant 0 : i32
      %dma_start3A_429 = arith.constant 2 : i32
      %dma_start3A_430 = arith.constant 0 : i32
      %dma_start3A_431 = arith.constant 2 : i32
      %dma_start3A_432 = arith.constant 0 : i32
      %dma_start3A_433 = arith.constant 0 : i32
      %dma_start3A_434 = tpu.memref_slice %arg17[%dma_start3A_430, %dma_start3A_431, %dma_start3A_432, %dma_start3A_433] : memref<2x5x128x32xf32, #tpu.memory_space<vmem>> -> memref<1x1x128x32xf32, #tpu.memory_space<vmem>>
      %dma_start3A_435 = tpu.memref_squeeze %dma_start3A_434 : memref<1x1x128x32xf32, #tpu.memory_space<vmem>> -> memref<128x32xf32, #tpu.memory_space<vmem>>
      %dma_start3A_436 = arith.constant 0 : i32
      %dma_start3A_437 = tpu.memref_slice %arg14[%dma_start3A_428, %dma_start3A_429, %dma_start3A_436] : memref<2x5x128xi32, #tpu.memory_space<vmem>> -> memref<1x1x128xi32, #tpu.memory_space<vmem>>
      %dma_start3A_438 = tpu.memref_squeeze %dma_start3A_437 : memref<1x1x128xi32, #tpu.memory_space<vmem>> -> memref<128xi32, #tpu.memory_space<vmem>>
      %dma_start3A_439 = arith.constant 0 : i32
      %dma_start3A_440 = arith.constant 0 : i32
      %dma_start3A_441 = tpu.memref_slice %arg2[%dma_start3A_439, %dma_start3A_440] : memref<1007616x32xf32, #tpu.memory_space<hbm>> -> memref<1007616x32xf32, #tpu.memory_space<hbm>>
      tpu.enqueue_indirect_dma source(%dma_start3A_441 : memref<1007616x32xf32, #tpu.memory_space<hbm>>) target(%dma_start3A_435 : memref<128x32xf32, #tpu.memory_space<vmem>>) offsets(%dma_start3A_438 : memref<128xi32, #tpu.memory_space<vmem>>) semaphore(%arg23 : memref<!tpu.dma_semaphore, #tpu.memory_space<semaphore_mem>>)
      %dma_start3A_442 = arith.constant 0 : i32
      %dma_start3A_443 = arith.constant 3 : i32
      %dma_start3A_444 = arith.constant 0 : i32
      %dma_start3A_445 = arith.constant 3 : i32
      %dma_start3A_446 = arith.constant 0 : i32
      %dma_start3A_447 = arith.constant 0 : i32
      %dma_start3A_448 = tpu.memref_slice %arg17[%dma_start3A_444, %dma_start3A_445, %dma_start3A_446, %dma_start3A_447] : memref<2x5x128x32xf32, #tpu.memory_space<vmem>> -> memref<1x1x128x32xf32, #tpu.memory_space<vmem>>
      %dma_start3A_449 = tpu.memref_squeeze %dma_start3A_448 : memref<1x1x128x32xf32, #tpu.memory_space<vmem>> -> memref<128x32xf32, #tpu.memory_space<vmem>>
      %dma_start3A_450 = arith.constant 0 : i32
      %dma_start3A_451 = tpu.memref_slice %arg14[%dma_start3A_442, %dma_start3A_443, %dma_start3A_450] : memref<2x5x128xi32, #tpu.memory_space<vmem>> -> memref<1x1x128xi32, #tpu.memory_space<vmem>>
      %dma_start3A_452 = tpu.memref_squeeze %dma_start3A_451 : memref<1x1x128xi32, #tpu.memory_space<vmem>> -> memref<128xi32, #tpu.memory_space<vmem>>
      %dma_start3A_453 = arith.constant 0 : i32
      %dma_start3A_454 = arith.constant 0 : i32
      %dma_start3A_455 = tpu.memref_slice %arg2[%dma_start3A_453, %dma_start3A_454] : memref<1007616x32xf32, #tpu.memory_space<hbm>> -> memref<1007616x32xf32, #tpu.memory_space<hbm>>
      tpu.enqueue_indirect_dma source(%dma_start3A_455 : memref<1007616x32xf32, #tpu.memory_space<hbm>>) target(%dma_start3A_449 : memref<128x32xf32, #tpu.memory_space<vmem>>) offsets(%dma_start3A_452 : memref<128xi32, #tpu.memory_space<vmem>>) semaphore(%arg23 : memref<!tpu.dma_semaphore, #tpu.memory_space<semaphore_mem>>)
      %dma_start3A_456 = arith.constant 0 : i32
      %dma_start3A_457 = arith.constant 4 : i32
      %dma_start3A_458 = arith.constant 0 : i32
      %dma_start3A_459 = arith.constant 4 : i32
      %dma_start3A_460 = arith.constant 0 : i32
      %dma_start3A_461 = arith.constant 0 : i32
      %dma_start3A_462 = tpu.memref_slice %arg17[%dma_start3A_458, %dma_start3A_459, %dma_start3A_460, %dma_start3A_461] : memref<2x5x128x32xf32, #tpu.memory_space<vmem>> -> memref<1x1x128x32xf32, #tpu.memory_space<vmem>>
      %dma_start3A_463 = tpu.memref_squeeze %dma_start3A_462 : memref<1x1x128x32xf32, #tpu.memory_space<vmem>> -> memref<128x32xf32, #tpu.memory_space<vmem>>
      %dma_start3A_464 = arith.constant 0 : i32
      %dma_start3A_465 = tpu.memref_slice %arg14[%dma_start3A_456, %dma_start3A_457, %dma_start3A_464] : memref<2x5x128xi32, #tpu.memory_space<vmem>> -> memref<1x1x128xi32, #tpu.memory_space<vmem>>
      %dma_start3A_466 = tpu.memref_squeeze %dma_start3A_465 : memref<1x1x128xi32, #tpu.memory_space<vmem>> -> memref<128xi32, #tpu.memory_space<vmem>>
      %dma_start3A_467 = arith.constant 0 : i32
      %dma_start3A_468 = arith.constant 0 : i32
      %dma_start3A_469 = tpu.memref_slice %arg2[%dma_start3A_467, %dma_start3A_468] : memref<1007616x32xf32, #tpu.memory_space<hbm>> -> memref<1007616x32xf32, #tpu.memory_space<hbm>>
      tpu.enqueue_indirect_dma source(%dma_start3A_469 : memref<1007616x32xf32, #tpu.memory_space<hbm>>) target(%dma_start3A_463 : memref<128x32xf32, #tpu.memory_space<vmem>>) offsets(%dma_start3A_466 : memref<128xi32, #tpu.memory_space<vmem>>) semaphore(%arg23 : memref<!tpu.dma_semaphore, #tpu.memory_space<semaphore_mem>>)
      %dma_start3A_470 = arith.constant 1 : i32
      %dma_start3A_471 = arith.constant 0 : i32
      %dma_start3A_472 = arith.constant 1 : i32
      %dma_start3A_473 = arith.constant 0 : i32
      %dma_start3A_474 = arith.constant 0 : i32
      %dma_start3A_475 = arith.constant 0 : i32
      %dma_start3A_476 = tpu.memref_slice %arg17[%dma_start3A_472, %dma_start3A_473, %dma_start3A_474, %dma_start3A_475] : memref<2x5x128x32xf32, #tpu.memory_space<vmem>> -> memref<1x1x128x32xf32, #tpu.memory_space<vmem>>
      %dma_start3A_477 = tpu.memref_squeeze %dma_start3A_476 : memref<1x1x128x32xf32, #tpu.memory_space<vmem>> -> memref<128x32xf32, #tpu.memory_space<vmem>>
      %dma_start3A_478 = arith.constant 0 : i32
      %dma_start3A_479 = tpu.memref_slice %arg14[%dma_start3A_470, %dma_start3A_471, %dma_start3A_478] : memref<2x5x128xi32, #tpu.memory_space<vmem>> -> memref<1x1x128xi32, #tpu.memory_space<vmem>>
      %dma_start3A_480 = tpu.memref_squeeze %dma_start3A_479 : memref<1x1x128xi32, #tpu.memory_space<vmem>> -> memref<128xi32, #tpu.memory_space<vmem>>
      %dma_start3A_481 = arith.constant 0 : i32
      %dma_start3A_482 = arith.constant 0 : i32
      %dma_start3A_483 = tpu.memref_slice %arg3[%dma_start3A_481, %dma_start3A_482] : memref<1007616x32xf32, #tpu.memory_space<hbm>> -> memref<1007616x32xf32, #tpu.memory_space<hbm>>
      tpu.enqueue_indirect_dma source(%dma_start3A_483 : memref<1007616x32xf32, #tpu.memory_space<hbm>>) target(%dma_start3A_477 : memref<128x32xf32, #tpu.memory_space<vmem>>) offsets(%dma_start3A_480 : memref<128xi32, #tpu.memory_space<vmem>>) semaphore(%arg23 : memref<!tpu.dma_semaphore, #tpu.memory_space<semaphore_mem>>)
      %dma_start3A_484 = arith.constant 1 : i32
      %dma_start3A_485 = arith.constant 1 : i32
      %dma_start3A_486 = arith.constant 1 : i32
      %dma_start3A_487 = arith.constant 1 : i32
      %dma_start3A_488 = arith.constant 0 : i32
      %dma_start3A_489 = arith.constant 0 : i32
      %dma_start3A_490 = tpu.memref_slice %arg17[%dma_start3A_486, %dma_start3A_487, %dma_start3A_488, %dma_start3A_489] : memref<2x5x128x32xf32, #tpu.memory_space<vmem>> -> memref<1x1x128x32xf32, #tpu.memory_space<vmem>>
      %dma_start3A_491 = tpu.memref_squeeze %dma_start3A_490 : memref<1x1x128x32xf32, #tpu.memory_space<vmem>> -> memref<128x32xf32, #tpu.memory_space<vmem>>
      %dma_start3A_492 = arith.constant 0 : i32
      %dma_start3A_493 = tpu.memref_slice %arg14[%dma_start3A_484, %dma_start3A_485, %dma_start3A_492] : memref<2x5x128xi32, #tpu.memory_space<vmem>> -> memref<1x1x128xi32, #tpu.memory_space<vmem>>
      %dma_start3A_494 = tpu.memref_squeeze %dma_start3A_493 : memref<1x1x128xi32, #tpu.memory_space<vmem>> -> memref<128xi32, #tpu.memory_space<vmem>>
      %dma_start3A_495 = arith.constant 0 : i32
      %dma_start3A_496 = arith.constant 0 : i32
      %dma_start3A_497 = tpu.memref_slice %arg3[%dma_start3A_495, %dma_start3A_496] : memref<1007616x32xf32, #tpu.memory_space<hbm>> -> memref<1007616x32xf32, #tpu.memory_space<hbm>>
      tpu.enqueue_indirect_dma source(%dma_start3A_497 : memref<1007616x32xf32, #tpu.memory_space<hbm>>) target(%dma_start3A_491 : memref<128x32xf32, #tpu.memory_space<vmem>>) offsets(%dma_start3A_494 : memref<128xi32, #tpu.memory_space<vmem>>) semaphore(%arg23 : memref<!tpu.dma_semaphore, #tpu.memory_space<semaphore_mem>>)
      %dma_start3A_498 = arith.constant 1 : i32
      %dma_start3A_499 = arith.constant 2 : i32
      %dma_start3A_500 = arith.constant 1 : i32
      %dma_start3A_501 = arith.constant 2 : i32
      %dma_start3A_502 = arith.constant 0 : i32
      %dma_start3A_503 = arith.constant 0 : i32
      %dma_start3A_504 = tpu.memref_slice %arg17[%dma_start3A_500, %dma_start3A_501, %dma_start3A_502, %dma_start3A_503] : memref<2x5x128x32xf32, #tpu.memory_space<vmem>> -> memref<1x1x128x32xf32, #tpu.memory_space<vmem>>
      %dma_start3A_505 = tpu.memref_squeeze %dma_start3A_504 : memref<1x1x128x32xf32, #tpu.memory_space<vmem>> -> memref<128x32xf32, #tpu.memory_space<vmem>>
      %dma_start3A_506 = arith.constant 0 : i32
      %dma_start3A_507 = tpu.memref_slice %arg14[%dma_start3A_498, %dma_start3A_499, %dma_start3A_506] : memref<2x5x128xi32, #tpu.memory_space<vmem>> -> memref<1x1x128xi32, #tpu.memory_space<vmem>>
      %dma_start3A_508 = tpu.memref_squeeze %dma_start3A_507 : memref<1x1x128xi32, #tpu.memory_space<vmem>> -> memref<128xi32, #tpu.memory_space<vmem>>
      %dma_start3A_509 = arith.constant 0 : i32
      %dma_start3A_510 = arith.constant 0 : i32
      %dma_start3A_511 = tpu.memref_slice %arg3[%dma_start3A_509, %dma_start3A_510] : memref<1007616x32xf32, #tpu.memory_space<hbm>> -> memref<1007616x32xf32, #tpu.memory_space<hbm>>
      tpu.enqueue_indirect_dma source(%dma_start3A_511 : memref<1007616x32xf32, #tpu.memory_space<hbm>>) target(%dma_start3A_505 : memref<128x32xf32, #tpu.memory_space<vmem>>) offsets(%dma_start3A_508 : memref<128xi32, #tpu.memory_space<vmem>>) semaphore(%arg23 : memref<!tpu.dma_semaphore, #tpu.memory_space<semaphore_mem>>)
      %dma_start3A_512 = arith.constant 1 : i32
      %dma_start3A_513 = arith.constant 3 : i32
      %dma_start3A_514 = arith.constant 1 : i32
      %dma_start3A_515 = arith.constant 3 : i32
      %dma_start3A_516 = arith.constant 0 : i32
      %dma_start3A_517 = arith.constant 0 : i32
      %dma_start3A_518 = tpu.memref_slice %arg17[%dma_start3A_514, %dma_start3A_515, %dma_start3A_516, %dma_start3A_517] : memref<2x5x128x32xf32, #tpu.memory_space<vmem>> -> memref<1x1x128x32xf32, #tpu.memory_space<vmem>>
      %dma_start3A_519 = tpu.memref_squeeze %dma_start3A_518 : memref<1x1x128x32xf32, #tpu.memory_space<vmem>> -> memref<128x32xf32, #tpu.memory_space<vmem>>
      %dma_start3A_520 = arith.constant 0 : i32
      %dma_start3A_521 = tpu.memref_slice %arg14[%dma_start3A_512, %dma_start3A_513, %dma_start3A_520] : memref<2x5x128xi32, #tpu.memory_space<vmem>> -> memref<1x1x128xi32, #tpu.memory_space<vmem>>
      %dma_start3A_522 = tpu.memref_squeeze %dma_start3A_521 : memref<1x1x128xi32, #tpu.memory_space<vmem>> -> memref<128xi32, #tpu.memory_space<vmem>>
      %dma_start3A_523 = arith.constant 0 : i32
      %dma_start3A_524 = arith.constant 0 : i32
      %dma_start3A_525 = tpu.memref_slice %arg3[%dma_start3A_523, %dma_start3A_524] : memref<1007616x32xf32, #tpu.memory_space<hbm>> -> memref<1007616x32xf32, #tpu.memory_space<hbm>>
      tpu.enqueue_indirect_dma source(%dma_start3A_525 : memref<1007616x32xf32, #tpu.memory_space<hbm>>) target(%dma_start3A_519 : memref<128x32xf32, #tpu.memory_space<vmem>>) offsets(%dma_start3A_522 : memref<128xi32, #tpu.memory_space<vmem>>) semaphore(%arg23 : memref<!tpu.dma_semaphore, #tpu.memory_space<semaphore_mem>>)
      %dma_start3A_526 = arith.constant 1 : i32
      %dma_start3A_527 = arith.constant 4 : i32
      %dma_start3A_528 = arith.constant 1 : i32
      %dma_start3A_529 = arith.constant 4 : i32
      %dma_start3A_530 = arith.constant 0 : i32
      %dma_start3A_531 = arith.constant 0 : i32
      %dma_start3A_532 = tpu.memref_slice %arg17[%dma_start3A_528, %dma_start3A_529, %dma_start3A_530, %dma_start3A_531] : memref<2x5x128x32xf32, #tpu.memory_space<vmem>> -> memref<1x1x128x32xf32, #tpu.memory_space<vmem>>
      %dma_start3A_533 = tpu.memref_squeeze %dma_start3A_532 : memref<1x1x128x32xf32, #tpu.memory_space<vmem>> -> memref<128x32xf32, #tpu.memory_space<vmem>>
      %dma_start3A_534 = arith.constant 0 : i32
      %dma_start3A_535 = tpu.memref_slice %arg14[%dma_start3A_526, %dma_start3A_527, %dma_start3A_534] : memref<2x5x128xi32, #tpu.memory_space<vmem>> -> memref<1x1x128xi32, #tpu.memory_space<vmem>>
      %dma_start3A_536 = tpu.memref_squeeze %dma_start3A_535 : memref<1x1x128xi32, #tpu.memory_space<vmem>> -> memref<128xi32, #tpu.memory_space<vmem>>
      %dma_start3A_537 = arith.constant 0 : i32
      %dma_start3A_538 = arith.constant 0 : i32
      %dma_start3A_539 = tpu.memref_slice %arg3[%dma_start3A_537, %dma_start3A_538] : memref<1007616x32xf32, #tpu.memory_space<hbm>> -> memref<1007616x32xf32, #tpu.memory_space<hbm>>
      tpu.enqueue_indirect_dma source(%dma_start3A_539 : memref<1007616x32xf32, #tpu.memory_space<hbm>>) target(%dma_start3A_533 : memref<128x32xf32, #tpu.memory_space<vmem>>) offsets(%dma_start3A_536 : memref<128xi32, #tpu.memory_space<vmem>>) semaphore(%arg23 : memref<!tpu.dma_semaphore, #tpu.memory_space<semaphore_mem>>)
      %dma_wait3A_540 = arith.constant 0 : i32
      %dma_wait3A_541 = arith.constant 0 : i32
      %dma_wait3A_542 = arith.constant 0 : i32
      %dma_wait3A_543 = arith.constant 0 : i32
      %dma_wait3A_544 = tpu.memref_slice %arg16[%dma_wait3A_541, %dma_wait3A_542, %dma_wait3A_543] : memref<2x128x32xf32, #tpu.memory_space<vmem>> -> memref<1x128x32xf32, #tpu.memory_space<vmem>>
      %dma_wait3A_545 = tpu.memref_squeeze %dma_wait3A_544 : memref<1x128x32xf32, #tpu.memory_space<vmem>> -> memref<128x32xf32, #tpu.memory_space<vmem>>
      %dma_wait3A_546 = arith.constant 0 : i32
      %dma_wait3A_547 = tpu.memref_slice %arg13[%dma_wait3A_540, %dma_wait3A_546] : memref<2x128xi32, #tpu.memory_space<vmem>> -> memref<1x128xi32, #tpu.memory_space<vmem>>
      %dma_wait3A_548 = tpu.memref_squeeze %dma_wait3A_547 : memref<1x128xi32, #tpu.memory_space<vmem>> -> memref<128xi32, #tpu.memory_space<vmem>>
      %dma_wait3A_549 = arith.constant 0 : i32
      %dma_wait3A_550 = arith.constant 0 : i32
      %dma_wait3A_551 = tpu.memref_slice %arg2[%dma_wait3A_549, %dma_wait3A_550] : memref<1007616x32xf32, #tpu.memory_space<hbm>> -> memref<1007616x32xf32, #tpu.memory_space<hbm>>
      tpu.wait_indirect_dma semaphore(%arg21 : memref<!tpu.dma_semaphore, #tpu.memory_space<semaphore_mem>>) src(%dma_wait3A_551 : memref<1007616x32xf32, #tpu.memory_space<hbm>>) dst(%dma_wait3A_545 : memref<128x32xf32, #tpu.memory_space<vmem>>)
      %dma_wait3A_552 = arith.constant 0 : i32
      %dma_wait3A_553 = arith.constant 0 : i32
      %dma_wait3A_554 = arith.constant 0 : i32
      %dma_wait3A_555 = tpu.memref_slice %arg18[%dma_wait3A_553, %dma_wait3A_554] : memref<2x128xf32, #tpu.memory_space<vmem>> -> memref<1x128xf32, #tpu.memory_space<vmem>>
      %dma_wait3A_556 = tpu.memref_squeeze %dma_wait3A_555 : memref<1x128xf32, #tpu.memory_space<vmem>> -> memref<128xf32, #tpu.memory_space<vmem>>
      %dma_wait3A_557 = arith.constant 0 : i32
      %dma_wait3A_558 = tpu.memref_slice %arg12[%dma_wait3A_552, %dma_wait3A_557] : memref<2x128xi32, #tpu.memory_space<vmem>> -> memref<1x128xi32, #tpu.memory_space<vmem>>
      %dma_wait3A_559 = tpu.memref_squeeze %dma_wait3A_558 : memref<1x128xi32, #tpu.memory_space<vmem>> -> memref<128xi32, #tpu.memory_space<vmem>>
      %dma_wait3A_560 = arith.constant 0 : i32
      %dma_wait3A_561 = tpu.memref_slice %arg6[%dma_wait3A_560] : memref<1000001xf32, #tpu.memory_space<hbm>> -> memref<1000001xf32, #tpu.memory_space<hbm>>
      tpu.wait_indirect_dma semaphore(%arg21 : memref<!tpu.dma_semaphore, #tpu.memory_space<semaphore_mem>>) src(%dma_wait3A_561 : memref<1000001xf32, #tpu.memory_space<hbm>>) dst(%dma_wait3A_556 : memref<128xf32, #tpu.memory_space<vmem>>)
      %dma_wait3A_562 = arith.constant 1 : i32
      %dma_wait3A_563 = arith.constant 1 : i32
      %dma_wait3A_564 = arith.constant 0 : i32
      %dma_wait3A_565 = arith.constant 0 : i32
      %dma_wait3A_566 = tpu.memref_slice %arg16[%dma_wait3A_563, %dma_wait3A_564, %dma_wait3A_565] : memref<2x128x32xf32, #tpu.memory_space<vmem>> -> memref<1x128x32xf32, #tpu.memory_space<vmem>>
      %dma_wait3A_567 = tpu.memref_squeeze %dma_wait3A_566 : memref<1x128x32xf32, #tpu.memory_space<vmem>> -> memref<128x32xf32, #tpu.memory_space<vmem>>
      %dma_wait3A_568 = arith.constant 0 : i32
      %dma_wait3A_569 = tpu.memref_slice %arg13[%dma_wait3A_562, %dma_wait3A_568] : memref<2x128xi32, #tpu.memory_space<vmem>> -> memref<1x128xi32, #tpu.memory_space<vmem>>
      %dma_wait3A_570 = tpu.memref_squeeze %dma_wait3A_569 : memref<1x128xi32, #tpu.memory_space<vmem>> -> memref<128xi32, #tpu.memory_space<vmem>>
      %dma_wait3A_571 = arith.constant 0 : i32
      %dma_wait3A_572 = arith.constant 0 : i32
      %dma_wait3A_573 = tpu.memref_slice %arg3[%dma_wait3A_571, %dma_wait3A_572] : memref<1007616x32xf32, #tpu.memory_space<hbm>> -> memref<1007616x32xf32, #tpu.memory_space<hbm>>
      tpu.wait_indirect_dma semaphore(%arg21 : memref<!tpu.dma_semaphore, #tpu.memory_space<semaphore_mem>>) src(%dma_wait3A_573 : memref<1007616x32xf32, #tpu.memory_space<hbm>>) dst(%dma_wait3A_567 : memref<128x32xf32, #tpu.memory_space<vmem>>)
      %dma_wait3A_574 = arith.constant 1 : i32
      %dma_wait3A_575 = arith.constant 1 : i32
      %dma_wait3A_576 = arith.constant 0 : i32
      %dma_wait3A_577 = tpu.memref_slice %arg18[%dma_wait3A_575, %dma_wait3A_576] : memref<2x128xf32, #tpu.memory_space<vmem>> -> memref<1x128xf32, #tpu.memory_space<vmem>>
      %dma_wait3A_578 = tpu.memref_squeeze %dma_wait3A_577 : memref<1x128xf32, #tpu.memory_space<vmem>> -> memref<128xf32, #tpu.memory_space<vmem>>
      %dma_wait3A_579 = arith.constant 0 : i32
      %dma_wait3A_580 = tpu.memref_slice %arg12[%dma_wait3A_574, %dma_wait3A_579] : memref<2x128xi32, #tpu.memory_space<vmem>> -> memref<1x128xi32, #tpu.memory_space<vmem>>
      %dma_wait3A_581 = tpu.memref_squeeze %dma_wait3A_580 : memref<1x128xi32, #tpu.memory_space<vmem>> -> memref<128xi32, #tpu.memory_space<vmem>>
      %dma_wait3A_582 = arith.constant 0 : i32
      %dma_wait3A_583 = tpu.memref_slice %arg7[%dma_wait3A_582] : memref<1000001xf32, #tpu.memory_space<hbm>> -> memref<1000001xf32, #tpu.memory_space<hbm>>
      tpu.wait_indirect_dma semaphore(%arg21 : memref<!tpu.dma_semaphore, #tpu.memory_space<semaphore_mem>>) src(%dma_wait3A_583 : memref<1000001xf32, #tpu.memory_space<hbm>>) dst(%dma_wait3A_578 : memref<128xf32, #tpu.memory_space<vmem>>)
      %dma_wait3A_584 = arith.constant 0 : i32
      %dma_wait3A_585 = arith.constant 0 : i32
      %dma_wait3A_586 = arith.constant 0 : i32
      %dma_wait3A_587 = arith.constant 0 : i32
      %dma_wait3A_588 = arith.constant 0 : i32
      %dma_wait3A_589 = arith.constant 0 : i32
      %dma_wait3A_590 = tpu.memref_slice %arg17[%dma_wait3A_586, %dma_wait3A_587, %dma_wait3A_588, %dma_wait3A_589] : memref<2x5x128x32xf32, #tpu.memory_space<vmem>> -> memref<1x1x128x32xf32, #tpu.memory_space<vmem>>
      %dma_wait3A_591 = tpu.memref_squeeze %dma_wait3A_590 : memref<1x1x128x32xf32, #tpu.memory_space<vmem>> -> memref<128x32xf32, #tpu.memory_space<vmem>>
      %dma_wait3A_592 = arith.constant 0 : i32
      %dma_wait3A_593 = tpu.memref_slice %arg14[%dma_wait3A_584, %dma_wait3A_585, %dma_wait3A_592] : memref<2x5x128xi32, #tpu.memory_space<vmem>> -> memref<1x1x128xi32, #tpu.memory_space<vmem>>
      %dma_wait3A_594 = tpu.memref_squeeze %dma_wait3A_593 : memref<1x1x128xi32, #tpu.memory_space<vmem>> -> memref<128xi32, #tpu.memory_space<vmem>>
      %dma_wait3A_595 = arith.constant 0 : i32
      %dma_wait3A_596 = arith.constant 0 : i32
      %dma_wait3A_597 = tpu.memref_slice %arg2[%dma_wait3A_595, %dma_wait3A_596] : memref<1007616x32xf32, #tpu.memory_space<hbm>> -> memref<1007616x32xf32, #tpu.memory_space<hbm>>
      tpu.wait_indirect_dma semaphore(%arg23 : memref<!tpu.dma_semaphore, #tpu.memory_space<semaphore_mem>>) src(%dma_wait3A_597 : memref<1007616x32xf32, #tpu.memory_space<hbm>>) dst(%dma_wait3A_591 : memref<128x32xf32, #tpu.memory_space<vmem>>)
      %dma_wait3A_598 = arith.constant 0 : i32
      %dma_wait3A_599 = arith.constant 1 : i32
      %dma_wait3A_600 = arith.constant 0 : i32
      %dma_wait3A_601 = arith.constant 1 : i32
      %dma_wait3A_602 = arith.constant 0 : i32
      %dma_wait3A_603 = arith.constant 0 : i32
      %dma_wait3A_604 = tpu.memref_slice %arg17[%dma_wait3A_600, %dma_wait3A_601, %dma_wait3A_602, %dma_wait3A_603] : memref<2x5x128x32xf32, #tpu.memory_space<vmem>> -> memref<1x1x128x32xf32, #tpu.memory_space<vmem>>
      %dma_wait3A_605 = tpu.memref_squeeze %dma_wait3A_604 : memref<1x1x128x32xf32, #tpu.memory_space<vmem>> -> memref<128x32xf32, #tpu.memory_space<vmem>>
      %dma_wait3A_606 = arith.constant 0 : i32
      %dma_wait3A_607 = tpu.memref_slice %arg14[%dma_wait3A_598, %dma_wait3A_599, %dma_wait3A_606] : memref<2x5x128xi32, #tpu.memory_space<vmem>> -> memref<1x1x128xi32, #tpu.memory_space<vmem>>
      %dma_wait3A_608 = tpu.memref_squeeze %dma_wait3A_607 : memref<1x1x128xi32, #tpu.memory_space<vmem>> -> memref<128xi32, #tpu.memory_space<vmem>>
      %dma_wait3A_609 = arith.constant 0 : i32
      %dma_wait3A_610 = arith.constant 0 : i32
      %dma_wait3A_611 = tpu.memref_slice %arg2[%dma_wait3A_609, %dma_wait3A_610] : memref<1007616x32xf32, #tpu.memory_space<hbm>> -> memref<1007616x32xf32, #tpu.memory_space<hbm>>
      tpu.wait_indirect_dma semaphore(%arg23 : memref<!tpu.dma_semaphore, #tpu.memory_space<semaphore_mem>>) src(%dma_wait3A_611 : memref<1007616x32xf32, #tpu.memory_space<hbm>>) dst(%dma_wait3A_605 : memref<128x32xf32, #tpu.memory_space<vmem>>)
      %dma_wait3A_612 = arith.constant 0 : i32
      %dma_wait3A_613 = arith.constant 2 : i32
      %dma_wait3A_614 = arith.constant 0 : i32
      %dma_wait3A_615 = arith.constant 2 : i32
      %dma_wait3A_616 = arith.constant 0 : i32
      %dma_wait3A_617 = arith.constant 0 : i32
      %dma_wait3A_618 = tpu.memref_slice %arg17[%dma_wait3A_614, %dma_wait3A_615, %dma_wait3A_616, %dma_wait3A_617] : memref<2x5x128x32xf32, #tpu.memory_space<vmem>> -> memref<1x1x128x32xf32, #tpu.memory_space<vmem>>
      %dma_wait3A_619 = tpu.memref_squeeze %dma_wait3A_618 : memref<1x1x128x32xf32, #tpu.memory_space<vmem>> -> memref<128x32xf32, #tpu.memory_space<vmem>>
      %dma_wait3A_620 = arith.constant 0 : i32
      %dma_wait3A_621 = tpu.memref_slice %arg14[%dma_wait3A_612, %dma_wait3A_613, %dma_wait3A_620] : memref<2x5x128xi32, #tpu.memory_space<vmem>> -> memref<1x1x128xi32, #tpu.memory_space<vmem>>
      %dma_wait3A_622 = tpu.memref_squeeze %dma_wait3A_621 : memref<1x1x128xi32, #tpu.memory_space<vmem>> -> memref<128xi32, #tpu.memory_space<vmem>>
      %dma_wait3A_623 = arith.constant 0 : i32
      %dma_wait3A_624 = arith.constant 0 : i32
      %dma_wait3A_625 = tpu.memref_slice %arg2[%dma_wait3A_623, %dma_wait3A_624] : memref<1007616x32xf32, #tpu.memory_space<hbm>> -> memref<1007616x32xf32, #tpu.memory_space<hbm>>
      tpu.wait_indirect_dma semaphore(%arg23 : memref<!tpu.dma_semaphore, #tpu.memory_space<semaphore_mem>>) src(%dma_wait3A_625 : memref<1007616x32xf32, #tpu.memory_space<hbm>>) dst(%dma_wait3A_619 : memref<128x32xf32, #tpu.memory_space<vmem>>)
      %dma_wait3A_626 = arith.constant 0 : i32
      %dma_wait3A_627 = arith.constant 3 : i32
      %dma_wait3A_628 = arith.constant 0 : i32
      %dma_wait3A_629 = arith.constant 3 : i32
      %dma_wait3A_630 = arith.constant 0 : i32
      %dma_wait3A_631 = arith.constant 0 : i32
      %dma_wait3A_632 = tpu.memref_slice %arg17[%dma_wait3A_628, %dma_wait3A_629, %dma_wait3A_630, %dma_wait3A_631] : memref<2x5x128x32xf32, #tpu.memory_space<vmem>> -> memref<1x1x128x32xf32, #tpu.memory_space<vmem>>
      %dma_wait3A_633 = tpu.memref_squeeze %dma_wait3A_632 : memref<1x1x128x32xf32, #tpu.memory_space<vmem>> -> memref<128x32xf32, #tpu.memory_space<vmem>>
      %dma_wait3A_634 = arith.constant 0 : i32
      %dma_wait3A_635 = tpu.memref_slice %arg14[%dma_wait3A_626, %dma_wait3A_627, %dma_wait3A_634] : memref<2x5x128xi32, #tpu.memory_space<vmem>> -> memref<1x1x128xi32, #tpu.memory_space<vmem>>
      %dma_wait3A_636 = tpu.memref_squeeze %dma_wait3A_635 : memref<1x1x128xi32, #tpu.memory_space<vmem>> -> memref<128xi32, #tpu.memory_space<vmem>>
      %dma_wait3A_637 = arith.constant 0 : i32
      %dma_wait3A_638 = arith.constant 0 : i32
      %dma_wait3A_639 = tpu.memref_slice %arg2[%dma_wait3A_637, %dma_wait3A_638] : memref<1007616x32xf32, #tpu.memory_space<hbm>> -> memref<1007616x32xf32, #tpu.memory_space<hbm>>
      tpu.wait_indirect_dma semaphore(%arg23 : memref<!tpu.dma_semaphore, #tpu.memory_space<semaphore_mem>>) src(%dma_wait3A_639 : memref<1007616x32xf32, #tpu.memory_space<hbm>>) dst(%dma_wait3A_633 : memref<128x32xf32, #tpu.memory_space<vmem>>)
      %dma_wait3A_640 = arith.constant 0 : i32
      %dma_wait3A_641 = arith.constant 4 : i32
      %dma_wait3A_642 = arith.constant 0 : i32
      %dma_wait3A_643 = arith.constant 4 : i32
      %dma_wait3A_644 = arith.constant 0 : i32
      %dma_wait3A_645 = arith.constant 0 : i32
      %dma_wait3A_646 = tpu.memref_slice %arg17[%dma_wait3A_642, %dma_wait3A_643, %dma_wait3A_644, %dma_wait3A_645] : memref<2x5x128x32xf32, #tpu.memory_space<vmem>> -> memref<1x1x128x32xf32, #tpu.memory_space<vmem>>
      %dma_wait3A_647 = tpu.memref_squeeze %dma_wait3A_646 : memref<1x1x128x32xf32, #tpu.memory_space<vmem>> -> memref<128x32xf32, #tpu.memory_space<vmem>>
      %dma_wait3A_648 = arith.constant 0 : i32
      %dma_wait3A_649 = tpu.memref_slice %arg14[%dma_wait3A_640, %dma_wait3A_641, %dma_wait3A_648] : memref<2x5x128xi32, #tpu.memory_space<vmem>> -> memref<1x1x128xi32, #tpu.memory_space<vmem>>
      %dma_wait3A_650 = tpu.memref_squeeze %dma_wait3A_649 : memref<1x1x128xi32, #tpu.memory_space<vmem>> -> memref<128xi32, #tpu.memory_space<vmem>>
      %dma_wait3A_651 = arith.constant 0 : i32
      %dma_wait3A_652 = arith.constant 0 : i32
      %dma_wait3A_653 = tpu.memref_slice %arg2[%dma_wait3A_651, %dma_wait3A_652] : memref<1007616x32xf32, #tpu.memory_space<hbm>> -> memref<1007616x32xf32, #tpu.memory_space<hbm>>
      tpu.wait_indirect_dma semaphore(%arg23 : memref<!tpu.dma_semaphore, #tpu.memory_space<semaphore_mem>>) src(%dma_wait3A_653 : memref<1007616x32xf32, #tpu.memory_space<hbm>>) dst(%dma_wait3A_647 : memref<128x32xf32, #tpu.memory_space<vmem>>)
      %dma_wait3A_654 = arith.constant 1 : i32
      %dma_wait3A_655 = arith.constant 0 : i32
      %dma_wait3A_656 = arith.constant 1 : i32
      %dma_wait3A_657 = arith.constant 0 : i32
      %dma_wait3A_658 = arith.constant 0 : i32
      %dma_wait3A_659 = arith.constant 0 : i32
      %dma_wait3A_660 = tpu.memref_slice %arg17[%dma_wait3A_656, %dma_wait3A_657, %dma_wait3A_658, %dma_wait3A_659] : memref<2x5x128x32xf32, #tpu.memory_space<vmem>> -> memref<1x1x128x32xf32, #tpu.memory_space<vmem>>
      %dma_wait3A_661 = tpu.memref_squeeze %dma_wait3A_660 : memref<1x1x128x32xf32, #tpu.memory_space<vmem>> -> memref<128x32xf32, #tpu.memory_space<vmem>>
      %dma_wait3A_662 = arith.constant 0 : i32
      %dma_wait3A_663 = tpu.memref_slice %arg14[%dma_wait3A_654, %dma_wait3A_655, %dma_wait3A_662] : memref<2x5x128xi32, #tpu.memory_space<vmem>> -> memref<1x1x128xi32, #tpu.memory_space<vmem>>
      %dma_wait3A_664 = tpu.memref_squeeze %dma_wait3A_663 : memref<1x1x128xi32, #tpu.memory_space<vmem>> -> memref<128xi32, #tpu.memory_space<vmem>>
      %dma_wait3A_665 = arith.constant 0 : i32
      %dma_wait3A_666 = arith.constant 0 : i32
      %dma_wait3A_667 = tpu.memref_slice %arg3[%dma_wait3A_665, %dma_wait3A_666] : memref<1007616x32xf32, #tpu.memory_space<hbm>> -> memref<1007616x32xf32, #tpu.memory_space<hbm>>
      tpu.wait_indirect_dma semaphore(%arg23 : memref<!tpu.dma_semaphore, #tpu.memory_space<semaphore_mem>>) src(%dma_wait3A_667 : memref<1007616x32xf32, #tpu.memory_space<hbm>>) dst(%dma_wait3A_661 : memref<128x32xf32, #tpu.memory_space<vmem>>)
      %dma_wait3A_668 = arith.constant 1 : i32
      %dma_wait3A_669 = arith.constant 1 : i32
      %dma_wait3A_670 = arith.constant 1 : i32
      %dma_wait3A_671 = arith.constant 1 : i32
      %dma_wait3A_672 = arith.constant 0 : i32
      %dma_wait3A_673 = arith.constant 0 : i32
      %dma_wait3A_674 = tpu.memref_slice %arg17[%dma_wait3A_670, %dma_wait3A_671, %dma_wait3A_672, %dma_wait3A_673] : memref<2x5x128x32xf32, #tpu.memory_space<vmem>> -> memref<1x1x128x32xf32, #tpu.memory_space<vmem>>
      %dma_wait3A_675 = tpu.memref_squeeze %dma_wait3A_674 : memref<1x1x128x32xf32, #tpu.memory_space<vmem>> -> memref<128x32xf32, #tpu.memory_space<vmem>>
      %dma_wait3A_676 = arith.constant 0 : i32
      %dma_wait3A_677 = tpu.memref_slice %arg14[%dma_wait3A_668, %dma_wait3A_669, %dma_wait3A_676] : memref<2x5x128xi32, #tpu.memory_space<vmem>> -> memref<1x1x128xi32, #tpu.memory_space<vmem>>
      %dma_wait3A_678 = tpu.memref_squeeze %dma_wait3A_677 : memref<1x1x128xi32, #tpu.memory_space<vmem>> -> memref<128xi32, #tpu.memory_space<vmem>>
      %dma_wait3A_679 = arith.constant 0 : i32
      %dma_wait3A_680 = arith.constant 0 : i32
      %dma_wait3A_681 = tpu.memref_slice %arg3[%dma_wait3A_679, %dma_wait3A_680] : memref<1007616x32xf32, #tpu.memory_space<hbm>> -> memref<1007616x32xf32, #tpu.memory_space<hbm>>
      tpu.wait_indirect_dma semaphore(%arg23 : memref<!tpu.dma_semaphore, #tpu.memory_space<semaphore_mem>>) src(%dma_wait3A_681 : memref<1007616x32xf32, #tpu.memory_space<hbm>>) dst(%dma_wait3A_675 : memref<128x32xf32, #tpu.memory_space<vmem>>)
      %dma_wait3A_682 = arith.constant 1 : i32
      %dma_wait3A_683 = arith.constant 2 : i32
      %dma_wait3A_684 = arith.constant 1 : i32
      %dma_wait3A_685 = arith.constant 2 : i32
      %dma_wait3A_686 = arith.constant 0 : i32
      %dma_wait3A_687 = arith.constant 0 : i32
      %dma_wait3A_688 = tpu.memref_slice %arg17[%dma_wait3A_684, %dma_wait3A_685, %dma_wait3A_686, %dma_wait3A_687] : memref<2x5x128x32xf32, #tpu.memory_space<vmem>> -> memref<1x1x128x32xf32, #tpu.memory_space<vmem>>
      %dma_wait3A_689 = tpu.memref_squeeze %dma_wait3A_688 : memref<1x1x128x32xf32, #tpu.memory_space<vmem>> -> memref<128x32xf32, #tpu.memory_space<vmem>>
      %dma_wait3A_690 = arith.constant 0 : i32
      %dma_wait3A_691 = tpu.memref_slice %arg14[%dma_wait3A_682, %dma_wait3A_683, %dma_wait3A_690] : memref<2x5x128xi32, #tpu.memory_space<vmem>> -> memref<1x1x128xi32, #tpu.memory_space<vmem>>
      %dma_wait3A_692 = tpu.memref_squeeze %dma_wait3A_691 : memref<1x1x128xi32, #tpu.memory_space<vmem>> -> memref<128xi32, #tpu.memory_space<vmem>>
      %dma_wait3A_693 = arith.constant 0 : i32
      %dma_wait3A_694 = arith.constant 0 : i32
      %dma_wait3A_695 = tpu.memref_slice %arg3[%dma_wait3A_693, %dma_wait3A_694] : memref<1007616x32xf32, #tpu.memory_space<hbm>> -> memref<1007616x32xf32, #tpu.memory_space<hbm>>
      tpu.wait_indirect_dma semaphore(%arg23 : memref<!tpu.dma_semaphore, #tpu.memory_space<semaphore_mem>>) src(%dma_wait3A_695 : memref<1007616x32xf32, #tpu.memory_space<hbm>>) dst(%dma_wait3A_689 : memref<128x32xf32, #tpu.memory_space<vmem>>)
      %dma_wait3A_696 = arith.constant 1 : i32
      %dma_wait3A_697 = arith.constant 3 : i32
      %dma_wait3A_698 = arith.constant 1 : i32
      %dma_wait3A_699 = arith.constant 3 : i32
      %dma_wait3A_700 = arith.constant 0 : i32
      %dma_wait3A_701 = arith.constant 0 : i32
      %dma_wait3A_702 = tpu.memref_slice %arg17[%dma_wait3A_698, %dma_wait3A_699, %dma_wait3A_700, %dma_wait3A_701] : memref<2x5x128x32xf32, #tpu.memory_space<vmem>> -> memref<1x1x128x32xf32, #tpu.memory_space<vmem>>
      %dma_wait3A_703 = tpu.memref_squeeze %dma_wait3A_702 : memref<1x1x128x32xf32, #tpu.memory_space<vmem>> -> memref<128x32xf32, #tpu.memory_space<vmem>>
      %dma_wait3A_704 = arith.constant 0 : i32
      %dma_wait3A_705 = tpu.memref_slice %arg14[%dma_wait3A_696, %dma_wait3A_697, %dma_wait3A_704] : memref<2x5x128xi32, #tpu.memory_space<vmem>> -> memref<1x1x128xi32, #tpu.memory_space<vmem>>
      %dma_wait3A_706 = tpu.memref_squeeze %dma_wait3A_705 : memref<1x1x128xi32, #tpu.memory_space<vmem>> -> memref<128xi32, #tpu.memory_space<vmem>>
      %dma_wait3A_707 = arith.constant 0 : i32
      %dma_wait3A_708 = arith.constant 0 : i32
      %dma_wait3A_709 = tpu.memref_slice %arg3[%dma_wait3A_707, %dma_wait3A_708] : memref<1007616x32xf32, #tpu.memory_space<hbm>> -> memref<1007616x32xf32, #tpu.memory_space<hbm>>
      tpu.wait_indirect_dma semaphore(%arg23 : memref<!tpu.dma_semaphore, #tpu.memory_space<semaphore_mem>>) src(%dma_wait3A_709 : memref<1007616x32xf32, #tpu.memory_space<hbm>>) dst(%dma_wait3A_703 : memref<128x32xf32, #tpu.memory_space<vmem>>)
      %dma_wait3A_710 = arith.constant 1 : i32
      %dma_wait3A_711 = arith.constant 4 : i32
      %dma_wait3A_712 = arith.constant 1 : i32
      %dma_wait3A_713 = arith.constant 4 : i32
      %dma_wait3A_714 = arith.constant 0 : i32
      %dma_wait3A_715 = arith.constant 0 : i32
      %dma_wait3A_716 = tpu.memref_slice %arg17[%dma_wait3A_712, %dma_wait3A_713, %dma_wait3A_714, %dma_wait3A_715] : memref<2x5x128x32xf32, #tpu.memory_space<vmem>> -> memref<1x1x128x32xf32, #tpu.memory_space<vmem>>
      %dma_wait3A_717 = tpu.memref_squeeze %dma_wait3A_716 : memref<1x1x128x32xf32, #tpu.memory_space<vmem>> -> memref<128x32xf32, #tpu.memory_space<vmem>>
      %dma_wait3A_718 = arith.constant 0 : i32
      %dma_wait3A_719 = tpu.memref_slice %arg14[%dma_wait3A_710, %dma_wait3A_711, %dma_wait3A_718] : memref<2x5x128xi32, #tpu.memory_space<vmem>> -> memref<1x1x128xi32, #tpu.memory_space<vmem>>
      %dma_wait3A_720 = tpu.memref_squeeze %dma_wait3A_719 : memref<1x1x128xi32, #tpu.memory_space<vmem>> -> memref<128xi32, #tpu.memory_space<vmem>>
      %dma_wait3A_721 = arith.constant 0 : i32
      %dma_wait3A_722 = arith.constant 0 : i32
      %dma_wait3A_723 = tpu.memref_slice %arg3[%dma_wait3A_721, %dma_wait3A_722] : memref<1007616x32xf32, #tpu.memory_space<hbm>> -> memref<1007616x32xf32, #tpu.memory_space<hbm>>
      tpu.wait_indirect_dma semaphore(%arg23 : memref<!tpu.dma_semaphore, #tpu.memory_space<semaphore_mem>>) src(%dma_wait3A_723 : memref<1007616x32xf32, #tpu.memory_space<hbm>>) dst(%dma_wait3A_717 : memref<128x32xf32, #tpu.memory_space<vmem>>)
      %scan3A_724 = arith.constant 0 : i32
      %scan3A_725 = arith.constant 8 : i32
      %scan3A_726 = arith.addi %scan3A_724, %scan3A_725 : i32
      %scan3A_727 = arith.constant 1 : i32
      scf.for %scan3A_1187 = %scan3A_724 to %scan3A_726 step %scan3A_727  : i32 {
        %mul3A_1188 = arith.constant 16 : i32
        %mul3A_1189 = arith.muli %scan3A_1187, %mul3A_1188 : i32
        %get3A = arith.constant 0 : i32
        %get3A_1190 = arith.constant 0 : i32
        %get3A_1191 = arith.index_cast %get3A : i32 to index
        %get3A_1192 = arith.index_cast %get3A_1190 : i32 to index
        %get3A_1193 = arith.index_cast %mul3A_1189 : i32 to index
        %get3A_1194 = tpu.vector_load %arg15[%get3A_1191, %get3A_1192, %get3A_1193] {strides = array<i32>} : memref<2x5x128xi32, #tpu.memory_space<vmem>>, vector<16xi32>,
        %reduce_min3A = arith.constant true
        %reduce_min3A_1195 = vector.broadcast %reduce_min3A : i1 to vector<16xi1>
        %reduce_min3A_1196 = arith.constant -2147483648 : i32
        %reduce_min3A_1197 = vector.broadcast %reduce_min3A_1196 : i32 to vector<16xi32>
        %reduce_min3A_1198 = arith.xori %get3A_1194, %reduce_min3A_1197 : vector<16xi32>
        %reduce_min3A_1199 = tpu.scan <min>, %reduce_min3A_1198 masked %reduce_min3A_1195 : vector<16xi32>, vector<16xi1> -> vector<16xi32>
        %reduce_min3A_1200 = arith.xori %reduce_min3A_1199, %reduce_min3A_1197 : vector<16xi32>
        %reduce_min3A_1201 = vector.extract %reduce_min3A_1200[15] : i32 from vector<16xi32>
        %eq3A = arith.constant 0 : i32
        %eq3A_1202 = arith.cmpi eq, %reduce_min3A_1201, %eq3A : i32
        %convert_element_type3A = arith.extui %eq3A_1202 : i1 to i32
        %cond3A = arith.constant 0 : i32
        %cond3A_1203 = arith.cmpi ne, %convert_element_type3A, %cond3A : i32
        scf.if %cond3A_1203 {
          %eq3A_1204 = arith.constant 0 : i32
          %eq3A_1205 = vector.broadcast %eq3A_1204 : i32 to vector<16xi32>
          %eq3A_1206 = arith.cmpi eq, %get3A_1194, %eq3A_1205 : vector<16xi32>
          %mul3A_1207 = arith.constant 16 : i32
          %mul3A_1208 = arith.muli %scan3A_1187, %mul3A_1207 : i32
          %add3A_1209 = vector.broadcast %mul3A_1208 : i32 to vector<16xi32>
          %add3A_1210 = arith.addi %add3A_1209, %iota3A : vector<16xi32>
          %broadcast_in_dim3A_1211 = arith.constant 0 : i32
          %broadcast_in_dim3A_1212 = vector.broadcast %broadcast_in_dim3A_1211 : i32 to vector<16xi32>
          %broadcast_in_dim3A_1213 = arith.constant 0 : i32
          %broadcast_in_dim3A_1214 = vector.broadcast %broadcast_in_dim3A_1213 : i32 to vector<16xi32>
          %broadcast_in_dim3A_1215 = arith.constant 0 : i32
          %broadcast_in_dim3A_1216 = vector.broadcast %broadcast_in_dim3A_1215 : i32 to vector<16xi32>
          tpu.vector_store_idx %arg17[%broadcast_in_dim3A_1212, %broadcast_in_dim3A_1214, %add3A_1210, %broadcast_in_dim3A_1216], %broadcast_in_dim3A_1 masked %eq3A_1206 : memref<2x5x128x32xf32, #tpu.memory_space<vmem>>[vector<16xi32>, vector<16xi32>, vector<16xi32>, vector<16xi32>], vector<16xf32>, vector<16xi1>
          %broadcast_in_dim3A_1217 = arith.constant 1 : i32
          %broadcast_in_dim3A_1218 = vector.broadcast %broadcast_in_dim3A_1217 : i32 to vector<16xi32>
          tpu.vector_store_idx %arg17[%broadcast_in_dim3A_1212, %broadcast_in_dim3A_1214, %add3A_1210, %broadcast_in_dim3A_1218], %broadcast_in_dim3A_1 masked %eq3A_1206 : memref<2x5x128x32xf32, #tpu.memory_space<vmem>>[vector<16xi32>, vector<16xi32>, vector<16xi32>, vector<16xi32>], vector<16xf32>, vector<16xi1>
          %broadcast_in_dim3A_1219 = arith.constant 2 : i32
          %broadcast_in_dim3A_1220 = vector.broadcast %broadcast_in_dim3A_1219 : i32 to vector<16xi32>
          tpu.vector_store_idx %arg17[%broadcast_in_dim3A_1212, %broadcast_in_dim3A_1214, %add3A_1210, %broadcast_in_dim3A_1220], %broadcast_in_dim3A_1 masked %eq3A_1206 : memref<2x5x128x32xf32, #tpu.memory_space<vmem>>[vector<16xi32>, vector<16xi32>, vector<16xi32>, vector<16xi32>], vector<16xf32>, vector<16xi1>
          %broadcast_in_dim3A_1221 = arith.constant 3 : i32
          %broadcast_in_dim3A_1222 = vector.broadcast %broadcast_in_dim3A_1221 : i32 to vector<16xi32>
          tpu.vector_store_idx %arg17[%broadcast_in_dim3A_1212, %broadcast_in_dim3A_1214, %add3A_1210, %broadcast_in_dim3A_1222], %broadcast_in_dim3A_1 masked %eq3A_1206 : memref<2x5x128x32xf32, #tpu.memory_space<vmem>>[vector<16xi32>, vector<16xi32>, vector<16xi32>, vector<16xi32>], vector<16xf32>, vector<16xi1>
          %broadcast_in_dim3A_1223 = arith.constant 4 : i32
          %broadcast_in_dim3A_1224 = vector.broadcast %broadcast_in_dim3A_1223 : i32 to vector<16xi32>
          tpu.vector_store_idx %arg17[%broadcast_in_dim3A_1212, %broadcast_in_dim3A_1214, %add3A_1210, %broadcast_in_dim3A_1224], %broadcast_in_dim3A_1 masked %eq3A_1206 : memref<2x5x128x32xf32, #tpu.memory_space<vmem>>[vector<16xi32>, vector<16xi32>, vector<16xi32>, vector<16xi32>], vector<16xf32>, vector<16xi1>
          %broadcast_in_dim3A_1225 = arith.constant 5 : i32
          %broadcast_in_dim3A_1226 = vector.broadcast %broadcast_in_dim3A_1225 : i32 to vector<16xi32>
          tpu.vector_store_idx %arg17[%broadcast_in_dim3A_1212, %broadcast_in_dim3A_1214, %add3A_1210, %broadcast_in_dim3A_1226], %broadcast_in_dim3A_1 masked %eq3A_1206 : memref<2x5x128x32xf32, #tpu.memory_space<vmem>>[vector<16xi32>, vector<16xi32>, vector<16xi32>, vector<16xi32>], vector<16xf32>, vector<16xi1>
          %broadcast_in_dim3A_1227 = arith.constant 6 : i32
          %broadcast_in_dim3A_1228 = vector.broadcast %broadcast_in_dim3A_1227 : i32 to vector<16xi32>
          tpu.vector_store_idx %arg17[%broadcast_in_dim3A_1212, %broadcast_in_dim3A_1214, %add3A_1210, %broadcast_in_dim3A_1228], %broadcast_in_dim3A_1 masked %eq3A_1206 : memref<2x5x128x32xf32, #tpu.memory_space<vmem>>[vector<16xi32>, vector<16xi32>, vector<16xi32>, vector<16xi32>], vector<16xf32>, vector<16xi1>
          %broadcast_in_dim3A_1229 = arith.constant 7 : i32
          %broadcast_in_dim3A_1230 = vector.broadcast %broadcast_in_dim3A_1229 : i32 to vector<16xi32>
          tpu.vector_store_idx %arg17[%broadcast_in_dim3A_1212, %broadcast_in_dim3A_1214, %add3A_1210, %broadcast_in_dim3A_1230], %broadcast_in_dim3A_1 masked %eq3A_1206 : memref<2x5x128x32xf32, #tpu.memory_space<vmem>>[vector<16xi32>, vector<16xi32>, vector<16xi32>, vector<16xi32>], vector<16xf32>, vector<16xi1>
          %broadcast_in_dim3A_1231 = arith.constant 8 : i32
          %broadcast_in_dim3A_1232 = vector.broadcast %broadcast_in_dim3A_1231 : i32 to vector<16xi32>
          tpu.vector_store_idx %arg17[%broadcast_in_dim3A_1212, %broadcast_in_dim3A_1214, %add3A_1210, %broadcast_in_dim3A_1232], %broadcast_in_dim3A_1 masked %eq3A_1206 : memref<2x5x128x32xf32, #tpu.memory_space<vmem>>[vector<16xi32>, vector<16xi32>, vector<16xi32>, vector<16xi32>], vector<16xf32>, vector<16xi1>
          %broadcast_in_dim3A_1233 = arith.constant 9 : i32
          %broadcast_in_dim3A_1234 = vector.broadcast %broadcast_in_dim3A_1233 : i32 to vector<16xi32>
          tpu.vector_store_idx %arg17[%broadcast_in_dim3A_1212, %broadcast_in_dim3A_1214, %add3A_1210, %broadcast_in_dim3A_1234], %broadcast_in_dim3A_1 masked %eq3A_1206 : memref<2x5x128x32xf32, #tpu.memory_space<vmem>>[vector<16xi32>, vector<16xi32>, vector<16xi32>, vector<16xi32>], vector<16xf32>, vector<16xi1>
          %broadcast_in_dim3A_1235 = arith.constant 10 : i32
          %broadcast_in_dim3A_1236 = vector.broadcast %broadcast_in_dim3A_1235 : i32 to vector<16xi32>
          tpu.vector_store_idx %arg17[%broadcast_in_dim3A_1212, %broadcast_in_dim3A_1214, %add3A_1210, %broadcast_in_dim3A_1236], %broadcast_in_dim3A_1 masked %eq3A_1206 : memref<2x5x128x32xf32, #tpu.memory_space<vmem>>[vector<16xi32>, vector<16xi32>, vector<16xi32>, vector<16xi32>], vector<16xf32>, vector<16xi1>
          %broadcast_in_dim3A_1237 = arith.constant 11 : i32
          %broadcast_in_dim3A_1238 = vector.broadcast %broadcast_in_dim3A_1237 : i32 to vector<16xi32>
          tpu.vector_store_idx %arg17[%broadcast_in_dim3A_1212, %broadcast_in_dim3A_1214, %add3A_1210, %broadcast_in_dim3A_1238], %broadcast_in_dim3A_1 masked %eq3A_1206 : memref<2x5x128x32xf32, #tpu.memory_space<vmem>>[vector<16xi32>, vector<16xi32>, vector<16xi32>, vector<16xi32>], vector<16xf32>, vector<16xi1>
          %broadcast_in_dim3A_1239 = arith.constant 12 : i32
          %broadcast_in_dim3A_1240 = vector.broadcast %broadcast_in_dim3A_1239 : i32 to vector<16xi32>
          tpu.vector_store_idx %arg17[%broadcast_in_dim3A_1212, %broadcast_in_dim3A_1214, %add3A_1210, %broadcast_in_dim3A_1240], %broadcast_in_dim3A_1 masked %eq3A_1206 : memref<2x5x128x32xf32, #tpu.memory_space<vmem>>[vector<16xi32>, vector<16xi32>, vector<16xi32>, vector<16xi32>], vector<16xf32>, vector<16xi1>
          %broadcast_in_dim3A_1241 = arith.constant 13 : i32
          %broadcast_in_dim3A_1242 = vector.broadcast %broadcast_in_dim3A_1241 : i32 to vector<16xi32>
          tpu.vector_store_idx %arg17[%broadcast_in_dim3A_1212, %broadcast_in_dim3A_1214, %add3A_1210, %broadcast_in_dim3A_1242], %broadcast_in_dim3A_1 masked %eq3A_1206 : memref<2x5x128x32xf32, #tpu.memory_space<vmem>>[vector<16xi32>, vector<16xi32>, vector<16xi32>, vector<16xi32>], vector<16xf32>, vector<16xi1>
          %broadcast_in_dim3A_1243 = arith.constant 14 : i32
          %broadcast_in_dim3A_1244 = vector.broadcast %broadcast_in_dim3A_1243 : i32 to vector<16xi32>
          tpu.vector_store_idx %arg17[%broadcast_in_dim3A_1212, %broadcast_in_dim3A_1214, %add3A_1210, %broadcast_in_dim3A_1244], %broadcast_in_dim3A_1 masked %eq3A_1206 : memref<2x5x128x32xf32, #tpu.memory_space<vmem>>[vector<16xi32>, vector<16xi32>, vector<16xi32>, vector<16xi32>], vector<16xf32>, vector<16xi1>
          %broadcast_in_dim3A_1245 = arith.constant 15 : i32
          %broadcast_in_dim3A_1246 = vector.broadcast %broadcast_in_dim3A_1245 : i32 to vector<16xi32>
          tpu.vector_store_idx %arg17[%broadcast_in_dim3A_1212, %broadcast_in_dim3A_1214, %add3A_1210, %broadcast_in_dim3A_1246], %broadcast_in_dim3A_1 masked %eq3A_1206 : memref<2x5x128x32xf32, #tpu.memory_space<vmem>>[vector<16xi32>, vector<16xi32>, vector<16xi32>, vector<16xi32>], vector<16xf32>, vector<16xi1>
          %broadcast_in_dim3A_1247 = arith.constant 16 : i32
          %broadcast_in_dim3A_1248 = vector.broadcast %broadcast_in_dim3A_1247 : i32 to vector<16xi32>
          tpu.vector_store_idx %arg17[%broadcast_in_dim3A_1212, %broadcast_in_dim3A_1214, %add3A_1210, %broadcast_in_dim3A_1248], %broadcast_in_dim3A_1 masked %eq3A_1206 : memref<2x5x128x32xf32, #tpu.memory_space<vmem>>[vector<16xi32>, vector<16xi32>, vector<16xi32>, vector<16xi32>], vector<16xf32>, vector<16xi1>
          %broadcast_in_dim3A_1249 = arith.constant 17 : i32
          %broadcast_in_dim3A_1250 = vector.broadcast %broadcast_in_dim3A_1249 : i32 to vector<16xi32>
          tpu.vector_store_idx %arg17[%broadcast_in_dim3A_1212, %broadcast_in_dim3A_1214, %add3A_1210, %broadcast_in_dim3A_1250], %broadcast_in_dim3A_1 masked %eq3A_1206 : memref<2x5x128x32xf32, #tpu.memory_space<vmem>>[vector<16xi32>, vector<16xi32>, vector<16xi32>, vector<16xi32>], vector<16xf32>, vector<16xi1>
          %broadcast_in_dim3A_1251 = arith.constant 18 : i32
          %broadcast_in_dim3A_1252 = vector.broadcast %broadcast_in_dim3A_1251 : i32 to vector<16xi32>
          tpu.vector_store_idx %arg17[%broadcast_in_dim3A_1212, %broadcast_in_dim3A_1214, %add3A_1210, %broadcast_in_dim3A_1252], %broadcast_in_dim3A_1 masked %eq3A_1206 : memref<2x5x128x32xf32, #tpu.memory_space<vmem>>[vector<16xi32>, vector<16xi32>, vector<16xi32>, vector<16xi32>], vector<16xf32>, vector<16xi1>
          %broadcast_in_dim3A_1253 = arith.constant 19 : i32
          %broadcast_in_dim3A_1254 = vector.broadcast %broadcast_in_dim3A_1253 : i32 to vector<16xi32>
          tpu.vector_store_idx %arg17[%broadcast_in_dim3A_1212, %broadcast_in_dim3A_1214, %add3A_1210, %broadcast_in_dim3A_1254], %broadcast_in_dim3A_1 masked %eq3A_1206 : memref<2x5x128x32xf32, #tpu.memory_space<vmem>>[vector<16xi32>, vector<16xi32>, vector<16xi32>, vector<16xi32>], vector<16xf32>, vector<16xi1>
          %broadcast_in_dim3A_1255 = arith.constant 20 : i32
          %broadcast_in_dim3A_1256 = vector.broadcast %broadcast_in_dim3A_1255 : i32 to vector<16xi32>
          tpu.vector_store_idx %arg17[%broadcast_in_dim3A_1212, %broadcast_in_dim3A_1214, %add3A_1210, %broadcast_in_dim3A_1256], %broadcast_in_dim3A_1 masked %eq3A_1206 : memref<2x5x128x32xf32, #tpu.memory_space<vmem>>[vector<16xi32>, vector<16xi32>, vector<16xi32>, vector<16xi32>], vector<16xf32>, vector<16xi1>
          %broadcast_in_dim3A_1257 = arith.constant 21 : i32
          %broadcast_in_dim3A_1258 = vector.broadcast %broadcast_in_dim3A_1257 : i32 to vector<16xi32>
          tpu.vector_store_idx %arg17[%broadcast_in_dim3A_1212, %broadcast_in_dim3A_1214, %add3A_1210, %broadcast_in_dim3A_1258], %broadcast_in_dim3A_1 masked %eq3A_1206 : memref<2x5x128x32xf32, #tpu.memory_space<vmem>>[vector<16xi32>, vector<16xi32>, vector<16xi32>, vector<16xi32>], vector<16xf32>, vector<16xi1>
          %broadcast_in_dim3A_1259 = arith.constant 22 : i32
          %broadcast_in_dim3A_1260 = vector.broadcast %broadcast_in_dim3A_1259 : i32 to vector<16xi32>
          tpu.vector_store_idx %arg17[%broadcast_in_dim3A_1212, %broadcast_in_dim3A_1214, %add3A_1210, %broadcast_in_dim3A_1260], %broadcast_in_dim3A_1 masked %eq3A_1206 : memref<2x5x128x32xf32, #tpu.memory_space<vmem>>[vector<16xi32>, vector<16xi32>, vector<16xi32>, vector<16xi32>], vector<16xf32>, vector<16xi1>
          %broadcast_in_dim3A_1261 = arith.constant 23 : i32
          %broadcast_in_dim3A_1262 = vector.broadcast %broadcast_in_dim3A_1261 : i32 to vector<16xi32>
          tpu.vector_store_idx %arg17[%broadcast_in_dim3A_1212, %broadcast_in_dim3A_1214, %add3A_1210, %broadcast_in_dim3A_1262], %broadcast_in_dim3A_1 masked %eq3A_1206 : memref<2x5x128x32xf32, #tpu.memory_space<vmem>>[vector<16xi32>, vector<16xi32>, vector<16xi32>, vector<16xi32>], vector<16xf32>, vector<16xi1>
          %broadcast_in_dim3A_1263 = arith.constant 24 : i32
          %broadcast_in_dim3A_1264 = vector.broadcast %broadcast_in_dim3A_1263 : i32 to vector<16xi32>
          tpu.vector_store_idx %arg17[%broadcast_in_dim3A_1212, %broadcast_in_dim3A_1214, %add3A_1210, %broadcast_in_dim3A_1264], %broadcast_in_dim3A_1 masked %eq3A_1206 : memref<2x5x128x32xf32, #tpu.memory_space<vmem>>[vector<16xi32>, vector<16xi32>, vector<16xi32>, vector<16xi32>], vector<16xf32>, vector<16xi1>
          %broadcast_in_dim3A_1265 = arith.constant 25 : i32
          %broadcast_in_dim3A_1266 = vector.broadcast %broadcast_in_dim3A_1265 : i32 to vector<16xi32>
          tpu.vector_store_idx %arg17[%broadcast_in_dim3A_1212, %broadcast_in_dim3A_1214, %add3A_1210, %broadcast_in_dim3A_1266], %broadcast_in_dim3A_1 masked %eq3A_1206 : memref<2x5x128x32xf32, #tpu.memory_space<vmem>>[vector<16xi32>, vector<16xi32>, vector<16xi32>, vector<16xi32>], vector<16xf32>, vector<16xi1>
          %broadcast_in_dim3A_1267 = arith.constant 26 : i32
          %broadcast_in_dim3A_1268 = vector.broadcast %broadcast_in_dim3A_1267 : i32 to vector<16xi32>
          tpu.vector_store_idx %arg17[%broadcast_in_dim3A_1212, %broadcast_in_dim3A_1214, %add3A_1210, %broadcast_in_dim3A_1268], %broadcast_in_dim3A_1 masked %eq3A_1206 : memref<2x5x128x32xf32, #tpu.memory_space<vmem>>[vector<16xi32>, vector<16xi32>, vector<16xi32>, vector<16xi32>], vector<16xf32>, vector<16xi1>
          %broadcast_in_dim3A_1269 = arith.constant 27 : i32
          %broadcast_in_dim3A_1270 = vector.broadcast %broadcast_in_dim3A_1269 : i32 to vector<16xi32>
          tpu.vector_store_idx %arg17[%broadcast_in_dim3A_1212, %broadcast_in_dim3A_1214, %add3A_1210, %broadcast_in_dim3A_1270], %broadcast_in_dim3A_1 masked %eq3A_1206 : memref<2x5x128x32xf32, #tpu.memory_space<vmem>>[vector<16xi32>, vector<16xi32>, vector<16xi32>, vector<16xi32>], vector<16xf32>, vector<16xi1>
          %broadcast_in_dim3A_1271 = arith.constant 28 : i32
          %broadcast_in_dim3A_1272 = vector.broadcast %broadcast_in_dim3A_1271 : i32 to vector<16xi32>
          tpu.vector_store_idx %arg17[%broadcast_in_dim3A_1212, %broadcast_in_dim3A_1214, %add3A_1210, %broadcast_in_dim3A_1272], %broadcast_in_dim3A_1 masked %eq3A_1206 : memref<2x5x128x32xf32, #tpu.memory_space<vmem>>[vector<16xi32>, vector<16xi32>, vector<16xi32>, vector<16xi32>], vector<16xf32>, vector<16xi1>
          %broadcast_in_dim3A_1273 = arith.constant 29 : i32
          %broadcast_in_dim3A_1274 = vector.broadcast %broadcast_in_dim3A_1273 : i32 to vector<16xi32>
          tpu.vector_store_idx %arg17[%broadcast_in_dim3A_1212, %broadcast_in_dim3A_1214, %add3A_1210, %broadcast_in_dim3A_1274], %broadcast_in_dim3A_1 masked %eq3A_1206 : memref<2x5x128x32xf32, #tpu.memory_space<vmem>>[vector<16xi32>, vector<16xi32>, vector<16xi32>, vector<16xi32>], vector<16xf32>, vector<16xi1>
          %broadcast_in_dim3A_1275 = arith.constant 30 : i32
          %broadcast_in_dim3A_1276 = vector.broadcast %broadcast_in_dim3A_1275 : i32 to vector<16xi32>
          tpu.vector_store_idx %arg17[%broadcast_in_dim3A_1212, %broadcast_in_dim3A_1214, %add3A_1210, %broadcast_in_dim3A_1276], %broadcast_in_dim3A_1 masked %eq3A_1206 : memref<2x5x128x32xf32, #tpu.memory_space<vmem>>[vector<16xi32>, vector<16xi32>, vector<16xi32>, vector<16xi32>], vector<16xf32>, vector<16xi1>
          %broadcast_in_dim3A_1277 = arith.constant 31 : i32
          %broadcast_in_dim3A_1278 = vector.broadcast %broadcast_in_dim3A_1277 : i32 to vector<16xi32>
          tpu.vector_store_idx %arg17[%broadcast_in_dim3A_1212, %broadcast_in_dim3A_1214, %add3A_1210, %broadcast_in_dim3A_1278], %broadcast_in_dim3A_1 masked %eq3A_1206 : memref<2x5x128x32xf32, #tpu.memory_space<vmem>>[vector<16xi32>, vector<16xi32>, vector<16xi32>, vector<16xi32>], vector<16xf32>, vector<16xi1>
        } else {
        }
      }
      %scan3A_728 = arith.constant 8 : i32
      %scan3A_729 = arith.constant 0 : i32
      %scan3A_730 = arith.constant 8 : i32
      %scan3A_731 = arith.addi %scan3A_729, %scan3A_730 : i32
      %scan3A_732 = arith.constant 1 : i32
      scf.for %scan3A_1187 = %scan3A_729 to %scan3A_731 step %scan3A_732  : i32 {
        %mul3A_1188 = arith.constant 16 : i32
        %mul3A_1189 = arith.muli %scan3A_1187, %mul3A_1188 : i32
        %get3A = arith.constant 0 : i32
        %get3A_1190 = arith.constant 1 : i32
        %get3A_1191 = arith.index_cast %get3A : i32 to index
        %get3A_1192 = arith.index_cast %get3A_1190 : i32 to index
        %get3A_1193 = arith.index_cast %mul3A_1189 : i32 to index
        %get3A_1194 = tpu.vector_load %arg15[%get3A_1191, %get3A_1192, %get3A_1193] {strides = array<i32>} : memref<2x5x128xi32, #tpu.memory_space<vmem>>, vector<16xi32>,
        %reduce_min3A = arith.constant true
        %reduce_min3A_1195 = vector.broadcast %reduce_min3A : i1 to vector<16xi1>
        %reduce_min3A_1196 = arith.constant -2147483648 : i32
        %reduce_min3A_1197 = vector.broadcast %reduce_min3A_1196 : i32 to vector<16xi32>
        %reduce_min3A_1198 = arith.xori %get3A_1194, %reduce_min3A_1197 : vector<16xi32>
        %reduce_min3A_1199 = tpu.scan <min>, %reduce_min3A_1198 masked %reduce_min3A_1195 : vector<16xi32>, vector<16xi1> -> vector<16xi32>
        %reduce_min3A_1200 = arith.xori %reduce_min3A_1199, %reduce_min3A_1197 : vector<16xi32>
        %reduce_min3A_1201 = vector.extract %reduce_min3A_1200[15] : i32 from vector<16xi32>
        %eq3A = arith.constant 0 : i32
        %eq3A_1202 = arith.cmpi eq, %reduce_min3A_1201, %eq3A : i32
        %convert_element_type3A = arith.extui %eq3A_1202 : i1 to i32
        %cond3A = arith.constant 0 : i32
        %cond3A_1203 = arith.cmpi ne, %convert_element_type3A, %cond3A : i32
        scf.if %cond3A_1203 {
          %eq3A_1204 = arith.constant 0 : i32
          %eq3A_1205 = vector.broadcast %eq3A_1204 : i32 to vector<16xi32>
          %eq3A_1206 = arith.cmpi eq, %get3A_1194, %eq3A_1205 : vector<16xi32>
          %mul3A_1207 = arith.constant 16 : i32
          %mul3A_1208 = arith.muli %scan3A_1187, %mul3A_1207 : i32
          %add3A_1209 = vector.broadcast %mul3A_1208 : i32 to vector<16xi32>
          %add3A_1210 = arith.addi %add3A_1209, %iota3A : vector<16xi32>
          %broadcast_in_dim3A_1211 = arith.constant 0 : i32
          %broadcast_in_dim3A_1212 = vector.broadcast %broadcast_in_dim3A_1211 : i32 to vector<16xi32>
          %broadcast_in_dim3A_1213 = arith.constant 1 : i32
          %broadcast_in_dim3A_1214 = vector.broadcast %broadcast_in_dim3A_1213 : i32 to vector<16xi32>
          %broadcast_in_dim3A_1215 = arith.constant 0 : i32
          %broadcast_in_dim3A_1216 = vector.broadcast %broadcast_in_dim3A_1215 : i32 to vector<16xi32>
          tpu.vector_store_idx %arg17[%broadcast_in_dim3A_1212, %broadcast_in_dim3A_1214, %add3A_1210, %broadcast_in_dim3A_1216], %broadcast_in_dim3A_1 masked %eq3A_1206 : memref<2x5x128x32xf32, #tpu.memory_space<vmem>>[vector<16xi32>, vector<16xi32>, vector<16xi32>, vector<16xi32>], vector<16xf32>, vector<16xi1>
          %broadcast_in_dim3A_1217 = arith.constant 1 : i32
          %broadcast_in_dim3A_1218 = vector.broadcast %broadcast_in_dim3A_1217 : i32 to vector<16xi32>
          tpu.vector_store_idx %arg17[%broadcast_in_dim3A_1212, %broadcast_in_dim3A_1214, %add3A_1210, %broadcast_in_dim3A_1218], %broadcast_in_dim3A_1 masked %eq3A_1206 : memref<2x5x128x32xf32, #tpu.memory_space<vmem>>[vector<16xi32>, vector<16xi32>, vector<16xi32>, vector<16xi32>], vector<16xf32>, vector<16xi1>
          %broadcast_in_dim3A_1219 = arith.constant 2 : i32
          %broadcast_in_dim3A_1220 = vector.broadcast %broadcast_in_dim3A_1219 : i32 to vector<16xi32>
          tpu.vector_store_idx %arg17[%broadcast_in_dim3A_1212, %broadcast_in_dim3A_1214, %add3A_1210, %broadcast_in_dim3A_1220], %broadcast_in_dim3A_1 masked %eq3A_1206 : memref<2x5x128x32xf32, #tpu.memory_space<vmem>>[vector<16xi32>, vector<16xi32>, vector<16xi32>, vector<16xi32>], vector<16xf32>, vector<16xi1>
          %broadcast_in_dim3A_1221 = arith.constant 3 : i32
          %broadcast_in_dim3A_1222 = vector.broadcast %broadcast_in_dim3A_1221 : i32 to vector<16xi32>
          tpu.vector_store_idx %arg17[%broadcast_in_dim3A_1212, %broadcast_in_dim3A_1214, %add3A_1210, %broadcast_in_dim3A_1222], %broadcast_in_dim3A_1 masked %eq3A_1206 : memref<2x5x128x32xf32, #tpu.memory_space<vmem>>[vector<16xi32>, vector<16xi32>, vector<16xi32>, vector<16xi32>], vector<16xf32>, vector<16xi1>
          %broadcast_in_dim3A_1223 = arith.constant 4 : i32
          %broadcast_in_dim3A_1224 = vector.broadcast %broadcast_in_dim3A_1223 : i32 to vector<16xi32>
          tpu.vector_store_idx %arg17[%broadcast_in_dim3A_1212, %broadcast_in_dim3A_1214, %add3A_1210, %broadcast_in_dim3A_1224], %broadcast_in_dim3A_1 masked %eq3A_1206 : memref<2x5x128x32xf32, #tpu.memory_space<vmem>>[vector<16xi32>, vector<16xi32>, vector<16xi32>, vector<16xi32>], vector<16xf32>, vector<16xi1>
          %broadcast_in_dim3A_1225 = arith.constant 5 : i32
          %broadcast_in_dim3A_1226 = vector.broadcast %broadcast_in_dim3A_1225 : i32 to vector<16xi32>
          tpu.vector_store_idx %arg17[%broadcast_in_dim3A_1212, %broadcast_in_dim3A_1214, %add3A_1210, %broadcast_in_dim3A_1226], %broadcast_in_dim3A_1 masked %eq3A_1206 : memref<2x5x128x32xf32, #tpu.memory_space<vmem>>[vector<16xi32>, vector<16xi32>, vector<16xi32>, vector<16xi32>], vector<16xf32>, vector<16xi1>
          %broadcast_in_dim3A_1227 = arith.constant 6 : i32
          %broadcast_in_dim3A_1228 = vector.broadcast %broadcast_in_dim3A_1227 : i32 to vector<16xi32>
          tpu.vector_store_idx %arg17[%broadcast_in_dim3A_1212, %broadcast_in_dim3A_1214, %add3A_1210, %broadcast_in_dim3A_1228], %broadcast_in_dim3A_1 masked %eq3A_1206 : memref<2x5x128x32xf32, #tpu.memory_space<vmem>>[vector<16xi32>, vector<16xi32>, vector<16xi32>, vector<16xi32>], vector<16xf32>, vector<16xi1>
          %broadcast_in_dim3A_1229 = arith.constant 7 : i32
          %broadcast_in_dim3A_1230 = vector.broadcast %broadcast_in_dim3A_1229 : i32 to vector<16xi32>
          tpu.vector_store_idx %arg17[%broadcast_in_dim3A_1212, %broadcast_in_dim3A_1214, %add3A_1210, %broadcast_in_dim3A_1230], %broadcast_in_dim3A_1 masked %eq3A_1206 : memref<2x5x128x32xf32, #tpu.memory_space<vmem>>[vector<16xi32>, vector<16xi32>, vector<16xi32>, vector<16xi32>], vector<16xf32>, vector<16xi1>
          %broadcast_in_dim3A_1231 = arith.constant 8 : i32
          %broadcast_in_dim3A_1232 = vector.broadcast %broadcast_in_dim3A_1231 : i32 to vector<16xi32>
          tpu.vector_store_idx %arg17[%broadcast_in_dim3A_1212, %broadcast_in_dim3A_1214, %add3A_1210, %broadcast_in_dim3A_1232], %broadcast_in_dim3A_1 masked %eq3A_1206 : memref<2x5x128x32xf32, #tpu.memory_space<vmem>>[vector<16xi32>, vector<16xi32>, vector<16xi32>, vector<16xi32>], vector<16xf32>, vector<16xi1>
          %broadcast_in_dim3A_1233 = arith.constant 9 : i32
          %broadcast_in_dim3A_1234 = vector.broadcast %broadcast_in_dim3A_1233 : i32 to vector<16xi32>
          tpu.vector_store_idx %arg17[%broadcast_in_dim3A_1212, %broadcast_in_dim3A_1214, %add3A_1210, %broadcast_in_dim3A_1234], %broadcast_in_dim3A_1 masked %eq3A_1206 : memref<2x5x128x32xf32, #tpu.memory_space<vmem>>[vector<16xi32>, vector<16xi32>, vector<16xi32>, vector<16xi32>], vector<16xf32>, vector<16xi1>
          %broadcast_in_dim3A_1235 = arith.constant 10 : i32
          %broadcast_in_dim3A_1236 = vector.broadcast %broadcast_in_dim3A_1235 : i32 to vector<16xi32>
          tpu.vector_store_idx %arg17[%broadcast_in_dim3A_1212, %broadcast_in_dim3A_1214, %add3A_1210, %broadcast_in_dim3A_1236], %broadcast_in_dim3A_1 masked %eq3A_1206 : memref<2x5x128x32xf32, #tpu.memory_space<vmem>>[vector<16xi32>, vector<16xi32>, vector<16xi32>, vector<16xi32>], vector<16xf32>, vector<16xi1>
          %broadcast_in_dim3A_1237 = arith.constant 11 : i32
          %broadcast_in_dim3A_1238 = vector.broadcast %broadcast_in_dim3A_1237 : i32 to vector<16xi32>
          tpu.vector_store_idx %arg17[%broadcast_in_dim3A_1212, %broadcast_in_dim3A_1214, %add3A_1210, %broadcast_in_dim3A_1238], %broadcast_in_dim3A_1 masked %eq3A_1206 : memref<2x5x128x32xf32, #tpu.memory_space<vmem>>[vector<16xi32>, vector<16xi32>, vector<16xi32>, vector<16xi32>], vector<16xf32>, vector<16xi1>
          %broadcast_in_dim3A_1239 = arith.constant 12 : i32
          %broadcast_in_dim3A_1240 = vector.broadcast %broadcast_in_dim3A_1239 : i32 to vector<16xi32>
          tpu.vector_store_idx %arg17[%broadcast_in_dim3A_1212, %broadcast_in_dim3A_1214, %add3A_1210, %broadcast_in_dim3A_1240], %broadcast_in_dim3A_1 masked %eq3A_1206 : memref<2x5x128x32xf32, #tpu.memory_space<vmem>>[vector<16xi32>, vector<16xi32>, vector<16xi32>, vector<16xi32>], vector<16xf32>, vector<16xi1>
          %broadcast_in_dim3A_1241 = arith.constant 13 : i32
          %broadcast_in_dim3A_1242 = vector.broadcast %broadcast_in_dim3A_1241 : i32 to vector<16xi32>
          tpu.vector_store_idx %arg17[%broadcast_in_dim3A_1212, %broadcast_in_dim3A_1214, %add3A_1210, %broadcast_in_dim3A_1242], %broadcast_in_dim3A_1 masked %eq3A_1206 : memref<2x5x128x32xf32, #tpu.memory_space<vmem>>[vector<16xi32>, vector<16xi32>, vector<16xi32>, vector<16xi32>], vector<16xf32>, vector<16xi1>
          %broadcast_in_dim3A_1243 = arith.constant 14 : i32
          %broadcast_in_dim3A_1244 = vector.broadcast %broadcast_in_dim3A_1243 : i32 to vector<16xi32>
          tpu.vector_store_idx %arg17[%broadcast_in_dim3A_1212, %broadcast_in_dim3A_1214, %add3A_1210, %broadcast_in_dim3A_1244], %broadcast_in_dim3A_1 masked %eq3A_1206 : memref<2x5x128x32xf32, #tpu.memory_space<vmem>>[vector<16xi32>, vector<16xi32>, vector<16xi32>, vector<16xi32>], vector<16xf32>, vector<16xi1>
          %broadcast_in_dim3A_1245 = arith.constant 15 : i32
          %broadcast_in_dim3A_1246 = vector.broadcast %broadcast_in_dim3A_1245 : i32 to vector<16xi32>
          tpu.vector_store_idx %arg17[%broadcast_in_dim3A_1212, %broadcast_in_dim3A_1214, %add3A_1210, %broadcast_in_dim3A_1246], %broadcast_in_dim3A_1 masked %eq3A_1206 : memref<2x5x128x32xf32, #tpu.memory_space<vmem>>[vector<16xi32>, vector<16xi32>, vector<16xi32>, vector<16xi32>], vector<16xf32>, vector<16xi1>
          %broadcast_in_dim3A_1247 = arith.constant 16 : i32
          %broadcast_in_dim3A_1248 = vector.broadcast %broadcast_in_dim3A_1247 : i32 to vector<16xi32>
          tpu.vector_store_idx %arg17[%broadcast_in_dim3A_1212, %broadcast_in_dim3A_1214, %add3A_1210, %broadcast_in_dim3A_1248], %broadcast_in_dim3A_1 masked %eq3A_1206 : memref<2x5x128x32xf32, #tpu.memory_space<vmem>>[vector<16xi32>, vector<16xi32>, vector<16xi32>, vector<16xi32>], vector<16xf32>, vector<16xi1>
          %broadcast_in_dim3A_1249 = arith.constant 17 : i32
          %broadcast_in_dim3A_1250 = vector.broadcast %broadcast_in_dim3A_1249 : i32 to vector<16xi32>
          tpu.vector_store_idx %arg17[%broadcast_in_dim3A_1212, %broadcast_in_dim3A_1214, %add3A_1210, %broadcast_in_dim3A_1250], %broadcast_in_dim3A_1 masked %eq3A_1206 : memref<2x5x128x32xf32, #tpu.memory_space<vmem>>[vector<16xi32>, vector<16xi32>, vector<16xi32>, vector<16xi32>], vector<16xf32>, vector<16xi1>
          %broadcast_in_dim3A_1251 = arith.constant 18 : i32
          %broadcast_in_dim3A_1252 = vector.broadcast %broadcast_in_dim3A_1251 : i32 to vector<16xi32>
          tpu.vector_store_idx %arg17[%broadcast_in_dim3A_1212, %broadcast_in_dim3A_1214, %add3A_1210, %broadcast_in_dim3A_1252], %broadcast_in_dim3A_1 masked %eq3A_1206 : memref<2x5x128x32xf32, #tpu.memory_space<vmem>>[vector<16xi32>, vector<16xi32>, vector<16xi32>, vector<16xi32>], vector<16xf32>, vector<16xi1>
          %broadcast_in_dim3A_1253 = arith.constant 19 : i32
          %broadcast_in_dim3A_1254 = vector.broadcast %broadcast_in_dim3A_1253 : i32 to vector<16xi32>
          tpu.vector_store_idx %arg17[%broadcast_in_dim3A_1212, %broadcast_in_dim3A_1214, %add3A_1210, %broadcast_in_dim3A_1254], %broadcast_in_dim3A_1 masked %eq3A_1206 : memref<2x5x128x32xf32, #tpu.memory_space<vmem>>[vector<16xi32>, vector<16xi32>, vector<16xi32>, vector<16xi32>], vector<16xf32>, vector<16xi1>
          %broadcast_in_dim3A_1255 = arith.constant 20 : i32
          %broadcast_in_dim3A_1256 = vector.broadcast %broadcast_in_dim3A_1255 : i32 to vector<16xi32>
          tpu.vector_store_idx %arg17[%broadcast_in_dim3A_1212, %broadcast_in_dim3A_1214, %add3A_1210, %broadcast_in_dim3A_1256], %broadcast_in_dim3A_1 masked %eq3A_1206 : memref<2x5x128x32xf32, #tpu.memory_space<vmem>>[vector<16xi32>, vector<16xi32>, vector<16xi32>, vector<16xi32>], vector<16xf32>, vector<16xi1>
          %broadcast_in_dim3A_1257 = arith.constant 21 : i32
          %broadcast_in_dim3A_1258 = vector.broadcast %broadcast_in_dim3A_1257 : i32 to vector<16xi32>
          tpu.vector_store_idx %arg17[%broadcast_in_dim3A_1212, %broadcast_in_dim3A_1214, %add3A_1210, %broadcast_in_dim3A_1258], %broadcast_in_dim3A_1 masked %eq3A_1206 : memref<2x5x128x32xf32, #tpu.memory_space<vmem>>[vector<16xi32>, vector<16xi32>, vector<16xi32>, vector<16xi32>], vector<16xf32>, vector<16xi1>
          %broadcast_in_dim3A_1259 = arith.constant 22 : i32
          %broadcast_in_dim3A_1260 = vector.broadcast %broadcast_in_dim3A_1259 : i32 to vector<16xi32>
          tpu.vector_store_idx %arg17[%broadcast_in_dim3A_1212, %broadcast_in_dim3A_1214, %add3A_1210, %broadcast_in_dim3A_1260], %broadcast_in_dim3A_1 masked %eq3A_1206 : memref<2x5x128x32xf32, #tpu.memory_space<vmem>>[vector<16xi32>, vector<16xi32>, vector<16xi32>, vector<16xi32>], vector<16xf32>, vector<16xi1>
          %broadcast_in_dim3A_1261 = arith.constant 23 : i32
          %broadcast_in_dim3A_1262 = vector.broadcast %broadcast_in_dim3A_1261 : i32 to vector<16xi32>
          tpu.vector_store_idx %arg17[%broadcast_in_dim3A_1212, %broadcast_in_dim3A_1214, %add3A_1210, %broadcast_in_dim3A_1262], %broadcast_in_dim3A_1 masked %eq3A_1206 : memref<2x5x128x32xf32, #tpu.memory_space<vmem>>[vector<16xi32>, vector<16xi32>, vector<16xi32>, vector<16xi32>], vector<16xf32>, vector<16xi1>
          %broadcast_in_dim3A_1263 = arith.constant 24 : i32
          %broadcast_in_dim3A_1264 = vector.broadcast %broadcast_in_dim3A_1263 : i32 to vector<16xi32>
          tpu.vector_store_idx %arg17[%broadcast_in_dim3A_1212, %broadcast_in_dim3A_1214, %add3A_1210, %broadcast_in_dim3A_1264], %broadcast_in_dim3A_1 masked %eq3A_1206 : memref<2x5x128x32xf32, #tpu.memory_space<vmem>>[vector<16xi32>, vector<16xi32>, vector<16xi32>, vector<16xi32>], vector<16xf32>, vector<16xi1>
          %broadcast_in_dim3A_1265 = arith.constant 25 : i32
          %broadcast_in_dim3A_1266 = vector.broadcast %broadcast_in_dim3A_1265 : i32 to vector<16xi32>
          tpu.vector_store_idx %arg17[%broadcast_in_dim3A_1212, %broadcast_in_dim3A_1214, %add3A_1210, %broadcast_in_dim3A_1266], %broadcast_in_dim3A_1 masked %eq3A_1206 : memref<2x5x128x32xf32, #tpu.memory_space<vmem>>[vector<16xi32>, vector<16xi32>, vector<16xi32>, vector<16xi32>], vector<16xf32>, vector<16xi1>
          %broadcast_in_dim3A_1267 = arith.constant 26 : i32
          %broadcast_in_dim3A_1268 = vector.broadcast %broadcast_in_dim3A_1267 : i32 to vector<16xi32>
          tpu.vector_store_idx %arg17[%broadcast_in_dim3A_1212, %broadcast_in_dim3A_1214, %add3A_1210, %broadcast_in_dim3A_1268], %broadcast_in_dim3A_1 masked %eq3A_1206 : memref<2x5x128x32xf32, #tpu.memory_space<vmem>>[vector<16xi32>, vector<16xi32>, vector<16xi32>, vector<16xi32>], vector<16xf32>, vector<16xi1>
          %broadcast_in_dim3A_1269 = arith.constant 27 : i32
          %broadcast_in_dim3A_1270 = vector.broadcast %broadcast_in_dim3A_1269 : i32 to vector<16xi32>
          tpu.vector_store_idx %arg17[%broadcast_in_dim3A_1212, %broadcast_in_dim3A_1214, %add3A_1210, %broadcast_in_dim3A_1270], %broadcast_in_dim3A_1 masked %eq3A_1206 : memref<2x5x128x32xf32, #tpu.memory_space<vmem>>[vector<16xi32>, vector<16xi32>, vector<16xi32>, vector<16xi32>], vector<16xf32>, vector<16xi1>
          %broadcast_in_dim3A_1271 = arith.constant 28 : i32
          %broadcast_in_dim3A_1272 = vector.broadcast %broadcast_in_dim3A_1271 : i32 to vector<16xi32>
          tpu.vector_store_idx %arg17[%broadcast_in_dim3A_1212, %broadcast_in_dim3A_1214, %add3A_1210, %broadcast_in_dim3A_1272], %broadcast_in_dim3A_1 masked %eq3A_1206 : memref<2x5x128x32xf32, #tpu.memory_space<vmem>>[vector<16xi32>, vector<16xi32>, vector<16xi32>, vector<16xi32>], vector<16xf32>, vector<16xi1>
          %broadcast_in_dim3A_1273 = arith.constant 29 : i32
          %broadcast_in_dim3A_1274 = vector.broadcast %broadcast_in_dim3A_1273 : i32 to vector<16xi32>
          tpu.vector_store_idx %arg17[%broadcast_in_dim3A_1212, %broadcast_in_dim3A_1214, %add3A_1210, %broadcast_in_dim3A_1274], %broadcast_in_dim3A_1 masked %eq3A_1206 : memref<2x5x128x32xf32, #tpu.memory_space<vmem>>[vector<16xi32>, vector<16xi32>, vector<16xi32>, vector<16xi32>], vector<16xf32>, vector<16xi1>
          %broadcast_in_dim3A_1275 = arith.constant 30 : i32
          %broadcast_in_dim3A_1276 = vector.broadcast %broadcast_in_dim3A_1275 : i32 to vector<16xi32>
          tpu.vector_store_idx %arg17[%broadcast_in_dim3A_1212, %broadcast_in_dim3A_1214, %add3A_1210, %broadcast_in_dim3A_1276], %broadcast_in_dim3A_1 masked %eq3A_1206 : memref<2x5x128x32xf32, #tpu.memory_space<vmem>>[vector<16xi32>, vector<16xi32>, vector<16xi32>, vector<16xi32>], vector<16xf32>, vector<16xi1>
          %broadcast_in_dim3A_1277 = arith.constant 31 : i32
          %broadcast_in_dim3A_1278 = vector.broadcast %broadcast_in_dim3A_1277 : i32 to vector<16xi32>
          tpu.vector_store_idx %arg17[%broadcast_in_dim3A_1212, %broadcast_in_dim3A_1214, %add3A_1210, %broadcast_in_dim3A_1278], %broadcast_in_dim3A_1 masked %eq3A_1206 : memref<2x5x128x32xf32, #tpu.memory_space<vmem>>[vector<16xi32>, vector<16xi32>, vector<16xi32>, vector<16xi32>], vector<16xf32>, vector<16xi1>
        } else {
        }
      }
      %scan3A_733 = arith.constant 8 : i32
      %scan3A_734 = arith.constant 0 : i32
      %scan3A_735 = arith.constant 8 : i32
      %scan3A_736 = arith.addi %scan3A_734, %scan3A_735 : i32
      %scan3A_737 = arith.constant 1 : i32
      scf.for %scan3A_1187 = %scan3A_734 to %scan3A_736 step %scan3A_737  : i32 {
        %mul3A_1188 = arith.constant 16 : i32
        %mul3A_1189 = arith.muli %scan3A_1187, %mul3A_1188 : i32
        %get3A = arith.constant 0 : i32
        %get3A_1190 = arith.constant 2 : i32
        %get3A_1191 = arith.index_cast %get3A : i32 to index
        %get3A_1192 = arith.index_cast %get3A_1190 : i32 to index
        %get3A_1193 = arith.index_cast %mul3A_1189 : i32 to index
        %get3A_1194 = tpu.vector_load %arg15[%get3A_1191, %get3A_1192, %get3A_1193] {strides = array<i32>} : memref<2x5x128xi32, #tpu.memory_space<vmem>>, vector<16xi32>,
        %reduce_min3A = arith.constant true
        %reduce_min3A_1195 = vector.broadcast %reduce_min3A : i1 to vector<16xi1>
        %reduce_min3A_1196 = arith.constant -2147483648 : i32
        %reduce_min3A_1197 = vector.broadcast %reduce_min3A_1196 : i32 to vector<16xi32>
        %reduce_min3A_1198 = arith.xori %get3A_1194, %reduce_min3A_1197 : vector<16xi32>
        %reduce_min3A_1199 = tpu.scan <min>, %reduce_min3A_1198 masked %reduce_min3A_1195 : vector<16xi32>, vector<16xi1> -> vector<16xi32>
        %reduce_min3A_1200 = arith.xori %reduce_min3A_1199, %reduce_min3A_1197 : vector<16xi32>
        %reduce_min3A_1201 = vector.extract %reduce_min3A_1200[15] : i32 from vector<16xi32>
        %eq3A = arith.constant 0 : i32
        %eq3A_1202 = arith.cmpi eq, %reduce_min3A_1201, %eq3A : i32
        %convert_element_type3A = arith.extui %eq3A_1202 : i1 to i32
        %cond3A = arith.constant 0 : i32
        %cond3A_1203 = arith.cmpi ne, %convert_element_type3A, %cond3A : i32
        scf.if %cond3A_1203 {
          %eq3A_1204 = arith.constant 0 : i32
          %eq3A_1205 = vector.broadcast %eq3A_1204 : i32 to vector<16xi32>
          %eq3A_1206 = arith.cmpi eq, %get3A_1194, %eq3A_1205 : vector<16xi32>
          %mul3A_1207 = arith.constant 16 : i32
          %mul3A_1208 = arith.muli %scan3A_1187, %mul3A_1207 : i32
          %add3A_1209 = vector.broadcast %mul3A_1208 : i32 to vector<16xi32>
          %add3A_1210 = arith.addi %add3A_1209, %iota3A : vector<16xi32>
          %broadcast_in_dim3A_1211 = arith.constant 0 : i32
          %broadcast_in_dim3A_1212 = vector.broadcast %broadcast_in_dim3A_1211 : i32 to vector<16xi32>
          %broadcast_in_dim3A_1213 = arith.constant 2 : i32
          %broadcast_in_dim3A_1214 = vector.broadcast %broadcast_in_dim3A_1213 : i32 to vector<16xi32>
          %broadcast_in_dim3A_1215 = arith.constant 0 : i32
          %broadcast_in_dim3A_1216 = vector.broadcast %broadcast_in_dim3A_1215 : i32 to vector<16xi32>
          tpu.vector_store_idx %arg17[%broadcast_in_dim3A_1212, %broadcast_in_dim3A_1214, %add3A_1210, %broadcast_in_dim3A_1216], %broadcast_in_dim3A_1 masked %eq3A_1206 : memref<2x5x128x32xf32, #tpu.memory_space<vmem>>[vector<16xi32>, vector<16xi32>, vector<16xi32>, vector<16xi32>], vector<16xf32>, vector<16xi1>
          %broadcast_in_dim3A_1217 = arith.constant 1 : i32
          %broadcast_in_dim3A_1218 = vector.broadcast %broadcast_in_dim3A_1217 : i32 to vector<16xi32>
          tpu.vector_store_idx %arg17[%broadcast_in_dim3A_1212, %broadcast_in_dim3A_1214, %add3A_1210, %broadcast_in_dim3A_1218], %broadcast_in_dim3A_1 masked %eq3A_1206 : memref<2x5x128x32xf32, #tpu.memory_space<vmem>>[vector<16xi32>, vector<16xi32>, vector<16xi32>, vector<16xi32>], vector<16xf32>, vector<16xi1>
          %broadcast_in_dim3A_1219 = arith.constant 2 : i32
          %broadcast_in_dim3A_1220 = vector.broadcast %broadcast_in_dim3A_1219 : i32 to vector<16xi32>
          tpu.vector_store_idx %arg17[%broadcast_in_dim3A_1212, %broadcast_in_dim3A_1214, %add3A_1210, %broadcast_in_dim3A_1220], %broadcast_in_dim3A_1 masked %eq3A_1206 : memref<2x5x128x32xf32, #tpu.memory_space<vmem>>[vector<16xi32>, vector<16xi32>, vector<16xi32>, vector<16xi32>], vector<16xf32>, vector<16xi1>
          %broadcast_in_dim3A_1221 = arith.constant 3 : i32
          %broadcast_in_dim3A_1222 = vector.broadcast %broadcast_in_dim3A_1221 : i32 to vector<16xi32>
          tpu.vector_store_idx %arg17[%broadcast_in_dim3A_1212, %broadcast_in_dim3A_1214, %add3A_1210, %broadcast_in_dim3A_1222], %broadcast_in_dim3A_1 masked %eq3A_1206 : memref<2x5x128x32xf32, #tpu.memory_space<vmem>>[vector<16xi32>, vector<16xi32>, vector<16xi32>, vector<16xi32>], vector<16xf32>, vector<16xi1>
          %broadcast_in_dim3A_1223 = arith.constant 4 : i32
          %broadcast_in_dim3A_1224 = vector.broadcast %broadcast_in_dim3A_1223 : i32 to vector<16xi32>
          tpu.vector_store_idx %arg17[%broadcast_in_dim3A_1212, %broadcast_in_dim3A_1214, %add3A_1210, %broadcast_in_dim3A_1224], %broadcast_in_dim3A_1 masked %eq3A_1206 : memref<2x5x128x32xf32, #tpu.memory_space<vmem>>[vector<16xi32>, vector<16xi32>, vector<16xi32>, vector<16xi32>], vector<16xf32>, vector<16xi1>
          %broadcast_in_dim3A_1225 = arith.constant 5 : i32
          %broadcast_in_dim3A_1226 = vector.broadcast %broadcast_in_dim3A_1225 : i32 to vector<16xi32>
          tpu.vector_store_idx %arg17[%broadcast_in_dim3A_1212, %broadcast_in_dim3A_1214, %add3A_1210, %broadcast_in_dim3A_1226], %broadcast_in_dim3A_1 masked %eq3A_1206 : memref<2x5x128x32xf32, #tpu.memory_space<vmem>>[vector<16xi32>, vector<16xi32>, vector<16xi32>, vector<16xi32>], vector<16xf32>, vector<16xi1>
          %broadcast_in_dim3A_1227 = arith.constant 6 : i32
          %broadcast_in_dim3A_1228 = vector.broadcast %broadcast_in_dim3A_1227 : i32 to vector<16xi32>
          tpu.vector_store_idx %arg17[%broadcast_in_dim3A_1212, %broadcast_in_dim3A_1214, %add3A_1210, %broadcast_in_dim3A_1228], %broadcast_in_dim3A_1 masked %eq3A_1206 : memref<2x5x128x32xf32, #tpu.memory_space<vmem>>[vector<16xi32>, vector<16xi32>, vector<16xi32>, vector<16xi32>], vector<16xf32>, vector<16xi1>
          %broadcast_in_dim3A_1229 = arith.constant 7 : i32
          %broadcast_in_dim3A_1230 = vector.broadcast %broadcast_in_dim3A_1229 : i32 to vector<16xi32>
          tpu.vector_store_idx %arg17[%broadcast_in_dim3A_1212, %broadcast_in_dim3A_1214, %add3A_1210, %broadcast_in_dim3A_1230], %broadcast_in_dim3A_1 masked %eq3A_1206 : memref<2x5x128x32xf32, #tpu.memory_space<vmem>>[vector<16xi32>, vector<16xi32>, vector<16xi32>, vector<16xi32>], vector<16xf32>, vector<16xi1>
          %broadcast_in_dim3A_1231 = arith.constant 8 : i32
          %broadcast_in_dim3A_1232 = vector.broadcast %broadcast_in_dim3A_1231 : i32 to vector<16xi32>
          tpu.vector_store_idx %arg17[%broadcast_in_dim3A_1212, %broadcast_in_dim3A_1214, %add3A_1210, %broadcast_in_dim3A_1232], %broadcast_in_dim3A_1 masked %eq3A_1206 : memref<2x5x128x32xf32, #tpu.memory_space<vmem>>[vector<16xi32>, vector<16xi32>, vector<16xi32>, vector<16xi32>], vector<16xf32>, vector<16xi1>
          %broadcast_in_dim3A_1233 = arith.constant 9 : i32
          %broadcast_in_dim3A_1234 = vector.broadcast %broadcast_in_dim3A_1233 : i32 to vector<16xi32>
          tpu.vector_store_idx %arg17[%broadcast_in_dim3A_1212, %broadcast_in_dim3A_1214, %add3A_1210, %broadcast_in_dim3A_1234], %broadcast_in_dim3A_1 masked %eq3A_1206 : memref<2x5x128x32xf32, #tpu.memory_space<vmem>>[vector<16xi32>, vector<16xi32>, vector<16xi32>, vector<16xi32>], vector<16xf32>, vector<16xi1>
          %broadcast_in_dim3A_1235 = arith.constant 10 : i32
          %broadcast_in_dim3A_1236 = vector.broadcast %broadcast_in_dim3A_1235 : i32 to vector<16xi32>
          tpu.vector_store_idx %arg17[%broadcast_in_dim3A_1212, %broadcast_in_dim3A_1214, %add3A_1210, %broadcast_in_dim3A_1236], %broadcast_in_dim3A_1 masked %eq3A_1206 : memref<2x5x128x32xf32, #tpu.memory_space<vmem>>[vector<16xi32>, vector<16xi32>, vector<16xi32>, vector<16xi32>], vector<16xf32>, vector<16xi1>
          %broadcast_in_dim3A_1237 = arith.constant 11 : i32
          %broadcast_in_dim3A_1238 = vector.broadcast %broadcast_in_dim3A_1237 : i32 to vector<16xi32>
          tpu.vector_store_idx %arg17[%broadcast_in_dim3A_1212, %broadcast_in_dim3A_1214, %add3A_1210, %broadcast_in_dim3A_1238], %broadcast_in_dim3A_1 masked %eq3A_1206 : memref<2x5x128x32xf32, #tpu.memory_space<vmem>>[vector<16xi32>, vector<16xi32>, vector<16xi32>, vector<16xi32>], vector<16xf32>, vector<16xi1>
          %broadcast_in_dim3A_1239 = arith.constant 12 : i32
          %broadcast_in_dim3A_1240 = vector.broadcast %broadcast_in_dim3A_1239 : i32 to vector<16xi32>
          tpu.vector_store_idx %arg17[%broadcast_in_dim3A_1212, %broadcast_in_dim3A_1214, %add3A_1210, %broadcast_in_dim3A_1240], %broadcast_in_dim3A_1 masked %eq3A_1206 : memref<2x5x128x32xf32, #tpu.memory_space<vmem>>[vector<16xi32>, vector<16xi32>, vector<16xi32>, vector<16xi32>], vector<16xf32>, vector<16xi1>
          %broadcast_in_dim3A_1241 = arith.constant 13 : i32
          %broadcast_in_dim3A_1242 = vector.broadcast %broadcast_in_dim3A_1241 : i32 to vector<16xi32>
          tpu.vector_store_idx %arg17[%broadcast_in_dim3A_1212, %broadcast_in_dim3A_1214, %add3A_1210, %broadcast_in_dim3A_1242], %broadcast_in_dim3A_1 masked %eq3A_1206 : memref<2x5x128x32xf32, #tpu.memory_space<vmem>>[vector<16xi32>, vector<16xi32>, vector<16xi32>, vector<16xi32>], vector<16xf32>, vector<16xi1>
          %broadcast_in_dim3A_1243 = arith.constant 14 : i32
          %broadcast_in_dim3A_1244 = vector.broadcast %broadcast_in_dim3A_1243 : i32 to vector<16xi32>
          tpu.vector_store_idx %arg17[%broadcast_in_dim3A_1212, %broadcast_in_dim3A_1214, %add3A_1210, %broadcast_in_dim3A_1244], %broadcast_in_dim3A_1 masked %eq3A_1206 : memref<2x5x128x32xf32, #tpu.memory_space<vmem>>[vector<16xi32>, vector<16xi32>, vector<16xi32>, vector<16xi32>], vector<16xf32>, vector<16xi1>
          %broadcast_in_dim3A_1245 = arith.constant 15 : i32
          %broadcast_in_dim3A_1246 = vector.broadcast %broadcast_in_dim3A_1245 : i32 to vector<16xi32>
          tpu.vector_store_idx %arg17[%broadcast_in_dim3A_1212, %broadcast_in_dim3A_1214, %add3A_1210, %broadcast_in_dim3A_1246], %broadcast_in_dim3A_1 masked %eq3A_1206 : memref<2x5x128x32xf32, #tpu.memory_space<vmem>>[vector<16xi32>, vector<16xi32>, vector<16xi32>, vector<16xi32>], vector<16xf32>, vector<16xi1>
          %broadcast_in_dim3A_1247 = arith.constant 16 : i32
          %broadcast_in_dim3A_1248 = vector.broadcast %broadcast_in_dim3A_1247 : i32 to vector<16xi32>
          tpu.vector_store_idx %arg17[%broadcast_in_dim3A_1212, %broadcast_in_dim3A_1214, %add3A_1210, %broadcast_in_dim3A_1248], %broadcast_in_dim3A_1 masked %eq3A_1206 : memref<2x5x128x32xf32, #tpu.memory_space<vmem>>[vector<16xi32>, vector<16xi32>, vector<16xi32>, vector<16xi32>], vector<16xf32>, vector<16xi1>
          %broadcast_in_dim3A_1249 = arith.constant 17 : i32
          %broadcast_in_dim3A_1250 = vector.broadcast %broadcast_in_dim3A_1249 : i32 to vector<16xi32>
          tpu.vector_store_idx %arg17[%broadcast_in_dim3A_1212, %broadcast_in_dim3A_1214, %add3A_1210, %broadcast_in_dim3A_1250], %broadcast_in_dim3A_1 masked %eq3A_1206 : memref<2x5x128x32xf32, #tpu.memory_space<vmem>>[vector<16xi32>, vector<16xi32>, vector<16xi32>, vector<16xi32>], vector<16xf32>, vector<16xi1>
          %broadcast_in_dim3A_1251 = arith.constant 18 : i32
          %broadcast_in_dim3A_1252 = vector.broadcast %broadcast_in_dim3A_1251 : i32 to vector<16xi32>
          tpu.vector_store_idx %arg17[%broadcast_in_dim3A_1212, %broadcast_in_dim3A_1214, %add3A_1210, %broadcast_in_dim3A_1252], %broadcast_in_dim3A_1 masked %eq3A_1206 : memref<2x5x128x32xf32, #tpu.memory_space<vmem>>[vector<16xi32>, vector<16xi32>, vector<16xi32>, vector<16xi32>], vector<16xf32>, vector<16xi1>
          %broadcast_in_dim3A_1253 = arith.constant 19 : i32
          %broadcast_in_dim3A_1254 = vector.broadcast %broadcast_in_dim3A_1253 : i32 to vector<16xi32>
          tpu.vector_store_idx %arg17[%broadcast_in_dim3A_1212, %broadcast_in_dim3A_1214, %add3A_1210, %broadcast_in_dim3A_1254], %broadcast_in_dim3A_1 masked %eq3A_1206 : memref<2x5x128x32xf32, #tpu.memory_space<vmem>>[vector<16xi32>, vector<16xi32>, vector<16xi32>, vector<16xi32>], vector<16xf32>, vector<16xi1>
          %broadcast_in_dim3A_1255 = arith.constant 20 : i32
          %broadcast_in_dim3A_1256 = vector.broadcast %broadcast_in_dim3A_1255 : i32 to vector<16xi32>
          tpu.vector_store_idx %arg17[%broadcast_in_dim3A_1212, %broadcast_in_dim3A_1214, %add3A_1210, %broadcast_in_dim3A_1256], %broadcast_in_dim3A_1 masked %eq3A_1206 : memref<2x5x128x32xf32, #tpu.memory_space<vmem>>[vector<16xi32>, vector<16xi32>, vector<16xi32>, vector<16xi32>], vector<16xf32>, vector<16xi1>
          %broadcast_in_dim3A_1257 = arith.constant 21 : i32
          %broadcast_in_dim3A_1258 = vector.broadcast %broadcast_in_dim3A_1257 : i32 to vector<16xi32>
          tpu.vector_store_idx %arg17[%broadcast_in_dim3A_1212, %broadcast_in_dim3A_1214, %add3A_1210, %broadcast_in_dim3A_1258], %broadcast_in_dim3A_1 masked %eq3A_1206 : memref<2x5x128x32xf32, #tpu.memory_space<vmem>>[vector<16xi32>, vector<16xi32>, vector<16xi32>, vector<16xi32>], vector<16xf32>, vector<16xi1>
          %broadcast_in_dim3A_1259 = arith.constant 22 : i32
          %broadcast_in_dim3A_1260 = vector.broadcast %broadcast_in_dim3A_1259 : i32 to vector<16xi32>
          tpu.vector_store_idx %arg17[%broadcast_in_dim3A_1212, %broadcast_in_dim3A_1214, %add3A_1210, %broadcast_in_dim3A_1260], %broadcast_in_dim3A_1 masked %eq3A_1206 : memref<2x5x128x32xf32, #tpu.memory_space<vmem>>[vector<16xi32>, vector<16xi32>, vector<16xi32>, vector<16xi32>], vector<16xf32>, vector<16xi1>
          %broadcast_in_dim3A_1261 = arith.constant 23 : i32
          %broadcast_in_dim3A_1262 = vector.broadcast %broadcast_in_dim3A_1261 : i32 to vector<16xi32>
          tpu.vector_store_idx %arg17[%broadcast_in_dim3A_1212, %broadcast_in_dim3A_1214, %add3A_1210, %broadcast_in_dim3A_1262], %broadcast_in_dim3A_1 masked %eq3A_1206 : memref<2x5x128x32xf32, #tpu.memory_space<vmem>>[vector<16xi32>, vector<16xi32>, vector<16xi32>, vector<16xi32>], vector<16xf32>, vector<16xi1>
          %broadcast_in_dim3A_1263 = arith.constant 24 : i32
          %broadcast_in_dim3A_1264 = vector.broadcast %broadcast_in_dim3A_1263 : i32 to vector<16xi32>
          tpu.vector_store_idx %arg17[%broadcast_in_dim3A_1212, %broadcast_in_dim3A_1214, %add3A_1210, %broadcast_in_dim3A_1264], %broadcast_in_dim3A_1 masked %eq3A_1206 : memref<2x5x128x32xf32, #tpu.memory_space<vmem>>[vector<16xi32>, vector<16xi32>, vector<16xi32>, vector<16xi32>], vector<16xf32>, vector<16xi1>
          %broadcast_in_dim3A_1265 = arith.constant 25 : i32
          %broadcast_in_dim3A_1266 = vector.broadcast %broadcast_in_dim3A_1265 : i32 to vector<16xi32>
          tpu.vector_store_idx %arg17[%broadcast_in_dim3A_1212, %broadcast_in_dim3A_1214, %add3A_1210, %broadcast_in_dim3A_1266], %broadcast_in_dim3A_1 masked %eq3A_1206 : memref<2x5x128x32xf32, #tpu.memory_space<vmem>>[vector<16xi32>, vector<16xi32>, vector<16xi32>, vector<16xi32>], vector<16xf32>, vector<16xi1>
          %broadcast_in_dim3A_1267 = arith.constant 26 : i32
          %broadcast_in_dim3A_1268 = vector.broadcast %broadcast_in_dim3A_1267 : i32 to vector<16xi32>
          tpu.vector_store_idx %arg17[%broadcast_in_dim3A_1212, %broadcast_in_dim3A_1214, %add3A_1210, %broadcast_in_dim3A_1268], %broadcast_in_dim3A_1 masked %eq3A_1206 : memref<2x5x128x32xf32, #tpu.memory_space<vmem>>[vector<16xi32>, vector<16xi32>, vector<16xi32>, vector<16xi32>], vector<16xf32>, vector<16xi1>
          %broadcast_in_dim3A_1269 = arith.constant 27 : i32
          %broadcast_in_dim3A_1270 = vector.broadcast %broadcast_in_dim3A_1269 : i32 to vector<16xi32>
          tpu.vector_store_idx %arg17[%broadcast_in_dim3A_1212, %broadcast_in_dim3A_1214, %add3A_1210, %broadcast_in_dim3A_1270], %broadcast_in_dim3A_1 masked %eq3A_1206 : memref<2x5x128x32xf32, #tpu.memory_space<vmem>>[vector<16xi32>, vector<16xi32>, vector<16xi32>, vector<16xi32>], vector<16xf32>, vector<16xi1>
          %broadcast_in_dim3A_1271 = arith.constant 28 : i32
          %broadcast_in_dim3A_1272 = vector.broadcast %broadcast_in_dim3A_1271 : i32 to vector<16xi32>
          tpu.vector_store_idx %arg17[%broadcast_in_dim3A_1212, %broadcast_in_dim3A_1214, %add3A_1210, %broadcast_in_dim3A_1272], %broadcast_in_dim3A_1 masked %eq3A_1206 : memref<2x5x128x32xf32, #tpu.memory_space<vmem>>[vector<16xi32>, vector<16xi32>, vector<16xi32>, vector<16xi32>], vector<16xf32>, vector<16xi1>
          %broadcast_in_dim3A_1273 = arith.constant 29 : i32
          %broadcast_in_dim3A_1274 = vector.broadcast %broadcast_in_dim3A_1273 : i32 to vector<16xi32>
          tpu.vector_store_idx %arg17[%broadcast_in_dim3A_1212, %broadcast_in_dim3A_1214, %add3A_1210, %broadcast_in_dim3A_1274], %broadcast_in_dim3A_1 masked %eq3A_1206 : memref<2x5x128x32xf32, #tpu.memory_space<vmem>>[vector<16xi32>, vector<16xi32>, vector<16xi32>, vector<16xi32>], vector<16xf32>, vector<16xi1>
          %broadcast_in_dim3A_1275 = arith.constant 30 : i32
          %broadcast_in_dim3A_1276 = vector.broadcast %broadcast_in_dim3A_1275 : i32 to vector<16xi32>
          tpu.vector_store_idx %arg17[%broadcast_in_dim3A_1212, %broadcast_in_dim3A_1214, %add3A_1210, %broadcast_in_dim3A_1276], %broadcast_in_dim3A_1 masked %eq3A_1206 : memref<2x5x128x32xf32, #tpu.memory_space<vmem>>[vector<16xi32>, vector<16xi32>, vector<16xi32>, vector<16xi32>], vector<16xf32>, vector<16xi1>
          %broadcast_in_dim3A_1277 = arith.constant 31 : i32
          %broadcast_in_dim3A_1278 = vector.broadcast %broadcast_in_dim3A_1277 : i32 to vector<16xi32>
          tpu.vector_store_idx %arg17[%broadcast_in_dim3A_1212, %broadcast_in_dim3A_1214, %add3A_1210, %broadcast_in_dim3A_1278], %broadcast_in_dim3A_1 masked %eq3A_1206 : memref<2x5x128x32xf32, #tpu.memory_space<vmem>>[vector<16xi32>, vector<16xi32>, vector<16xi32>, vector<16xi32>], vector<16xf32>, vector<16xi1>
        } else {
        }
      }
      %scan3A_738 = arith.constant 8 : i32
      %scan3A_739 = arith.constant 0 : i32
      %scan3A_740 = arith.constant 8 : i32
      %scan3A_741 = arith.addi %scan3A_739, %scan3A_740 : i32
      %scan3A_742 = arith.constant 1 : i32
      scf.for %scan3A_1187 = %scan3A_739 to %scan3A_741 step %scan3A_742  : i32 {
        %mul3A_1188 = arith.constant 16 : i32
        %mul3A_1189 = arith.muli %scan3A_1187, %mul3A_1188 : i32
        %get3A = arith.constant 0 : i32
        %get3A_1190 = arith.constant 3 : i32
        %get3A_1191 = arith.index_cast %get3A : i32 to index
        %get3A_1192 = arith.index_cast %get3A_1190 : i32 to index
        %get3A_1193 = arith.index_cast %mul3A_1189 : i32 to index
        %get3A_1194 = tpu.vector_load %arg15[%get3A_1191, %get3A_1192, %get3A_1193] {strides = array<i32>} : memref<2x5x128xi32, #tpu.memory_space<vmem>>, vector<16xi32>,
        %reduce_min3A = arith.constant true
        %reduce_min3A_1195 = vector.broadcast %reduce_min3A : i1 to vector<16xi1>
        %reduce_min3A_1196 = arith.constant -2147483648 : i32
        %reduce_min3A_1197 = vector.broadcast %reduce_min3A_1196 : i32 to vector<16xi32>
        %reduce_min3A_1198 = arith.xori %get3A_1194, %reduce_min3A_1197 : vector<16xi32>
        %reduce_min3A_1199 = tpu.scan <min>, %reduce_min3A_1198 masked %reduce_min3A_1195 : vector<16xi32>, vector<16xi1> -> vector<16xi32>
        %reduce_min3A_1200 = arith.xori %reduce_min3A_1199, %reduce_min3A_1197 : vector<16xi32>
        %reduce_min3A_1201 = vector.extract %reduce_min3A_1200[15] : i32 from vector<16xi32>
        %eq3A = arith.constant 0 : i32
        %eq3A_1202 = arith.cmpi eq, %reduce_min3A_1201, %eq3A : i32
        %convert_element_type3A = arith.extui %eq3A_1202 : i1 to i32
        %cond3A = arith.constant 0 : i32
        %cond3A_1203 = arith.cmpi ne, %convert_element_type3A, %cond3A : i32
        scf.if %cond3A_1203 {
          %eq3A_1204 = arith.constant 0 : i32
          %eq3A_1205 = vector.broadcast %eq3A_1204 : i32 to vector<16xi32>
          %eq3A_1206 = arith.cmpi eq, %get3A_1194, %eq3A_1205 : vector<16xi32>
          %mul3A_1207 = arith.constant 16 : i32
          %mul3A_1208 = arith.muli %scan3A_1187, %mul3A_1207 : i32
          %add3A_1209 = vector.broadcast %mul3A_1208 : i32 to vector<16xi32>
          %add3A_1210 = arith.addi %add3A_1209, %iota3A : vector<16xi32>
          %broadcast_in_dim3A_1211 = arith.constant 0 : i32
          %broadcast_in_dim3A_1212 = vector.broadcast %broadcast_in_dim3A_1211 : i32 to vector<16xi32>
          %broadcast_in_dim3A_1213 = arith.constant 3 : i32
          %broadcast_in_dim3A_1214 = vector.broadcast %broadcast_in_dim3A_1213 : i32 to vector<16xi32>
          %broadcast_in_dim3A_1215 = arith.constant 0 : i32
          %broadcast_in_dim3A_1216 = vector.broadcast %broadcast_in_dim3A_1215 : i32 to vector<16xi32>
          tpu.vector_store_idx %arg17[%broadcast_in_dim3A_1212, %broadcast_in_dim3A_1214, %add3A_1210, %broadcast_in_dim3A_1216], %broadcast_in_dim3A_1 masked %eq3A_1206 : memref<2x5x128x32xf32, #tpu.memory_space<vmem>>[vector<16xi32>, vector<16xi32>, vector<16xi32>, vector<16xi32>], vector<16xf32>, vector<16xi1>
          %broadcast_in_dim3A_1217 = arith.constant 1 : i32
          %broadcast_in_dim3A_1218 = vector.broadcast %broadcast_in_dim3A_1217 : i32 to vector<16xi32>
          tpu.vector_store_idx %arg17[%broadcast_in_dim3A_1212, %broadcast_in_dim3A_1214, %add3A_1210, %broadcast_in_dim3A_1218], %broadcast_in_dim3A_1 masked %eq3A_1206 : memref<2x5x128x32xf32, #tpu.memory_space<vmem>>[vector<16xi32>, vector<16xi32>, vector<16xi32>, vector<16xi32>], vector<16xf32>, vector<16xi1>
          %broadcast_in_dim3A_1219 = arith.constant 2 : i32
          %broadcast_in_dim3A_1220 = vector.broadcast %broadcast_in_dim3A_1219 : i32 to vector<16xi32>
          tpu.vector_store_idx %arg17[%broadcast_in_dim3A_1212, %broadcast_in_dim3A_1214, %add3A_1210, %broadcast_in_dim3A_1220], %broadcast_in_dim3A_1 masked %eq3A_1206 : memref<2x5x128x32xf32, #tpu.memory_space<vmem>>[vector<16xi32>, vector<16xi32>, vector<16xi32>, vector<16xi32>], vector<16xf32>, vector<16xi1>
          %broadcast_in_dim3A_1221 = arith.constant 3 : i32
          %broadcast_in_dim3A_1222 = vector.broadcast %broadcast_in_dim3A_1221 : i32 to vector<16xi32>
          tpu.vector_store_idx %arg17[%broadcast_in_dim3A_1212, %broadcast_in_dim3A_1214, %add3A_1210, %broadcast_in_dim3A_1222], %broadcast_in_dim3A_1 masked %eq3A_1206 : memref<2x5x128x32xf32, #tpu.memory_space<vmem>>[vector<16xi32>, vector<16xi32>, vector<16xi32>, vector<16xi32>], vector<16xf32>, vector<16xi1>
          %broadcast_in_dim3A_1223 = arith.constant 4 : i32
          %broadcast_in_dim3A_1224 = vector.broadcast %broadcast_in_dim3A_1223 : i32 to vector<16xi32>
          tpu.vector_store_idx %arg17[%broadcast_in_dim3A_1212, %broadcast_in_dim3A_1214, %add3A_1210, %broadcast_in_dim3A_1224], %broadcast_in_dim3A_1 masked %eq3A_1206 : memref<2x5x128x32xf32, #tpu.memory_space<vmem>>[vector<16xi32>, vector<16xi32>, vector<16xi32>, vector<16xi32>], vector<16xf32>, vector<16xi1>
          %broadcast_in_dim3A_1225 = arith.constant 5 : i32
          %broadcast_in_dim3A_1226 = vector.broadcast %broadcast_in_dim3A_1225 : i32 to vector<16xi32>
          tpu.vector_store_idx %arg17[%broadcast_in_dim3A_1212, %broadcast_in_dim3A_1214, %add3A_1210, %broadcast_in_dim3A_1226], %broadcast_in_dim3A_1 masked %eq3A_1206 : memref<2x5x128x32xf32, #tpu.memory_space<vmem>>[vector<16xi32>, vector<16xi32>, vector<16xi32>, vector<16xi32>], vector<16xf32>, vector<16xi1>
          %broadcast_in_dim3A_1227 = arith.constant 6 : i32
          %broadcast_in_dim3A_1228 = vector.broadcast %broadcast_in_dim3A_1227 : i32 to vector<16xi32>
          tpu.vector_store_idx %arg17[%broadcast_in_dim3A_1212, %broadcast_in_dim3A_1214, %add3A_1210, %broadcast_in_dim3A_1228], %broadcast_in_dim3A_1 masked %eq3A_1206 : memref<2x5x128x32xf32, #tpu.memory_space<vmem>>[vector<16xi32>, vector<16xi32>, vector<16xi32>, vector<16xi32>], vector<16xf32>, vector<16xi1>
          %broadcast_in_dim3A_1229 = arith.constant 7 : i32
          %broadcast_in_dim3A_1230 = vector.broadcast %broadcast_in_dim3A_1229 : i32 to vector<16xi32>
          tpu.vector_store_idx %arg17[%broadcast_in_dim3A_1212, %broadcast_in_dim3A_1214, %add3A_1210, %broadcast_in_dim3A_1230], %broadcast_in_dim3A_1 masked %eq3A_1206 : memref<2x5x128x32xf32, #tpu.memory_space<vmem>>[vector<16xi32>, vector<16xi32>, vector<16xi32>, vector<16xi32>], vector<16xf32>, vector<16xi1>
          %broadcast_in_dim3A_1231 = arith.constant 8 : i32
          %broadcast_in_dim3A_1232 = vector.broadcast %broadcast_in_dim3A_1231 : i32 to vector<16xi32>
          tpu.vector_store_idx %arg17[%broadcast_in_dim3A_1212, %broadcast_in_dim3A_1214, %add3A_1210, %broadcast_in_dim3A_1232], %broadcast_in_dim3A_1 masked %eq3A_1206 : memref<2x5x128x32xf32, #tpu.memory_space<vmem>>[vector<16xi32>, vector<16xi32>, vector<16xi32>, vector<16xi32>], vector<16xf32>, vector<16xi1>
          %broadcast_in_dim3A_1233 = arith.constant 9 : i32
          %broadcast_in_dim3A_1234 = vector.broadcast %broadcast_in_dim3A_1233 : i32 to vector<16xi32>
          tpu.vector_store_idx %arg17[%broadcast_in_dim3A_1212, %broadcast_in_dim3A_1214, %add3A_1210, %broadcast_in_dim3A_1234], %broadcast_in_dim3A_1 masked %eq3A_1206 : memref<2x5x128x32xf32, #tpu.memory_space<vmem>>[vector<16xi32>, vector<16xi32>, vector<16xi32>, vector<16xi32>], vector<16xf32>, vector<16xi1>
          %broadcast_in_dim3A_1235 = arith.constant 10 : i32
          %broadcast_in_dim3A_1236 = vector.broadcast %broadcast_in_dim3A_1235 : i32 to vector<16xi32>
          tpu.vector_store_idx %arg17[%broadcast_in_dim3A_1212, %broadcast_in_dim3A_1214, %add3A_1210, %broadcast_in_dim3A_1236], %broadcast_in_dim3A_1 masked %eq3A_1206 : memref<2x5x128x32xf32, #tpu.memory_space<vmem>>[vector<16xi32>, vector<16xi32>, vector<16xi32>, vector<16xi32>], vector<16xf32>, vector<16xi1>
          %broadcast_in_dim3A_1237 = arith.constant 11 : i32
          %broadcast_in_dim3A_1238 = vector.broadcast %broadcast_in_dim3A_1237 : i32 to vector<16xi32>
          tpu.vector_store_idx %arg17[%broadcast_in_dim3A_1212, %broadcast_in_dim3A_1214, %add3A_1210, %broadcast_in_dim3A_1238], %broadcast_in_dim3A_1 masked %eq3A_1206 : memref<2x5x128x32xf32, #tpu.memory_space<vmem>>[vector<16xi32>, vector<16xi32>, vector<16xi32>, vector<16xi32>], vector<16xf32>, vector<16xi1>
          %broadcast_in_dim3A_1239 = arith.constant 12 : i32
          %broadcast_in_dim3A_1240 = vector.broadcast %broadcast_in_dim3A_1239 : i32 to vector<16xi32>
          tpu.vector_store_idx %arg17[%broadcast_in_dim3A_1212, %broadcast_in_dim3A_1214, %add3A_1210, %broadcast_in_dim3A_1240], %broadcast_in_dim3A_1 masked %eq3A_1206 : memref<2x5x128x32xf32, #tpu.memory_space<vmem>>[vector<16xi32>, vector<16xi32>, vector<16xi32>, vector<16xi32>], vector<16xf32>, vector<16xi1>
          %broadcast_in_dim3A_1241 = arith.constant 13 : i32
          %broadcast_in_dim3A_1242 = vector.broadcast %broadcast_in_dim3A_1241 : i32 to vector<16xi32>
          tpu.vector_store_idx %arg17[%broadcast_in_dim3A_1212, %broadcast_in_dim3A_1214, %add3A_1210, %broadcast_in_dim3A_1242], %broadcast_in_dim3A_1 masked %eq3A_1206 : memref<2x5x128x32xf32, #tpu.memory_space<vmem>>[vector<16xi32>, vector<16xi32>, vector<16xi32>, vector<16xi32>], vector<16xf32>, vector<16xi1>
          %broadcast_in_dim3A_1243 = arith.constant 14 : i32
          %broadcast_in_dim3A_1244 = vector.broadcast %broadcast_in_dim3A_1243 : i32 to vector<16xi32>
          tpu.vector_store_idx %arg17[%broadcast_in_dim3A_1212, %broadcast_in_dim3A_1214, %add3A_1210, %broadcast_in_dim3A_1244], %broadcast_in_dim3A_1 masked %eq3A_1206 : memref<2x5x128x32xf32, #tpu.memory_space<vmem>>[vector<16xi32>, vector<16xi32>, vector<16xi32>, vector<16xi32>], vector<16xf32>, vector<16xi1>
          %broadcast_in_dim3A_1245 = arith.constant 15 : i32
          %broadcast_in_dim3A_1246 = vector.broadcast %broadcast_in_dim3A_1245 : i32 to vector<16xi32>
          tpu.vector_store_idx %arg17[%broadcast_in_dim3A_1212, %broadcast_in_dim3A_1214, %add3A_1210, %broadcast_in_dim3A_1246], %broadcast_in_dim3A_1 masked %eq3A_1206 : memref<2x5x128x32xf32, #tpu.memory_space<vmem>>[vector<16xi32>, vector<16xi32>, vector<16xi32>, vector<16xi32>], vector<16xf32>, vector<16xi1>
          %broadcast_in_dim3A_1247 = arith.constant 16 : i32
          %broadcast_in_dim3A_1248 = vector.broadcast %broadcast_in_dim3A_1247 : i32 to vector<16xi32>
          tpu.vector_store_idx %arg17[%broadcast_in_dim3A_1212, %broadcast_in_dim3A_1214, %add3A_1210, %broadcast_in_dim3A_1248], %broadcast_in_dim3A_1 masked %eq3A_1206 : memref<2x5x128x32xf32, #tpu.memory_space<vmem>>[vector<16xi32>, vector<16xi32>, vector<16xi32>, vector<16xi32>], vector<16xf32>, vector<16xi1>
          %broadcast_in_dim3A_1249 = arith.constant 17 : i32
          %broadcast_in_dim3A_1250 = vector.broadcast %broadcast_in_dim3A_1249 : i32 to vector<16xi32>
          tpu.vector_store_idx %arg17[%broadcast_in_dim3A_1212, %broadcast_in_dim3A_1214, %add3A_1210, %broadcast_in_dim3A_1250], %broadcast_in_dim3A_1 masked %eq3A_1206 : memref<2x5x128x32xf32, #tpu.memory_space<vmem>>[vector<16xi32>, vector<16xi32>, vector<16xi32>, vector<16xi32>], vector<16xf32>, vector<16xi1>
          %broadcast_in_dim3A_1251 = arith.constant 18 : i32
          %broadcast_in_dim3A_1252 = vector.broadcast %broadcast_in_dim3A_1251 : i32 to vector<16xi32>
          tpu.vector_store_idx %arg17[%broadcast_in_dim3A_1212, %broadcast_in_dim3A_1214, %add3A_1210, %broadcast_in_dim3A_1252], %broadcast_in_dim3A_1 masked %eq3A_1206 : memref<2x5x128x32xf32, #tpu.memory_space<vmem>>[vector<16xi32>, vector<16xi32>, vector<16xi32>, vector<16xi32>], vector<16xf32>, vector<16xi1>
          %broadcast_in_dim3A_1253 = arith.constant 19 : i32
          %broadcast_in_dim3A_1254 = vector.broadcast %broadcast_in_dim3A_1253 : i32 to vector<16xi32>
          tpu.vector_store_idx %arg17[%broadcast_in_dim3A_1212, %broadcast_in_dim3A_1214, %add3A_1210, %broadcast_in_dim3A_1254], %broadcast_in_dim3A_1 masked %eq3A_1206 : memref<2x5x128x32xf32, #tpu.memory_space<vmem>>[vector<16xi32>, vector<16xi32>, vector<16xi32>, vector<16xi32>], vector<16xf32>, vector<16xi1>
          %broadcast_in_dim3A_1255 = arith.constant 20 : i32
          %broadcast_in_dim3A_1256 = vector.broadcast %broadcast_in_dim3A_1255 : i32 to vector<16xi32>
          tpu.vector_store_idx %arg17[%broadcast_in_dim3A_1212, %broadcast_in_dim3A_1214, %add3A_1210, %broadcast_in_dim3A_1256], %broadcast_in_dim3A_1 masked %eq3A_1206 : memref<2x5x128x32xf32, #tpu.memory_space<vmem>>[vector<16xi32>, vector<16xi32>, vector<16xi32>, vector<16xi32>], vector<16xf32>, vector<16xi1>
          %broadcast_in_dim3A_1257 = arith.constant 21 : i32
          %broadcast_in_dim3A_1258 = vector.broadcast %broadcast_in_dim3A_1257 : i32 to vector<16xi32>
          tpu.vector_store_idx %arg17[%broadcast_in_dim3A_1212, %broadcast_in_dim3A_1214, %add3A_1210, %broadcast_in_dim3A_1258], %broadcast_in_dim3A_1 masked %eq3A_1206 : memref<2x5x128x32xf32, #tpu.memory_space<vmem>>[vector<16xi32>, vector<16xi32>, vector<16xi32>, vector<16xi32>], vector<16xf32>, vector<16xi1>
          %broadcast_in_dim3A_1259 = arith.constant 22 : i32
          %broadcast_in_dim3A_1260 = vector.broadcast %broadcast_in_dim3A_1259 : i32 to vector<16xi32>
          tpu.vector_store_idx %arg17[%broadcast_in_dim3A_1212, %broadcast_in_dim3A_1214, %add3A_1210, %broadcast_in_dim3A_1260], %broadcast_in_dim3A_1 masked %eq3A_1206 : memref<2x5x128x32xf32, #tpu.memory_space<vmem>>[vector<16xi32>, vector<16xi32>, vector<16xi32>, vector<16xi32>], vector<16xf32>, vector<16xi1>
          %broadcast_in_dim3A_1261 = arith.constant 23 : i32
          %broadcast_in_dim3A_1262 = vector.broadcast %broadcast_in_dim3A_1261 : i32 to vector<16xi32>
          tpu.vector_store_idx %arg17[%broadcast_in_dim3A_1212, %broadcast_in_dim3A_1214, %add3A_1210, %broadcast_in_dim3A_1262], %broadcast_in_dim3A_1 masked %eq3A_1206 : memref<2x5x128x32xf32, #tpu.memory_space<vmem>>[vector<16xi32>, vector<16xi32>, vector<16xi32>, vector<16xi32>], vector<16xf32>, vector<16xi1>
          %broadcast_in_dim3A_1263 = arith.constant 24 : i32
          %broadcast_in_dim3A_1264 = vector.broadcast %broadcast_in_dim3A_1263 : i32 to vector<16xi32>
          tpu.vector_store_idx %arg17[%broadcast_in_dim3A_1212, %broadcast_in_dim3A_1214, %add3A_1210, %broadcast_in_dim3A_1264], %broadcast_in_dim3A_1 masked %eq3A_1206 : memref<2x5x128x32xf32, #tpu.memory_space<vmem>>[vector<16xi32>, vector<16xi32>, vector<16xi32>, vector<16xi32>], vector<16xf32>, vector<16xi1>
          %broadcast_in_dim3A_1265 = arith.constant 25 : i32
          %broadcast_in_dim3A_1266 = vector.broadcast %broadcast_in_dim3A_1265 : i32 to vector<16xi32>
          tpu.vector_store_idx %arg17[%broadcast_in_dim3A_1212, %broadcast_in_dim3A_1214, %add3A_1210, %broadcast_in_dim3A_1266], %broadcast_in_dim3A_1 masked %eq3A_1206 : memref<2x5x128x32xf32, #tpu.memory_space<vmem>>[vector<16xi32>, vector<16xi32>, vector<16xi32>, vector<16xi32>], vector<16xf32>, vector<16xi1>
          %broadcast_in_dim3A_1267 = arith.constant 26 : i32
          %broadcast_in_dim3A_1268 = vector.broadcast %broadcast_in_dim3A_1267 : i32 to vector<16xi32>
          tpu.vector_store_idx %arg17[%broadcast_in_dim3A_1212, %broadcast_in_dim3A_1214, %add3A_1210, %broadcast_in_dim3A_1268], %broadcast_in_dim3A_1 masked %eq3A_1206 : memref<2x5x128x32xf32, #tpu.memory_space<vmem>>[vector<16xi32>, vector<16xi32>, vector<16xi32>, vector<16xi32>], vector<16xf32>, vector<16xi1>
          %broadcast_in_dim3A_1269 = arith.constant 27 : i32
          %broadcast_in_dim3A_1270 = vector.broadcast %broadcast_in_dim3A_1269 : i32 to vector<16xi32>
          tpu.vector_store_idx %arg17[%broadcast_in_dim3A_1212, %broadcast_in_dim3A_1214, %add3A_1210, %broadcast_in_dim3A_1270], %broadcast_in_dim3A_1 masked %eq3A_1206 : memref<2x5x128x32xf32, #tpu.memory_space<vmem>>[vector<16xi32>, vector<16xi32>, vector<16xi32>, vector<16xi32>], vector<16xf32>, vector<16xi1>
          %broadcast_in_dim3A_1271 = arith.constant 28 : i32
          %broadcast_in_dim3A_1272 = vector.broadcast %broadcast_in_dim3A_1271 : i32 to vector<16xi32>
          tpu.vector_store_idx %arg17[%broadcast_in_dim3A_1212, %broadcast_in_dim3A_1214, %add3A_1210, %broadcast_in_dim3A_1272], %broadcast_in_dim3A_1 masked %eq3A_1206 : memref<2x5x128x32xf32, #tpu.memory_space<vmem>>[vector<16xi32>, vector<16xi32>, vector<16xi32>, vector<16xi32>], vector<16xf32>, vector<16xi1>
          %broadcast_in_dim3A_1273 = arith.constant 29 : i32
          %broadcast_in_dim3A_1274 = vector.broadcast %broadcast_in_dim3A_1273 : i32 to vector<16xi32>
          tpu.vector_store_idx %arg17[%broadcast_in_dim3A_1212, %broadcast_in_dim3A_1214, %add3A_1210, %broadcast_in_dim3A_1274], %broadcast_in_dim3A_1 masked %eq3A_1206 : memref<2x5x128x32xf32, #tpu.memory_space<vmem>>[vector<16xi32>, vector<16xi32>, vector<16xi32>, vector<16xi32>], vector<16xf32>, vector<16xi1>
          %broadcast_in_dim3A_1275 = arith.constant 30 : i32
          %broadcast_in_dim3A_1276 = vector.broadcast %broadcast_in_dim3A_1275 : i32 to vector<16xi32>
          tpu.vector_store_idx %arg17[%broadcast_in_dim3A_1212, %broadcast_in_dim3A_1214, %add3A_1210, %broadcast_in_dim3A_1276], %broadcast_in_dim3A_1 masked %eq3A_1206 : memref<2x5x128x32xf32, #tpu.memory_space<vmem>>[vector<16xi32>, vector<16xi32>, vector<16xi32>, vector<16xi32>], vector<16xf32>, vector<16xi1>
          %broadcast_in_dim3A_1277 = arith.constant 31 : i32
          %broadcast_in_dim3A_1278 = vector.broadcast %broadcast_in_dim3A_1277 : i32 to vector<16xi32>
          tpu.vector_store_idx %arg17[%broadcast_in_dim3A_1212, %broadcast_in_dim3A_1214, %add3A_1210, %broadcast_in_dim3A_1278], %broadcast_in_dim3A_1 masked %eq3A_1206 : memref<2x5x128x32xf32, #tpu.memory_space<vmem>>[vector<16xi32>, vector<16xi32>, vector<16xi32>, vector<16xi32>], vector<16xf32>, vector<16xi1>
        } else {
        }
      }
      %scan3A_743 = arith.constant 8 : i32
      %scan3A_744 = arith.constant 0 : i32
      %scan3A_745 = arith.constant 8 : i32
      %scan3A_746 = arith.addi %scan3A_744, %scan3A_745 : i32
      %scan3A_747 = arith.constant 1 : i32
      scf.for %scan3A_1187 = %scan3A_744 to %scan3A_746 step %scan3A_747  : i32 {
        %mul3A_1188 = arith.constant 16 : i32
        %mul3A_1189 = arith.muli %scan3A_1187, %mul3A_1188 : i32
        %get3A = arith.constant 0 : i32
        %get3A_1190 = arith.constant 4 : i32
        %get3A_1191 = arith.index_cast %get3A : i32 to index
        %get3A_1192 = arith.index_cast %get3A_1190 : i32 to index
        %get3A_1193 = arith.index_cast %mul3A_1189 : i32 to index
        %get3A_1194 = tpu.vector_load %arg15[%get3A_1191, %get3A_1192, %get3A_1193] {strides = array<i32>} : memref<2x5x128xi32, #tpu.memory_space<vmem>>, vector<16xi32>,
        %reduce_min3A = arith.constant true
        %reduce_min3A_1195 = vector.broadcast %reduce_min3A : i1 to vector<16xi1>
        %reduce_min3A_1196 = arith.constant -2147483648 : i32
        %reduce_min3A_1197 = vector.broadcast %reduce_min3A_1196 : i32 to vector<16xi32>
        %reduce_min3A_1198 = arith.xori %get3A_1194, %reduce_min3A_1197 : vector<16xi32>
        %reduce_min3A_1199 = tpu.scan <min>, %reduce_min3A_1198 masked %reduce_min3A_1195 : vector<16xi32>, vector<16xi1> -> vector<16xi32>
        %reduce_min3A_1200 = arith.xori %reduce_min3A_1199, %reduce_min3A_1197 : vector<16xi32>
        %reduce_min3A_1201 = vector.extract %reduce_min3A_1200[15] : i32 from vector<16xi32>
        %eq3A = arith.constant 0 : i32
        %eq3A_1202 = arith.cmpi eq, %reduce_min3A_1201, %eq3A : i32
        %convert_element_type3A = arith.extui %eq3A_1202 : i1 to i32
        %cond3A = arith.constant 0 : i32
        %cond3A_1203 = arith.cmpi ne, %convert_element_type3A, %cond3A : i32
        scf.if %cond3A_1203 {
          %eq3A_1204 = arith.constant 0 : i32
          %eq3A_1205 = vector.broadcast %eq3A_1204 : i32 to vector<16xi32>
          %eq3A_1206 = arith.cmpi eq, %get3A_1194, %eq3A_1205 : vector<16xi32>
          %mul3A_1207 = arith.constant 16 : i32
          %mul3A_1208 = arith.muli %scan3A_1187, %mul3A_1207 : i32
          %add3A_1209 = vector.broadcast %mul3A_1208 : i32 to vector<16xi32>
          %add3A_1210 = arith.addi %add3A_1209, %iota3A : vector<16xi32>
          %broadcast_in_dim3A_1211 = arith.constant 0 : i32
          %broadcast_in_dim3A_1212 = vector.broadcast %broadcast_in_dim3A_1211 : i32 to vector<16xi32>
          %broadcast_in_dim3A_1213 = arith.constant 4 : i32
          %broadcast_in_dim3A_1214 = vector.broadcast %broadcast_in_dim3A_1213 : i32 to vector<16xi32>
          %broadcast_in_dim3A_1215 = arith.constant 0 : i32
          %broadcast_in_dim3A_1216 = vector.broadcast %broadcast_in_dim3A_1215 : i32 to vector<16xi32>
          tpu.vector_store_idx %arg17[%broadcast_in_dim3A_1212, %broadcast_in_dim3A_1214, %add3A_1210, %broadcast_in_dim3A_1216], %broadcast_in_dim3A_1 masked %eq3A_1206 : memref<2x5x128x32xf32, #tpu.memory_space<vmem>>[vector<16xi32>, vector<16xi32>, vector<16xi32>, vector<16xi32>], vector<16xf32>, vector<16xi1>
          %broadcast_in_dim3A_1217 = arith.constant 1 : i32
          %broadcast_in_dim3A_1218 = vector.broadcast %broadcast_in_dim3A_1217 : i32 to vector<16xi32>
          tpu.vector_store_idx %arg17[%broadcast_in_dim3A_1212, %broadcast_in_dim3A_1214, %add3A_1210, %broadcast_in_dim3A_1218], %broadcast_in_dim3A_1 masked %eq3A_1206 : memref<2x5x128x32xf32, #tpu.memory_space<vmem>>[vector<16xi32>, vector<16xi32>, vector<16xi32>, vector<16xi32>], vector<16xf32>, vector<16xi1>
          %broadcast_in_dim3A_1219 = arith.constant 2 : i32
          %broadcast_in_dim3A_1220 = vector.broadcast %broadcast_in_dim3A_1219 : i32 to vector<16xi32>
          tpu.vector_store_idx %arg17[%broadcast_in_dim3A_1212, %broadcast_in_dim3A_1214, %add3A_1210, %broadcast_in_dim3A_1220], %broadcast_in_dim3A_1 masked %eq3A_1206 : memref<2x5x128x32xf32, #tpu.memory_space<vmem>>[vector<16xi32>, vector<16xi32>, vector<16xi32>, vector<16xi32>], vector<16xf32>, vector<16xi1>
          %broadcast_in_dim3A_1221 = arith.constant 3 : i32
          %broadcast_in_dim3A_1222 = vector.broadcast %broadcast_in_dim3A_1221 : i32 to vector<16xi32>
          tpu.vector_store_idx %arg17[%broadcast_in_dim3A_1212, %broadcast_in_dim3A_1214, %add3A_1210, %broadcast_in_dim3A_1222], %broadcast_in_dim3A_1 masked %eq3A_1206 : memref<2x5x128x32xf32, #tpu.memory_space<vmem>>[vector<16xi32>, vector<16xi32>, vector<16xi32>, vector<16xi32>], vector<16xf32>, vector<16xi1>
          %broadcast_in_dim3A_1223 = arith.constant 4 : i32
          %broadcast_in_dim3A_1224 = vector.broadcast %broadcast_in_dim3A_1223 : i32 to vector<16xi32>
          tpu.vector_store_idx %arg17[%broadcast_in_dim3A_1212, %broadcast_in_dim3A_1214, %add3A_1210, %broadcast_in_dim3A_1224], %broadcast_in_dim3A_1 masked %eq3A_1206 : memref<2x5x128x32xf32, #tpu.memory_space<vmem>>[vector<16xi32>, vector<16xi32>, vector<16xi32>, vector<16xi32>], vector<16xf32>, vector<16xi1>
          %broadcast_in_dim3A_1225 = arith.constant 5 : i32
          %broadcast_in_dim3A_1226 = vector.broadcast %broadcast_in_dim3A_1225 : i32 to vector<16xi32>
          tpu.vector_store_idx %arg17[%broadcast_in_dim3A_1212, %broadcast_in_dim3A_1214, %add3A_1210, %broadcast_in_dim3A_1226], %broadcast_in_dim3A_1 masked %eq3A_1206 : memref<2x5x128x32xf32, #tpu.memory_space<vmem>>[vector<16xi32>, vector<16xi32>, vector<16xi32>, vector<16xi32>], vector<16xf32>, vector<16xi1>
          %broadcast_in_dim3A_1227 = arith.constant 6 : i32
          %broadcast_in_dim3A_1228 = vector.broadcast %broadcast_in_dim3A_1227 : i32 to vector<16xi32>
          tpu.vector_store_idx %arg17[%broadcast_in_dim3A_1212, %broadcast_in_dim3A_1214, %add3A_1210, %broadcast_in_dim3A_1228], %broadcast_in_dim3A_1 masked %eq3A_1206 : memref<2x5x128x32xf32, #tpu.memory_space<vmem>>[vector<16xi32>, vector<16xi32>, vector<16xi32>, vector<16xi32>], vector<16xf32>, vector<16xi1>
          %broadcast_in_dim3A_1229 = arith.constant 7 : i32
          %broadcast_in_dim3A_1230 = vector.broadcast %broadcast_in_dim3A_1229 : i32 to vector<16xi32>
          tpu.vector_store_idx %arg17[%broadcast_in_dim3A_1212, %broadcast_in_dim3A_1214, %add3A_1210, %broadcast_in_dim3A_1230], %broadcast_in_dim3A_1 masked %eq3A_1206 : memref<2x5x128x32xf32, #tpu.memory_space<vmem>>[vector<16xi32>, vector<16xi32>, vector<16xi32>, vector<16xi32>], vector<16xf32>, vector<16xi1>
          %broadcast_in_dim3A_1231 = arith.constant 8 : i32
          %broadcast_in_dim3A_1232 = vector.broadcast %broadcast_in_dim3A_1231 : i32 to vector<16xi32>
          tpu.vector_store_idx %arg17[%broadcast_in_dim3A_1212, %broadcast_in_dim3A_1214, %add3A_1210, %broadcast_in_dim3A_1232], %broadcast_in_dim3A_1 masked %eq3A_1206 : memref<2x5x128x32xf32, #tpu.memory_space<vmem>>[vector<16xi32>, vector<16xi32>, vector<16xi32>, vector<16xi32>], vector<16xf32>, vector<16xi1>
          %broadcast_in_dim3A_1233 = arith.constant 9 : i32
          %broadcast_in_dim3A_1234 = vector.broadcast %broadcast_in_dim3A_1233 : i32 to vector<16xi32>
          tpu.vector_store_idx %arg17[%broadcast_in_dim3A_1212, %broadcast_in_dim3A_1214, %add3A_1210, %broadcast_in_dim3A_1234], %broadcast_in_dim3A_1 masked %eq3A_1206 : memref<2x5x128x32xf32, #tpu.memory_space<vmem>>[vector<16xi32>, vector<16xi32>, vector<16xi32>, vector<16xi32>], vector<16xf32>, vector<16xi1>
          %broadcast_in_dim3A_1235 = arith.constant 10 : i32
          %broadcast_in_dim3A_1236 = vector.broadcast %broadcast_in_dim3A_1235 : i32 to vector<16xi32>
          tpu.vector_store_idx %arg17[%broadcast_in_dim3A_1212, %broadcast_in_dim3A_1214, %add3A_1210, %broadcast_in_dim3A_1236], %broadcast_in_dim3A_1 masked %eq3A_1206 : memref<2x5x128x32xf32, #tpu.memory_space<vmem>>[vector<16xi32>, vector<16xi32>, vector<16xi32>, vector<16xi32>], vector<16xf32>, vector<16xi1>
          %broadcast_in_dim3A_1237 = arith.constant 11 : i32
          %broadcast_in_dim3A_1238 = vector.broadcast %broadcast_in_dim3A_1237 : i32 to vector<16xi32>
          tpu.vector_store_idx %arg17[%broadcast_in_dim3A_1212, %broadcast_in_dim3A_1214, %add3A_1210, %broadcast_in_dim3A_1238], %broadcast_in_dim3A_1 masked %eq3A_1206 : memref<2x5x128x32xf32, #tpu.memory_space<vmem>>[vector<16xi32>, vector<16xi32>, vector<16xi32>, vector<16xi32>], vector<16xf32>, vector<16xi1>
          %broadcast_in_dim3A_1239 = arith.constant 12 : i32
          %broadcast_in_dim3A_1240 = vector.broadcast %broadcast_in_dim3A_1239 : i32 to vector<16xi32>
          tpu.vector_store_idx %arg17[%broadcast_in_dim3A_1212, %broadcast_in_dim3A_1214, %add3A_1210, %broadcast_in_dim3A_1240], %broadcast_in_dim3A_1 masked %eq3A_1206 : memref<2x5x128x32xf32, #tpu.memory_space<vmem>>[vector<16xi32>, vector<16xi32>, vector<16xi32>, vector<16xi32>], vector<16xf32>, vector<16xi1>
          %broadcast_in_dim3A_1241 = arith.constant 13 : i32
          %broadcast_in_dim3A_1242 = vector.broadcast %broadcast_in_dim3A_1241 : i32 to vector<16xi32>
          tpu.vector_store_idx %arg17[%broadcast_in_dim3A_1212, %broadcast_in_dim3A_1214, %add3A_1210, %broadcast_in_dim3A_1242], %broadcast_in_dim3A_1 masked %eq3A_1206 : memref<2x5x128x32xf32, #tpu.memory_space<vmem>>[vector<16xi32>, vector<16xi32>, vector<16xi32>, vector<16xi32>], vector<16xf32>, vector<16xi1>
          %broadcast_in_dim3A_1243 = arith.constant 14 : i32
          %broadcast_in_dim3A_1244 = vector.broadcast %broadcast_in_dim3A_1243 : i32 to vector<16xi32>
          tpu.vector_store_idx %arg17[%broadcast_in_dim3A_1212, %broadcast_in_dim3A_1214, %add3A_1210, %broadcast_in_dim3A_1244], %broadcast_in_dim3A_1 masked %eq3A_1206 : memref<2x5x128x32xf32, #tpu.memory_space<vmem>>[vector<16xi32>, vector<16xi32>, vector<16xi32>, vector<16xi32>], vector<16xf32>, vector<16xi1>
          %broadcast_in_dim3A_1245 = arith.constant 15 : i32
          %broadcast_in_dim3A_1246 = vector.broadcast %broadcast_in_dim3A_1245 : i32 to vector<16xi32>
          tpu.vector_store_idx %arg17[%broadcast_in_dim3A_1212, %broadcast_in_dim3A_1214, %add3A_1210, %broadcast_in_dim3A_1246], %broadcast_in_dim3A_1 masked %eq3A_1206 : memref<2x5x128x32xf32, #tpu.memory_space<vmem>>[vector<16xi32>, vector<16xi32>, vector<16xi32>, vector<16xi32>], vector<16xf32>, vector<16xi1>
          %broadcast_in_dim3A_1247 = arith.constant 16 : i32
          %broadcast_in_dim3A_1248 = vector.broadcast %broadcast_in_dim3A_1247 : i32 to vector<16xi32>
          tpu.vector_store_idx %arg17[%broadcast_in_dim3A_1212, %broadcast_in_dim3A_1214, %add3A_1210, %broadcast_in_dim3A_1248], %broadcast_in_dim3A_1 masked %eq3A_1206 : memref<2x5x128x32xf32, #tpu.memory_space<vmem>>[vector<16xi32>, vector<16xi32>, vector<16xi32>, vector<16xi32>], vector<16xf32>, vector<16xi1>
          %broadcast_in_dim3A_1249 = arith.constant 17 : i32
          %broadcast_in_dim3A_1250 = vector.broadcast %broadcast_in_dim3A_1249 : i32 to vector<16xi32>
          tpu.vector_store_idx %arg17[%broadcast_in_dim3A_1212, %broadcast_in_dim3A_1214, %add3A_1210, %broadcast_in_dim3A_1250], %broadcast_in_dim3A_1 masked %eq3A_1206 : memref<2x5x128x32xf32, #tpu.memory_space<vmem>>[vector<16xi32>, vector<16xi32>, vector<16xi32>, vector<16xi32>], vector<16xf32>, vector<16xi1>
          %broadcast_in_dim3A_1251 = arith.constant 18 : i32
          %broadcast_in_dim3A_1252 = vector.broadcast %broadcast_in_dim3A_1251 : i32 to vector<16xi32>
          tpu.vector_store_idx %arg17[%broadcast_in_dim3A_1212, %broadcast_in_dim3A_1214, %add3A_1210, %broadcast_in_dim3A_1252], %broadcast_in_dim3A_1 masked %eq3A_1206 : memref<2x5x128x32xf32, #tpu.memory_space<vmem>>[vector<16xi32>, vector<16xi32>, vector<16xi32>, vector<16xi32>], vector<16xf32>, vector<16xi1>
          %broadcast_in_dim3A_1253 = arith.constant 19 : i32
          %broadcast_in_dim3A_1254 = vector.broadcast %broadcast_in_dim3A_1253 : i32 to vector<16xi32>
          tpu.vector_store_idx %arg17[%broadcast_in_dim3A_1212, %broadcast_in_dim3A_1214, %add3A_1210, %broadcast_in_dim3A_1254], %broadcast_in_dim3A_1 masked %eq3A_1206 : memref<2x5x128x32xf32, #tpu.memory_space<vmem>>[vector<16xi32>, vector<16xi32>, vector<16xi32>, vector<16xi32>], vector<16xf32>, vector<16xi1>
          %broadcast_in_dim3A_1255 = arith.constant 20 : i32
          %broadcast_in_dim3A_1256 = vector.broadcast %broadcast_in_dim3A_1255 : i32 to vector<16xi32>
          tpu.vector_store_idx %arg17[%broadcast_in_dim3A_1212, %broadcast_in_dim3A_1214, %add3A_1210, %broadcast_in_dim3A_1256], %broadcast_in_dim3A_1 masked %eq3A_1206 : memref<2x5x128x32xf32, #tpu.memory_space<vmem>>[vector<16xi32>, vector<16xi32>, vector<16xi32>, vector<16xi32>], vector<16xf32>, vector<16xi1>
          %broadcast_in_dim3A_1257 = arith.constant 21 : i32
          %broadcast_in_dim3A_1258 = vector.broadcast %broadcast_in_dim3A_1257 : i32 to vector<16xi32>
          tpu.vector_store_idx %arg17[%broadcast_in_dim3A_1212, %broadcast_in_dim3A_1214, %add3A_1210, %broadcast_in_dim3A_1258], %broadcast_in_dim3A_1 masked %eq3A_1206 : memref<2x5x128x32xf32, #tpu.memory_space<vmem>>[vector<16xi32>, vector<16xi32>, vector<16xi32>, vector<16xi32>], vector<16xf32>, vector<16xi1>
          %broadcast_in_dim3A_1259 = arith.constant 22 : i32
          %broadcast_in_dim3A_1260 = vector.broadcast %broadcast_in_dim3A_1259 : i32 to vector<16xi32>
          tpu.vector_store_idx %arg17[%broadcast_in_dim3A_1212, %broadcast_in_dim3A_1214, %add3A_1210, %broadcast_in_dim3A_1260], %broadcast_in_dim3A_1 masked %eq3A_1206 : memref<2x5x128x32xf32, #tpu.memory_space<vmem>>[vector<16xi32>, vector<16xi32>, vector<16xi32>, vector<16xi32>], vector<16xf32>, vector<16xi1>
          %broadcast_in_dim3A_1261 = arith.constant 23 : i32
          %broadcast_in_dim3A_1262 = vector.broadcast %broadcast_in_dim3A_1261 : i32 to vector<16xi32>
          tpu.vector_store_idx %arg17[%broadcast_in_dim3A_1212, %broadcast_in_dim3A_1214, %add3A_1210, %broadcast_in_dim3A_1262], %broadcast_in_dim3A_1 masked %eq3A_1206 : memref<2x5x128x32xf32, #tpu.memory_space<vmem>>[vector<16xi32>, vector<16xi32>, vector<16xi32>, vector<16xi32>], vector<16xf32>, vector<16xi1>
          %broadcast_in_dim3A_1263 = arith.constant 24 : i32
          %broadcast_in_dim3A_1264 = vector.broadcast %broadcast_in_dim3A_1263 : i32 to vector<16xi32>
          tpu.vector_store_idx %arg17[%broadcast_in_dim3A_1212, %broadcast_in_dim3A_1214, %add3A_1210, %broadcast_in_dim3A_1264], %broadcast_in_dim3A_1 masked %eq3A_1206 : memref<2x5x128x32xf32, #tpu.memory_space<vmem>>[vector<16xi32>, vector<16xi32>, vector<16xi32>, vector<16xi32>], vector<16xf32>, vector<16xi1>
          %broadcast_in_dim3A_1265 = arith.constant 25 : i32
          %broadcast_in_dim3A_1266 = vector.broadcast %broadcast_in_dim3A_1265 : i32 to vector<16xi32>
          tpu.vector_store_idx %arg17[%broadcast_in_dim3A_1212, %broadcast_in_dim3A_1214, %add3A_1210, %broadcast_in_dim3A_1266], %broadcast_in_dim3A_1 masked %eq3A_1206 : memref<2x5x128x32xf32, #tpu.memory_space<vmem>>[vector<16xi32>, vector<16xi32>, vector<16xi32>, vector<16xi32>], vector<16xf32>, vector<16xi1>
          %broadcast_in_dim3A_1267 = arith.constant 26 : i32
          %broadcast_in_dim3A_1268 = vector.broadcast %broadcast_in_dim3A_1267 : i32 to vector<16xi32>
          tpu.vector_store_idx %arg17[%broadcast_in_dim3A_1212, %broadcast_in_dim3A_1214, %add3A_1210, %broadcast_in_dim3A_1268], %broadcast_in_dim3A_1 masked %eq3A_1206 : memref<2x5x128x32xf32, #tpu.memory_space<vmem>>[vector<16xi32>, vector<16xi32>, vector<16xi32>, vector<16xi32>], vector<16xf32>, vector<16xi1>
          %broadcast_in_dim3A_1269 = arith.constant 27 : i32
          %broadcast_in_dim3A_1270 = vector.broadcast %broadcast_in_dim3A_1269 : i32 to vector<16xi32>
          tpu.vector_store_idx %arg17[%broadcast_in_dim3A_1212, %broadcast_in_dim3A_1214, %add3A_1210, %broadcast_in_dim3A_1270], %broadcast_in_dim3A_1 masked %eq3A_1206 : memref<2x5x128x32xf32, #tpu.memory_space<vmem>>[vector<16xi32>, vector<16xi32>, vector<16xi32>, vector<16xi32>], vector<16xf32>, vector<16xi1>
          %broadcast_in_dim3A_1271 = arith.constant 28 : i32
          %broadcast_in_dim3A_1272 = vector.broadcast %broadcast_in_dim3A_1271 : i32 to vector<16xi32>
          tpu.vector_store_idx %arg17[%broadcast_in_dim3A_1212, %broadcast_in_dim3A_1214, %add3A_1210, %broadcast_in_dim3A_1272], %broadcast_in_dim3A_1 masked %eq3A_1206 : memref<2x5x128x32xf32, #tpu.memory_space<vmem>>[vector<16xi32>, vector<16xi32>, vector<16xi32>, vector<16xi32>], vector<16xf32>, vector<16xi1>
          %broadcast_in_dim3A_1273 = arith.constant 29 : i32
          %broadcast_in_dim3A_1274 = vector.broadcast %broadcast_in_dim3A_1273 : i32 to vector<16xi32>
          tpu.vector_store_idx %arg17[%broadcast_in_dim3A_1212, %broadcast_in_dim3A_1214, %add3A_1210, %broadcast_in_dim3A_1274], %broadcast_in_dim3A_1 masked %eq3A_1206 : memref<2x5x128x32xf32, #tpu.memory_space<vmem>>[vector<16xi32>, vector<16xi32>, vector<16xi32>, vector<16xi32>], vector<16xf32>, vector<16xi1>
          %broadcast_in_dim3A_1275 = arith.constant 30 : i32
          %broadcast_in_dim3A_1276 = vector.broadcast %broadcast_in_dim3A_1275 : i32 to vector<16xi32>
          tpu.vector_store_idx %arg17[%broadcast_in_dim3A_1212, %broadcast_in_dim3A_1214, %add3A_1210, %broadcast_in_dim3A_1276], %broadcast_in_dim3A_1 masked %eq3A_1206 : memref<2x5x128x32xf32, #tpu.memory_space<vmem>>[vector<16xi32>, vector<16xi32>, vector<16xi32>, vector<16xi32>], vector<16xf32>, vector<16xi1>
          %broadcast_in_dim3A_1277 = arith.constant 31 : i32
          %broadcast_in_dim3A_1278 = vector.broadcast %broadcast_in_dim3A_1277 : i32 to vector<16xi32>
          tpu.vector_store_idx %arg17[%broadcast_in_dim3A_1212, %broadcast_in_dim3A_1214, %add3A_1210, %broadcast_in_dim3A_1278], %broadcast_in_dim3A_1 masked %eq3A_1206 : memref<2x5x128x32xf32, #tpu.memory_space<vmem>>[vector<16xi32>, vector<16xi32>, vector<16xi32>, vector<16xi32>], vector<16xf32>, vector<16xi1>
        } else {
        }
      }
      %scan3A_748 = arith.constant 8 : i32
      %scan3A_749 = arith.constant 0 : i32
      %scan3A_750 = arith.constant 8 : i32
      %scan3A_751 = arith.addi %scan3A_749, %scan3A_750 : i32
      %scan3A_752 = arith.constant 1 : i32
      scf.for %scan3A_1187 = %scan3A_749 to %scan3A_751 step %scan3A_752  : i32 {
        %mul3A_1188 = arith.constant 16 : i32
        %mul3A_1189 = arith.muli %scan3A_1187, %mul3A_1188 : i32
        %get3A = arith.constant 1 : i32
        %get3A_1190 = arith.constant 0 : i32
        %get3A_1191 = arith.index_cast %get3A : i32 to index
        %get3A_1192 = arith.index_cast %get3A_1190 : i32 to index
        %get3A_1193 = arith.index_cast %mul3A_1189 : i32 to index
        %get3A_1194 = tpu.vector_load %arg15[%get3A_1191, %get3A_1192, %get3A_1193] {strides = array<i32>} : memref<2x5x128xi32, #tpu.memory_space<vmem>>, vector<16xi32>,
        %reduce_min3A = arith.constant true
        %reduce_min3A_1195 = vector.broadcast %reduce_min3A : i1 to vector<16xi1>
        %reduce_min3A_1196 = arith.constant -2147483648 : i32
        %reduce_min3A_1197 = vector.broadcast %reduce_min3A_1196 : i32 to vector<16xi32>
        %reduce_min3A_1198 = arith.xori %get3A_1194, %reduce_min3A_1197 : vector<16xi32>
        %reduce_min3A_1199 = tpu.scan <min>, %reduce_min3A_1198 masked %reduce_min3A_1195 : vector<16xi32>, vector<16xi1> -> vector<16xi32>
        %reduce_min3A_1200 = arith.xori %reduce_min3A_1199, %reduce_min3A_1197 : vector<16xi32>
        %reduce_min3A_1201 = vector.extract %reduce_min3A_1200[15] : i32 from vector<16xi32>
        %eq3A = arith.constant 0 : i32
        %eq3A_1202 = arith.cmpi eq, %reduce_min3A_1201, %eq3A : i32
        %convert_element_type3A = arith.extui %eq3A_1202 : i1 to i32
        %cond3A = arith.constant 0 : i32
        %cond3A_1203 = arith.cmpi ne, %convert_element_type3A, %cond3A : i32
        scf.if %cond3A_1203 {
          %eq3A_1204 = arith.constant 0 : i32
          %eq3A_1205 = vector.broadcast %eq3A_1204 : i32 to vector<16xi32>
          %eq3A_1206 = arith.cmpi eq, %get3A_1194, %eq3A_1205 : vector<16xi32>
          %mul3A_1207 = arith.constant 16 : i32
          %mul3A_1208 = arith.muli %scan3A_1187, %mul3A_1207 : i32
          %add3A_1209 = vector.broadcast %mul3A_1208 : i32 to vector<16xi32>
          %add3A_1210 = arith.addi %add3A_1209, %iota3A : vector<16xi32>
          %broadcast_in_dim3A_1211 = arith.constant 1 : i32
          %broadcast_in_dim3A_1212 = vector.broadcast %broadcast_in_dim3A_1211 : i32 to vector<16xi32>
          %broadcast_in_dim3A_1213 = arith.constant 0 : i32
          %broadcast_in_dim3A_1214 = vector.broadcast %broadcast_in_dim3A_1213 : i32 to vector<16xi32>
          %broadcast_in_dim3A_1215 = arith.constant 0 : i32
          %broadcast_in_dim3A_1216 = vector.broadcast %broadcast_in_dim3A_1215 : i32 to vector<16xi32>
          tpu.vector_store_idx %arg17[%broadcast_in_dim3A_1212, %broadcast_in_dim3A_1214, %add3A_1210, %broadcast_in_dim3A_1216], %broadcast_in_dim3A_1 masked %eq3A_1206 : memref<2x5x128x32xf32, #tpu.memory_space<vmem>>[vector<16xi32>, vector<16xi32>, vector<16xi32>, vector<16xi32>], vector<16xf32>, vector<16xi1>
          %broadcast_in_dim3A_1217 = arith.constant 1 : i32
          %broadcast_in_dim3A_1218 = vector.broadcast %broadcast_in_dim3A_1217 : i32 to vector<16xi32>
          tpu.vector_store_idx %arg17[%broadcast_in_dim3A_1212, %broadcast_in_dim3A_1214, %add3A_1210, %broadcast_in_dim3A_1218], %broadcast_in_dim3A_1 masked %eq3A_1206 : memref<2x5x128x32xf32, #tpu.memory_space<vmem>>[vector<16xi32>, vector<16xi32>, vector<16xi32>, vector<16xi32>], vector<16xf32>, vector<16xi1>
          %broadcast_in_dim3A_1219 = arith.constant 2 : i32
          %broadcast_in_dim3A_1220 = vector.broadcast %broadcast_in_dim3A_1219 : i32 to vector<16xi32>
          tpu.vector_store_idx %arg17[%broadcast_in_dim3A_1212, %broadcast_in_dim3A_1214, %add3A_1210, %broadcast_in_dim3A_1220], %broadcast_in_dim3A_1 masked %eq3A_1206 : memref<2x5x128x32xf32, #tpu.memory_space<vmem>>[vector<16xi32>, vector<16xi32>, vector<16xi32>, vector<16xi32>], vector<16xf32>, vector<16xi1>
          %broadcast_in_dim3A_1221 = arith.constant 3 : i32
          %broadcast_in_dim3A_1222 = vector.broadcast %broadcast_in_dim3A_1221 : i32 to vector<16xi32>
          tpu.vector_store_idx %arg17[%broadcast_in_dim3A_1212, %broadcast_in_dim3A_1214, %add3A_1210, %broadcast_in_dim3A_1222], %broadcast_in_dim3A_1 masked %eq3A_1206 : memref<2x5x128x32xf32, #tpu.memory_space<vmem>>[vector<16xi32>, vector<16xi32>, vector<16xi32>, vector<16xi32>], vector<16xf32>, vector<16xi1>
          %broadcast_in_dim3A_1223 = arith.constant 4 : i32
          %broadcast_in_dim3A_1224 = vector.broadcast %broadcast_in_dim3A_1223 : i32 to vector<16xi32>
          tpu.vector_store_idx %arg17[%broadcast_in_dim3A_1212, %broadcast_in_dim3A_1214, %add3A_1210, %broadcast_in_dim3A_1224], %broadcast_in_dim3A_1 masked %eq3A_1206 : memref<2x5x128x32xf32, #tpu.memory_space<vmem>>[vector<16xi32>, vector<16xi32>, vector<16xi32>, vector<16xi32>], vector<16xf32>, vector<16xi1>
          %broadcast_in_dim3A_1225 = arith.constant 5 : i32
          %broadcast_in_dim3A_1226 = vector.broadcast %broadcast_in_dim3A_1225 : i32 to vector<16xi32>
          tpu.vector_store_idx %arg17[%broadcast_in_dim3A_1212, %broadcast_in_dim3A_1214, %add3A_1210, %broadcast_in_dim3A_1226], %broadcast_in_dim3A_1 masked %eq3A_1206 : memref<2x5x128x32xf32, #tpu.memory_space<vmem>>[vector<16xi32>, vector<16xi32>, vector<16xi32>, vector<16xi32>], vector<16xf32>, vector<16xi1>
          %broadcast_in_dim3A_1227 = arith.constant 6 : i32
          %broadcast_in_dim3A_1228 = vector.broadcast %broadcast_in_dim3A_1227 : i32 to vector<16xi32>
          tpu.vector_store_idx %arg17[%broadcast_in_dim3A_1212, %broadcast_in_dim3A_1214, %add3A_1210, %broadcast_in_dim3A_1228], %broadcast_in_dim3A_1 masked %eq3A_1206 : memref<2x5x128x32xf32, #tpu.memory_space<vmem>>[vector<16xi32>, vector<16xi32>, vector<16xi32>, vector<16xi32>], vector<16xf32>, vector<16xi1>
          %broadcast_in_dim3A_1229 = arith.constant 7 : i32
          %broadcast_in_dim3A_1230 = vector.broadcast %broadcast_in_dim3A_1229 : i32 to vector<16xi32>
          tpu.vector_store_idx %arg17[%broadcast_in_dim3A_1212, %broadcast_in_dim3A_1214, %add3A_1210, %broadcast_in_dim3A_1230], %broadcast_in_dim3A_1 masked %eq3A_1206 : memref<2x5x128x32xf32, #tpu.memory_space<vmem>>[vector<16xi32>, vector<16xi32>, vector<16xi32>, vector<16xi32>], vector<16xf32>, vector<16xi1>
          %broadcast_in_dim3A_1231 = arith.constant 8 : i32
          %broadcast_in_dim3A_1232 = vector.broadcast %broadcast_in_dim3A_1231 : i32 to vector<16xi32>
          tpu.vector_store_idx %arg17[%broadcast_in_dim3A_1212, %broadcast_in_dim3A_1214, %add3A_1210, %broadcast_in_dim3A_1232], %broadcast_in_dim3A_1 masked %eq3A_1206 : memref<2x5x128x32xf32, #tpu.memory_space<vmem>>[vector<16xi32>, vector<16xi32>, vector<16xi32>, vector<16xi32>], vector<16xf32>, vector<16xi1>
          %broadcast_in_dim3A_1233 = arith.constant 9 : i32
          %broadcast_in_dim3A_1234 = vector.broadcast %broadcast_in_dim3A_1233 : i32 to vector<16xi32>
          tpu.vector_store_idx %arg17[%broadcast_in_dim3A_1212, %broadcast_in_dim3A_1214, %add3A_1210, %broadcast_in_dim3A_1234], %broadcast_in_dim3A_1 masked %eq3A_1206 : memref<2x5x128x32xf32, #tpu.memory_space<vmem>>[vector<16xi32>, vector<16xi32>, vector<16xi32>, vector<16xi32>], vector<16xf32>, vector<16xi1>
          %broadcast_in_dim3A_1235 = arith.constant 10 : i32
          %broadcast_in_dim3A_1236 = vector.broadcast %broadcast_in_dim3A_1235 : i32 to vector<16xi32>
          tpu.vector_store_idx %arg17[%broadcast_in_dim3A_1212, %broadcast_in_dim3A_1214, %add3A_1210, %broadcast_in_dim3A_1236], %broadcast_in_dim3A_1 masked %eq3A_1206 : memref<2x5x128x32xf32, #tpu.memory_space<vmem>>[vector<16xi32>, vector<16xi32>, vector<16xi32>, vector<16xi32>], vector<16xf32>, vector<16xi1>
          %broadcast_in_dim3A_1237 = arith.constant 11 : i32
          %broadcast_in_dim3A_1238 = vector.broadcast %broadcast_in_dim3A_1237 : i32 to vector<16xi32>
          tpu.vector_store_idx %arg17[%broadcast_in_dim3A_1212, %broadcast_in_dim3A_1214, %add3A_1210, %broadcast_in_dim3A_1238], %broadcast_in_dim3A_1 masked %eq3A_1206 : memref<2x5x128x32xf32, #tpu.memory_space<vmem>>[vector<16xi32>, vector<16xi32>, vector<16xi32>, vector<16xi32>], vector<16xf32>, vector<16xi1>
          %broadcast_in_dim3A_1239 = arith.constant 12 : i32
          %broadcast_in_dim3A_1240 = vector.broadcast %broadcast_in_dim3A_1239 : i32 to vector<16xi32>
          tpu.vector_store_idx %arg17[%broadcast_in_dim3A_1212, %broadcast_in_dim3A_1214, %add3A_1210, %broadcast_in_dim3A_1240], %broadcast_in_dim3A_1 masked %eq3A_1206 : memref<2x5x128x32xf32, #tpu.memory_space<vmem>>[vector<16xi32>, vector<16xi32>, vector<16xi32>, vector<16xi32>], vector<16xf32>, vector<16xi1>
          %broadcast_in_dim3A_1241 = arith.constant 13 : i32
          %broadcast_in_dim3A_1242 = vector.broadcast %broadcast_in_dim3A_1241 : i32 to vector<16xi32>
          tpu.vector_store_idx %arg17[%broadcast_in_dim3A_1212, %broadcast_in_dim3A_1214, %add3A_1210, %broadcast_in_dim3A_1242], %broadcast_in_dim3A_1 masked %eq3A_1206 : memref<2x5x128x32xf32, #tpu.memory_space<vmem>>[vector<16xi32>, vector<16xi32>, vector<16xi32>, vector<16xi32>], vector<16xf32>, vector<16xi1>
          %broadcast_in_dim3A_1243 = arith.constant 14 : i32
          %broadcast_in_dim3A_1244 = vector.broadcast %broadcast_in_dim3A_1243 : i32 to vector<16xi32>
          tpu.vector_store_idx %arg17[%broadcast_in_dim3A_1212, %broadcast_in_dim3A_1214, %add3A_1210, %broadcast_in_dim3A_1244], %broadcast_in_dim3A_1 masked %eq3A_1206 : memref<2x5x128x32xf32, #tpu.memory_space<vmem>>[vector<16xi32>, vector<16xi32>, vector<16xi32>, vector<16xi32>], vector<16xf32>, vector<16xi1>
          %broadcast_in_dim3A_1245 = arith.constant 15 : i32
          %broadcast_in_dim3A_1246 = vector.broadcast %broadcast_in_dim3A_1245 : i32 to vector<16xi32>
          tpu.vector_store_idx %arg17[%broadcast_in_dim3A_1212, %broadcast_in_dim3A_1214, %add3A_1210, %broadcast_in_dim3A_1246], %broadcast_in_dim3A_1 masked %eq3A_1206 : memref<2x5x128x32xf32, #tpu.memory_space<vmem>>[vector<16xi32>, vector<16xi32>, vector<16xi32>, vector<16xi32>], vector<16xf32>, vector<16xi1>
          %broadcast_in_dim3A_1247 = arith.constant 16 : i32
          %broadcast_in_dim3A_1248 = vector.broadcast %broadcast_in_dim3A_1247 : i32 to vector<16xi32>
          tpu.vector_store_idx %arg17[%broadcast_in_dim3A_1212, %broadcast_in_dim3A_1214, %add3A_1210, %broadcast_in_dim3A_1248], %broadcast_in_dim3A_1 masked %eq3A_1206 : memref<2x5x128x32xf32, #tpu.memory_space<vmem>>[vector<16xi32>, vector<16xi32>, vector<16xi32>, vector<16xi32>], vector<16xf32>, vector<16xi1>
          %broadcast_in_dim3A_1249 = arith.constant 17 : i32
          %broadcast_in_dim3A_1250 = vector.broadcast %broadcast_in_dim3A_1249 : i32 to vector<16xi32>
          tpu.vector_store_idx %arg17[%broadcast_in_dim3A_1212, %broadcast_in_dim3A_1214, %add3A_1210, %broadcast_in_dim3A_1250], %broadcast_in_dim3A_1 masked %eq3A_1206 : memref<2x5x128x32xf32, #tpu.memory_space<vmem>>[vector<16xi32>, vector<16xi32>, vector<16xi32>, vector<16xi32>], vector<16xf32>, vector<16xi1>
          %broadcast_in_dim3A_1251 = arith.constant 18 : i32
          %broadcast_in_dim3A_1252 = vector.broadcast %broadcast_in_dim3A_1251 : i32 to vector<16xi32>
          tpu.vector_store_idx %arg17[%broadcast_in_dim3A_1212, %broadcast_in_dim3A_1214, %add3A_1210, %broadcast_in_dim3A_1252], %broadcast_in_dim3A_1 masked %eq3A_1206 : memref<2x5x128x32xf32, #tpu.memory_space<vmem>>[vector<16xi32>, vector<16xi32>, vector<16xi32>, vector<16xi32>], vector<16xf32>, vector<16xi1>
          %broadcast_in_dim3A_1253 = arith.constant 19 : i32
          %broadcast_in_dim3A_1254 = vector.broadcast %broadcast_in_dim3A_1253 : i32 to vector<16xi32>
          tpu.vector_store_idx %arg17[%broadcast_in_dim3A_1212, %broadcast_in_dim3A_1214, %add3A_1210, %broadcast_in_dim3A_1254], %broadcast_in_dim3A_1 masked %eq3A_1206 : memref<2x5x128x32xf32, #tpu.memory_space<vmem>>[vector<16xi32>, vector<16xi32>, vector<16xi32>, vector<16xi32>], vector<16xf32>, vector<16xi1>
          %broadcast_in_dim3A_1255 = arith.constant 20 : i32
          %broadcast_in_dim3A_1256 = vector.broadcast %broadcast_in_dim3A_1255 : i32 to vector<16xi32>
          tpu.vector_store_idx %arg17[%broadcast_in_dim3A_1212, %broadcast_in_dim3A_1214, %add3A_1210, %broadcast_in_dim3A_1256], %broadcast_in_dim3A_1 masked %eq3A_1206 : memref<2x5x128x32xf32, #tpu.memory_space<vmem>>[vector<16xi32>, vector<16xi32>, vector<16xi32>, vector<16xi32>], vector<16xf32>, vector<16xi1>
          %broadcast_in_dim3A_1257 = arith.constant 21 : i32
          %broadcast_in_dim3A_1258 = vector.broadcast %broadcast_in_dim3A_1257 : i32 to vector<16xi32>
          tpu.vector_store_idx %arg17[%broadcast_in_dim3A_1212, %broadcast_in_dim3A_1214, %add3A_1210, %broadcast_in_dim3A_1258], %broadcast_in_dim3A_1 masked %eq3A_1206 : memref<2x5x128x32xf32, #tpu.memory_space<vmem>>[vector<16xi32>, vector<16xi32>, vector<16xi32>, vector<16xi32>], vector<16xf32>, vector<16xi1>
          %broadcast_in_dim3A_1259 = arith.constant 22 : i32
          %broadcast_in_dim3A_1260 = vector.broadcast %broadcast_in_dim3A_1259 : i32 to vector<16xi32>
          tpu.vector_store_idx %arg17[%broadcast_in_dim3A_1212, %broadcast_in_dim3A_1214, %add3A_1210, %broadcast_in_dim3A_1260], %broadcast_in_dim3A_1 masked %eq3A_1206 : memref<2x5x128x32xf32, #tpu.memory_space<vmem>>[vector<16xi32>, vector<16xi32>, vector<16xi32>, vector<16xi32>], vector<16xf32>, vector<16xi1>
          %broadcast_in_dim3A_1261 = arith.constant 23 : i32
          %broadcast_in_dim3A_1262 = vector.broadcast %broadcast_in_dim3A_1261 : i32 to vector<16xi32>
          tpu.vector_store_idx %arg17[%broadcast_in_dim3A_1212, %broadcast_in_dim3A_1214, %add3A_1210, %broadcast_in_dim3A_1262], %broadcast_in_dim3A_1 masked %eq3A_1206 : memref<2x5x128x32xf32, #tpu.memory_space<vmem>>[vector<16xi32>, vector<16xi32>, vector<16xi32>, vector<16xi32>], vector<16xf32>, vector<16xi1>
          %broadcast_in_dim3A_1263 = arith.constant 24 : i32
          %broadcast_in_dim3A_1264 = vector.broadcast %broadcast_in_dim3A_1263 : i32 to vector<16xi32>
          tpu.vector_store_idx %arg17[%broadcast_in_dim3A_1212, %broadcast_in_dim3A_1214, %add3A_1210, %broadcast_in_dim3A_1264], %broadcast_in_dim3A_1 masked %eq3A_1206 : memref<2x5x128x32xf32, #tpu.memory_space<vmem>>[vector<16xi32>, vector<16xi32>, vector<16xi32>, vector<16xi32>], vector<16xf32>, vector<16xi1>
          %broadcast_in_dim3A_1265 = arith.constant 25 : i32
          %broadcast_in_dim3A_1266 = vector.broadcast %broadcast_in_dim3A_1265 : i32 to vector<16xi32>
          tpu.vector_store_idx %arg17[%broadcast_in_dim3A_1212, %broadcast_in_dim3A_1214, %add3A_1210, %broadcast_in_dim3A_1266], %broadcast_in_dim3A_1 masked %eq3A_1206 : memref<2x5x128x32xf32, #tpu.memory_space<vmem>>[vector<16xi32>, vector<16xi32>, vector<16xi32>, vector<16xi32>], vector<16xf32>, vector<16xi1>
          %broadcast_in_dim3A_1267 = arith.constant 26 : i32
          %broadcast_in_dim3A_1268 = vector.broadcast %broadcast_in_dim3A_1267 : i32 to vector<16xi32>
          tpu.vector_store_idx %arg17[%broadcast_in_dim3A_1212, %broadcast_in_dim3A_1214, %add3A_1210, %broadcast_in_dim3A_1268], %broadcast_in_dim3A_1 masked %eq3A_1206 : memref<2x5x128x32xf32, #tpu.memory_space<vmem>>[vector<16xi32>, vector<16xi32>, vector<16xi32>, vector<16xi32>], vector<16xf32>, vector<16xi1>
          %broadcast_in_dim3A_1269 = arith.constant 27 : i32
          %broadcast_in_dim3A_1270 = vector.broadcast %broadcast_in_dim3A_1269 : i32 to vector<16xi32>
          tpu.vector_store_idx %arg17[%broadcast_in_dim3A_1212, %broadcast_in_dim3A_1214, %add3A_1210, %broadcast_in_dim3A_1270], %broadcast_in_dim3A_1 masked %eq3A_1206 : memref<2x5x128x32xf32, #tpu.memory_space<vmem>>[vector<16xi32>, vector<16xi32>, vector<16xi32>, vector<16xi32>], vector<16xf32>, vector<16xi1>
          %broadcast_in_dim3A_1271 = arith.constant 28 : i32
          %broadcast_in_dim3A_1272 = vector.broadcast %broadcast_in_dim3A_1271 : i32 to vector<16xi32>
          tpu.vector_store_idx %arg17[%broadcast_in_dim3A_1212, %broadcast_in_dim3A_1214, %add3A_1210, %broadcast_in_dim3A_1272], %broadcast_in_dim3A_1 masked %eq3A_1206 : memref<2x5x128x32xf32, #tpu.memory_space<vmem>>[vector<16xi32>, vector<16xi32>, vector<16xi32>, vector<16xi32>], vector<16xf32>, vector<16xi1>
          %broadcast_in_dim3A_1273 = arith.constant 29 : i32
          %broadcast_in_dim3A_1274 = vector.broadcast %broadcast_in_dim3A_1273 : i32 to vector<16xi32>
          tpu.vector_store_idx %arg17[%broadcast_in_dim3A_1212, %broadcast_in_dim3A_1214, %add3A_1210, %broadcast_in_dim3A_1274], %broadcast_in_dim3A_1 masked %eq3A_1206 : memref<2x5x128x32xf32, #tpu.memory_space<vmem>>[vector<16xi32>, vector<16xi32>, vector<16xi32>, vector<16xi32>], vector<16xf32>, vector<16xi1>
          %broadcast_in_dim3A_1275 = arith.constant 30 : i32
          %broadcast_in_dim3A_1276 = vector.broadcast %broadcast_in_dim3A_1275 : i32 to vector<16xi32>
          tpu.vector_store_idx %arg17[%broadcast_in_dim3A_1212, %broadcast_in_dim3A_1214, %add3A_1210, %broadcast_in_dim3A_1276], %broadcast_in_dim3A_1 masked %eq3A_1206 : memref<2x5x128x32xf32, #tpu.memory_space<vmem>>[vector<16xi32>, vector<16xi32>, vector<16xi32>, vector<16xi32>], vector<16xf32>, vector<16xi1>
          %broadcast_in_dim3A_1277 = arith.constant 31 : i32
          %broadcast_in_dim3A_1278 = vector.broadcast %broadcast_in_dim3A_1277 : i32 to vector<16xi32>
          tpu.vector_store_idx %arg17[%broadcast_in_dim3A_1212, %broadcast_in_dim3A_1214, %add3A_1210, %broadcast_in_dim3A_1278], %broadcast_in_dim3A_1 masked %eq3A_1206 : memref<2x5x128x32xf32, #tpu.memory_space<vmem>>[vector<16xi32>, vector<16xi32>, vector<16xi32>, vector<16xi32>], vector<16xf32>, vector<16xi1>
        } else {
        }
      }
      %scan3A_753 = arith.constant 8 : i32
      %scan3A_754 = arith.constant 0 : i32
      %scan3A_755 = arith.constant 8 : i32
      %scan3A_756 = arith.addi %scan3A_754, %scan3A_755 : i32
      %scan3A_757 = arith.constant 1 : i32
      scf.for %scan3A_1187 = %scan3A_754 to %scan3A_756 step %scan3A_757  : i32 {
        %mul3A_1188 = arith.constant 16 : i32
        %mul3A_1189 = arith.muli %scan3A_1187, %mul3A_1188 : i32
        %get3A = arith.constant 1 : i32
        %get3A_1190 = arith.constant 1 : i32
        %get3A_1191 = arith.index_cast %get3A : i32 to index
        %get3A_1192 = arith.index_cast %get3A_1190 : i32 to index
        %get3A_1193 = arith.index_cast %mul3A_1189 : i32 to index
        %get3A_1194 = tpu.vector_load %arg15[%get3A_1191, %get3A_1192, %get3A_1193] {strides = array<i32>} : memref<2x5x128xi32, #tpu.memory_space<vmem>>, vector<16xi32>,
        %reduce_min3A = arith.constant true
        %reduce_min3A_1195 = vector.broadcast %reduce_min3A : i1 to vector<16xi1>
        %reduce_min3A_1196 = arith.constant -2147483648 : i32
        %reduce_min3A_1197 = vector.broadcast %reduce_min3A_1196 : i32 to vector<16xi32>
        %reduce_min3A_1198 = arith.xori %get3A_1194, %reduce_min3A_1197 : vector<16xi32>
        %reduce_min3A_1199 = tpu.scan <min>, %reduce_min3A_1198 masked %reduce_min3A_1195 : vector<16xi32>, vector<16xi1> -> vector<16xi32>
        %reduce_min3A_1200 = arith.xori %reduce_min3A_1199, %reduce_min3A_1197 : vector<16xi32>
        %reduce_min3A_1201 = vector.extract %reduce_min3A_1200[15] : i32 from vector<16xi32>
        %eq3A = arith.constant 0 : i32
        %eq3A_1202 = arith.cmpi eq, %reduce_min3A_1201, %eq3A : i32
        %convert_element_type3A = arith.extui %eq3A_1202 : i1 to i32
        %cond3A = arith.constant 0 : i32
        %cond3A_1203 = arith.cmpi ne, %convert_element_type3A, %cond3A : i32
        scf.if %cond3A_1203 {
          %eq3A_1204 = arith.constant 0 : i32
          %eq3A_1205 = vector.broadcast %eq3A_1204 : i32 to vector<16xi32>
          %eq3A_1206 = arith.cmpi eq, %get3A_1194, %eq3A_1205 : vector<16xi32>
          %mul3A_1207 = arith.constant 16 : i32
          %mul3A_1208 = arith.muli %scan3A_1187, %mul3A_1207 : i32
          %add3A_1209 = vector.broadcast %mul3A_1208 : i32 to vector<16xi32>
          %add3A_1210 = arith.addi %add3A_1209, %iota3A : vector<16xi32>
          %broadcast_in_dim3A_1211 = arith.constant 1 : i32
          %broadcast_in_dim3A_1212 = vector.broadcast %broadcast_in_dim3A_1211 : i32 to vector<16xi32>
          %broadcast_in_dim3A_1213 = arith.constant 1 : i32
          %broadcast_in_dim3A_1214 = vector.broadcast %broadcast_in_dim3A_1213 : i32 to vector<16xi32>
          %broadcast_in_dim3A_1215 = arith.constant 0 : i32
          %broadcast_in_dim3A_1216 = vector.broadcast %broadcast_in_dim3A_1215 : i32 to vector<16xi32>
          tpu.vector_store_idx %arg17[%broadcast_in_dim3A_1212, %broadcast_in_dim3A_1214, %add3A_1210, %broadcast_in_dim3A_1216], %broadcast_in_dim3A_1 masked %eq3A_1206 : memref<2x5x128x32xf32, #tpu.memory_space<vmem>>[vector<16xi32>, vector<16xi32>, vector<16xi32>, vector<16xi32>], vector<16xf32>, vector<16xi1>
          %broadcast_in_dim3A_1217 = arith.constant 1 : i32
          %broadcast_in_dim3A_1218 = vector.broadcast %broadcast_in_dim3A_1217 : i32 to vector<16xi32>
          tpu.vector_store_idx %arg17[%broadcast_in_dim3A_1212, %broadcast_in_dim3A_1214, %add3A_1210, %broadcast_in_dim3A_1218], %broadcast_in_dim3A_1 masked %eq3A_1206 : memref<2x5x128x32xf32, #tpu.memory_space<vmem>>[vector<16xi32>, vector<16xi32>, vector<16xi32>, vector<16xi32>], vector<16xf32>, vector<16xi1>
          %broadcast_in_dim3A_1219 = arith.constant 2 : i32
          %broadcast_in_dim3A_1220 = vector.broadcast %broadcast_in_dim3A_1219 : i32 to vector<16xi32>
          tpu.vector_store_idx %arg17[%broadcast_in_dim3A_1212, %broadcast_in_dim3A_1214, %add3A_1210, %broadcast_in_dim3A_1220], %broadcast_in_dim3A_1 masked %eq3A_1206 : memref<2x5x128x32xf32, #tpu.memory_space<vmem>>[vector<16xi32>, vector<16xi32>, vector<16xi32>, vector<16xi32>], vector<16xf32>, vector<16xi1>
          %broadcast_in_dim3A_1221 = arith.constant 3 : i32
          %broadcast_in_dim3A_1222 = vector.broadcast %broadcast_in_dim3A_1221 : i32 to vector<16xi32>
          tpu.vector_store_idx %arg17[%broadcast_in_dim3A_1212, %broadcast_in_dim3A_1214, %add3A_1210, %broadcast_in_dim3A_1222], %broadcast_in_dim3A_1 masked %eq3A_1206 : memref<2x5x128x32xf32, #tpu.memory_space<vmem>>[vector<16xi32>, vector<16xi32>, vector<16xi32>, vector<16xi32>], vector<16xf32>, vector<16xi1>
          %broadcast_in_dim3A_1223 = arith.constant 4 : i32
          %broadcast_in_dim3A_1224 = vector.broadcast %broadcast_in_dim3A_1223 : i32 to vector<16xi32>
          tpu.vector_store_idx %arg17[%broadcast_in_dim3A_1212, %broadcast_in_dim3A_1214, %add3A_1210, %broadcast_in_dim3A_1224], %broadcast_in_dim3A_1 masked %eq3A_1206 : memref<2x5x128x32xf32, #tpu.memory_space<vmem>>[vector<16xi32>, vector<16xi32>, vector<16xi32>, vector<16xi32>], vector<16xf32>, vector<16xi1>
          %broadcast_in_dim3A_1225 = arith.constant 5 : i32
          %broadcast_in_dim3A_1226 = vector.broadcast %broadcast_in_dim3A_1225 : i32 to vector<16xi32>
          tpu.vector_store_idx %arg17[%broadcast_in_dim3A_1212, %broadcast_in_dim3A_1214, %add3A_1210, %broadcast_in_dim3A_1226], %broadcast_in_dim3A_1 masked %eq3A_1206 : memref<2x5x128x32xf32, #tpu.memory_space<vmem>>[vector<16xi32>, vector<16xi32>, vector<16xi32>, vector<16xi32>], vector<16xf32>, vector<16xi1>
          %broadcast_in_dim3A_1227 = arith.constant 6 : i32
          %broadcast_in_dim3A_1228 = vector.broadcast %broadcast_in_dim3A_1227 : i32 to vector<16xi32>
          tpu.vector_store_idx %arg17[%broadcast_in_dim3A_1212, %broadcast_in_dim3A_1214, %add3A_1210, %broadcast_in_dim3A_1228], %broadcast_in_dim3A_1 masked %eq3A_1206 : memref<2x5x128x32xf32, #tpu.memory_space<vmem>>[vector<16xi32>, vector<16xi32>, vector<16xi32>, vector<16xi32>], vector<16xf32>, vector<16xi1>
          %broadcast_in_dim3A_1229 = arith.constant 7 : i32
          %broadcast_in_dim3A_1230 = vector.broadcast %broadcast_in_dim3A_1229 : i32 to vector<16xi32>
          tpu.vector_store_idx %arg17[%broadcast_in_dim3A_1212, %broadcast_in_dim3A_1214, %add3A_1210, %broadcast_in_dim3A_1230], %broadcast_in_dim3A_1 masked %eq3A_1206 : memref<2x5x128x32xf32, #tpu.memory_space<vmem>>[vector<16xi32>, vector<16xi32>, vector<16xi32>, vector<16xi32>], vector<16xf32>, vector<16xi1>
          %broadcast_in_dim3A_1231 = arith.constant 8 : i32
          %broadcast_in_dim3A_1232 = vector.broadcast %broadcast_in_dim3A_1231 : i32 to vector<16xi32>
          tpu.vector_store_idx %arg17[%broadcast_in_dim3A_1212, %broadcast_in_dim3A_1214, %add3A_1210, %broadcast_in_dim3A_1232], %broadcast_in_dim3A_1 masked %eq3A_1206 : memref<2x5x128x32xf32, #tpu.memory_space<vmem>>[vector<16xi32>, vector<16xi32>, vector<16xi32>, vector<16xi32>], vector<16xf32>, vector<16xi1>
          %broadcast_in_dim3A_1233 = arith.constant 9 : i32
          %broadcast_in_dim3A_1234 = vector.broadcast %broadcast_in_dim3A_1233 : i32 to vector<16xi32>
          tpu.vector_store_idx %arg17[%broadcast_in_dim3A_1212, %broadcast_in_dim3A_1214, %add3A_1210, %broadcast_in_dim3A_1234], %broadcast_in_dim3A_1 masked %eq3A_1206 : memref<2x5x128x32xf32, #tpu.memory_space<vmem>>[vector<16xi32>, vector<16xi32>, vector<16xi32>, vector<16xi32>], vector<16xf32>, vector<16xi1>
          %broadcast_in_dim3A_1235 = arith.constant 10 : i32
          %broadcast_in_dim3A_1236 = vector.broadcast %broadcast_in_dim3A_1235 : i32 to vector<16xi32>
          tpu.vector_store_idx %arg17[%broadcast_in_dim3A_1212, %broadcast_in_dim3A_1214, %add3A_1210, %broadcast_in_dim3A_1236], %broadcast_in_dim3A_1 masked %eq3A_1206 : memref<2x5x128x32xf32, #tpu.memory_space<vmem>>[vector<16xi32>, vector<16xi32>, vector<16xi32>, vector<16xi32>], vector<16xf32>, vector<16xi1>
          %broadcast_in_dim3A_1237 = arith.constant 11 : i32
          %broadcast_in_dim3A_1238 = vector.broadcast %broadcast_in_dim3A_1237 : i32 to vector<16xi32>
          tpu.vector_store_idx %arg17[%broadcast_in_dim3A_1212, %broadcast_in_dim3A_1214, %add3A_1210, %broadcast_in_dim3A_1238], %broadcast_in_dim3A_1 masked %eq3A_1206 : memref<2x5x128x32xf32, #tpu.memory_space<vmem>>[vector<16xi32>, vector<16xi32>, vector<16xi32>, vector<16xi32>], vector<16xf32>, vector<16xi1>
          %broadcast_in_dim3A_1239 = arith.constant 12 : i32
          %broadcast_in_dim3A_1240 = vector.broadcast %broadcast_in_dim3A_1239 : i32 to vector<16xi32>
          tpu.vector_store_idx %arg17[%broadcast_in_dim3A_1212, %broadcast_in_dim3A_1214, %add3A_1210, %broadcast_in_dim3A_1240], %broadcast_in_dim3A_1 masked %eq3A_1206 : memref<2x5x128x32xf32, #tpu.memory_space<vmem>>[vector<16xi32>, vector<16xi32>, vector<16xi32>, vector<16xi32>], vector<16xf32>, vector<16xi1>
          %broadcast_in_dim3A_1241 = arith.constant 13 : i32
          %broadcast_in_dim3A_1242 = vector.broadcast %broadcast_in_dim3A_1241 : i32 to vector<16xi32>
          tpu.vector_store_idx %arg17[%broadcast_in_dim3A_1212, %broadcast_in_dim3A_1214, %add3A_1210, %broadcast_in_dim3A_1242], %broadcast_in_dim3A_1 masked %eq3A_1206 : memref<2x5x128x32xf32, #tpu.memory_space<vmem>>[vector<16xi32>, vector<16xi32>, vector<16xi32>, vector<16xi32>], vector<16xf32>, vector<16xi1>
          %broadcast_in_dim3A_1243 = arith.constant 14 : i32
          %broadcast_in_dim3A_1244 = vector.broadcast %broadcast_in_dim3A_1243 : i32 to vector<16xi32>
          tpu.vector_store_idx %arg17[%broadcast_in_dim3A_1212, %broadcast_in_dim3A_1214, %add3A_1210, %broadcast_in_dim3A_1244], %broadcast_in_dim3A_1 masked %eq3A_1206 : memref<2x5x128x32xf32, #tpu.memory_space<vmem>>[vector<16xi32>, vector<16xi32>, vector<16xi32>, vector<16xi32>], vector<16xf32>, vector<16xi1>
          %broadcast_in_dim3A_1245 = arith.constant 15 : i32
          %broadcast_in_dim3A_1246 = vector.broadcast %broadcast_in_dim3A_1245 : i32 to vector<16xi32>
          tpu.vector_store_idx %arg17[%broadcast_in_dim3A_1212, %broadcast_in_dim3A_1214, %add3A_1210, %broadcast_in_dim3A_1246], %broadcast_in_dim3A_1 masked %eq3A_1206 : memref<2x5x128x32xf32, #tpu.memory_space<vmem>>[vector<16xi32>, vector<16xi32>, vector<16xi32>, vector<16xi32>], vector<16xf32>, vector<16xi1>
          %broadcast_in_dim3A_1247 = arith.constant 16 : i32
          %broadcast_in_dim3A_1248 = vector.broadcast %broadcast_in_dim3A_1247 : i32 to vector<16xi32>
          tpu.vector_store_idx %arg17[%broadcast_in_dim3A_1212, %broadcast_in_dim3A_1214, %add3A_1210, %broadcast_in_dim3A_1248], %broadcast_in_dim3A_1 masked %eq3A_1206 : memref<2x5x128x32xf32, #tpu.memory_space<vmem>>[vector<16xi32>, vector<16xi32>, vector<16xi32>, vector<16xi32>], vector<16xf32>, vector<16xi1>
          %broadcast_in_dim3A_1249 = arith.constant 17 : i32
          %broadcast_in_dim3A_1250 = vector.broadcast %broadcast_in_dim3A_1249 : i32 to vector<16xi32>
          tpu.vector_store_idx %arg17[%broadcast_in_dim3A_1212, %broadcast_in_dim3A_1214, %add3A_1210, %broadcast_in_dim3A_1250], %broadcast_in_dim3A_1 masked %eq3A_1206 : memref<2x5x128x32xf32, #tpu.memory_space<vmem>>[vector<16xi32>, vector<16xi32>, vector<16xi32>, vector<16xi32>], vector<16xf32>, vector<16xi1>
          %broadcast_in_dim3A_1251 = arith.constant 18 : i32
          %broadcast_in_dim3A_1252 = vector.broadcast %broadcast_in_dim3A_1251 : i32 to vector<16xi32>
          tpu.vector_store_idx %arg17[%broadcast_in_dim3A_1212, %broadcast_in_dim3A_1214, %add3A_1210, %broadcast_in_dim3A_1252], %broadcast_in_dim3A_1 masked %eq3A_1206 : memref<2x5x128x32xf32, #tpu.memory_space<vmem>>[vector<16xi32>, vector<16xi32>, vector<16xi32>, vector<16xi32>], vector<16xf32>, vector<16xi1>
          %broadcast_in_dim3A_1253 = arith.constant 19 : i32
          %broadcast_in_dim3A_1254 = vector.broadcast %broadcast_in_dim3A_1253 : i32 to vector<16xi32>
          tpu.vector_store_idx %arg17[%broadcast_in_dim3A_1212, %broadcast_in_dim3A_1214, %add3A_1210, %broadcast_in_dim3A_1254], %broadcast_in_dim3A_1 masked %eq3A_1206 : memref<2x5x128x32xf32, #tpu.memory_space<vmem>>[vector<16xi32>, vector<16xi32>, vector<16xi32>, vector<16xi32>], vector<16xf32>, vector<16xi1>
          %broadcast_in_dim3A_1255 = arith.constant 20 : i32
          %broadcast_in_dim3A_1256 = vector.broadcast %broadcast_in_dim3A_1255 : i32 to vector<16xi32>
          tpu.vector_store_idx %arg17[%broadcast_in_dim3A_1212, %broadcast_in_dim3A_1214, %add3A_1210, %broadcast_in_dim3A_1256], %broadcast_in_dim3A_1 masked %eq3A_1206 : memref<2x5x128x32xf32, #tpu.memory_space<vmem>>[vector<16xi32>, vector<16xi32>, vector<16xi32>, vector<16xi32>], vector<16xf32>, vector<16xi1>
          %broadcast_in_dim3A_1257 = arith.constant 21 : i32
          %broadcast_in_dim3A_1258 = vector.broadcast %broadcast_in_dim3A_1257 : i32 to vector<16xi32>
          tpu.vector_store_idx %arg17[%broadcast_in_dim3A_1212, %broadcast_in_dim3A_1214, %add3A_1210, %broadcast_in_dim3A_1258], %broadcast_in_dim3A_1 masked %eq3A_1206 : memref<2x5x128x32xf32, #tpu.memory_space<vmem>>[vector<16xi32>, vector<16xi32>, vector<16xi32>, vector<16xi32>], vector<16xf32>, vector<16xi1>
          %broadcast_in_dim3A_1259 = arith.constant 22 : i32
          %broadcast_in_dim3A_1260 = vector.broadcast %broadcast_in_dim3A_1259 : i32 to vector<16xi32>
          tpu.vector_store_idx %arg17[%broadcast_in_dim3A_1212, %broadcast_in_dim3A_1214, %add3A_1210, %broadcast_in_dim3A_1260], %broadcast_in_dim3A_1 masked %eq3A_1206 : memref<2x5x128x32xf32, #tpu.memory_space<vmem>>[vector<16xi32>, vector<16xi32>, vector<16xi32>, vector<16xi32>], vector<16xf32>, vector<16xi1>
          %broadcast_in_dim3A_1261 = arith.constant 23 : i32
          %broadcast_in_dim3A_1262 = vector.broadcast %broadcast_in_dim3A_1261 : i32 to vector<16xi32>
          tpu.vector_store_idx %arg17[%broadcast_in_dim3A_1212, %broadcast_in_dim3A_1214, %add3A_1210, %broadcast_in_dim3A_1262], %broadcast_in_dim3A_1 masked %eq3A_1206 : memref<2x5x128x32xf32, #tpu.memory_space<vmem>>[vector<16xi32>, vector<16xi32>, vector<16xi32>, vector<16xi32>], vector<16xf32>, vector<16xi1>
          %broadcast_in_dim3A_1263 = arith.constant 24 : i32
          %broadcast_in_dim3A_1264 = vector.broadcast %broadcast_in_dim3A_1263 : i32 to vector<16xi32>
          tpu.vector_store_idx %arg17[%broadcast_in_dim3A_1212, %broadcast_in_dim3A_1214, %add3A_1210, %broadcast_in_dim3A_1264], %broadcast_in_dim3A_1 masked %eq3A_1206 : memref<2x5x128x32xf32, #tpu.memory_space<vmem>>[vector<16xi32>, vector<16xi32>, vector<16xi32>, vector<16xi32>], vector<16xf32>, vector<16xi1>
          %broadcast_in_dim3A_1265 = arith.constant 25 : i32
          %broadcast_in_dim3A_1266 = vector.broadcast %broadcast_in_dim3A_1265 : i32 to vector<16xi32>
          tpu.vector_store_idx %arg17[%broadcast_in_dim3A_1212, %broadcast_in_dim3A_1214, %add3A_1210, %broadcast_in_dim3A_1266], %broadcast_in_dim3A_1 masked %eq3A_1206 : memref<2x5x128x32xf32, #tpu.memory_space<vmem>>[vector<16xi32>, vector<16xi32>, vector<16xi32>, vector<16xi32>], vector<16xf32>, vector<16xi1>
          %broadcast_in_dim3A_1267 = arith.constant 26 : i32
          %broadcast_in_dim3A_1268 = vector.broadcast %broadcast_in_dim3A_1267 : i32 to vector<16xi32>
          tpu.vector_store_idx %arg17[%broadcast_in_dim3A_1212, %broadcast_in_dim3A_1214, %add3A_1210, %broadcast_in_dim3A_1268], %broadcast_in_dim3A_1 masked %eq3A_1206 : memref<2x5x128x32xf32, #tpu.memory_space<vmem>>[vector<16xi32>, vector<16xi32>, vector<16xi32>, vector<16xi32>], vector<16xf32>, vector<16xi1>
          %broadcast_in_dim3A_1269 = arith.constant 27 : i32
          %broadcast_in_dim3A_1270 = vector.broadcast %broadcast_in_dim3A_1269 : i32 to vector<16xi32>
          tpu.vector_store_idx %arg17[%broadcast_in_dim3A_1212, %broadcast_in_dim3A_1214, %add3A_1210, %broadcast_in_dim3A_1270], %broadcast_in_dim3A_1 masked %eq3A_1206 : memref<2x5x128x32xf32, #tpu.memory_space<vmem>>[vector<16xi32>, vector<16xi32>, vector<16xi32>, vector<16xi32>], vector<16xf32>, vector<16xi1>
          %broadcast_in_dim3A_1271 = arith.constant 28 : i32
          %broadcast_in_dim3A_1272 = vector.broadcast %broadcast_in_dim3A_1271 : i32 to vector<16xi32>
          tpu.vector_store_idx %arg17[%broadcast_in_dim3A_1212, %broadcast_in_dim3A_1214, %add3A_1210, %broadcast_in_dim3A_1272], %broadcast_in_dim3A_1 masked %eq3A_1206 : memref<2x5x128x32xf32, #tpu.memory_space<vmem>>[vector<16xi32>, vector<16xi32>, vector<16xi32>, vector<16xi32>], vector<16xf32>, vector<16xi1>
          %broadcast_in_dim3A_1273 = arith.constant 29 : i32
          %broadcast_in_dim3A_1274 = vector.broadcast %broadcast_in_dim3A_1273 : i32 to vector<16xi32>
          tpu.vector_store_idx %arg17[%broadcast_in_dim3A_1212, %broadcast_in_dim3A_1214, %add3A_1210, %broadcast_in_dim3A_1274], %broadcast_in_dim3A_1 masked %eq3A_1206 : memref<2x5x128x32xf32, #tpu.memory_space<vmem>>[vector<16xi32>, vector<16xi32>, vector<16xi32>, vector<16xi32>], vector<16xf32>, vector<16xi1>
          %broadcast_in_dim3A_1275 = arith.constant 30 : i32
          %broadcast_in_dim3A_1276 = vector.broadcast %broadcast_in_dim3A_1275 : i32 to vector<16xi32>
          tpu.vector_store_idx %arg17[%broadcast_in_dim3A_1212, %broadcast_in_dim3A_1214, %add3A_1210, %broadcast_in_dim3A_1276], %broadcast_in_dim3A_1 masked %eq3A_1206 : memref<2x5x128x32xf32, #tpu.memory_space<vmem>>[vector<16xi32>, vector<16xi32>, vector<16xi32>, vector<16xi32>], vector<16xf32>, vector<16xi1>
          %broadcast_in_dim3A_1277 = arith.constant 31 : i32
          %broadcast_in_dim3A_1278 = vector.broadcast %broadcast_in_dim3A_1277 : i32 to vector<16xi32>
          tpu.vector_store_idx %arg17[%broadcast_in_dim3A_1212, %broadcast_in_dim3A_1214, %add3A_1210, %broadcast_in_dim3A_1278], %broadcast_in_dim3A_1 masked %eq3A_1206 : memref<2x5x128x32xf32, #tpu.memory_space<vmem>>[vector<16xi32>, vector<16xi32>, vector<16xi32>, vector<16xi32>], vector<16xf32>, vector<16xi1>
        } else {
        }
      }
      %scan3A_758 = arith.constant 8 : i32
      %scan3A_759 = arith.constant 0 : i32
      %scan3A_760 = arith.constant 8 : i32
      %scan3A_761 = arith.addi %scan3A_759, %scan3A_760 : i32
      %scan3A_762 = arith.constant 1 : i32
      scf.for %scan3A_1187 = %scan3A_759 to %scan3A_761 step %scan3A_762  : i32 {
        %mul3A_1188 = arith.constant 16 : i32
        %mul3A_1189 = arith.muli %scan3A_1187, %mul3A_1188 : i32
        %get3A = arith.constant 1 : i32
        %get3A_1190 = arith.constant 2 : i32
        %get3A_1191 = arith.index_cast %get3A : i32 to index
        %get3A_1192 = arith.index_cast %get3A_1190 : i32 to index
        %get3A_1193 = arith.index_cast %mul3A_1189 : i32 to index
        %get3A_1194 = tpu.vector_load %arg15[%get3A_1191, %get3A_1192, %get3A_1193] {strides = array<i32>} : memref<2x5x128xi32, #tpu.memory_space<vmem>>, vector<16xi32>,
        %reduce_min3A = arith.constant true
        %reduce_min3A_1195 = vector.broadcast %reduce_min3A : i1 to vector<16xi1>
        %reduce_min3A_1196 = arith.constant -2147483648 : i32
        %reduce_min3A_1197 = vector.broadcast %reduce_min3A_1196 : i32 to vector<16xi32>
        %reduce_min3A_1198 = arith.xori %get3A_1194, %reduce_min3A_1197 : vector<16xi32>
        %reduce_min3A_1199 = tpu.scan <min>, %reduce_min3A_1198 masked %reduce_min3A_1195 : vector<16xi32>, vector<16xi1> -> vector<16xi32>
        %reduce_min3A_1200 = arith.xori %reduce_min3A_1199, %reduce_min3A_1197 : vector<16xi32>
        %reduce_min3A_1201 = vector.extract %reduce_min3A_1200[15] : i32 from vector<16xi32>
        %eq3A = arith.constant 0 : i32
        %eq3A_1202 = arith.cmpi eq, %reduce_min3A_1201, %eq3A : i32
        %convert_element_type3A = arith.extui %eq3A_1202 : i1 to i32
        %cond3A = arith.constant 0 : i32
        %cond3A_1203 = arith.cmpi ne, %convert_element_type3A, %cond3A : i32
        scf.if %cond3A_1203 {
          %eq3A_1204 = arith.constant 0 : i32
          %eq3A_1205 = vector.broadcast %eq3A_1204 : i32 to vector<16xi32>
          %eq3A_1206 = arith.cmpi eq, %get3A_1194, %eq3A_1205 : vector<16xi32>
          %mul3A_1207 = arith.constant 16 : i32
          %mul3A_1208 = arith.muli %scan3A_1187, %mul3A_1207 : i32
          %add3A_1209 = vector.broadcast %mul3A_1208 : i32 to vector<16xi32>
          %add3A_1210 = arith.addi %add3A_1209, %iota3A : vector<16xi32>
          %broadcast_in_dim3A_1211 = arith.constant 1 : i32
          %broadcast_in_dim3A_1212 = vector.broadcast %broadcast_in_dim3A_1211 : i32 to vector<16xi32>
          %broadcast_in_dim3A_1213 = arith.constant 2 : i32
          %broadcast_in_dim3A_1214 = vector.broadcast %broadcast_in_dim3A_1213 : i32 to vector<16xi32>
          %broadcast_in_dim3A_1215 = arith.constant 0 : i32
          %broadcast_in_dim3A_1216 = vector.broadcast %broadcast_in_dim3A_1215 : i32 to vector<16xi32>
          tpu.vector_store_idx %arg17[%broadcast_in_dim3A_1212, %broadcast_in_dim3A_1214, %add3A_1210, %broadcast_in_dim3A_1216], %broadcast_in_dim3A_1 masked %eq3A_1206 : memref<2x5x128x32xf32, #tpu.memory_space<vmem>>[vector<16xi32>, vector<16xi32>, vector<16xi32>, vector<16xi32>], vector<16xf32>, vector<16xi1>
          %broadcast_in_dim3A_1217 = arith.constant 1 : i32
          %broadcast_in_dim3A_1218 = vector.broadcast %broadcast_in_dim3A_1217 : i32 to vector<16xi32>
          tpu.vector_store_idx %arg17[%broadcast_in_dim3A_1212, %broadcast_in_dim3A_1214, %add3A_1210, %broadcast_in_dim3A_1218], %broadcast_in_dim3A_1 masked %eq3A_1206 : memref<2x5x128x32xf32, #tpu.memory_space<vmem>>[vector<16xi32>, vector<16xi32>, vector<16xi32>, vector<16xi32>], vector<16xf32>, vector<16xi1>
          %broadcast_in_dim3A_1219 = arith.constant 2 : i32
          %broadcast_in_dim3A_1220 = vector.broadcast %broadcast_in_dim3A_1219 : i32 to vector<16xi32>
          tpu.vector_store_idx %arg17[%broadcast_in_dim3A_1212, %broadcast_in_dim3A_1214, %add3A_1210, %broadcast_in_dim3A_1220], %broadcast_in_dim3A_1 masked %eq3A_1206 : memref<2x5x128x32xf32, #tpu.memory_space<vmem>>[vector<16xi32>, vector<16xi32>, vector<16xi32>, vector<16xi32>], vector<16xf32>, vector<16xi1>
          %broadcast_in_dim3A_1221 = arith.constant 3 : i32
          %broadcast_in_dim3A_1222 = vector.broadcast %broadcast_in_dim3A_1221 : i32 to vector<16xi32>
          tpu.vector_store_idx %arg17[%broadcast_in_dim3A_1212, %broadcast_in_dim3A_1214, %add3A_1210, %broadcast_in_dim3A_1222], %broadcast_in_dim3A_1 masked %eq3A_1206 : memref<2x5x128x32xf32, #tpu.memory_space<vmem>>[vector<16xi32>, vector<16xi32>, vector<16xi32>, vector<16xi32>], vector<16xf32>, vector<16xi1>
          %broadcast_in_dim3A_1223 = arith.constant 4 : i32
          %broadcast_in_dim3A_1224 = vector.broadcast %broadcast_in_dim3A_1223 : i32 to vector<16xi32>
          tpu.vector_store_idx %arg17[%broadcast_in_dim3A_1212, %broadcast_in_dim3A_1214, %add3A_1210, %broadcast_in_dim3A_1224], %broadcast_in_dim3A_1 masked %eq3A_1206 : memref<2x5x128x32xf32, #tpu.memory_space<vmem>>[vector<16xi32>, vector<16xi32>, vector<16xi32>, vector<16xi32>], vector<16xf32>, vector<16xi1>
          %broadcast_in_dim3A_1225 = arith.constant 5 : i32
          %broadcast_in_dim3A_1226 = vector.broadcast %broadcast_in_dim3A_1225 : i32 to vector<16xi32>
          tpu.vector_store_idx %arg17[%broadcast_in_dim3A_1212, %broadcast_in_dim3A_1214, %add3A_1210, %broadcast_in_dim3A_1226], %broadcast_in_dim3A_1 masked %eq3A_1206 : memref<2x5x128x32xf32, #tpu.memory_space<vmem>>[vector<16xi32>, vector<16xi32>, vector<16xi32>, vector<16xi32>], vector<16xf32>, vector<16xi1>
          %broadcast_in_dim3A_1227 = arith.constant 6 : i32
          %broadcast_in_dim3A_1228 = vector.broadcast %broadcast_in_dim3A_1227 : i32 to vector<16xi32>
          tpu.vector_store_idx %arg17[%broadcast_in_dim3A_1212, %broadcast_in_dim3A_1214, %add3A_1210, %broadcast_in_dim3A_1228], %broadcast_in_dim3A_1 masked %eq3A_1206 : memref<2x5x128x32xf32, #tpu.memory_space<vmem>>[vector<16xi32>, vector<16xi32>, vector<16xi32>, vector<16xi32>], vector<16xf32>, vector<16xi1>
          %broadcast_in_dim3A_1229 = arith.constant 7 : i32
          %broadcast_in_dim3A_1230 = vector.broadcast %broadcast_in_dim3A_1229 : i32 to vector<16xi32>
          tpu.vector_store_idx %arg17[%broadcast_in_dim3A_1212, %broadcast_in_dim3A_1214, %add3A_1210, %broadcast_in_dim3A_1230], %broadcast_in_dim3A_1 masked %eq3A_1206 : memref<2x5x128x32xf32, #tpu.memory_space<vmem>>[vector<16xi32>, vector<16xi32>, vector<16xi32>, vector<16xi32>], vector<16xf32>, vector<16xi1>
          %broadcast_in_dim3A_1231 = arith.constant 8 : i32
          %broadcast_in_dim3A_1232 = vector.broadcast %broadcast_in_dim3A_1231 : i32 to vector<16xi32>
          tpu.vector_store_idx %arg17[%broadcast_in_dim3A_1212, %broadcast_in_dim3A_1214, %add3A_1210, %broadcast_in_dim3A_1232], %broadcast_in_dim3A_1 masked %eq3A_1206 : memref<2x5x128x32xf32, #tpu.memory_space<vmem>>[vector<16xi32>, vector<16xi32>, vector<16xi32>, vector<16xi32>], vector<16xf32>, vector<16xi1>
          %broadcast_in_dim3A_1233 = arith.constant 9 : i32
          %broadcast_in_dim3A_1234 = vector.broadcast %broadcast_in_dim3A_1233 : i32 to vector<16xi32>
          tpu.vector_store_idx %arg17[%broadcast_in_dim3A_1212, %broadcast_in_dim3A_1214, %add3A_1210, %broadcast_in_dim3A_1234], %broadcast_in_dim3A_1 masked %eq3A_1206 : memref<2x5x128x32xf32, #tpu.memory_space<vmem>>[vector<16xi32>, vector<16xi32>, vector<16xi32>, vector<16xi32>], vector<16xf32>, vector<16xi1>
          %broadcast_in_dim3A_1235 = arith.constant 10 : i32
          %broadcast_in_dim3A_1236 = vector.broadcast %broadcast_in_dim3A_1235 : i32 to vector<16xi32>
          tpu.vector_store_idx %arg17[%broadcast_in_dim3A_1212, %broadcast_in_dim3A_1214, %add3A_1210, %broadcast_in_dim3A_1236], %broadcast_in_dim3A_1 masked %eq3A_1206 : memref<2x5x128x32xf32, #tpu.memory_space<vmem>>[vector<16xi32>, vector<16xi32>, vector<16xi32>, vector<16xi32>], vector<16xf32>, vector<16xi1>
          %broadcast_in_dim3A_1237 = arith.constant 11 : i32
          %broadcast_in_dim3A_1238 = vector.broadcast %broadcast_in_dim3A_1237 : i32 to vector<16xi32>
          tpu.vector_store_idx %arg17[%broadcast_in_dim3A_1212, %broadcast_in_dim3A_1214, %add3A_1210, %broadcast_in_dim3A_1238], %broadcast_in_dim3A_1 masked %eq3A_1206 : memref<2x5x128x32xf32, #tpu.memory_space<vmem>>[vector<16xi32>, vector<16xi32>, vector<16xi32>, vector<16xi32>], vector<16xf32>, vector<16xi1>
          %broadcast_in_dim3A_1239 = arith.constant 12 : i32
          %broadcast_in_dim3A_1240 = vector.broadcast %broadcast_in_dim3A_1239 : i32 to vector<16xi32>
          tpu.vector_store_idx %arg17[%broadcast_in_dim3A_1212, %broadcast_in_dim3A_1214, %add3A_1210, %broadcast_in_dim3A_1240], %broadcast_in_dim3A_1 masked %eq3A_1206 : memref<2x5x128x32xf32, #tpu.memory_space<vmem>>[vector<16xi32>, vector<16xi32>, vector<16xi32>, vector<16xi32>], vector<16xf32>, vector<16xi1>
          %broadcast_in_dim3A_1241 = arith.constant 13 : i32
          %broadcast_in_dim3A_1242 = vector.broadcast %broadcast_in_dim3A_1241 : i32 to vector<16xi32>
          tpu.vector_store_idx %arg17[%broadcast_in_dim3A_1212, %broadcast_in_dim3A_1214, %add3A_1210, %broadcast_in_dim3A_1242], %broadcast_in_dim3A_1 masked %eq3A_1206 : memref<2x5x128x32xf32, #tpu.memory_space<vmem>>[vector<16xi32>, vector<16xi32>, vector<16xi32>, vector<16xi32>], vector<16xf32>, vector<16xi1>
          %broadcast_in_dim3A_1243 = arith.constant 14 : i32
          %broadcast_in_dim3A_1244 = vector.broadcast %broadcast_in_dim3A_1243 : i32 to vector<16xi32>
          tpu.vector_store_idx %arg17[%broadcast_in_dim3A_1212, %broadcast_in_dim3A_1214, %add3A_1210, %broadcast_in_dim3A_1244], %broadcast_in_dim3A_1 masked %eq3A_1206 : memref<2x5x128x32xf32, #tpu.memory_space<vmem>>[vector<16xi32>, vector<16xi32>, vector<16xi32>, vector<16xi32>], vector<16xf32>, vector<16xi1>
          %broadcast_in_dim3A_1245 = arith.constant 15 : i32
          %broadcast_in_dim3A_1246 = vector.broadcast %broadcast_in_dim3A_1245 : i32 to vector<16xi32>
          tpu.vector_store_idx %arg17[%broadcast_in_dim3A_1212, %broadcast_in_dim3A_1214, %add3A_1210, %broadcast_in_dim3A_1246], %broadcast_in_dim3A_1 masked %eq3A_1206 : memref<2x5x128x32xf32, #tpu.memory_space<vmem>>[vector<16xi32>, vector<16xi32>, vector<16xi32>, vector<16xi32>], vector<16xf32>, vector<16xi1>
          %broadcast_in_dim3A_1247 = arith.constant 16 : i32
          %broadcast_in_dim3A_1248 = vector.broadcast %broadcast_in_dim3A_1247 : i32 to vector<16xi32>
          tpu.vector_store_idx %arg17[%broadcast_in_dim3A_1212, %broadcast_in_dim3A_1214, %add3A_1210, %broadcast_in_dim3A_1248], %broadcast_in_dim3A_1 masked %eq3A_1206 : memref<2x5x128x32xf32, #tpu.memory_space<vmem>>[vector<16xi32>, vector<16xi32>, vector<16xi32>, vector<16xi32>], vector<16xf32>, vector<16xi1>
          %broadcast_in_dim3A_1249 = arith.constant 17 : i32
          %broadcast_in_dim3A_1250 = vector.broadcast %broadcast_in_dim3A_1249 : i32 to vector<16xi32>
          tpu.vector_store_idx %arg17[%broadcast_in_dim3A_1212, %broadcast_in_dim3A_1214, %add3A_1210, %broadcast_in_dim3A_1250], %broadcast_in_dim3A_1 masked %eq3A_1206 : memref<2x5x128x32xf32, #tpu.memory_space<vmem>>[vector<16xi32>, vector<16xi32>, vector<16xi32>, vector<16xi32>], vector<16xf32>, vector<16xi1>
          %broadcast_in_dim3A_1251 = arith.constant 18 : i32
          %broadcast_in_dim3A_1252 = vector.broadcast %broadcast_in_dim3A_1251 : i32 to vector<16xi32>
          tpu.vector_store_idx %arg17[%broadcast_in_dim3A_1212, %broadcast_in_dim3A_1214, %add3A_1210, %broadcast_in_dim3A_1252], %broadcast_in_dim3A_1 masked %eq3A_1206 : memref<2x5x128x32xf32, #tpu.memory_space<vmem>>[vector<16xi32>, vector<16xi32>, vector<16xi32>, vector<16xi32>], vector<16xf32>, vector<16xi1>
          %broadcast_in_dim3A_1253 = arith.constant 19 : i32
          %broadcast_in_dim3A_1254 = vector.broadcast %broadcast_in_dim3A_1253 : i32 to vector<16xi32>
          tpu.vector_store_idx %arg17[%broadcast_in_dim3A_1212, %broadcast_in_dim3A_1214, %add3A_1210, %broadcast_in_dim3A_1254], %broadcast_in_dim3A_1 masked %eq3A_1206 : memref<2x5x128x32xf32, #tpu.memory_space<vmem>>[vector<16xi32>, vector<16xi32>, vector<16xi32>, vector<16xi32>], vector<16xf32>, vector<16xi1>
          %broadcast_in_dim3A_1255 = arith.constant 20 : i32
          %broadcast_in_dim3A_1256 = vector.broadcast %broadcast_in_dim3A_1255 : i32 to vector<16xi32>
          tpu.vector_store_idx %arg17[%broadcast_in_dim3A_1212, %broadcast_in_dim3A_1214, %add3A_1210, %broadcast_in_dim3A_1256], %broadcast_in_dim3A_1 masked %eq3A_1206 : memref<2x5x128x32xf32, #tpu.memory_space<vmem>>[vector<16xi32>, vector<16xi32>, vector<16xi32>, vector<16xi32>], vector<16xf32>, vector<16xi1>
          %broadcast_in_dim3A_1257 = arith.constant 21 : i32
          %broadcast_in_dim3A_1258 = vector.broadcast %broadcast_in_dim3A_1257 : i32 to vector<16xi32>
          tpu.vector_store_idx %arg17[%broadcast_in_dim3A_1212, %broadcast_in_dim3A_1214, %add3A_1210, %broadcast_in_dim3A_1258], %broadcast_in_dim3A_1 masked %eq3A_1206 : memref<2x5x128x32xf32, #tpu.memory_space<vmem>>[vector<16xi32>, vector<16xi32>, vector<16xi32>, vector<16xi32>], vector<16xf32>, vector<16xi1>
          %broadcast_in_dim3A_1259 = arith.constant 22 : i32
          %broadcast_in_dim3A_1260 = vector.broadcast %broadcast_in_dim3A_1259 : i32 to vector<16xi32>
          tpu.vector_store_idx %arg17[%broadcast_in_dim3A_1212, %broadcast_in_dim3A_1214, %add3A_1210, %broadcast_in_dim3A_1260], %broadcast_in_dim3A_1 masked %eq3A_1206 : memref<2x5x128x32xf32, #tpu.memory_space<vmem>>[vector<16xi32>, vector<16xi32>, vector<16xi32>, vector<16xi32>], vector<16xf32>, vector<16xi1>
          %broadcast_in_dim3A_1261 = arith.constant 23 : i32
          %broadcast_in_dim3A_1262 = vector.broadcast %broadcast_in_dim3A_1261 : i32 to vector<16xi32>
          tpu.vector_store_idx %arg17[%broadcast_in_dim3A_1212, %broadcast_in_dim3A_1214, %add3A_1210, %broadcast_in_dim3A_1262], %broadcast_in_dim3A_1 masked %eq3A_1206 : memref<2x5x128x32xf32, #tpu.memory_space<vmem>>[vector<16xi32>, vector<16xi32>, vector<16xi32>, vector<16xi32>], vector<16xf32>, vector<16xi1>
          %broadcast_in_dim3A_1263 = arith.constant 24 : i32
          %broadcast_in_dim3A_1264 = vector.broadcast %broadcast_in_dim3A_1263 : i32 to vector<16xi32>
          tpu.vector_store_idx %arg17[%broadcast_in_dim3A_1212, %broadcast_in_dim3A_1214, %add3A_1210, %broadcast_in_dim3A_1264], %broadcast_in_dim3A_1 masked %eq3A_1206 : memref<2x5x128x32xf32, #tpu.memory_space<vmem>>[vector<16xi32>, vector<16xi32>, vector<16xi32>, vector<16xi32>], vector<16xf32>, vector<16xi1>
          %broadcast_in_dim3A_1265 = arith.constant 25 : i32
          %broadcast_in_dim3A_1266 = vector.broadcast %broadcast_in_dim3A_1265 : i32 to vector<16xi32>
          tpu.vector_store_idx %arg17[%broadcast_in_dim3A_1212, %broadcast_in_dim3A_1214, %add3A_1210, %broadcast_in_dim3A_1266], %broadcast_in_dim3A_1 masked %eq3A_1206 : memref<2x5x128x32xf32, #tpu.memory_space<vmem>>[vector<16xi32>, vector<16xi32>, vector<16xi32>, vector<16xi32>], vector<16xf32>, vector<16xi1>
          %broadcast_in_dim3A_1267 = arith.constant 26 : i32
          %broadcast_in_dim3A_1268 = vector.broadcast %broadcast_in_dim3A_1267 : i32 to vector<16xi32>
          tpu.vector_store_idx %arg17[%broadcast_in_dim3A_1212, %broadcast_in_dim3A_1214, %add3A_1210, %broadcast_in_dim3A_1268], %broadcast_in_dim3A_1 masked %eq3A_1206 : memref<2x5x128x32xf32, #tpu.memory_space<vmem>>[vector<16xi32>, vector<16xi32>, vector<16xi32>, vector<16xi32>], vector<16xf32>, vector<16xi1>
          %broadcast_in_dim3A_1269 = arith.constant 27 : i32
          %broadcast_in_dim3A_1270 = vector.broadcast %broadcast_in_dim3A_1269 : i32 to vector<16xi32>
          tpu.vector_store_idx %arg17[%broadcast_in_dim3A_1212, %broadcast_in_dim3A_1214, %add3A_1210, %broadcast_in_dim3A_1270], %broadcast_in_dim3A_1 masked %eq3A_1206 : memref<2x5x128x32xf32, #tpu.memory_space<vmem>>[vector<16xi32>, vector<16xi32>, vector<16xi32>, vector<16xi32>], vector<16xf32>, vector<16xi1>
          %broadcast_in_dim3A_1271 = arith.constant 28 : i32
          %broadcast_in_dim3A_1272 = vector.broadcast %broadcast_in_dim3A_1271 : i32 to vector<16xi32>
          tpu.vector_store_idx %arg17[%broadcast_in_dim3A_1212, %broadcast_in_dim3A_1214, %add3A_1210, %broadcast_in_dim3A_1272], %broadcast_in_dim3A_1 masked %eq3A_1206 : memref<2x5x128x32xf32, #tpu.memory_space<vmem>>[vector<16xi32>, vector<16xi32>, vector<16xi32>, vector<16xi32>], vector<16xf32>, vector<16xi1>
          %broadcast_in_dim3A_1273 = arith.constant 29 : i32
          %broadcast_in_dim3A_1274 = vector.broadcast %broadcast_in_dim3A_1273 : i32 to vector<16xi32>
          tpu.vector_store_idx %arg17[%broadcast_in_dim3A_1212, %broadcast_in_dim3A_1214, %add3A_1210, %broadcast_in_dim3A_1274], %broadcast_in_dim3A_1 masked %eq3A_1206 : memref<2x5x128x32xf32, #tpu.memory_space<vmem>>[vector<16xi32>, vector<16xi32>, vector<16xi32>, vector<16xi32>], vector<16xf32>, vector<16xi1>
          %broadcast_in_dim3A_1275 = arith.constant 30 : i32
          %broadcast_in_dim3A_1276 = vector.broadcast %broadcast_in_dim3A_1275 : i32 to vector<16xi32>
          tpu.vector_store_idx %arg17[%broadcast_in_dim3A_1212, %broadcast_in_dim3A_1214, %add3A_1210, %broadcast_in_dim3A_1276], %broadcast_in_dim3A_1 masked %eq3A_1206 : memref<2x5x128x32xf32, #tpu.memory_space<vmem>>[vector<16xi32>, vector<16xi32>, vector<16xi32>, vector<16xi32>], vector<16xf32>, vector<16xi1>
          %broadcast_in_dim3A_1277 = arith.constant 31 : i32
          %broadcast_in_dim3A_1278 = vector.broadcast %broadcast_in_dim3A_1277 : i32 to vector<16xi32>
          tpu.vector_store_idx %arg17[%broadcast_in_dim3A_1212, %broadcast_in_dim3A_1214, %add3A_1210, %broadcast_in_dim3A_1278], %broadcast_in_dim3A_1 masked %eq3A_1206 : memref<2x5x128x32xf32, #tpu.memory_space<vmem>>[vector<16xi32>, vector<16xi32>, vector<16xi32>, vector<16xi32>], vector<16xf32>, vector<16xi1>
        } else {
        }
      }
      %scan3A_763 = arith.constant 8 : i32
      %scan3A_764 = arith.constant 0 : i32
      %scan3A_765 = arith.constant 8 : i32
      %scan3A_766 = arith.addi %scan3A_764, %scan3A_765 : i32
      %scan3A_767 = arith.constant 1 : i32
      scf.for %scan3A_1187 = %scan3A_764 to %scan3A_766 step %scan3A_767  : i32 {
        %mul3A_1188 = arith.constant 16 : i32
        %mul3A_1189 = arith.muli %scan3A_1187, %mul3A_1188 : i32
        %get3A = arith.constant 1 : i32
        %get3A_1190 = arith.constant 3 : i32
        %get3A_1191 = arith.index_cast %get3A : i32 to index
        %get3A_1192 = arith.index_cast %get3A_1190 : i32 to index
        %get3A_1193 = arith.index_cast %mul3A_1189 : i32 to index
        %get3A_1194 = tpu.vector_load %arg15[%get3A_1191, %get3A_1192, %get3A_1193] {strides = array<i32>} : memref<2x5x128xi32, #tpu.memory_space<vmem>>, vector<16xi32>,
        %reduce_min3A = arith.constant true
        %reduce_min3A_1195 = vector.broadcast %reduce_min3A : i1 to vector<16xi1>
        %reduce_min3A_1196 = arith.constant -2147483648 : i32
        %reduce_min3A_1197 = vector.broadcast %reduce_min3A_1196 : i32 to vector<16xi32>
        %reduce_min3A_1198 = arith.xori %get3A_1194, %reduce_min3A_1197 : vector<16xi32>
        %reduce_min3A_1199 = tpu.scan <min>, %reduce_min3A_1198 masked %reduce_min3A_1195 : vector<16xi32>, vector<16xi1> -> vector<16xi32>
        %reduce_min3A_1200 = arith.xori %reduce_min3A_1199, %reduce_min3A_1197 : vector<16xi32>
        %reduce_min3A_1201 = vector.extract %reduce_min3A_1200[15] : i32 from vector<16xi32>
        %eq3A = arith.constant 0 : i32
        %eq3A_1202 = arith.cmpi eq, %reduce_min3A_1201, %eq3A : i32
        %convert_element_type3A = arith.extui %eq3A_1202 : i1 to i32
        %cond3A = arith.constant 0 : i32
        %cond3A_1203 = arith.cmpi ne, %convert_element_type3A, %cond3A : i32
        scf.if %cond3A_1203 {
          %eq3A_1204 = arith.constant 0 : i32
          %eq3A_1205 = vector.broadcast %eq3A_1204 : i32 to vector<16xi32>
          %eq3A_1206 = arith.cmpi eq, %get3A_1194, %eq3A_1205 : vector<16xi32>
          %mul3A_1207 = arith.constant 16 : i32
          %mul3A_1208 = arith.muli %scan3A_1187, %mul3A_1207 : i32
          %add3A_1209 = vector.broadcast %mul3A_1208 : i32 to vector<16xi32>
          %add3A_1210 = arith.addi %add3A_1209, %iota3A : vector<16xi32>
          %broadcast_in_dim3A_1211 = arith.constant 1 : i32
          %broadcast_in_dim3A_1212 = vector.broadcast %broadcast_in_dim3A_1211 : i32 to vector<16xi32>
          %broadcast_in_dim3A_1213 = arith.constant 3 : i32
          %broadcast_in_dim3A_1214 = vector.broadcast %broadcast_in_dim3A_1213 : i32 to vector<16xi32>
          %broadcast_in_dim3A_1215 = arith.constant 0 : i32
          %broadcast_in_dim3A_1216 = vector.broadcast %broadcast_in_dim3A_1215 : i32 to vector<16xi32>
          tpu.vector_store_idx %arg17[%broadcast_in_dim3A_1212, %broadcast_in_dim3A_1214, %add3A_1210, %broadcast_in_dim3A_1216], %broadcast_in_dim3A_1 masked %eq3A_1206 : memref<2x5x128x32xf32, #tpu.memory_space<vmem>>[vector<16xi32>, vector<16xi32>, vector<16xi32>, vector<16xi32>], vector<16xf32>, vector<16xi1>
          %broadcast_in_dim3A_1217 = arith.constant 1 : i32
          %broadcast_in_dim3A_1218 = vector.broadcast %broadcast_in_dim3A_1217 : i32 to vector<16xi32>
          tpu.vector_store_idx %arg17[%broadcast_in_dim3A_1212, %broadcast_in_dim3A_1214, %add3A_1210, %broadcast_in_dim3A_1218], %broadcast_in_dim3A_1 masked %eq3A_1206 : memref<2x5x128x32xf32, #tpu.memory_space<vmem>>[vector<16xi32>, vector<16xi32>, vector<16xi32>, vector<16xi32>], vector<16xf32>, vector<16xi1>
          %broadcast_in_dim3A_1219 = arith.constant 2 : i32
          %broadcast_in_dim3A_1220 = vector.broadcast %broadcast_in_dim3A_1219 : i32 to vector<16xi32>
          tpu.vector_store_idx %arg17[%broadcast_in_dim3A_1212, %broadcast_in_dim3A_1214, %add3A_1210, %broadcast_in_dim3A_1220], %broadcast_in_dim3A_1 masked %eq3A_1206 : memref<2x5x128x32xf32, #tpu.memory_space<vmem>>[vector<16xi32>, vector<16xi32>, vector<16xi32>, vector<16xi32>], vector<16xf32>, vector<16xi1>
          %broadcast_in_dim3A_1221 = arith.constant 3 : i32
          %broadcast_in_dim3A_1222 = vector.broadcast %broadcast_in_dim3A_1221 : i32 to vector<16xi32>
          tpu.vector_store_idx %arg17[%broadcast_in_dim3A_1212, %broadcast_in_dim3A_1214, %add3A_1210, %broadcast_in_dim3A_1222], %broadcast_in_dim3A_1 masked %eq3A_1206 : memref<2x5x128x32xf32, #tpu.memory_space<vmem>>[vector<16xi32>, vector<16xi32>, vector<16xi32>, vector<16xi32>], vector<16xf32>, vector<16xi1>
          %broadcast_in_dim3A_1223 = arith.constant 4 : i32
          %broadcast_in_dim3A_1224 = vector.broadcast %broadcast_in_dim3A_1223 : i32 to vector<16xi32>
          tpu.vector_store_idx %arg17[%broadcast_in_dim3A_1212, %broadcast_in_dim3A_1214, %add3A_1210, %broadcast_in_dim3A_1224], %broadcast_in_dim3A_1 masked %eq3A_1206 : memref<2x5x128x32xf32, #tpu.memory_space<vmem>>[vector<16xi32>, vector<16xi32>, vector<16xi32>, vector<16xi32>], vector<16xf32>, vector<16xi1>
          %broadcast_in_dim3A_1225 = arith.constant 5 : i32
          %broadcast_in_dim3A_1226 = vector.broadcast %broadcast_in_dim3A_1225 : i32 to vector<16xi32>
          tpu.vector_store_idx %arg17[%broadcast_in_dim3A_1212, %broadcast_in_dim3A_1214, %add3A_1210, %broadcast_in_dim3A_1226], %broadcast_in_dim3A_1 masked %eq3A_1206 : memref<2x5x128x32xf32, #tpu.memory_space<vmem>>[vector<16xi32>, vector<16xi32>, vector<16xi32>, vector<16xi32>], vector<16xf32>, vector<16xi1>
          %broadcast_in_dim3A_1227 = arith.constant 6 : i32
          %broadcast_in_dim3A_1228 = vector.broadcast %broadcast_in_dim3A_1227 : i32 to vector<16xi32>
          tpu.vector_store_idx %arg17[%broadcast_in_dim3A_1212, %broadcast_in_dim3A_1214, %add3A_1210, %broadcast_in_dim3A_1228], %broadcast_in_dim3A_1 masked %eq3A_1206 : memref<2x5x128x32xf32, #tpu.memory_space<vmem>>[vector<16xi32>, vector<16xi32>, vector<16xi32>, vector<16xi32>], vector<16xf32>, vector<16xi1>
          %broadcast_in_dim3A_1229 = arith.constant 7 : i32
          %broadcast_in_dim3A_1230 = vector.broadcast %broadcast_in_dim3A_1229 : i32 to vector<16xi32>
          tpu.vector_store_idx %arg17[%broadcast_in_dim3A_1212, %broadcast_in_dim3A_1214, %add3A_1210, %broadcast_in_dim3A_1230], %broadcast_in_dim3A_1 masked %eq3A_1206 : memref<2x5x128x32xf32, #tpu.memory_space<vmem>>[vector<16xi32>, vector<16xi32>, vector<16xi32>, vector<16xi32>], vector<16xf32>, vector<16xi1>
          %broadcast_in_dim3A_1231 = arith.constant 8 : i32
          %broadcast_in_dim3A_1232 = vector.broadcast %broadcast_in_dim3A_1231 : i32 to vector<16xi32>
          tpu.vector_store_idx %arg17[%broadcast_in_dim3A_1212, %broadcast_in_dim3A_1214, %add3A_1210, %broadcast_in_dim3A_1232], %broadcast_in_dim3A_1 masked %eq3A_1206 : memref<2x5x128x32xf32, #tpu.memory_space<vmem>>[vector<16xi32>, vector<16xi32>, vector<16xi32>, vector<16xi32>], vector<16xf32>, vector<16xi1>
          %broadcast_in_dim3A_1233 = arith.constant 9 : i32
          %broadcast_in_dim3A_1234 = vector.broadcast %broadcast_in_dim3A_1233 : i32 to vector<16xi32>
          tpu.vector_store_idx %arg17[%broadcast_in_dim3A_1212, %broadcast_in_dim3A_1214, %add3A_1210, %broadcast_in_dim3A_1234], %broadcast_in_dim3A_1 masked %eq3A_1206 : memref<2x5x128x32xf32, #tpu.memory_space<vmem>>[vector<16xi32>, vector<16xi32>, vector<16xi32>, vector<16xi32>], vector<16xf32>, vector<16xi1>
          %broadcast_in_dim3A_1235 = arith.constant 10 : i32
          %broadcast_in_dim3A_1236 = vector.broadcast %broadcast_in_dim3A_1235 : i32 to vector<16xi32>
          tpu.vector_store_idx %arg17[%broadcast_in_dim3A_1212, %broadcast_in_dim3A_1214, %add3A_1210, %broadcast_in_dim3A_1236], %broadcast_in_dim3A_1 masked %eq3A_1206 : memref<2x5x128x32xf32, #tpu.memory_space<vmem>>[vector<16xi32>, vector<16xi32>, vector<16xi32>, vector<16xi32>], vector<16xf32>, vector<16xi1>
          %broadcast_in_dim3A_1237 = arith.constant 11 : i32
          %broadcast_in_dim3A_1238 = vector.broadcast %broadcast_in_dim3A_1237 : i32 to vector<16xi32>
          tpu.vector_store_idx %arg17[%broadcast_in_dim3A_1212, %broadcast_in_dim3A_1214, %add3A_1210, %broadcast_in_dim3A_1238], %broadcast_in_dim3A_1 masked %eq3A_1206 : memref<2x5x128x32xf32, #tpu.memory_space<vmem>>[vector<16xi32>, vector<16xi32>, vector<16xi32>, vector<16xi32>], vector<16xf32>, vector<16xi1>
          %broadcast_in_dim3A_1239 = arith.constant 12 : i32
          %broadcast_in_dim3A_1240 = vector.broadcast %broadcast_in_dim3A_1239 : i32 to vector<16xi32>
          tpu.vector_store_idx %arg17[%broadcast_in_dim3A_1212, %broadcast_in_dim3A_1214, %add3A_1210, %broadcast_in_dim3A_1240], %broadcast_in_dim3A_1 masked %eq3A_1206 : memref<2x5x128x32xf32, #tpu.memory_space<vmem>>[vector<16xi32>, vector<16xi32>, vector<16xi32>, vector<16xi32>], vector<16xf32>, vector<16xi1>
          %broadcast_in_dim3A_1241 = arith.constant 13 : i32
          %broadcast_in_dim3A_1242 = vector.broadcast %broadcast_in_dim3A_1241 : i32 to vector<16xi32>
          tpu.vector_store_idx %arg17[%broadcast_in_dim3A_1212, %broadcast_in_dim3A_1214, %add3A_1210, %broadcast_in_dim3A_1242], %broadcast_in_dim3A_1 masked %eq3A_1206 : memref<2x5x128x32xf32, #tpu.memory_space<vmem>>[vector<16xi32>, vector<16xi32>, vector<16xi32>, vector<16xi32>], vector<16xf32>, vector<16xi1>
          %broadcast_in_dim3A_1243 = arith.constant 14 : i32
          %broadcast_in_dim3A_1244 = vector.broadcast %broadcast_in_dim3A_1243 : i32 to vector<16xi32>
          tpu.vector_store_idx %arg17[%broadcast_in_dim3A_1212, %broadcast_in_dim3A_1214, %add3A_1210, %broadcast_in_dim3A_1244], %broadcast_in_dim3A_1 masked %eq3A_1206 : memref<2x5x128x32xf32, #tpu.memory_space<vmem>>[vector<16xi32>, vector<16xi32>, vector<16xi32>, vector<16xi32>], vector<16xf32>, vector<16xi1>
          %broadcast_in_dim3A_1245 = arith.constant 15 : i32
          %broadcast_in_dim3A_1246 = vector.broadcast %broadcast_in_dim3A_1245 : i32 to vector<16xi32>
          tpu.vector_store_idx %arg17[%broadcast_in_dim3A_1212, %broadcast_in_dim3A_1214, %add3A_1210, %broadcast_in_dim3A_1246], %broadcast_in_dim3A_1 masked %eq3A_1206 : memref<2x5x128x32xf32, #tpu.memory_space<vmem>>[vector<16xi32>, vector<16xi32>, vector<16xi32>, vector<16xi32>], vector<16xf32>, vector<16xi1>
          %broadcast_in_dim3A_1247 = arith.constant 16 : i32
          %broadcast_in_dim3A_1248 = vector.broadcast %broadcast_in_dim3A_1247 : i32 to vector<16xi32>
          tpu.vector_store_idx %arg17[%broadcast_in_dim3A_1212, %broadcast_in_dim3A_1214, %add3A_1210, %broadcast_in_dim3A_1248], %broadcast_in_dim3A_1 masked %eq3A_1206 : memref<2x5x128x32xf32, #tpu.memory_space<vmem>>[vector<16xi32>, vector<16xi32>, vector<16xi32>, vector<16xi32>], vector<16xf32>, vector<16xi1>
          %broadcast_in_dim3A_1249 = arith.constant 17 : i32
          %broadcast_in_dim3A_1250 = vector.broadcast %broadcast_in_dim3A_1249 : i32 to vector<16xi32>
          tpu.vector_store_idx %arg17[%broadcast_in_dim3A_1212, %broadcast_in_dim3A_1214, %add3A_1210, %broadcast_in_dim3A_1250], %broadcast_in_dim3A_1 masked %eq3A_1206 : memref<2x5x128x32xf32, #tpu.memory_space<vmem>>[vector<16xi32>, vector<16xi32>, vector<16xi32>, vector<16xi32>], vector<16xf32>, vector<16xi1>
          %broadcast_in_dim3A_1251 = arith.constant 18 : i32
          %broadcast_in_dim3A_1252 = vector.broadcast %broadcast_in_dim3A_1251 : i32 to vector<16xi32>
          tpu.vector_store_idx %arg17[%broadcast_in_dim3A_1212, %broadcast_in_dim3A_1214, %add3A_1210, %broadcast_in_dim3A_1252], %broadcast_in_dim3A_1 masked %eq3A_1206 : memref<2x5x128x32xf32, #tpu.memory_space<vmem>>[vector<16xi32>, vector<16xi32>, vector<16xi32>, vector<16xi32>], vector<16xf32>, vector<16xi1>
          %broadcast_in_dim3A_1253 = arith.constant 19 : i32
          %broadcast_in_dim3A_1254 = vector.broadcast %broadcast_in_dim3A_1253 : i32 to vector<16xi32>
          tpu.vector_store_idx %arg17[%broadcast_in_dim3A_1212, %broadcast_in_dim3A_1214, %add3A_1210, %broadcast_in_dim3A_1254], %broadcast_in_dim3A_1 masked %eq3A_1206 : memref<2x5x128x32xf32, #tpu.memory_space<vmem>>[vector<16xi32>, vector<16xi32>, vector<16xi32>, vector<16xi32>], vector<16xf32>, vector<16xi1>
          %broadcast_in_dim3A_1255 = arith.constant 20 : i32
          %broadcast_in_dim3A_1256 = vector.broadcast %broadcast_in_dim3A_1255 : i32 to vector<16xi32>
          tpu.vector_store_idx %arg17[%broadcast_in_dim3A_1212, %broadcast_in_dim3A_1214, %add3A_1210, %broadcast_in_dim3A_1256], %broadcast_in_dim3A_1 masked %eq3A_1206 : memref<2x5x128x32xf32, #tpu.memory_space<vmem>>[vector<16xi32>, vector<16xi32>, vector<16xi32>, vector<16xi32>], vector<16xf32>, vector<16xi1>
          %broadcast_in_dim3A_1257 = arith.constant 21 : i32
          %broadcast_in_dim3A_1258 = vector.broadcast %broadcast_in_dim3A_1257 : i32 to vector<16xi32>
          tpu.vector_store_idx %arg17[%broadcast_in_dim3A_1212, %broadcast_in_dim3A_1214, %add3A_1210, %broadcast_in_dim3A_1258], %broadcast_in_dim3A_1 masked %eq3A_1206 : memref<2x5x128x32xf32, #tpu.memory_space<vmem>>[vector<16xi32>, vector<16xi32>, vector<16xi32>, vector<16xi32>], vector<16xf32>, vector<16xi1>
          %broadcast_in_dim3A_1259 = arith.constant 22 : i32
          %broadcast_in_dim3A_1260 = vector.broadcast %broadcast_in_dim3A_1259 : i32 to vector<16xi32>
          tpu.vector_store_idx %arg17[%broadcast_in_dim3A_1212, %broadcast_in_dim3A_1214, %add3A_1210, %broadcast_in_dim3A_1260], %broadcast_in_dim3A_1 masked %eq3A_1206 : memref<2x5x128x32xf32, #tpu.memory_space<vmem>>[vector<16xi32>, vector<16xi32>, vector<16xi32>, vector<16xi32>], vector<16xf32>, vector<16xi1>
          %broadcast_in_dim3A_1261 = arith.constant 23 : i32
          %broadcast_in_dim3A_1262 = vector.broadcast %broadcast_in_dim3A_1261 : i32 to vector<16xi32>
          tpu.vector_store_idx %arg17[%broadcast_in_dim3A_1212, %broadcast_in_dim3A_1214, %add3A_1210, %broadcast_in_dim3A_1262], %broadcast_in_dim3A_1 masked %eq3A_1206 : memref<2x5x128x32xf32, #tpu.memory_space<vmem>>[vector<16xi32>, vector<16xi32>, vector<16xi32>, vector<16xi32>], vector<16xf32>, vector<16xi1>
          %broadcast_in_dim3A_1263 = arith.constant 24 : i32
          %broadcast_in_dim3A_1264 = vector.broadcast %broadcast_in_dim3A_1263 : i32 to vector<16xi32>
          tpu.vector_store_idx %arg17[%broadcast_in_dim3A_1212, %broadcast_in_dim3A_1214, %add3A_1210, %broadcast_in_dim3A_1264], %broadcast_in_dim3A_1 masked %eq3A_1206 : memref<2x5x128x32xf32, #tpu.memory_space<vmem>>[vector<16xi32>, vector<16xi32>, vector<16xi32>, vector<16xi32>], vector<16xf32>, vector<16xi1>
          %broadcast_in_dim3A_1265 = arith.constant 25 : i32
          %broadcast_in_dim3A_1266 = vector.broadcast %broadcast_in_dim3A_1265 : i32 to vector<16xi32>
          tpu.vector_store_idx %arg17[%broadcast_in_dim3A_1212, %broadcast_in_dim3A_1214, %add3A_1210, %broadcast_in_dim3A_1266], %broadcast_in_dim3A_1 masked %eq3A_1206 : memref<2x5x128x32xf32, #tpu.memory_space<vmem>>[vector<16xi32>, vector<16xi32>, vector<16xi32>, vector<16xi32>], vector<16xf32>, vector<16xi1>
          %broadcast_in_dim3A_1267 = arith.constant 26 : i32
          %broadcast_in_dim3A_1268 = vector.broadcast %broadcast_in_dim3A_1267 : i32 to vector<16xi32>
          tpu.vector_store_idx %arg17[%broadcast_in_dim3A_1212, %broadcast_in_dim3A_1214, %add3A_1210, %broadcast_in_dim3A_1268], %broadcast_in_dim3A_1 masked %eq3A_1206 : memref<2x5x128x32xf32, #tpu.memory_space<vmem>>[vector<16xi32>, vector<16xi32>, vector<16xi32>, vector<16xi32>], vector<16xf32>, vector<16xi1>
          %broadcast_in_dim3A_1269 = arith.constant 27 : i32
          %broadcast_in_dim3A_1270 = vector.broadcast %broadcast_in_dim3A_1269 : i32 to vector<16xi32>
          tpu.vector_store_idx %arg17[%broadcast_in_dim3A_1212, %broadcast_in_dim3A_1214, %add3A_1210, %broadcast_in_dim3A_1270], %broadcast_in_dim3A_1 masked %eq3A_1206 : memref<2x5x128x32xf32, #tpu.memory_space<vmem>>[vector<16xi32>, vector<16xi32>, vector<16xi32>, vector<16xi32>], vector<16xf32>, vector<16xi1>
          %broadcast_in_dim3A_1271 = arith.constant 28 : i32
          %broadcast_in_dim3A_1272 = vector.broadcast %broadcast_in_dim3A_1271 : i32 to vector<16xi32>
          tpu.vector_store_idx %arg17[%broadcast_in_dim3A_1212, %broadcast_in_dim3A_1214, %add3A_1210, %broadcast_in_dim3A_1272], %broadcast_in_dim3A_1 masked %eq3A_1206 : memref<2x5x128x32xf32, #tpu.memory_space<vmem>>[vector<16xi32>, vector<16xi32>, vector<16xi32>, vector<16xi32>], vector<16xf32>, vector<16xi1>
          %broadcast_in_dim3A_1273 = arith.constant 29 : i32
          %broadcast_in_dim3A_1274 = vector.broadcast %broadcast_in_dim3A_1273 : i32 to vector<16xi32>
          tpu.vector_store_idx %arg17[%broadcast_in_dim3A_1212, %broadcast_in_dim3A_1214, %add3A_1210, %broadcast_in_dim3A_1274], %broadcast_in_dim3A_1 masked %eq3A_1206 : memref<2x5x128x32xf32, #tpu.memory_space<vmem>>[vector<16xi32>, vector<16xi32>, vector<16xi32>, vector<16xi32>], vector<16xf32>, vector<16xi1>
          %broadcast_in_dim3A_1275 = arith.constant 30 : i32
          %broadcast_in_dim3A_1276 = vector.broadcast %broadcast_in_dim3A_1275 : i32 to vector<16xi32>
          tpu.vector_store_idx %arg17[%broadcast_in_dim3A_1212, %broadcast_in_dim3A_1214, %add3A_1210, %broadcast_in_dim3A_1276], %broadcast_in_dim3A_1 masked %eq3A_1206 : memref<2x5x128x32xf32, #tpu.memory_space<vmem>>[vector<16xi32>, vector<16xi32>, vector<16xi32>, vector<16xi32>], vector<16xf32>, vector<16xi1>
          %broadcast_in_dim3A_1277 = arith.constant 31 : i32
          %broadcast_in_dim3A_1278 = vector.broadcast %broadcast_in_dim3A_1277 : i32 to vector<16xi32>
          tpu.vector_store_idx %arg17[%broadcast_in_dim3A_1212, %broadcast_in_dim3A_1214, %add3A_1210, %broadcast_in_dim3A_1278], %broadcast_in_dim3A_1 masked %eq3A_1206 : memref<2x5x128x32xf32, #tpu.memory_space<vmem>>[vector<16xi32>, vector<16xi32>, vector<16xi32>, vector<16xi32>], vector<16xf32>, vector<16xi1>
        } else {
        }
      }
      %scan3A_768 = arith.constant 8 : i32
      %scan3A_769 = arith.constant 0 : i32
      %scan3A_770 = arith.constant 8 : i32
      %scan3A_771 = arith.addi %scan3A_769, %scan3A_770 : i32
      %scan3A_772 = arith.constant 1 : i32
      scf.for %scan3A_1187 = %scan3A_769 to %scan3A_771 step %scan3A_772  : i32 {
        %mul3A_1188 = arith.constant 16 : i32
        %mul3A_1189 = arith.muli %scan3A_1187, %mul3A_1188 : i32
        %get3A = arith.constant 1 : i32
        %get3A_1190 = arith.constant 4 : i32
        %get3A_1191 = arith.index_cast %get3A : i32 to index
        %get3A_1192 = arith.index_cast %get3A_1190 : i32 to index
        %get3A_1193 = arith.index_cast %mul3A_1189 : i32 to index
        %get3A_1194 = tpu.vector_load %arg15[%get3A_1191, %get3A_1192, %get3A_1193] {strides = array<i32>} : memref<2x5x128xi32, #tpu.memory_space<vmem>>, vector<16xi32>,
        %reduce_min3A = arith.constant true
        %reduce_min3A_1195 = vector.broadcast %reduce_min3A : i1 to vector<16xi1>
        %reduce_min3A_1196 = arith.constant -2147483648 : i32
        %reduce_min3A_1197 = vector.broadcast %reduce_min3A_1196 : i32 to vector<16xi32>
        %reduce_min3A_1198 = arith.xori %get3A_1194, %reduce_min3A_1197 : vector<16xi32>
        %reduce_min3A_1199 = tpu.scan <min>, %reduce_min3A_1198 masked %reduce_min3A_1195 : vector<16xi32>, vector<16xi1> -> vector<16xi32>
        %reduce_min3A_1200 = arith.xori %reduce_min3A_1199, %reduce_min3A_1197 : vector<16xi32>
        %reduce_min3A_1201 = vector.extract %reduce_min3A_1200[15] : i32 from vector<16xi32>
        %eq3A = arith.constant 0 : i32
        %eq3A_1202 = arith.cmpi eq, %reduce_min3A_1201, %eq3A : i32
        %convert_element_type3A = arith.extui %eq3A_1202 : i1 to i32
        %cond3A = arith.constant 0 : i32
        %cond3A_1203 = arith.cmpi ne, %convert_element_type3A, %cond3A : i32
        scf.if %cond3A_1203 {
          %eq3A_1204 = arith.constant 0 : i32
          %eq3A_1205 = vector.broadcast %eq3A_1204 : i32 to vector<16xi32>
          %eq3A_1206 = arith.cmpi eq, %get3A_1194, %eq3A_1205 : vector<16xi32>
          %mul3A_1207 = arith.constant 16 : i32
          %mul3A_1208 = arith.muli %scan3A_1187, %mul3A_1207 : i32
          %add3A_1209 = vector.broadcast %mul3A_1208 : i32 to vector<16xi32>
          %add3A_1210 = arith.addi %add3A_1209, %iota3A : vector<16xi32>
          %broadcast_in_dim3A_1211 = arith.constant 1 : i32
          %broadcast_in_dim3A_1212 = vector.broadcast %broadcast_in_dim3A_1211 : i32 to vector<16xi32>
          %broadcast_in_dim3A_1213 = arith.constant 4 : i32
          %broadcast_in_dim3A_1214 = vector.broadcast %broadcast_in_dim3A_1213 : i32 to vector<16xi32>
          %broadcast_in_dim3A_1215 = arith.constant 0 : i32
          %broadcast_in_dim3A_1216 = vector.broadcast %broadcast_in_dim3A_1215 : i32 to vector<16xi32>
          tpu.vector_store_idx %arg17[%broadcast_in_dim3A_1212, %broadcast_in_dim3A_1214, %add3A_1210, %broadcast_in_dim3A_1216], %broadcast_in_dim3A_1 masked %eq3A_1206 : memref<2x5x128x32xf32, #tpu.memory_space<vmem>>[vector<16xi32>, vector<16xi32>, vector<16xi32>, vector<16xi32>], vector<16xf32>, vector<16xi1>
          %broadcast_in_dim3A_1217 = arith.constant 1 : i32
          %broadcast_in_dim3A_1218 = vector.broadcast %broadcast_in_dim3A_1217 : i32 to vector<16xi32>
          tpu.vector_store_idx %arg17[%broadcast_in_dim3A_1212, %broadcast_in_dim3A_1214, %add3A_1210, %broadcast_in_dim3A_1218], %broadcast_in_dim3A_1 masked %eq3A_1206 : memref<2x5x128x32xf32, #tpu.memory_space<vmem>>[vector<16xi32>, vector<16xi32>, vector<16xi32>, vector<16xi32>], vector<16xf32>, vector<16xi1>
          %broadcast_in_dim3A_1219 = arith.constant 2 : i32
          %broadcast_in_dim3A_1220 = vector.broadcast %broadcast_in_dim3A_1219 : i32 to vector<16xi32>
          tpu.vector_store_idx %arg17[%broadcast_in_dim3A_1212, %broadcast_in_dim3A_1214, %add3A_1210, %broadcast_in_dim3A_1220], %broadcast_in_dim3A_1 masked %eq3A_1206 : memref<2x5x128x32xf32, #tpu.memory_space<vmem>>[vector<16xi32>, vector<16xi32>, vector<16xi32>, vector<16xi32>], vector<16xf32>, vector<16xi1>
          %broadcast_in_dim3A_1221 = arith.constant 3 : i32
          %broadcast_in_dim3A_1222 = vector.broadcast %broadcast_in_dim3A_1221 : i32 to vector<16xi32>
          tpu.vector_store_idx %arg17[%broadcast_in_dim3A_1212, %broadcast_in_dim3A_1214, %add3A_1210, %broadcast_in_dim3A_1222], %broadcast_in_dim3A_1 masked %eq3A_1206 : memref<2x5x128x32xf32, #tpu.memory_space<vmem>>[vector<16xi32>, vector<16xi32>, vector<16xi32>, vector<16xi32>], vector<16xf32>, vector<16xi1>
          %broadcast_in_dim3A_1223 = arith.constant 4 : i32
          %broadcast_in_dim3A_1224 = vector.broadcast %broadcast_in_dim3A_1223 : i32 to vector<16xi32>
          tpu.vector_store_idx %arg17[%broadcast_in_dim3A_1212, %broadcast_in_dim3A_1214, %add3A_1210, %broadcast_in_dim3A_1224], %broadcast_in_dim3A_1 masked %eq3A_1206 : memref<2x5x128x32xf32, #tpu.memory_space<vmem>>[vector<16xi32>, vector<16xi32>, vector<16xi32>, vector<16xi32>], vector<16xf32>, vector<16xi1>
          %broadcast_in_dim3A_1225 = arith.constant 5 : i32
          %broadcast_in_dim3A_1226 = vector.broadcast %broadcast_in_dim3A_1225 : i32 to vector<16xi32>
          tpu.vector_store_idx %arg17[%broadcast_in_dim3A_1212, %broadcast_in_dim3A_1214, %add3A_1210, %broadcast_in_dim3A_1226], %broadcast_in_dim3A_1 masked %eq3A_1206 : memref<2x5x128x32xf32, #tpu.memory_space<vmem>>[vector<16xi32>, vector<16xi32>, vector<16xi32>, vector<16xi32>], vector<16xf32>, vector<16xi1>
          %broadcast_in_dim3A_1227 = arith.constant 6 : i32
          %broadcast_in_dim3A_1228 = vector.broadcast %broadcast_in_dim3A_1227 : i32 to vector<16xi32>
          tpu.vector_store_idx %arg17[%broadcast_in_dim3A_1212, %broadcast_in_dim3A_1214, %add3A_1210, %broadcast_in_dim3A_1228], %broadcast_in_dim3A_1 masked %eq3A_1206 : memref<2x5x128x32xf32, #tpu.memory_space<vmem>>[vector<16xi32>, vector<16xi32>, vector<16xi32>, vector<16xi32>], vector<16xf32>, vector<16xi1>
          %broadcast_in_dim3A_1229 = arith.constant 7 : i32
          %broadcast_in_dim3A_1230 = vector.broadcast %broadcast_in_dim3A_1229 : i32 to vector<16xi32>
          tpu.vector_store_idx %arg17[%broadcast_in_dim3A_1212, %broadcast_in_dim3A_1214, %add3A_1210, %broadcast_in_dim3A_1230], %broadcast_in_dim3A_1 masked %eq3A_1206 : memref<2x5x128x32xf32, #tpu.memory_space<vmem>>[vector<16xi32>, vector<16xi32>, vector<16xi32>, vector<16xi32>], vector<16xf32>, vector<16xi1>
          %broadcast_in_dim3A_1231 = arith.constant 8 : i32
          %broadcast_in_dim3A_1232 = vector.broadcast %broadcast_in_dim3A_1231 : i32 to vector<16xi32>
          tpu.vector_store_idx %arg17[%broadcast_in_dim3A_1212, %broadcast_in_dim3A_1214, %add3A_1210, %broadcast_in_dim3A_1232], %broadcast_in_dim3A_1 masked %eq3A_1206 : memref<2x5x128x32xf32, #tpu.memory_space<vmem>>[vector<16xi32>, vector<16xi32>, vector<16xi32>, vector<16xi32>], vector<16xf32>, vector<16xi1>
          %broadcast_in_dim3A_1233 = arith.constant 9 : i32
          %broadcast_in_dim3A_1234 = vector.broadcast %broadcast_in_dim3A_1233 : i32 to vector<16xi32>
          tpu.vector_store_idx %arg17[%broadcast_in_dim3A_1212, %broadcast_in_dim3A_1214, %add3A_1210, %broadcast_in_dim3A_1234], %broadcast_in_dim3A_1 masked %eq3A_1206 : memref<2x5x128x32xf32, #tpu.memory_space<vmem>>[vector<16xi32>, vector<16xi32>, vector<16xi32>, vector<16xi32>], vector<16xf32>, vector<16xi1>
          %broadcast_in_dim3A_1235 = arith.constant 10 : i32
          %broadcast_in_dim3A_1236 = vector.broadcast %broadcast_in_dim3A_1235 : i32 to vector<16xi32>
          tpu.vector_store_idx %arg17[%broadcast_in_dim3A_1212, %broadcast_in_dim3A_1214, %add3A_1210, %broadcast_in_dim3A_1236], %broadcast_in_dim3A_1 masked %eq3A_1206 : memref<2x5x128x32xf32, #tpu.memory_space<vmem>>[vector<16xi32>, vector<16xi32>, vector<16xi32>, vector<16xi32>], vector<16xf32>, vector<16xi1>
          %broadcast_in_dim3A_1237 = arith.constant 11 : i32
          %broadcast_in_dim3A_1238 = vector.broadcast %broadcast_in_dim3A_1237 : i32 to vector<16xi32>
          tpu.vector_store_idx %arg17[%broadcast_in_dim3A_1212, %broadcast_in_dim3A_1214, %add3A_1210, %broadcast_in_dim3A_1238], %broadcast_in_dim3A_1 masked %eq3A_1206 : memref<2x5x128x32xf32, #tpu.memory_space<vmem>>[vector<16xi32>, vector<16xi32>, vector<16xi32>, vector<16xi32>], vector<16xf32>, vector<16xi1>
          %broadcast_in_dim3A_1239 = arith.constant 12 : i32
          %broadcast_in_dim3A_1240 = vector.broadcast %broadcast_in_dim3A_1239 : i32 to vector<16xi32>
          tpu.vector_store_idx %arg17[%broadcast_in_dim3A_1212, %broadcast_in_dim3A_1214, %add3A_1210, %broadcast_in_dim3A_1240], %broadcast_in_dim3A_1 masked %eq3A_1206 : memref<2x5x128x32xf32, #tpu.memory_space<vmem>>[vector<16xi32>, vector<16xi32>, vector<16xi32>, vector<16xi32>], vector<16xf32>, vector<16xi1>
          %broadcast_in_dim3A_1241 = arith.constant 13 : i32
          %broadcast_in_dim3A_1242 = vector.broadcast %broadcast_in_dim3A_1241 : i32 to vector<16xi32>
          tpu.vector_store_idx %arg17[%broadcast_in_dim3A_1212, %broadcast_in_dim3A_1214, %add3A_1210, %broadcast_in_dim3A_1242], %broadcast_in_dim3A_1 masked %eq3A_1206 : memref<2x5x128x32xf32, #tpu.memory_space<vmem>>[vector<16xi32>, vector<16xi32>, vector<16xi32>, vector<16xi32>], vector<16xf32>, vector<16xi1>
          %broadcast_in_dim3A_1243 = arith.constant 14 : i32
          %broadcast_in_dim3A_1244 = vector.broadcast %broadcast_in_dim3A_1243 : i32 to vector<16xi32>
          tpu.vector_store_idx %arg17[%broadcast_in_dim3A_1212, %broadcast_in_dim3A_1214, %add3A_1210, %broadcast_in_dim3A_1244], %broadcast_in_dim3A_1 masked %eq3A_1206 : memref<2x5x128x32xf32, #tpu.memory_space<vmem>>[vector<16xi32>, vector<16xi32>, vector<16xi32>, vector<16xi32>], vector<16xf32>, vector<16xi1>
          %broadcast_in_dim3A_1245 = arith.constant 15 : i32
          %broadcast_in_dim3A_1246 = vector.broadcast %broadcast_in_dim3A_1245 : i32 to vector<16xi32>
          tpu.vector_store_idx %arg17[%broadcast_in_dim3A_1212, %broadcast_in_dim3A_1214, %add3A_1210, %broadcast_in_dim3A_1246], %broadcast_in_dim3A_1 masked %eq3A_1206 : memref<2x5x128x32xf32, #tpu.memory_space<vmem>>[vector<16xi32>, vector<16xi32>, vector<16xi32>, vector<16xi32>], vector<16xf32>, vector<16xi1>
          %broadcast_in_dim3A_1247 = arith.constant 16 : i32
          %broadcast_in_dim3A_1248 = vector.broadcast %broadcast_in_dim3A_1247 : i32 to vector<16xi32>
          tpu.vector_store_idx %arg17[%broadcast_in_dim3A_1212, %broadcast_in_dim3A_1214, %add3A_1210, %broadcast_in_dim3A_1248], %broadcast_in_dim3A_1 masked %eq3A_1206 : memref<2x5x128x32xf32, #tpu.memory_space<vmem>>[vector<16xi32>, vector<16xi32>, vector<16xi32>, vector<16xi32>], vector<16xf32>, vector<16xi1>
          %broadcast_in_dim3A_1249 = arith.constant 17 : i32
          %broadcast_in_dim3A_1250 = vector.broadcast %broadcast_in_dim3A_1249 : i32 to vector<16xi32>
          tpu.vector_store_idx %arg17[%broadcast_in_dim3A_1212, %broadcast_in_dim3A_1214, %add3A_1210, %broadcast_in_dim3A_1250], %broadcast_in_dim3A_1 masked %eq3A_1206 : memref<2x5x128x32xf32, #tpu.memory_space<vmem>>[vector<16xi32>, vector<16xi32>, vector<16xi32>, vector<16xi32>], vector<16xf32>, vector<16xi1>
          %broadcast_in_dim3A_1251 = arith.constant 18 : i32
          %broadcast_in_dim3A_1252 = vector.broadcast %broadcast_in_dim3A_1251 : i32 to vector<16xi32>
          tpu.vector_store_idx %arg17[%broadcast_in_dim3A_1212, %broadcast_in_dim3A_1214, %add3A_1210, %broadcast_in_dim3A_1252], %broadcast_in_dim3A_1 masked %eq3A_1206 : memref<2x5x128x32xf32, #tpu.memory_space<vmem>>[vector<16xi32>, vector<16xi32>, vector<16xi32>, vector<16xi32>], vector<16xf32>, vector<16xi1>
          %broadcast_in_dim3A_1253 = arith.constant 19 : i32
          %broadcast_in_dim3A_1254 = vector.broadcast %broadcast_in_dim3A_1253 : i32 to vector<16xi32>
          tpu.vector_store_idx %arg17[%broadcast_in_dim3A_1212, %broadcast_in_dim3A_1214, %add3A_1210, %broadcast_in_dim3A_1254], %broadcast_in_dim3A_1 masked %eq3A_1206 : memref<2x5x128x32xf32, #tpu.memory_space<vmem>>[vector<16xi32>, vector<16xi32>, vector<16xi32>, vector<16xi32>], vector<16xf32>, vector<16xi1>
          %broadcast_in_dim3A_1255 = arith.constant 20 : i32
          %broadcast_in_dim3A_1256 = vector.broadcast %broadcast_in_dim3A_1255 : i32 to vector<16xi32>
          tpu.vector_store_idx %arg17[%broadcast_in_dim3A_1212, %broadcast_in_dim3A_1214, %add3A_1210, %broadcast_in_dim3A_1256], %broadcast_in_dim3A_1 masked %eq3A_1206 : memref<2x5x128x32xf32, #tpu.memory_space<vmem>>[vector<16xi32>, vector<16xi32>, vector<16xi32>, vector<16xi32>], vector<16xf32>, vector<16xi1>
          %broadcast_in_dim3A_1257 = arith.constant 21 : i32
          %broadcast_in_dim3A_1258 = vector.broadcast %broadcast_in_dim3A_1257 : i32 to vector<16xi32>
          tpu.vector_store_idx %arg17[%broadcast_in_dim3A_1212, %broadcast_in_dim3A_1214, %add3A_1210, %broadcast_in_dim3A_1258], %broadcast_in_dim3A_1 masked %eq3A_1206 : memref<2x5x128x32xf32, #tpu.memory_space<vmem>>[vector<16xi32>, vector<16xi32>, vector<16xi32>, vector<16xi32>], vector<16xf32>, vector<16xi1>
          %broadcast_in_dim3A_1259 = arith.constant 22 : i32
          %broadcast_in_dim3A_1260 = vector.broadcast %broadcast_in_dim3A_1259 : i32 to vector<16xi32>
          tpu.vector_store_idx %arg17[%broadcast_in_dim3A_1212, %broadcast_in_dim3A_1214, %add3A_1210, %broadcast_in_dim3A_1260], %broadcast_in_dim3A_1 masked %eq3A_1206 : memref<2x5x128x32xf32, #tpu.memory_space<vmem>>[vector<16xi32>, vector<16xi32>, vector<16xi32>, vector<16xi32>], vector<16xf32>, vector<16xi1>
          %broadcast_in_dim3A_1261 = arith.constant 23 : i32
          %broadcast_in_dim3A_1262 = vector.broadcast %broadcast_in_dim3A_1261 : i32 to vector<16xi32>
          tpu.vector_store_idx %arg17[%broadcast_in_dim3A_1212, %broadcast_in_dim3A_1214, %add3A_1210, %broadcast_in_dim3A_1262], %broadcast_in_dim3A_1 masked %eq3A_1206 : memref<2x5x128x32xf32, #tpu.memory_space<vmem>>[vector<16xi32>, vector<16xi32>, vector<16xi32>, vector<16xi32>], vector<16xf32>, vector<16xi1>
          %broadcast_in_dim3A_1263 = arith.constant 24 : i32
          %broadcast_in_dim3A_1264 = vector.broadcast %broadcast_in_dim3A_1263 : i32 to vector<16xi32>
          tpu.vector_store_idx %arg17[%broadcast_in_dim3A_1212, %broadcast_in_dim3A_1214, %add3A_1210, %broadcast_in_dim3A_1264], %broadcast_in_dim3A_1 masked %eq3A_1206 : memref<2x5x128x32xf32, #tpu.memory_space<vmem>>[vector<16xi32>, vector<16xi32>, vector<16xi32>, vector<16xi32>], vector<16xf32>, vector<16xi1>
          %broadcast_in_dim3A_1265 = arith.constant 25 : i32
          %broadcast_in_dim3A_1266 = vector.broadcast %broadcast_in_dim3A_1265 : i32 to vector<16xi32>
          tpu.vector_store_idx %arg17[%broadcast_in_dim3A_1212, %broadcast_in_dim3A_1214, %add3A_1210, %broadcast_in_dim3A_1266], %broadcast_in_dim3A_1 masked %eq3A_1206 : memref<2x5x128x32xf32, #tpu.memory_space<vmem>>[vector<16xi32>, vector<16xi32>, vector<16xi32>, vector<16xi32>], vector<16xf32>, vector<16xi1>
          %broadcast_in_dim3A_1267 = arith.constant 26 : i32
          %broadcast_in_dim3A_1268 = vector.broadcast %broadcast_in_dim3A_1267 : i32 to vector<16xi32>
          tpu.vector_store_idx %arg17[%broadcast_in_dim3A_1212, %broadcast_in_dim3A_1214, %add3A_1210, %broadcast_in_dim3A_1268], %broadcast_in_dim3A_1 masked %eq3A_1206 : memref<2x5x128x32xf32, #tpu.memory_space<vmem>>[vector<16xi32>, vector<16xi32>, vector<16xi32>, vector<16xi32>], vector<16xf32>, vector<16xi1>
          %broadcast_in_dim3A_1269 = arith.constant 27 : i32
          %broadcast_in_dim3A_1270 = vector.broadcast %broadcast_in_dim3A_1269 : i32 to vector<16xi32>
          tpu.vector_store_idx %arg17[%broadcast_in_dim3A_1212, %broadcast_in_dim3A_1214, %add3A_1210, %broadcast_in_dim3A_1270], %broadcast_in_dim3A_1 masked %eq3A_1206 : memref<2x5x128x32xf32, #tpu.memory_space<vmem>>[vector<16xi32>, vector<16xi32>, vector<16xi32>, vector<16xi32>], vector<16xf32>, vector<16xi1>
          %broadcast_in_dim3A_1271 = arith.constant 28 : i32
          %broadcast_in_dim3A_1272 = vector.broadcast %broadcast_in_dim3A_1271 : i32 to vector<16xi32>
          tpu.vector_store_idx %arg17[%broadcast_in_dim3A_1212, %broadcast_in_dim3A_1214, %add3A_1210, %broadcast_in_dim3A_1272], %broadcast_in_dim3A_1 masked %eq3A_1206 : memref<2x5x128x32xf32, #tpu.memory_space<vmem>>[vector<16xi32>, vector<16xi32>, vector<16xi32>, vector<16xi32>], vector<16xf32>, vector<16xi1>
          %broadcast_in_dim3A_1273 = arith.constant 29 : i32
          %broadcast_in_dim3A_1274 = vector.broadcast %broadcast_in_dim3A_1273 : i32 to vector<16xi32>
          tpu.vector_store_idx %arg17[%broadcast_in_dim3A_1212, %broadcast_in_dim3A_1214, %add3A_1210, %broadcast_in_dim3A_1274], %broadcast_in_dim3A_1 masked %eq3A_1206 : memref<2x5x128x32xf32, #tpu.memory_space<vmem>>[vector<16xi32>, vector<16xi32>, vector<16xi32>, vector<16xi32>], vector<16xf32>, vector<16xi1>
          %broadcast_in_dim3A_1275 = arith.constant 30 : i32
          %broadcast_in_dim3A_1276 = vector.broadcast %broadcast_in_dim3A_1275 : i32 to vector<16xi32>
          tpu.vector_store_idx %arg17[%broadcast_in_dim3A_1212, %broadcast_in_dim3A_1214, %add3A_1210, %broadcast_in_dim3A_1276], %broadcast_in_dim3A_1 masked %eq3A_1206 : memref<2x5x128x32xf32, #tpu.memory_space<vmem>>[vector<16xi32>, vector<16xi32>, vector<16xi32>, vector<16xi32>], vector<16xf32>, vector<16xi1>
          %broadcast_in_dim3A_1277 = arith.constant 31 : i32
          %broadcast_in_dim3A_1278 = vector.broadcast %broadcast_in_dim3A_1277 : i32 to vector<16xi32>
          tpu.vector_store_idx %arg17[%broadcast_in_dim3A_1212, %broadcast_in_dim3A_1214, %add3A_1210, %broadcast_in_dim3A_1278], %broadcast_in_dim3A_1 masked %eq3A_1206 : memref<2x5x128x32xf32, #tpu.memory_space<vmem>>[vector<16xi32>, vector<16xi32>, vector<16xi32>, vector<16xi32>], vector<16xf32>, vector<16xi1>
        } else {
        }
      }
      %scan3A_773 = arith.constant 8 : i32
      %scan3A_774 = arith.constant 0 : i32
      %scan3A_775 = arith.constant 8 : i32
      %scan3A_776 = arith.addi %scan3A_774, %scan3A_775 : i32
      %scan3A_777 = arith.constant 1 : i32
      scf.for %scan3A_1187 = %scan3A_774 to %scan3A_776 step %scan3A_777  : i32 {
        %mul3A_1188 = arith.constant 16 : i32
        %mul3A_1189 = arith.muli %scan3A_1187, %mul3A_1188 : i32
        %get3A = arith.constant 0 : i32
        %get3A_1190 = arith.index_cast %get3A : i32 to index
        %get3A_1191 = arith.index_cast %mul3A_1189 : i32 to index
        %get3A_1192 = tpu.vector_load %arg18[%get3A_1190, %get3A_1191] {strides = array<i32>} : memref<2x128xf32, #tpu.memory_space<vmem>>, vector<16xf32>,
        %get3A_1193 = arith.constant 1 : i32
        %get3A_1194 = arith.index_cast %get3A_1193 : i32 to index
        %get3A_1195 = arith.index_cast %mul3A_1189 : i32 to index
        %get3A_1196 = tpu.vector_load %arg18[%get3A_1194, %get3A_1195] {strides = array<i32>} : memref<2x128xf32, #tpu.memory_space<vmem>>, vector<16xf32>,
        %add3A_1197 = arith.addf %get3A_1192, %get3A_1196 : vector<16xf32>
        %swap3A = arith.index_cast %mul3A_1189 : i32 to index
        %swap3A_1198 = tpu.vector_load %arg19[%swap3A] {strides = array<i32>} : memref<128xf32, #tpu.memory_space<vmem>>, vector<16xf32>,
        tpu.vector_store %arg19[%swap3A], %add3A_1197 {strides = array<i32>} : memref<128xf32, #tpu.memory_space<vmem>>, vector<16xf32>,
      }
      %scan3A_778 = arith.constant 8 : i32
      %dma_start3A_779 = arith.constant 0 : i32
      %dma_start3A_780 = arith.constant 0 : i32
      %dma_start3A_781 = arith.constant 0 : i32
      %dma_start3A_782 = arith.constant 0 : i32
      %dma_start3A_783 = tpu.memref_slice %arg16[%dma_start3A_779, %dma_start3A_781, %dma_start3A_782] : memref<2x128x32xf32, #tpu.memory_space<vmem>> -> memref<1x128x32xf32, #tpu.memory_space<vmem>>
      %dma_start3A_784 = tpu.memref_squeeze %dma_start3A_783 : memref<1x128x32xf32, #tpu.memory_space<vmem>> -> memref<128x32xf32, #tpu.memory_space<vmem>>
      %dma_start3A_785 = arith.constant 0 : i32
      %dma_start3A_786 = tpu.memref_slice %arg10[%dma_start3A_780, %add3A_11, %dma_start3A_785] : memref<3x16384x128xf32, #tpu.memory_space<hbm>> -> memref<1x128x32xf32, #tpu.memory_space<hbm>>
      %dma_start3A_787 = tpu.memref_squeeze %dma_start3A_786 : memref<1x128x32xf32, #tpu.memory_space<hbm>> -> memref<128x32xf32, #tpu.memory_space<hbm>>
      %dma_start3A_788 = arith.constant 0 : i32
      %dma_start3A_789 = tpu.memref_slice %arg10[%dma_start3A_780, %add3A_11, %dma_start3A_788] : memref<3x16384x128xf32, #tpu.memory_space<hbm>> -> memref<1x128x32xf32, #tpu.memory_space<hbm>>
      %dma_start3A_790 = tpu.memref_squeeze %dma_start3A_789 : memref<1x128x32xf32, #tpu.memory_space<hbm>> -> memref<128x32xf32, #tpu.memory_space<hbm>>
      %dma_start3A_791 = arith.constant 0 : i32
      %dma_start3A_792 = arith.constant 0 : i32
      %dma_start3A_793 = tpu.memref_slice %arg16[%dma_start3A_779, %dma_start3A_791, %dma_start3A_792] : memref<2x128x32xf32, #tpu.memory_space<vmem>> -> memref<1x128x32xf32, #tpu.memory_space<vmem>>
      %dma_start3A_794 = tpu.memref_squeeze %dma_start3A_793 : memref<1x128x32xf32, #tpu.memory_space<vmem>> -> memref<128x32xf32, #tpu.memory_space<vmem>>
      tpu.enqueue_dma source(%dma_start3A_794 : memref<128x32xf32, #tpu.memory_space<vmem>>) target(%dma_start3A_790 : memref<128x32xf32, #tpu.memory_space<hbm>>) target_semaphore(%arg24 : memref<!tpu.dma_semaphore, #tpu.memory_space<semaphore_mem>>)
      %dma_start3A_795 = arith.constant 0 : i32
      %dma_start3A_796 = arith.constant 0 : i32
      %dma_start3A_797 = arith.constant 0 : i32
      %dma_start3A_798 = arith.constant 0 : i32
      %dma_start3A_799 = arith.constant 0 : i32
      %dma_start3A_800 = tpu.memref_slice %arg17[%dma_start3A_795, %dma_start3A_796, %dma_start3A_798, %dma_start3A_799] : memref<2x5x128x32xf32, #tpu.memory_space<vmem>> -> memref<1x1x128x32xf32, #tpu.memory_space<vmem>>
      %dma_start3A_801 = tpu.memref_squeeze %dma_start3A_800 : memref<1x1x128x32xf32, #tpu.memory_space<vmem>> -> memref<128x32xf32, #tpu.memory_space<vmem>>
      %dma_start3A_802 = arith.constant 32 : i32
      %dma_start3A_803 = tpu.memref_slice %arg10[%dma_start3A_797, %add3A_11, %dma_start3A_802] : memref<3x16384x128xf32, #tpu.memory_space<hbm>> -> memref<1x128x32xf32, #tpu.memory_space<hbm>>
      %dma_start3A_804 = tpu.memref_squeeze %dma_start3A_803 : memref<1x128x32xf32, #tpu.memory_space<hbm>> -> memref<128x32xf32, #tpu.memory_space<hbm>>
      %dma_start3A_805 = arith.constant 32 : i32
      %dma_start3A_806 = tpu.memref_slice %arg10[%dma_start3A_797, %add3A_11, %dma_start3A_805] : memref<3x16384x128xf32, #tpu.memory_space<hbm>> -> memref<1x128x32xf32, #tpu.memory_space<hbm>>
      %dma_start3A_807 = tpu.memref_squeeze %dma_start3A_806 : memref<1x128x32xf32, #tpu.memory_space<hbm>> -> memref<128x32xf32, #tpu.memory_space<hbm>>
      %dma_start3A_808 = arith.constant 0 : i32
      %dma_start3A_809 = arith.constant 0 : i32
      %dma_start3A_810 = tpu.memref_slice %arg17[%dma_start3A_795, %dma_start3A_796, %dma_start3A_808, %dma_start3A_809] : memref<2x5x128x32xf32, #tpu.memory_space<vmem>> -> memref<1x1x128x32xf32, #tpu.memory_space<vmem>>
      %dma_start3A_811 = tpu.memref_squeeze %dma_start3A_810 : memref<1x1x128x32xf32, #tpu.memory_space<vmem>> -> memref<128x32xf32, #tpu.memory_space<vmem>>
      tpu.enqueue_dma source(%dma_start3A_811 : memref<128x32xf32, #tpu.memory_space<vmem>>) target(%dma_start3A_807 : memref<128x32xf32, #tpu.memory_space<hbm>>) target_semaphore(%arg24 : memref<!tpu.dma_semaphore, #tpu.memory_space<semaphore_mem>>)
      %dma_start3A_812 = arith.constant 0 : i32
      %dma_start3A_813 = arith.constant 1 : i32
      %dma_start3A_814 = arith.constant 0 : i32
      %dma_start3A_815 = arith.constant 0 : i32
      %dma_start3A_816 = arith.constant 0 : i32
      %dma_start3A_817 = tpu.memref_slice %arg17[%dma_start3A_812, %dma_start3A_813, %dma_start3A_815, %dma_start3A_816] : memref<2x5x128x32xf32, #tpu.memory_space<vmem>> -> memref<1x1x128x32xf32, #tpu.memory_space<vmem>>
      %dma_start3A_818 = tpu.memref_squeeze %dma_start3A_817 : memref<1x1x128x32xf32, #tpu.memory_space<vmem>> -> memref<128x32xf32, #tpu.memory_space<vmem>>
      %dma_start3A_819 = arith.constant 64 : i32
      %dma_start3A_820 = tpu.memref_slice %arg10[%dma_start3A_814, %add3A_11, %dma_start3A_819] : memref<3x16384x128xf32, #tpu.memory_space<hbm>> -> memref<1x128x32xf32, #tpu.memory_space<hbm>>
      %dma_start3A_821 = tpu.memref_squeeze %dma_start3A_820 : memref<1x128x32xf32, #tpu.memory_space<hbm>> -> memref<128x32xf32, #tpu.memory_space<hbm>>
      %dma_start3A_822 = arith.constant 64 : i32
      %dma_start3A_823 = tpu.memref_slice %arg10[%dma_start3A_814, %add3A_11, %dma_start3A_822] : memref<3x16384x128xf32, #tpu.memory_space<hbm>> -> memref<1x128x32xf32, #tpu.memory_space<hbm>>
      %dma_start3A_824 = tpu.memref_squeeze %dma_start3A_823 : memref<1x128x32xf32, #tpu.memory_space<hbm>> -> memref<128x32xf32, #tpu.memory_space<hbm>>
      %dma_start3A_825 = arith.constant 0 : i32
      %dma_start3A_826 = arith.constant 0 : i32
      %dma_start3A_827 = tpu.memref_slice %arg17[%dma_start3A_812, %dma_start3A_813, %dma_start3A_825, %dma_start3A_826] : memref<2x5x128x32xf32, #tpu.memory_space<vmem>> -> memref<1x1x128x32xf32, #tpu.memory_space<vmem>>
      %dma_start3A_828 = tpu.memref_squeeze %dma_start3A_827 : memref<1x1x128x32xf32, #tpu.memory_space<vmem>> -> memref<128x32xf32, #tpu.memory_space<vmem>>
      tpu.enqueue_dma source(%dma_start3A_828 : memref<128x32xf32, #tpu.memory_space<vmem>>) target(%dma_start3A_824 : memref<128x32xf32, #tpu.memory_space<hbm>>) target_semaphore(%arg24 : memref<!tpu.dma_semaphore, #tpu.memory_space<semaphore_mem>>)
      %dma_start3A_829 = arith.constant 0 : i32
      %dma_start3A_830 = arith.constant 2 : i32
      %dma_start3A_831 = arith.constant 0 : i32
      %dma_start3A_832 = arith.constant 0 : i32
      %dma_start3A_833 = arith.constant 0 : i32
      %dma_start3A_834 = tpu.memref_slice %arg17[%dma_start3A_829, %dma_start3A_830, %dma_start3A_832, %dma_start3A_833] : memref<2x5x128x32xf32, #tpu.memory_space<vmem>> -> memref<1x1x128x32xf32, #tpu.memory_space<vmem>>
      %dma_start3A_835 = tpu.memref_squeeze %dma_start3A_834 : memref<1x1x128x32xf32, #tpu.memory_space<vmem>> -> memref<128x32xf32, #tpu.memory_space<vmem>>
      %dma_start3A_836 = arith.constant 96 : i32
      %dma_start3A_837 = tpu.memref_slice %arg10[%dma_start3A_831, %add3A_11, %dma_start3A_836] : memref<3x16384x128xf32, #tpu.memory_space<hbm>> -> memref<1x128x32xf32, #tpu.memory_space<hbm>>
      %dma_start3A_838 = tpu.memref_squeeze %dma_start3A_837 : memref<1x128x32xf32, #tpu.memory_space<hbm>> -> memref<128x32xf32, #tpu.memory_space<hbm>>
      %dma_start3A_839 = arith.constant 96 : i32
      %dma_start3A_840 = tpu.memref_slice %arg10[%dma_start3A_831, %add3A_11, %dma_start3A_839] : memref<3x16384x128xf32, #tpu.memory_space<hbm>> -> memref<1x128x32xf32, #tpu.memory_space<hbm>>
      %dma_start3A_841 = tpu.memref_squeeze %dma_start3A_840 : memref<1x128x32xf32, #tpu.memory_space<hbm>> -> memref<128x32xf32, #tpu.memory_space<hbm>>
      %dma_start3A_842 = arith.constant 0 : i32
      %dma_start3A_843 = arith.constant 0 : i32
      %dma_start3A_844 = tpu.memref_slice %arg17[%dma_start3A_829, %dma_start3A_830, %dma_start3A_842, %dma_start3A_843] : memref<2x5x128x32xf32, #tpu.memory_space<vmem>> -> memref<1x1x128x32xf32, #tpu.memory_space<vmem>>
      %dma_start3A_845 = tpu.memref_squeeze %dma_start3A_844 : memref<1x1x128x32xf32, #tpu.memory_space<vmem>> -> memref<128x32xf32, #tpu.memory_space<vmem>>
      tpu.enqueue_dma source(%dma_start3A_845 : memref<128x32xf32, #tpu.memory_space<vmem>>) target(%dma_start3A_841 : memref<128x32xf32, #tpu.memory_space<hbm>>) target_semaphore(%arg24 : memref<!tpu.dma_semaphore, #tpu.memory_space<semaphore_mem>>)
      %dma_start3A_846 = arith.constant 0 : i32
      %dma_start3A_847 = arith.constant 3 : i32
      %dma_start3A_848 = arith.constant 1 : i32
      %dma_start3A_849 = arith.constant 0 : i32
      %dma_start3A_850 = arith.constant 0 : i32
      %dma_start3A_851 = tpu.memref_slice %arg17[%dma_start3A_846, %dma_start3A_847, %dma_start3A_849, %dma_start3A_850] : memref<2x5x128x32xf32, #tpu.memory_space<vmem>> -> memref<1x1x128x32xf32, #tpu.memory_space<vmem>>
      %dma_start3A_852 = tpu.memref_squeeze %dma_start3A_851 : memref<1x1x128x32xf32, #tpu.memory_space<vmem>> -> memref<128x32xf32, #tpu.memory_space<vmem>>
      %dma_start3A_853 = arith.constant 0 : i32
      %dma_start3A_854 = tpu.memref_slice %arg10[%dma_start3A_848, %add3A_11, %dma_start3A_853] : memref<3x16384x128xf32, #tpu.memory_space<hbm>> -> memref<1x128x32xf32, #tpu.memory_space<hbm>>
      %dma_start3A_855 = tpu.memref_squeeze %dma_start3A_854 : memref<1x128x32xf32, #tpu.memory_space<hbm>> -> memref<128x32xf32, #tpu.memory_space<hbm>>
      %dma_start3A_856 = arith.constant 0 : i32
      %dma_start3A_857 = tpu.memref_slice %arg10[%dma_start3A_848, %add3A_11, %dma_start3A_856] : memref<3x16384x128xf32, #tpu.memory_space<hbm>> -> memref<1x128x32xf32, #tpu.memory_space<hbm>>
      %dma_start3A_858 = tpu.memref_squeeze %dma_start3A_857 : memref<1x128x32xf32, #tpu.memory_space<hbm>> -> memref<128x32xf32, #tpu.memory_space<hbm>>
      %dma_start3A_859 = arith.constant 0 : i32
      %dma_start3A_860 = arith.constant 0 : i32
      %dma_start3A_861 = tpu.memref_slice %arg17[%dma_start3A_846, %dma_start3A_847, %dma_start3A_859, %dma_start3A_860] : memref<2x5x128x32xf32, #tpu.memory_space<vmem>> -> memref<1x1x128x32xf32, #tpu.memory_space<vmem>>
      %dma_start3A_862 = tpu.memref_squeeze %dma_start3A_861 : memref<1x1x128x32xf32, #tpu.memory_space<vmem>> -> memref<128x32xf32, #tpu.memory_space<vmem>>
      tpu.enqueue_dma source(%dma_start3A_862 : memref<128x32xf32, #tpu.memory_space<vmem>>) target(%dma_start3A_858 : memref<128x32xf32, #tpu.memory_space<hbm>>) target_semaphore(%arg24 : memref<!tpu.dma_semaphore, #tpu.memory_space<semaphore_mem>>)
      %dma_start3A_863 = arith.constant 0 : i32
      %dma_start3A_864 = arith.constant 4 : i32
      %dma_start3A_865 = arith.constant 1 : i32
      %dma_start3A_866 = arith.constant 0 : i32
      %dma_start3A_867 = arith.constant 0 : i32
      %dma_start3A_868 = tpu.memref_slice %arg17[%dma_start3A_863, %dma_start3A_864, %dma_start3A_866, %dma_start3A_867] : memref<2x5x128x32xf32, #tpu.memory_space<vmem>> -> memref<1x1x128x32xf32, #tpu.memory_space<vmem>>
      %dma_start3A_869 = tpu.memref_squeeze %dma_start3A_868 : memref<1x1x128x32xf32, #tpu.memory_space<vmem>> -> memref<128x32xf32, #tpu.memory_space<vmem>>
      %dma_start3A_870 = arith.constant 32 : i32
      %dma_start3A_871 = tpu.memref_slice %arg10[%dma_start3A_865, %add3A_11, %dma_start3A_870] : memref<3x16384x128xf32, #tpu.memory_space<hbm>> -> memref<1x128x32xf32, #tpu.memory_space<hbm>>
      %dma_start3A_872 = tpu.memref_squeeze %dma_start3A_871 : memref<1x128x32xf32, #tpu.memory_space<hbm>> -> memref<128x32xf32, #tpu.memory_space<hbm>>
      %dma_start3A_873 = arith.constant 32 : i32
      %dma_start3A_874 = tpu.memref_slice %arg10[%dma_start3A_865, %add3A_11, %dma_start3A_873] : memref<3x16384x128xf32, #tpu.memory_space<hbm>> -> memref<1x128x32xf32, #tpu.memory_space<hbm>>
      %dma_start3A_875 = tpu.memref_squeeze %dma_start3A_874 : memref<1x128x32xf32, #tpu.memory_space<hbm>> -> memref<128x32xf32, #tpu.memory_space<hbm>>
      %dma_start3A_876 = arith.constant 0 : i32
      %dma_start3A_877 = arith.constant 0 : i32
      %dma_start3A_878 = tpu.memref_slice %arg17[%dma_start3A_863, %dma_start3A_864, %dma_start3A_876, %dma_start3A_877] : memref<2x5x128x32xf32, #tpu.memory_space<vmem>> -> memref<1x1x128x32xf32, #tpu.memory_space<vmem>>
      %dma_start3A_879 = tpu.memref_squeeze %dma_start3A_878 : memref<1x1x128x32xf32, #tpu.memory_space<vmem>> -> memref<128x32xf32, #tpu.memory_space<vmem>>
      tpu.enqueue_dma source(%dma_start3A_879 : memref<128x32xf32, #tpu.memory_space<vmem>>) target(%dma_start3A_875 : memref<128x32xf32, #tpu.memory_space<hbm>>) target_semaphore(%arg24 : memref<!tpu.dma_semaphore, #tpu.memory_space<semaphore_mem>>)
      %dma_start3A_880 = arith.constant 1 : i32
      %dma_start3A_881 = arith.constant 1 : i32
      %dma_start3A_882 = arith.constant 0 : i32
      %dma_start3A_883 = arith.constant 0 : i32
      %dma_start3A_884 = tpu.memref_slice %arg16[%dma_start3A_880, %dma_start3A_882, %dma_start3A_883] : memref<2x128x32xf32, #tpu.memory_space<vmem>> -> memref<1x128x32xf32, #tpu.memory_space<vmem>>
      %dma_start3A_885 = tpu.memref_squeeze %dma_start3A_884 : memref<1x128x32xf32, #tpu.memory_space<vmem>> -> memref<128x32xf32, #tpu.memory_space<vmem>>
      %dma_start3A_886 = arith.constant 64 : i32
      %dma_start3A_887 = tpu.memref_slice %arg10[%dma_start3A_881, %add3A_11, %dma_start3A_886] : memref<3x16384x128xf32, #tpu.memory_space<hbm>> -> memref<1x128x32xf32, #tpu.memory_space<hbm>>
      %dma_start3A_888 = tpu.memref_squeeze %dma_start3A_887 : memref<1x128x32xf32, #tpu.memory_space<hbm>> -> memref<128x32xf32, #tpu.memory_space<hbm>>
      %dma_start3A_889 = arith.constant 64 : i32
      %dma_start3A_890 = tpu.memref_slice %arg10[%dma_start3A_881, %add3A_11, %dma_start3A_889] : memref<3x16384x128xf32, #tpu.memory_space<hbm>> -> memref<1x128x32xf32, #tpu.memory_space<hbm>>
      %dma_start3A_891 = tpu.memref_squeeze %dma_start3A_890 : memref<1x128x32xf32, #tpu.memory_space<hbm>> -> memref<128x32xf32, #tpu.memory_space<hbm>>
      %dma_start3A_892 = arith.constant 0 : i32
      %dma_start3A_893 = arith.constant 0 : i32
      %dma_start3A_894 = tpu.memref_slice %arg16[%dma_start3A_880, %dma_start3A_892, %dma_start3A_893] : memref<2x128x32xf32, #tpu.memory_space<vmem>> -> memref<1x128x32xf32, #tpu.memory_space<vmem>>
      %dma_start3A_895 = tpu.memref_squeeze %dma_start3A_894 : memref<1x128x32xf32, #tpu.memory_space<vmem>> -> memref<128x32xf32, #tpu.memory_space<vmem>>
      tpu.enqueue_dma source(%dma_start3A_895 : memref<128x32xf32, #tpu.memory_space<vmem>>) target(%dma_start3A_891 : memref<128x32xf32, #tpu.memory_space<hbm>>) target_semaphore(%arg24 : memref<!tpu.dma_semaphore, #tpu.memory_space<semaphore_mem>>)
      %dma_start3A_896 = arith.constant 1 : i32
      %dma_start3A_897 = arith.constant 0 : i32
      %dma_start3A_898 = arith.constant 1 : i32
      %dma_start3A_899 = arith.constant 0 : i32
      %dma_start3A_900 = arith.constant 0 : i32
      %dma_start3A_901 = tpu.memref_slice %arg17[%dma_start3A_896, %dma_start3A_897, %dma_start3A_899, %dma_start3A_900] : memref<2x5x128x32xf32, #tpu.memory_space<vmem>> -> memref<1x1x128x32xf32, #tpu.memory_space<vmem>>
      %dma_start3A_902 = tpu.memref_squeeze %dma_start3A_901 : memref<1x1x128x32xf32, #tpu.memory_space<vmem>> -> memref<128x32xf32, #tpu.memory_space<vmem>>
      %dma_start3A_903 = arith.constant 96 : i32
      %dma_start3A_904 = tpu.memref_slice %arg10[%dma_start3A_898, %add3A_11, %dma_start3A_903] : memref<3x16384x128xf32, #tpu.memory_space<hbm>> -> memref<1x128x32xf32, #tpu.memory_space<hbm>>
      %dma_start3A_905 = tpu.memref_squeeze %dma_start3A_904 : memref<1x128x32xf32, #tpu.memory_space<hbm>> -> memref<128x32xf32, #tpu.memory_space<hbm>>
      %dma_start3A_906 = arith.constant 96 : i32
      %dma_start3A_907 = tpu.memref_slice %arg10[%dma_start3A_898, %add3A_11, %dma_start3A_906] : memref<3x16384x128xf32, #tpu.memory_space<hbm>> -> memref<1x128x32xf32, #tpu.memory_space<hbm>>
      %dma_start3A_908 = tpu.memref_squeeze %dma_start3A_907 : memref<1x128x32xf32, #tpu.memory_space<hbm>> -> memref<128x32xf32, #tpu.memory_space<hbm>>
      %dma_start3A_909 = arith.constant 0 : i32
      %dma_start3A_910 = arith.constant 0 : i32
      %dma_start3A_911 = tpu.memref_slice %arg17[%dma_start3A_896, %dma_start3A_897, %dma_start3A_909, %dma_start3A_910] : memref<2x5x128x32xf32, #tpu.memory_space<vmem>> -> memref<1x1x128x32xf32, #tpu.memory_space<vmem>>
      %dma_start3A_912 = tpu.memref_squeeze %dma_start3A_911 : memref<1x1x128x32xf32, #tpu.memory_space<vmem>> -> memref<128x32xf32, #tpu.memory_space<vmem>>
      tpu.enqueue_dma source(%dma_start3A_912 : memref<128x32xf32, #tpu.memory_space<vmem>>) target(%dma_start3A_908 : memref<128x32xf32, #tpu.memory_space<hbm>>) target_semaphore(%arg24 : memref<!tpu.dma_semaphore, #tpu.memory_space<semaphore_mem>>)
      %dma_start3A_913 = arith.constant 1 : i32
      %dma_start3A_914 = arith.constant 1 : i32
      %dma_start3A_915 = arith.constant 2 : i32
      %dma_start3A_916 = arith.constant 0 : i32
      %dma_start3A_917 = arith.constant 0 : i32
      %dma_start3A_918 = tpu.memref_slice %arg17[%dma_start3A_913, %dma_start3A_914, %dma_start3A_916, %dma_start3A_917] : memref<2x5x128x32xf32, #tpu.memory_space<vmem>> -> memref<1x1x128x32xf32, #tpu.memory_space<vmem>>
      %dma_start3A_919 = tpu.memref_squeeze %dma_start3A_918 : memref<1x1x128x32xf32, #tpu.memory_space<vmem>> -> memref<128x32xf32, #tpu.memory_space<vmem>>
      %dma_start3A_920 = arith.constant 0 : i32
      %dma_start3A_921 = tpu.memref_slice %arg10[%dma_start3A_915, %add3A_11, %dma_start3A_920] : memref<3x16384x128xf32, #tpu.memory_space<hbm>> -> memref<1x128x32xf32, #tpu.memory_space<hbm>>
      %dma_start3A_922 = tpu.memref_squeeze %dma_start3A_921 : memref<1x128x32xf32, #tpu.memory_space<hbm>> -> memref<128x32xf32, #tpu.memory_space<hbm>>
      %dma_start3A_923 = arith.constant 0 : i32
      %dma_start3A_924 = tpu.memref_slice %arg10[%dma_start3A_915, %add3A_11, %dma_start3A_923] : memref<3x16384x128xf32, #tpu.memory_space<hbm>> -> memref<1x128x32xf32, #tpu.memory_space<hbm>>
      %dma_start3A_925 = tpu.memref_squeeze %dma_start3A_924 : memref<1x128x32xf32, #tpu.memory_space<hbm>> -> memref<128x32xf32, #tpu.memory_space<hbm>>
      %dma_start3A_926 = arith.constant 0 : i32
      %dma_start3A_927 = arith.constant 0 : i32
      %dma_start3A_928 = tpu.memref_slice %arg17[%dma_start3A_913, %dma_start3A_914, %dma_start3A_926, %dma_start3A_927] : memref<2x5x128x32xf32, #tpu.memory_space<vmem>> -> memref<1x1x128x32xf32, #tpu.memory_space<vmem>>
      %dma_start3A_929 = tpu.memref_squeeze %dma_start3A_928 : memref<1x1x128x32xf32, #tpu.memory_space<vmem>> -> memref<128x32xf32, #tpu.memory_space<vmem>>
      tpu.enqueue_dma source(%dma_start3A_929 : memref<128x32xf32, #tpu.memory_space<vmem>>) target(%dma_start3A_925 : memref<128x32xf32, #tpu.memory_space<hbm>>) target_semaphore(%arg24 : memref<!tpu.dma_semaphore, #tpu.memory_space<semaphore_mem>>)
      %dma_start3A_930 = arith.constant 1 : i32
      %dma_start3A_931 = arith.constant 2 : i32
      %dma_start3A_932 = arith.constant 2 : i32
      %dma_start3A_933 = arith.constant 0 : i32
      %dma_start3A_934 = arith.constant 0 : i32
      %dma_start3A_935 = tpu.memref_slice %arg17[%dma_start3A_930, %dma_start3A_931, %dma_start3A_933, %dma_start3A_934] : memref<2x5x128x32xf32, #tpu.memory_space<vmem>> -> memref<1x1x128x32xf32, #tpu.memory_space<vmem>>
      %dma_start3A_936 = tpu.memref_squeeze %dma_start3A_935 : memref<1x1x128x32xf32, #tpu.memory_space<vmem>> -> memref<128x32xf32, #tpu.memory_space<vmem>>
      %dma_start3A_937 = arith.constant 32 : i32
      %dma_start3A_938 = tpu.memref_slice %arg10[%dma_start3A_932, %add3A_11, %dma_start3A_937] : memref<3x16384x128xf32, #tpu.memory_space<hbm>> -> memref<1x128x32xf32, #tpu.memory_space<hbm>>
      %dma_start3A_939 = tpu.memref_squeeze %dma_start3A_938 : memref<1x128x32xf32, #tpu.memory_space<hbm>> -> memref<128x32xf32, #tpu.memory_space<hbm>>
      %dma_start3A_940 = arith.constant 32 : i32
      %dma_start3A_941 = tpu.memref_slice %arg10[%dma_start3A_932, %add3A_11, %dma_start3A_940] : memref<3x16384x128xf32, #tpu.memory_space<hbm>> -> memref<1x128x32xf32, #tpu.memory_space<hbm>>
      %dma_start3A_942 = tpu.memref_squeeze %dma_start3A_941 : memref<1x128x32xf32, #tpu.memory_space<hbm>> -> memref<128x32xf32, #tpu.memory_space<hbm>>
      %dma_start3A_943 = arith.constant 0 : i32
      %dma_start3A_944 = arith.constant 0 : i32
      %dma_start3A_945 = tpu.memref_slice %arg17[%dma_start3A_930, %dma_start3A_931, %dma_start3A_943, %dma_start3A_944] : memref<2x5x128x32xf32, #tpu.memory_space<vmem>> -> memref<1x1x128x32xf32, #tpu.memory_space<vmem>>
      %dma_start3A_946 = tpu.memref_squeeze %dma_start3A_945 : memref<1x1x128x32xf32, #tpu.memory_space<vmem>> -> memref<128x32xf32, #tpu.memory_space<vmem>>
      tpu.enqueue_dma source(%dma_start3A_946 : memref<128x32xf32, #tpu.memory_space<vmem>>) target(%dma_start3A_942 : memref<128x32xf32, #tpu.memory_space<hbm>>) target_semaphore(%arg24 : memref<!tpu.dma_semaphore, #tpu.memory_space<semaphore_mem>>)
      %dma_start3A_947 = arith.constant 1 : i32
      %dma_start3A_948 = arith.constant 3 : i32
      %dma_start3A_949 = arith.constant 2 : i32
      %dma_start3A_950 = arith.constant 0 : i32
      %dma_start3A_951 = arith.constant 0 : i32
      %dma_start3A_952 = tpu.memref_slice %arg17[%dma_start3A_947, %dma_start3A_948, %dma_start3A_950, %dma_start3A_951] : memref<2x5x128x32xf32, #tpu.memory_space<vmem>> -> memref<1x1x128x32xf32, #tpu.memory_space<vmem>>
      %dma_start3A_953 = tpu.memref_squeeze %dma_start3A_952 : memref<1x1x128x32xf32, #tpu.memory_space<vmem>> -> memref<128x32xf32, #tpu.memory_space<vmem>>
      %dma_start3A_954 = arith.constant 64 : i32
      %dma_start3A_955 = tpu.memref_slice %arg10[%dma_start3A_949, %add3A_11, %dma_start3A_954] : memref<3x16384x128xf32, #tpu.memory_space<hbm>> -> memref<1x128x32xf32, #tpu.memory_space<hbm>>
      %dma_start3A_956 = tpu.memref_squeeze %dma_start3A_955 : memref<1x128x32xf32, #tpu.memory_space<hbm>> -> memref<128x32xf32, #tpu.memory_space<hbm>>
      %dma_start3A_957 = arith.constant 64 : i32
      %dma_start3A_958 = tpu.memref_slice %arg10[%dma_start3A_949, %add3A_11, %dma_start3A_957] : memref<3x16384x128xf32, #tpu.memory_space<hbm>> -> memref<1x128x32xf32, #tpu.memory_space<hbm>>
      %dma_start3A_959 = tpu.memref_squeeze %dma_start3A_958 : memref<1x128x32xf32, #tpu.memory_space<hbm>> -> memref<128x32xf32, #tpu.memory_space<hbm>>
      %dma_start3A_960 = arith.constant 0 : i32
      %dma_start3A_961 = arith.constant 0 : i32
      %dma_start3A_962 = tpu.memref_slice %arg17[%dma_start3A_947, %dma_start3A_948, %dma_start3A_960, %dma_start3A_961] : memref<2x5x128x32xf32, #tpu.memory_space<vmem>> -> memref<1x1x128x32xf32, #tpu.memory_space<vmem>>
      %dma_start3A_963 = tpu.memref_squeeze %dma_start3A_962 : memref<1x1x128x32xf32, #tpu.memory_space<vmem>> -> memref<128x32xf32, #tpu.memory_space<vmem>>
      tpu.enqueue_dma source(%dma_start3A_963 : memref<128x32xf32, #tpu.memory_space<vmem>>) target(%dma_start3A_959 : memref<128x32xf32, #tpu.memory_space<hbm>>) target_semaphore(%arg24 : memref<!tpu.dma_semaphore, #tpu.memory_space<semaphore_mem>>)
      %dma_start3A_964 = arith.constant 1 : i32
      %dma_start3A_965 = arith.constant 4 : i32
      %dma_start3A_966 = arith.constant 2 : i32
      %dma_start3A_967 = arith.constant 0 : i32
      %dma_start3A_968 = arith.constant 0 : i32
      %dma_start3A_969 = tpu.memref_slice %arg17[%dma_start3A_964, %dma_start3A_965, %dma_start3A_967, %dma_start3A_968] : memref<2x5x128x32xf32, #tpu.memory_space<vmem>> -> memref<1x1x128x32xf32, #tpu.memory_space<vmem>>
      %dma_start3A_970 = tpu.memref_squeeze %dma_start3A_969 : memref<1x1x128x32xf32, #tpu.memory_space<vmem>> -> memref<128x32xf32, #tpu.memory_space<vmem>>
      %dma_start3A_971 = arith.constant 96 : i32
      %dma_start3A_972 = tpu.memref_slice %arg10[%dma_start3A_966, %add3A_11, %dma_start3A_971] : memref<3x16384x128xf32, #tpu.memory_space<hbm>> -> memref<1x128x32xf32, #tpu.memory_space<hbm>>
      %dma_start3A_973 = tpu.memref_squeeze %dma_start3A_972 : memref<1x128x32xf32, #tpu.memory_space<hbm>> -> memref<128x32xf32, #tpu.memory_space<hbm>>
      %dma_start3A_974 = arith.constant 96 : i32
      %dma_start3A_975 = tpu.memref_slice %arg10[%dma_start3A_966, %add3A_11, %dma_start3A_974] : memref<3x16384x128xf32, #tpu.memory_space<hbm>> -> memref<1x128x32xf32, #tpu.memory_space<hbm>>
      %dma_start3A_976 = tpu.memref_squeeze %dma_start3A_975 : memref<1x128x32xf32, #tpu.memory_space<hbm>> -> memref<128x32xf32, #tpu.memory_space<hbm>>
      %dma_start3A_977 = arith.constant 0 : i32
      %dma_start3A_978 = arith.constant 0 : i32
      %dma_start3A_979 = tpu.memref_slice %arg17[%dma_start3A_964, %dma_start3A_965, %dma_start3A_977, %dma_start3A_978] : memref<2x5x128x32xf32, #tpu.memory_space<vmem>> -> memref<1x1x128x32xf32, #tpu.memory_space<vmem>>
      %dma_start3A_980 = tpu.memref_squeeze %dma_start3A_979 : memref<1x1x128x32xf32, #tpu.memory_space<vmem>> -> memref<128x32xf32, #tpu.memory_space<vmem>>
      tpu.enqueue_dma source(%dma_start3A_980 : memref<128x32xf32, #tpu.memory_space<vmem>>) target(%dma_start3A_976 : memref<128x32xf32, #tpu.memory_space<hbm>>) target_semaphore(%arg24 : memref<!tpu.dma_semaphore, #tpu.memory_space<semaphore_mem>>)
      %dma_start3A_981 = tpu.memref_slice %arg11[%add3A_11] : memref<16384xf32, #tpu.memory_space<hbm>> -> memref<128xf32, #tpu.memory_space<hbm>>
      %dma_start3A_982 = tpu.memref_slice %arg11[%add3A_11] : memref<16384xf32, #tpu.memory_space<hbm>> -> memref<128xf32, #tpu.memory_space<hbm>>
      tpu.enqueue_dma source(%arg19 : memref<128xf32, #tpu.memory_space<vmem>>) target(%dma_start3A_982 : memref<128xf32, #tpu.memory_space<hbm>>) target_semaphore(%arg24 : memref<!tpu.dma_semaphore, #tpu.memory_space<semaphore_mem>>)
      %dma_wait3A_983 = arith.constant 0 : i32
      %dma_wait3A_984 = arith.constant 0 : i32
      %dma_wait3A_985 = arith.constant 0 : i32
      %dma_wait3A_986 = arith.constant 0 : i32
      %dma_wait3A_987 = tpu.memref_slice %arg16[%dma_wait3A_983, %dma_wait3A_985, %dma_wait3A_986] : memref<2x128x32xf32, #tpu.memory_space<vmem>> -> memref<1x128x32xf32, #tpu.memory_space<vmem>>
      %dma_wait3A_988 = tpu.memref_squeeze %dma_wait3A_987 : memref<1x128x32xf32, #tpu.memory_space<vmem>> -> memref<128x32xf32, #tpu.memory_space<vmem>>
      %dma_wait3A_989 = arith.constant 0 : i32
      %dma_wait3A_990 = tpu.memref_slice %arg10[%dma_wait3A_984, %add3A_11, %dma_wait3A_989] : memref<3x16384x128xf32, #tpu.memory_space<hbm>> -> memref<1x128x32xf32, #tpu.memory_space<hbm>>
      %dma_wait3A_991 = tpu.memref_squeeze %dma_wait3A_990 : memref<1x128x32xf32, #tpu.memory_space<hbm>> -> memref<128x32xf32, #tpu.memory_space<hbm>>
      %dma_wait3A_992 = arith.constant 0 : i32
      %dma_wait3A_993 = tpu.memref_slice %arg10[%dma_wait3A_984, %add3A_11, %dma_wait3A_992] : memref<3x16384x128xf32, #tpu.memory_space<hbm>> -> memref<1x128x32xf32, #tpu.memory_space<hbm>>
      %dma_wait3A_994 = tpu.memref_squeeze %dma_wait3A_993 : memref<1x128x32xf32, #tpu.memory_space<hbm>> -> memref<128x32xf32, #tpu.memory_space<hbm>>
      %dma_wait3A_995 = arith.constant 0 : i32
      %dma_wait3A_996 = arith.constant 0 : i32
      %dma_wait3A_997 = tpu.memref_slice %arg16[%dma_wait3A_983, %dma_wait3A_995, %dma_wait3A_996] : memref<2x128x32xf32, #tpu.memory_space<vmem>> -> memref<1x128x32xf32, #tpu.memory_space<vmem>>
      %dma_wait3A_998 = tpu.memref_squeeze %dma_wait3A_997 : memref<1x128x32xf32, #tpu.memory_space<vmem>> -> memref<128x32xf32, #tpu.memory_space<vmem>>
      tpu.wait_dma2 semaphore(%arg24 : memref<!tpu.dma_semaphore, #tpu.memory_space<semaphore_mem>>) src(%dma_wait3A_998 : memref<128x32xf32, #tpu.memory_space<vmem>>) dst(%dma_wait3A_994 : memref<128x32xf32, #tpu.memory_space<hbm>>)
      %dma_wait3A_999 = arith.constant 0 : i32
      %dma_wait3A_1000 = arith.constant 0 : i32
      %dma_wait3A_1001 = arith.constant 0 : i32
      %dma_wait3A_1002 = arith.constant 0 : i32
      %dma_wait3A_1003 = arith.constant 0 : i32
      %dma_wait3A_1004 = tpu.memref_slice %arg17[%dma_wait3A_999, %dma_wait3A_1000, %dma_wait3A_1002, %dma_wait3A_1003] : memref<2x5x128x32xf32, #tpu.memory_space<vmem>> -> memref<1x1x128x32xf32, #tpu.memory_space<vmem>>
      %dma_wait3A_1005 = tpu.memref_squeeze %dma_wait3A_1004 : memref<1x1x128x32xf32, #tpu.memory_space<vmem>> -> memref<128x32xf32, #tpu.memory_space<vmem>>
      %dma_wait3A_1006 = arith.constant 32 : i32
      %dma_wait3A_1007 = tpu.memref_slice %arg10[%dma_wait3A_1001, %add3A_11, %dma_wait3A_1006] : memref<3x16384x128xf32, #tpu.memory_space<hbm>> -> memref<1x128x32xf32, #tpu.memory_space<hbm>>
      %dma_wait3A_1008 = tpu.memref_squeeze %dma_wait3A_1007 : memref<1x128x32xf32, #tpu.memory_space<hbm>> -> memref<128x32xf32, #tpu.memory_space<hbm>>
      %dma_wait3A_1009 = arith.constant 32 : i32
      %dma_wait3A_1010 = tpu.memref_slice %arg10[%dma_wait3A_1001, %add3A_11, %dma_wait3A_1009] : memref<3x16384x128xf32, #tpu.memory_space<hbm>> -> memref<1x128x32xf32, #tpu.memory_space<hbm>>
      %dma_wait3A_1011 = tpu.memref_squeeze %dma_wait3A_1010 : memref<1x128x32xf32, #tpu.memory_space<hbm>> -> memref<128x32xf32, #tpu.memory_space<hbm>>
      %dma_wait3A_1012 = arith.constant 0 : i32
      %dma_wait3A_1013 = arith.constant 0 : i32
      %dma_wait3A_1014 = tpu.memref_slice %arg17[%dma_wait3A_999, %dma_wait3A_1000, %dma_wait3A_1012, %dma_wait3A_1013] : memref<2x5x128x32xf32, #tpu.memory_space<vmem>> -> memref<1x1x128x32xf32, #tpu.memory_space<vmem>>
      %dma_wait3A_1015 = tpu.memref_squeeze %dma_wait3A_1014 : memref<1x1x128x32xf32, #tpu.memory_space<vmem>> -> memref<128x32xf32, #tpu.memory_space<vmem>>
      tpu.wait_dma2 semaphore(%arg24 : memref<!tpu.dma_semaphore, #tpu.memory_space<semaphore_mem>>) src(%dma_wait3A_1015 : memref<128x32xf32, #tpu.memory_space<vmem>>) dst(%dma_wait3A_1011 : memref<128x32xf32, #tpu.memory_space<hbm>>)
      %dma_wait3A_1016 = arith.constant 0 : i32
      %dma_wait3A_1017 = arith.constant 1 : i32
      %dma_wait3A_1018 = arith.constant 0 : i32
      %dma_wait3A_1019 = arith.constant 0 : i32
      %dma_wait3A_1020 = arith.constant 0 : i32
      %dma_wait3A_1021 = tpu.memref_slice %arg17[%dma_wait3A_1016, %dma_wait3A_1017, %dma_wait3A_1019, %dma_wait3A_1020] : memref<2x5x128x32xf32, #tpu.memory_space<vmem>> -> memref<1x1x128x32xf32, #tpu.memory_space<vmem>>
      %dma_wait3A_1022 = tpu.memref_squeeze %dma_wait3A_1021 : memref<1x1x128x32xf32, #tpu.memory_space<vmem>> -> memref<128x32xf32, #tpu.memory_space<vmem>>
      %dma_wait3A_1023 = arith.constant 64 : i32
      %dma_wait3A_1024 = tpu.memref_slice %arg10[%dma_wait3A_1018, %add3A_11, %dma_wait3A_1023] : memref<3x16384x128xf32, #tpu.memory_space<hbm>> -> memref<1x128x32xf32, #tpu.memory_space<hbm>>
      %dma_wait3A_1025 = tpu.memref_squeeze %dma_wait3A_1024 : memref<1x128x32xf32, #tpu.memory_space<hbm>> -> memref<128x32xf32, #tpu.memory_space<hbm>>
      %dma_wait3A_1026 = arith.constant 64 : i32
      %dma_wait3A_1027 = tpu.memref_slice %arg10[%dma_wait3A_1018, %add3A_11, %dma_wait3A_1026] : memref<3x16384x128xf32, #tpu.memory_space<hbm>> -> memref<1x128x32xf32, #tpu.memory_space<hbm>>
      %dma_wait3A_1028 = tpu.memref_squeeze %dma_wait3A_1027 : memref<1x128x32xf32, #tpu.memory_space<hbm>> -> memref<128x32xf32, #tpu.memory_space<hbm>>
      %dma_wait3A_1029 = arith.constant 0 : i32
      %dma_wait3A_1030 = arith.constant 0 : i32
      %dma_wait3A_1031 = tpu.memref_slice %arg17[%dma_wait3A_1016, %dma_wait3A_1017, %dma_wait3A_1029, %dma_wait3A_1030] : memref<2x5x128x32xf32, #tpu.memory_space<vmem>> -> memref<1x1x128x32xf32, #tpu.memory_space<vmem>>
      %dma_wait3A_1032 = tpu.memref_squeeze %dma_wait3A_1031 : memref<1x1x128x32xf32, #tpu.memory_space<vmem>> -> memref<128x32xf32, #tpu.memory_space<vmem>>
      tpu.wait_dma2 semaphore(%arg24 : memref<!tpu.dma_semaphore, #tpu.memory_space<semaphore_mem>>) src(%dma_wait3A_1032 : memref<128x32xf32, #tpu.memory_space<vmem>>) dst(%dma_wait3A_1028 : memref<128x32xf32, #tpu.memory_space<hbm>>)
      %dma_wait3A_1033 = arith.constant 0 : i32
      %dma_wait3A_1034 = arith.constant 2 : i32
      %dma_wait3A_1035 = arith.constant 0 : i32
      %dma_wait3A_1036 = arith.constant 0 : i32
      %dma_wait3A_1037 = arith.constant 0 : i32
      %dma_wait3A_1038 = tpu.memref_slice %arg17[%dma_wait3A_1033, %dma_wait3A_1034, %dma_wait3A_1036, %dma_wait3A_1037] : memref<2x5x128x32xf32, #tpu.memory_space<vmem>> -> memref<1x1x128x32xf32, #tpu.memory_space<vmem>>
      %dma_wait3A_1039 = tpu.memref_squeeze %dma_wait3A_1038 : memref<1x1x128x32xf32, #tpu.memory_space<vmem>> -> memref<128x32xf32, #tpu.memory_space<vmem>>
      %dma_wait3A_1040 = arith.constant 96 : i32
      %dma_wait3A_1041 = tpu.memref_slice %arg10[%dma_wait3A_1035, %add3A_11, %dma_wait3A_1040] : memref<3x16384x128xf32, #tpu.memory_space<hbm>> -> memref<1x128x32xf32, #tpu.memory_space<hbm>>
      %dma_wait3A_1042 = tpu.memref_squeeze %dma_wait3A_1041 : memref<1x128x32xf32, #tpu.memory_space<hbm>> -> memref<128x32xf32, #tpu.memory_space<hbm>>
      %dma_wait3A_1043 = arith.constant 96 : i32
      %dma_wait3A_1044 = tpu.memref_slice %arg10[%dma_wait3A_1035, %add3A_11, %dma_wait3A_1043] : memref<3x16384x128xf32, #tpu.memory_space<hbm>> -> memref<1x128x32xf32, #tpu.memory_space<hbm>>
      %dma_wait3A_1045 = tpu.memref_squeeze %dma_wait3A_1044 : memref<1x128x32xf32, #tpu.memory_space<hbm>> -> memref<128x32xf32, #tpu.memory_space<hbm>>
      %dma_wait3A_1046 = arith.constant 0 : i32
      %dma_wait3A_1047 = arith.constant 0 : i32
      %dma_wait3A_1048 = tpu.memref_slice %arg17[%dma_wait3A_1033, %dma_wait3A_1034, %dma_wait3A_1046, %dma_wait3A_1047] : memref<2x5x128x32xf32, #tpu.memory_space<vmem>> -> memref<1x1x128x32xf32, #tpu.memory_space<vmem>>
      %dma_wait3A_1049 = tpu.memref_squeeze %dma_wait3A_1048 : memref<1x1x128x32xf32, #tpu.memory_space<vmem>> -> memref<128x32xf32, #tpu.memory_space<vmem>>
      tpu.wait_dma2 semaphore(%arg24 : memref<!tpu.dma_semaphore, #tpu.memory_space<semaphore_mem>>) src(%dma_wait3A_1049 : memref<128x32xf32, #tpu.memory_space<vmem>>) dst(%dma_wait3A_1045 : memref<128x32xf32, #tpu.memory_space<hbm>>)
      %dma_wait3A_1050 = arith.constant 0 : i32
      %dma_wait3A_1051 = arith.constant 3 : i32
      %dma_wait3A_1052 = arith.constant 1 : i32
      %dma_wait3A_1053 = arith.constant 0 : i32
      %dma_wait3A_1054 = arith.constant 0 : i32
      %dma_wait3A_1055 = tpu.memref_slice %arg17[%dma_wait3A_1050, %dma_wait3A_1051, %dma_wait3A_1053, %dma_wait3A_1054] : memref<2x5x128x32xf32, #tpu.memory_space<vmem>> -> memref<1x1x128x32xf32, #tpu.memory_space<vmem>>
      %dma_wait3A_1056 = tpu.memref_squeeze %dma_wait3A_1055 : memref<1x1x128x32xf32, #tpu.memory_space<vmem>> -> memref<128x32xf32, #tpu.memory_space<vmem>>
      %dma_wait3A_1057 = arith.constant 0 : i32
      %dma_wait3A_1058 = tpu.memref_slice %arg10[%dma_wait3A_1052, %add3A_11, %dma_wait3A_1057] : memref<3x16384x128xf32, #tpu.memory_space<hbm>> -> memref<1x128x32xf32, #tpu.memory_space<hbm>>
      %dma_wait3A_1059 = tpu.memref_squeeze %dma_wait3A_1058 : memref<1x128x32xf32, #tpu.memory_space<hbm>> -> memref<128x32xf32, #tpu.memory_space<hbm>>
      %dma_wait3A_1060 = arith.constant 0 : i32
      %dma_wait3A_1061 = tpu.memref_slice %arg10[%dma_wait3A_1052, %add3A_11, %dma_wait3A_1060] : memref<3x16384x128xf32, #tpu.memory_space<hbm>> -> memref<1x128x32xf32, #tpu.memory_space<hbm>>
      %dma_wait3A_1062 = tpu.memref_squeeze %dma_wait3A_1061 : memref<1x128x32xf32, #tpu.memory_space<hbm>> -> memref<128x32xf32, #tpu.memory_space<hbm>>
      %dma_wait3A_1063 = arith.constant 0 : i32
      %dma_wait3A_1064 = arith.constant 0 : i32
      %dma_wait3A_1065 = tpu.memref_slice %arg17[%dma_wait3A_1050, %dma_wait3A_1051, %dma_wait3A_1063, %dma_wait3A_1064] : memref<2x5x128x32xf32, #tpu.memory_space<vmem>> -> memref<1x1x128x32xf32, #tpu.memory_space<vmem>>
      %dma_wait3A_1066 = tpu.memref_squeeze %dma_wait3A_1065 : memref<1x1x128x32xf32, #tpu.memory_space<vmem>> -> memref<128x32xf32, #tpu.memory_space<vmem>>
      tpu.wait_dma2 semaphore(%arg24 : memref<!tpu.dma_semaphore, #tpu.memory_space<semaphore_mem>>) src(%dma_wait3A_1066 : memref<128x32xf32, #tpu.memory_space<vmem>>) dst(%dma_wait3A_1062 : memref<128x32xf32, #tpu.memory_space<hbm>>)
      %dma_wait3A_1067 = arith.constant 0 : i32
      %dma_wait3A_1068 = arith.constant 4 : i32
      %dma_wait3A_1069 = arith.constant 1 : i32
      %dma_wait3A_1070 = arith.constant 0 : i32
      %dma_wait3A_1071 = arith.constant 0 : i32
      %dma_wait3A_1072 = tpu.memref_slice %arg17[%dma_wait3A_1067, %dma_wait3A_1068, %dma_wait3A_1070, %dma_wait3A_1071] : memref<2x5x128x32xf32, #tpu.memory_space<vmem>> -> memref<1x1x128x32xf32, #tpu.memory_space<vmem>>
      %dma_wait3A_1073 = tpu.memref_squeeze %dma_wait3A_1072 : memref<1x1x128x32xf32, #tpu.memory_space<vmem>> -> memref<128x32xf32, #tpu.memory_space<vmem>>
      %dma_wait3A_1074 = arith.constant 32 : i32
      %dma_wait3A_1075 = tpu.memref_slice %arg10[%dma_wait3A_1069, %add3A_11, %dma_wait3A_1074] : memref<3x16384x128xf32, #tpu.memory_space<hbm>> -> memref<1x128x32xf32, #tpu.memory_space<hbm>>
      %dma_wait3A_1076 = tpu.memref_squeeze %dma_wait3A_1075 : memref<1x128x32xf32, #tpu.memory_space<hbm>> -> memref<128x32xf32, #tpu.memory_space<hbm>>
      %dma_wait3A_1077 = arith.constant 32 : i32
      %dma_wait3A_1078 = tpu.memref_slice %arg10[%dma_wait3A_1069, %add3A_11, %dma_wait3A_1077] : memref<3x16384x128xf32, #tpu.memory_space<hbm>> -> memref<1x128x32xf32, #tpu.memory_space<hbm>>
      %dma_wait3A_1079 = tpu.memref_squeeze %dma_wait3A_1078 : memref<1x128x32xf32, #tpu.memory_space<hbm>> -> memref<128x32xf32, #tpu.memory_space<hbm>>
      %dma_wait3A_1080 = arith.constant 0 : i32
      %dma_wait3A_1081 = arith.constant 0 : i32
      %dma_wait3A_1082 = tpu.memref_slice %arg17[%dma_wait3A_1067, %dma_wait3A_1068, %dma_wait3A_1080, %dma_wait3A_1081] : memref<2x5x128x32xf32, #tpu.memory_space<vmem>> -> memref<1x1x128x32xf32, #tpu.memory_space<vmem>>
      %dma_wait3A_1083 = tpu.memref_squeeze %dma_wait3A_1082 : memref<1x1x128x32xf32, #tpu.memory_space<vmem>> -> memref<128x32xf32, #tpu.memory_space<vmem>>
      tpu.wait_dma2 semaphore(%arg24 : memref<!tpu.dma_semaphore, #tpu.memory_space<semaphore_mem>>) src(%dma_wait3A_1083 : memref<128x32xf32, #tpu.memory_space<vmem>>) dst(%dma_wait3A_1079 : memref<128x32xf32, #tpu.memory_space<hbm>>)
      %dma_wait3A_1084 = arith.constant 1 : i32
      %dma_wait3A_1085 = arith.constant 1 : i32
      %dma_wait3A_1086 = arith.constant 0 : i32
      %dma_wait3A_1087 = arith.constant 0 : i32
      %dma_wait3A_1088 = tpu.memref_slice %arg16[%dma_wait3A_1084, %dma_wait3A_1086, %dma_wait3A_1087] : memref<2x128x32xf32, #tpu.memory_space<vmem>> -> memref<1x128x32xf32, #tpu.memory_space<vmem>>
      %dma_wait3A_1089 = tpu.memref_squeeze %dma_wait3A_1088 : memref<1x128x32xf32, #tpu.memory_space<vmem>> -> memref<128x32xf32, #tpu.memory_space<vmem>>
      %dma_wait3A_1090 = arith.constant 64 : i32
      %dma_wait3A_1091 = tpu.memref_slice %arg10[%dma_wait3A_1085, %add3A_11, %dma_wait3A_1090] : memref<3x16384x128xf32, #tpu.memory_space<hbm>> -> memref<1x128x32xf32, #tpu.memory_space<hbm>>
      %dma_wait3A_1092 = tpu.memref_squeeze %dma_wait3A_1091 : memref<1x128x32xf32, #tpu.memory_space<hbm>> -> memref<128x32xf32, #tpu.memory_space<hbm>>
      %dma_wait3A_1093 = arith.constant 64 : i32
      %dma_wait3A_1094 = tpu.memref_slice %arg10[%dma_wait3A_1085, %add3A_11, %dma_wait3A_1093] : memref<3x16384x128xf32, #tpu.memory_space<hbm>> -> memref<1x128x32xf32, #tpu.memory_space<hbm>>
      %dma_wait3A_1095 = tpu.memref_squeeze %dma_wait3A_1094 : memref<1x128x32xf32, #tpu.memory_space<hbm>> -> memref<128x32xf32, #tpu.memory_space<hbm>>
      %dma_wait3A_1096 = arith.constant 0 : i32
      %dma_wait3A_1097 = arith.constant 0 : i32
      %dma_wait3A_1098 = tpu.memref_slice %arg16[%dma_wait3A_1084, %dma_wait3A_1096, %dma_wait3A_1097] : memref<2x128x32xf32, #tpu.memory_space<vmem>> -> memref<1x128x32xf32, #tpu.memory_space<vmem>>
      %dma_wait3A_1099 = tpu.memref_squeeze %dma_wait3A_1098 : memref<1x128x32xf32, #tpu.memory_space<vmem>> -> memref<128x32xf32, #tpu.memory_space<vmem>>
      tpu.wait_dma2 semaphore(%arg24 : memref<!tpu.dma_semaphore, #tpu.memory_space<semaphore_mem>>) src(%dma_wait3A_1099 : memref<128x32xf32, #tpu.memory_space<vmem>>) dst(%dma_wait3A_1095 : memref<128x32xf32, #tpu.memory_space<hbm>>)
      %dma_wait3A_1100 = arith.constant 1 : i32
      %dma_wait3A_1101 = arith.constant 0 : i32
      %dma_wait3A_1102 = arith.constant 1 : i32
      %dma_wait3A_1103 = arith.constant 0 : i32
      %dma_wait3A_1104 = arith.constant 0 : i32
      %dma_wait3A_1105 = tpu.memref_slice %arg17[%dma_wait3A_1100, %dma_wait3A_1101, %dma_wait3A_1103, %dma_wait3A_1104] : memref<2x5x128x32xf32, #tpu.memory_space<vmem>> -> memref<1x1x128x32xf32, #tpu.memory_space<vmem>>
      %dma_wait3A_1106 = tpu.memref_squeeze %dma_wait3A_1105 : memref<1x1x128x32xf32, #tpu.memory_space<vmem>> -> memref<128x32xf32, #tpu.memory_space<vmem>>
      %dma_wait3A_1107 = arith.constant 96 : i32
      %dma_wait3A_1108 = tpu.memref_slice %arg10[%dma_wait3A_1102, %add3A_11, %dma_wait3A_1107] : memref<3x16384x128xf32, #tpu.memory_space<hbm>> -> memref<1x128x32xf32, #tpu.memory_space<hbm>>
      %dma_wait3A_1109 = tpu.memref_squeeze %dma_wait3A_1108 : memref<1x128x32xf32, #tpu.memory_space<hbm>> -> memref<128x32xf32, #tpu.memory_space<hbm>>
      %dma_wait3A_1110 = arith.constant 96 : i32
      %dma_wait3A_1111 = tpu.memref_slice %arg10[%dma_wait3A_1102, %add3A_11, %dma_wait3A_1110] : memref<3x16384x128xf32, #tpu.memory_space<hbm>> -> memref<1x128x32xf32, #tpu.memory_space<hbm>>
      %dma_wait3A_1112 = tpu.memref_squeeze %dma_wait3A_1111 : memref<1x128x32xf32, #tpu.memory_space<hbm>> -> memref<128x32xf32, #tpu.memory_space<hbm>>
      %dma_wait3A_1113 = arith.constant 0 : i32
      %dma_wait3A_1114 = arith.constant 0 : i32
      %dma_wait3A_1115 = tpu.memref_slice %arg17[%dma_wait3A_1100, %dma_wait3A_1101, %dma_wait3A_1113, %dma_wait3A_1114] : memref<2x5x128x32xf32, #tpu.memory_space<vmem>> -> memref<1x1x128x32xf32, #tpu.memory_space<vmem>>
      %dma_wait3A_1116 = tpu.memref_squeeze %dma_wait3A_1115 : memref<1x1x128x32xf32, #tpu.memory_space<vmem>> -> memref<128x32xf32, #tpu.memory_space<vmem>>
      tpu.wait_dma2 semaphore(%arg24 : memref<!tpu.dma_semaphore, #tpu.memory_space<semaphore_mem>>) src(%dma_wait3A_1116 : memref<128x32xf32, #tpu.memory_space<vmem>>) dst(%dma_wait3A_1112 : memref<128x32xf32, #tpu.memory_space<hbm>>)
      %dma_wait3A_1117 = arith.constant 1 : i32
      %dma_wait3A_1118 = arith.constant 1 : i32
      %dma_wait3A_1119 = arith.constant 2 : i32
      %dma_wait3A_1120 = arith.constant 0 : i32
      %dma_wait3A_1121 = arith.constant 0 : i32
      %dma_wait3A_1122 = tpu.memref_slice %arg17[%dma_wait3A_1117, %dma_wait3A_1118, %dma_wait3A_1120, %dma_wait3A_1121] : memref<2x5x128x32xf32, #tpu.memory_space<vmem>> -> memref<1x1x128x32xf32, #tpu.memory_space<vmem>>
      %dma_wait3A_1123 = tpu.memref_squeeze %dma_wait3A_1122 : memref<1x1x128x32xf32, #tpu.memory_space<vmem>> -> memref<128x32xf32, #tpu.memory_space<vmem>>
      %dma_wait3A_1124 = arith.constant 0 : i32
      %dma_wait3A_1125 = tpu.memref_slice %arg10[%dma_wait3A_1119, %add3A_11, %dma_wait3A_1124] : memref<3x16384x128xf32, #tpu.memory_space<hbm>> -> memref<1x128x32xf32, #tpu.memory_space<hbm>>
      %dma_wait3A_1126 = tpu.memref_squeeze %dma_wait3A_1125 : memref<1x128x32xf32, #tpu.memory_space<hbm>> -> memref<128x32xf32, #tpu.memory_space<hbm>>
      %dma_wait3A_1127 = arith.constant 0 : i32
      %dma_wait3A_1128 = tpu.memref_slice %arg10[%dma_wait3A_1119, %add3A_11, %dma_wait3A_1127] : memref<3x16384x128xf32, #tpu.memory_space<hbm>> -> memref<1x128x32xf32, #tpu.memory_space<hbm>>
      %dma_wait3A_1129 = tpu.memref_squeeze %dma_wait3A_1128 : memref<1x128x32xf32, #tpu.memory_space<hbm>> -> memref<128x32xf32, #tpu.memory_space<hbm>>
      %dma_wait3A_1130 = arith.constant 0 : i32
      %dma_wait3A_1131 = arith.constant 0 : i32
      %dma_wait3A_1132 = tpu.memref_slice %arg17[%dma_wait3A_1117, %dma_wait3A_1118, %dma_wait3A_1130, %dma_wait3A_1131] : memref<2x5x128x32xf32, #tpu.memory_space<vmem>> -> memref<1x1x128x32xf32, #tpu.memory_space<vmem>>
      %dma_wait3A_1133 = tpu.memref_squeeze %dma_wait3A_1132 : memref<1x1x128x32xf32, #tpu.memory_space<vmem>> -> memref<128x32xf32, #tpu.memory_space<vmem>>
      tpu.wait_dma2 semaphore(%arg24 : memref<!tpu.dma_semaphore, #tpu.memory_space<semaphore_mem>>) src(%dma_wait3A_1133 : memref<128x32xf32, #tpu.memory_space<vmem>>) dst(%dma_wait3A_1129 : memref<128x32xf32, #tpu.memory_space<hbm>>)
      %dma_wait3A_1134 = arith.constant 1 : i32
      %dma_wait3A_1135 = arith.constant 2 : i32
      %dma_wait3A_1136 = arith.constant 2 : i32
      %dma_wait3A_1137 = arith.constant 0 : i32
      %dma_wait3A_1138 = arith.constant 0 : i32
      %dma_wait3A_1139 = tpu.memref_slice %arg17[%dma_wait3A_1134, %dma_wait3A_1135, %dma_wait3A_1137, %dma_wait3A_1138] : memref<2x5x128x32xf32, #tpu.memory_space<vmem>> -> memref<1x1x128x32xf32, #tpu.memory_space<vmem>>
      %dma_wait3A_1140 = tpu.memref_squeeze %dma_wait3A_1139 : memref<1x1x128x32xf32, #tpu.memory_space<vmem>> -> memref<128x32xf32, #tpu.memory_space<vmem>>
      %dma_wait3A_1141 = arith.constant 32 : i32
      %dma_wait3A_1142 = tpu.memref_slice %arg10[%dma_wait3A_1136, %add3A_11, %dma_wait3A_1141] : memref<3x16384x128xf32, #tpu.memory_space<hbm>> -> memref<1x128x32xf32, #tpu.memory_space<hbm>>
      %dma_wait3A_1143 = tpu.memref_squeeze %dma_wait3A_1142 : memref<1x128x32xf32, #tpu.memory_space<hbm>> -> memref<128x32xf32, #tpu.memory_space<hbm>>
      %dma_wait3A_1144 = arith.constant 32 : i32
      %dma_wait3A_1145 = tpu.memref_slice %arg10[%dma_wait3A_1136, %add3A_11, %dma_wait3A_1144] : memref<3x16384x128xf32, #tpu.memory_space<hbm>> -> memref<1x128x32xf32, #tpu.memory_space<hbm>>
      %dma_wait3A_1146 = tpu.memref_squeeze %dma_wait3A_1145 : memref<1x128x32xf32, #tpu.memory_space<hbm>> -> memref<128x32xf32, #tpu.memory_space<hbm>>
      %dma_wait3A_1147 = arith.constant 0 : i32
      %dma_wait3A_1148 = arith.constant 0 : i32
      %dma_wait3A_1149 = tpu.memref_slice %arg17[%dma_wait3A_1134, %dma_wait3A_1135, %dma_wait3A_1147, %dma_wait3A_1148] : memref<2x5x128x32xf32, #tpu.memory_space<vmem>> -> memref<1x1x128x32xf32, #tpu.memory_space<vmem>>
      %dma_wait3A_1150 = tpu.memref_squeeze %dma_wait3A_1149 : memref<1x1x128x32xf32, #tpu.memory_space<vmem>> -> memref<128x32xf32, #tpu.memory_space<vmem>>
      tpu.wait_dma2 semaphore(%arg24 : memref<!tpu.dma_semaphore, #tpu.memory_space<semaphore_mem>>) src(%dma_wait3A_1150 : memref<128x32xf32, #tpu.memory_space<vmem>>) dst(%dma_wait3A_1146 : memref<128x32xf32, #tpu.memory_space<hbm>>)
      %dma_wait3A_1151 = arith.constant 1 : i32
      %dma_wait3A_1152 = arith.constant 3 : i32
      %dma_wait3A_1153 = arith.constant 2 : i32
      %dma_wait3A_1154 = arith.constant 0 : i32
      %dma_wait3A_1155 = arith.constant 0 : i32
      %dma_wait3A_1156 = tpu.memref_slice %arg17[%dma_wait3A_1151, %dma_wait3A_1152, %dma_wait3A_1154, %dma_wait3A_1155] : memref<2x5x128x32xf32, #tpu.memory_space<vmem>> -> memref<1x1x128x32xf32, #tpu.memory_space<vmem>>
      %dma_wait3A_1157 = tpu.memref_squeeze %dma_wait3A_1156 : memref<1x1x128x32xf32, #tpu.memory_space<vmem>> -> memref<128x32xf32, #tpu.memory_space<vmem>>
      %dma_wait3A_1158 = arith.constant 64 : i32
      %dma_wait3A_1159 = tpu.memref_slice %arg10[%dma_wait3A_1153, %add3A_11, %dma_wait3A_1158] : memref<3x16384x128xf32, #tpu.memory_space<hbm>> -> memref<1x128x32xf32, #tpu.memory_space<hbm>>
      %dma_wait3A_1160 = tpu.memref_squeeze %dma_wait3A_1159 : memref<1x128x32xf32, #tpu.memory_space<hbm>> -> memref<128x32xf32, #tpu.memory_space<hbm>>
      %dma_wait3A_1161 = arith.constant 64 : i32
      %dma_wait3A_1162 = tpu.memref_slice %arg10[%dma_wait3A_1153, %add3A_11, %dma_wait3A_1161] : memref<3x16384x128xf32, #tpu.memory_space<hbm>> -> memref<1x128x32xf32, #tpu.memory_space<hbm>>
      %dma_wait3A_1163 = tpu.memref_squeeze %dma_wait3A_1162 : memref<1x128x32xf32, #tpu.memory_space<hbm>> -> memref<128x32xf32, #tpu.memory_space<hbm>>
      %dma_wait3A_1164 = arith.constant 0 : i32
      %dma_wait3A_1165 = arith.constant 0 : i32
      %dma_wait3A_1166 = tpu.memref_slice %arg17[%dma_wait3A_1151, %dma_wait3A_1152, %dma_wait3A_1164, %dma_wait3A_1165] : memref<2x5x128x32xf32, #tpu.memory_space<vmem>> -> memref<1x1x128x32xf32, #tpu.memory_space<vmem>>
      %dma_wait3A_1167 = tpu.memref_squeeze %dma_wait3A_1166 : memref<1x1x128x32xf32, #tpu.memory_space<vmem>> -> memref<128x32xf32, #tpu.memory_space<vmem>>
      tpu.wait_dma2 semaphore(%arg24 : memref<!tpu.dma_semaphore, #tpu.memory_space<semaphore_mem>>) src(%dma_wait3A_1167 : memref<128x32xf32, #tpu.memory_space<vmem>>) dst(%dma_wait3A_1163 : memref<128x32xf32, #tpu.memory_space<hbm>>)
      %dma_wait3A_1168 = arith.constant 1 : i32
      %dma_wait3A_1169 = arith.constant 4 : i32
      %dma_wait3A_1170 = arith.constant 2 : i32
      %dma_wait3A_1171 = arith.constant 0 : i32
      %dma_wait3A_1172 = arith.constant 0 : i32
      %dma_wait3A_1173 = tpu.memref_slice %arg17[%dma_wait3A_1168, %dma_wait3A_1169, %dma_wait3A_1171, %dma_wait3A_1172] : memref<2x5x128x32xf32, #tpu.memory_space<vmem>> -> memref<1x1x128x32xf32, #tpu.memory_space<vmem>>
      %dma_wait3A_1174 = tpu.memref_squeeze %dma_wait3A_1173 : memref<1x1x128x32xf32, #tpu.memory_space<vmem>> -> memref<128x32xf32, #tpu.memory_space<vmem>>
      %dma_wait3A_1175 = arith.constant 96 : i32
      %dma_wait3A_1176 = tpu.memref_slice %arg10[%dma_wait3A_1170, %add3A_11, %dma_wait3A_1175] : memref<3x16384x128xf32, #tpu.memory_space<hbm>> -> memref<1x128x32xf32, #tpu.memory_space<hbm>>
      %dma_wait3A_1177 = tpu.memref_squeeze %dma_wait3A_1176 : memref<1x128x32xf32, #tpu.memory_space<hbm>> -> memref<128x32xf32, #tpu.memory_space<hbm>>
      %dma_wait3A_1178 = arith.constant 96 : i32
      %dma_wait3A_1179 = tpu.memref_slice %arg10[%dma_wait3A_1170, %add3A_11, %dma_wait3A_1178] : memref<3x16384x128xf32, #tpu.memory_space<hbm>> -> memref<1x128x32xf32, #tpu.memory_space<hbm>>
      %dma_wait3A_1180 = tpu.memref_squeeze %dma_wait3A_1179 : memref<1x128x32xf32, #tpu.memory_space<hbm>> -> memref<128x32xf32, #tpu.memory_space<hbm>>
      %dma_wait3A_1181 = arith.constant 0 : i32
      %dma_wait3A_1182 = arith.constant 0 : i32
      %dma_wait3A_1183 = tpu.memref_slice %arg17[%dma_wait3A_1168, %dma_wait3A_1169, %dma_wait3A_1181, %dma_wait3A_1182] : memref<2x5x128x32xf32, #tpu.memory_space<vmem>> -> memref<1x1x128x32xf32, #tpu.memory_space<vmem>>
      %dma_wait3A_1184 = tpu.memref_squeeze %dma_wait3A_1183 : memref<1x1x128x32xf32, #tpu.memory_space<vmem>> -> memref<128x32xf32, #tpu.memory_space<vmem>>
      tpu.wait_dma2 semaphore(%arg24 : memref<!tpu.dma_semaphore, #tpu.memory_space<semaphore_mem>>) src(%dma_wait3A_1184 : memref<128x32xf32, #tpu.memory_space<vmem>>) dst(%dma_wait3A_1180 : memref<128x32xf32, #tpu.memory_space<hbm>>)
      %dma_wait3A_1185 = tpu.memref_slice %arg11[%add3A_11] : memref<16384xf32, #tpu.memory_space<hbm>> -> memref<128xf32, #tpu.memory_space<hbm>>
      %dma_wait3A_1186 = tpu.memref_slice %arg11[%add3A_11] : memref<16384xf32, #tpu.memory_space<hbm>> -> memref<128xf32, #tpu.memory_space<hbm>>
      tpu.wait_dma2 semaphore(%arg24 : memref<!tpu.dma_semaphore, #tpu.memory_space<semaphore_mem>>) src(%arg19 : memref<128xf32, #tpu.memory_space<vmem>>) dst(%dma_wait3A_1186 : memref<128xf32, #tpu.memory_space<hbm>>)
    }
    %scan3A_5 = arith.constant 4 : i32
    return
  }
}

module attributes {stable_mosaic.version = 14 : i64} {
  func.func @body(%arg0: i32, %arg1: memref<32x8192xf32, #tpu.memory_space<vmem>>, %arg2: memref<32x8192xf32, #tpu.memory_space<vmem>>, %arg3: memref<2048x128xf32, #tpu.memory_space<vmem>>) attributes {dimension_semantics = [#tpu.dimension_semantics<arbitrary>], iteration_bounds = array<i64: 123>, scalar_prefetch = 0 : i64, scratch_operands = 0 : i64, tpu.core_type = #tpu.core_type<tc>, window_params = [{transform_indices = @transform_0, window_bounds = array<i64: 32, 8192>}, {pipeline_mode = #tpu.pipeline_mode<synchronous>, transform_indices = @transform_1, window_bounds = array<i64: 32, 8192>}, {transform_indices = @transform_2, window_bounds = array<i64: 2048, 128>}]} {
    %lt3A = arith.constant 122 : i32
    %lt3A_0 = arith.cmpi slt, %arg0, %lt3A : i32
    %get3A = arith.constant 0 : index
    %get3A_1 = arith.constant 0 : index
    %get3A_2 = vector.load %arg1[%get3A, %get3A_1] : memref<32x8192xf32, #tpu.memory_space<vmem>>, vector<32x8192xf32>
    %get3A_3 = arith.constant 0 : index
    %get3A_4 = arith.constant 0 : index
    %get3A_5 = vector.load %arg2[%get3A_3, %get3A_4] : memref<32x8192xf32, #tpu.memory_space<vmem>>, vector<32x8192xf32>
    %select_n3A = arith.select %lt3A_0, %get3A_2, %get3A_5 : vector<32x8192xf32>
    %slice3A = vector.extract_strided_slice %select_n3A {offsets = [0, 0], sizes = [32, 2048], strides = [1, 1]} : vector<32x8192xf32> to vector<32x2048xf32>
    %transpose3A = tpu.transpose %slice3A, [1, 0] : vector<32x2048xf32> -> vector<2048x32xf32>
    %slice3A_6 = vector.extract_strided_slice %select_n3A {offsets = [0, 2048], sizes = [32, 2048], strides = [1, 1]} : vector<32x8192xf32> to vector<32x2048xf32>
    %transpose3A_7 = tpu.transpose %slice3A_6, [1, 0] : vector<32x2048xf32> -> vector<2048x32xf32>
    %slice3A_8 = vector.extract_strided_slice %select_n3A {offsets = [0, 4096], sizes = [32, 2048], strides = [1, 1]} : vector<32x8192xf32> to vector<32x2048xf32>
    %transpose3A_9 = tpu.transpose %slice3A_8, [1, 0] : vector<32x2048xf32> -> vector<2048x32xf32>
    %slice3A_10 = vector.extract_strided_slice %select_n3A {offsets = [0, 6144], sizes = [32, 2048], strides = [1, 1]} : vector<32x8192xf32> to vector<32x2048xf32>
    %transpose3A_11 = tpu.transpose %slice3A_10, [1, 0] : vector<32x2048xf32> -> vector<2048x32xf32>
    %concatenate3A = tpu.concatenate %transpose3A, %transpose3A_7, %transpose3A_9, %transpose3A_11 in 1 : vector<2048x32xf32>, vector<2048x32xf32>, vector<2048x32xf32>, vector<2048x32xf32> -> vector<2048x128xf32>
    %swap3A = arith.constant 0 : index
    %swap3A_12 = arith.constant 0 : index
    %swap3A_13 = vector.load %arg3[%swap3A, %swap3A_12] : memref<2048x128xf32, #tpu.memory_space<vmem>>, vector<2048x128xf32>
    tpu.vector_store %arg3[%swap3A, %swap3A_12], %concatenate3A {strides = array<i32>} : memref<2048x128xf32, #tpu.memory_space<vmem>>, vector<2048x128xf32>,
    return
  }
  func.func @transform_0(%arg0: i32) -> (i32, i32) {
    %min3A = arith.constant 121 : i32
    %min3A_0 = arith.minsi %arg0, %min3A : i32
    %c0_i32 = arith.constant 0 : i32
    %c0_i32_1 = arith.constant 0 : i32
    return %c0_i32, %min3A_0 : i32, i32
  }
  func.func @transform_1(%arg0: i32) -> (i32, i32) {
    %c0_i32 = arith.constant 0 : i32
    %c0_i32_0 = arith.constant 0 : i32
    %c0_i32_1 = arith.constant 0 : i32
    return %c0_i32, %c0_i32_0 : i32, i32
  }
  func.func @transform_2(%arg0: i32) -> (i32, i32) {
    %c0_i32 = arith.constant 0 : i32
    %c0_i32_0 = arith.constant 0 : i32
    return %arg0, %c0_i32 : i32, i32
  }
}

module attributes {stable_mosaic.version = 14 : i64} {
  func.func @body(%arg0: i32, %arg1: memref<3x2048x128xf32, #tpu.memory_space<vmem>>, %arg2: memref<2048x1xf32, #tpu.memory_space<vmem>>, %arg3: memref<384x256xf32, #tpu.memory_space<vmem>>, %arg4: memref<256xf32, #tpu.memory_space<vmem>>, %arg5: memref<256x128xf32, #tpu.memory_space<vmem>>, %arg6: memref<128xf32, #tpu.memory_space<vmem>>, %arg7: memref<128x64xf32, #tpu.memory_space<vmem>>, %arg8: memref<64xf32, #tpu.memory_space<vmem>>, %arg9: memref<64x1xf32, #tpu.memory_space<vmem>>, %arg10: memref<1xf32, #tpu.memory_space<vmem>>, %arg11: memref<2048x1xf32, #tpu.memory_space<vmem>>) attributes {dimension_semantics = [#tpu.dimension_semantics<arbitrary>], iteration_bounds = array<i64: 8>, scalar_prefetch = 0 : i64, scratch_operands = 0 : i64, tpu.core_type = #tpu.core_type<tc>, window_params = [{transform_indices = @transform_0, window_bounds = array<i64: 3, 2048, 128>}, {transform_indices = @transform_1, window_bounds = array<i64: 2048, 1>}, {pipeline_mode = #tpu.pipeline_mode<synchronous>, transform_indices = @transform_2, window_bounds = array<i64: 384, 256>}, {pipeline_mode = #tpu.pipeline_mode<synchronous>, transform_indices = @transform_3, window_bounds = array<i64: 256>}, {pipeline_mode = #tpu.pipeline_mode<synchronous>, transform_indices = @transform_4, window_bounds = array<i64: 256, 128>}, {pipeline_mode = #tpu.pipeline_mode<synchronous>, transform_indices = @transform_5, window_bounds = array<i64: 128>}, {pipeline_mode = #tpu.pipeline_mode<synchronous>, transform_indices = @transform_6, window_bounds = array<i64: 128, 64>}, {pipeline_mode = #tpu.pipeline_mode<synchronous>, transform_indices = @transform_7, window_bounds = array<i64: 64>}, {pipeline_mode = #tpu.pipeline_mode<synchronous>, transform_indices = @transform_8, window_bounds = array<i64: 64, 1>}, {pipeline_mode = #tpu.pipeline_mode<synchronous>, transform_indices = @transform_9, window_bounds = array<i64: 1>}, {transform_indices = @transform_10, window_bounds = array<i64: 2048, 1>}]} {
    %get3A = arith.constant 0 : index
    %get3A_0 = arith.constant 0 : index
    %get3A_1 = arith.constant 0 : index
    %get3A_2 = vector.load %arg1[%get3A, %get3A_0, %get3A_1] : memref<3x2048x128xf32, #tpu.memory_space<vmem>>, vector<3x2048x128xf32>
    %slice3A = vector.extract_strided_slice %get3A_2 {offsets = [0, 0, 0], sizes = [1, 2048, 128], strides = [1, 1, 1]} : vector<3x2048x128xf32> to vector<1x2048x128xf32>
    %squeeze3A = vector.shape_cast %slice3A : vector<1x2048x128xf32> to vector<2048x128xf32>
    %slice3A_3 = vector.extract_strided_slice %get3A_2 {offsets = [1, 0, 0], sizes = [1, 2048, 128], strides = [1, 1, 1]} : vector<3x2048x128xf32> to vector<1x2048x128xf32>
    %squeeze3A_4 = vector.shape_cast %slice3A_3 : vector<1x2048x128xf32> to vector<2048x128xf32>
    %slice3A_5 = vector.extract_strided_slice %get3A_2 {offsets = [2, 0, 0], sizes = [1, 2048, 128], strides = [1, 1, 1]} : vector<3x2048x128xf32> to vector<1x2048x128xf32>
    %squeeze3A_6 = vector.shape_cast %slice3A_5 : vector<1x2048x128xf32> to vector<2048x128xf32>
    %concatenate3A = tpu.concatenate %squeeze3A, %squeeze3A_4, %squeeze3A_6 in 1 : vector<2048x128xf32>, vector<2048x128xf32>, vector<2048x128xf32> -> vector<2048x384xf32>
    %get3A_7 = arith.constant 0 : index
    %get3A_8 = arith.constant 0 : index
    %get3A_9 = vector.load %arg3[%get3A_7, %get3A_8] : memref<384x256xf32, #tpu.memory_space<vmem>>, vector<384x256xf32>
    %dot_general3A = arith.constant dense<0.000000e+00> : vector<2048x256xf32>
    %dot_general3A_10 = tpu.matmul %concatenate3A, %get3A_9, %dot_general3A {dimension_numbers = #tpu.dot_dimension_numbers<[1], [0], [0], [1], [0, 0, 1, 1], [], []>, transpose_lhs_hint = false} : vector<2048x384xf32>, vector<384x256xf32>, vector<2048x256xf32> -> vector<2048x256xf32>
    %get3A_11 = arith.constant 0 : index
    %get3A_12 = vector.load %arg4[%get3A_11] : memref<256xf32, #tpu.memory_space<vmem>>, vector<256xf32>
    %broadcast_in_dim3A = vector.shape_cast %get3A_12 : vector<256xf32> to vector<1x256xf32>
    %add3A = vector.broadcast %broadcast_in_dim3A : vector<1x256xf32> to vector<2048x256xf32>
    %add3A_13 = arith.addf %dot_general3A_10, %add3A : vector<2048x256xf32>
    %max3A = arith.constant 0.000000e+00 : f32
    %max3A_14 = vector.broadcast %max3A : f32 to vector<2048x256xf32>
    %max3A_15 = arith.maximumf %add3A_13, %max3A_14 : vector<2048x256xf32>
    %get3A_16 = arith.constant 0 : index
    %get3A_17 = arith.constant 0 : index
    %get3A_18 = vector.load %arg5[%get3A_16, %get3A_17] : memref<256x128xf32, #tpu.memory_space<vmem>>, vector<256x128xf32>
    %dot_general3A_19 = arith.constant dense<0.000000e+00> : vector<2048x128xf32>
    %dot_general3A_20 = tpu.matmul %max3A_15, %get3A_18, %dot_general3A_19 {dimension_numbers = #tpu.dot_dimension_numbers<[1], [0], [0], [1], [0, 0, 1, 1], [], []>, transpose_lhs_hint = false} : vector<2048x256xf32>, vector<256x128xf32>, vector<2048x128xf32> -> vector<2048x128xf32>
    %get3A_21 = arith.constant 0 : index
    %get3A_22 = vector.load %arg6[%get3A_21] : memref<128xf32, #tpu.memory_space<vmem>>, vector<128xf32>
    %broadcast_in_dim3A_23 = vector.shape_cast %get3A_22 : vector<128xf32> to vector<1x128xf32>
    %add3A_24 = vector.broadcast %broadcast_in_dim3A_23 : vector<1x128xf32> to vector<2048x128xf32>
    %add3A_25 = arith.addf %dot_general3A_20, %add3A_24 : vector<2048x128xf32>
    %max3A_26 = arith.constant 0.000000e+00 : f32
    %max3A_27 = vector.broadcast %max3A_26 : f32 to vector<2048x128xf32>
    %max3A_28 = arith.maximumf %add3A_25, %max3A_27 : vector<2048x128xf32>
    %get3A_29 = arith.constant 0 : index
    %get3A_30 = arith.constant 0 : index
    %get3A_31 = vector.load %arg7[%get3A_29, %get3A_30] : memref<128x64xf32, #tpu.memory_space<vmem>>, vector<128x64xf32>
    %dot_general3A_32 = arith.constant dense<0.000000e+00> : vector<2048x64xf32>
    %dot_general3A_33 = tpu.matmul %max3A_28, %get3A_31, %dot_general3A_32 {dimension_numbers = #tpu.dot_dimension_numbers<[1], [0], [0], [1], [0, 0, 1, 1], [], []>, transpose_lhs_hint = false} : vector<2048x128xf32>, vector<128x64xf32>, vector<2048x64xf32> -> vector<2048x64xf32>
    %get3A_34 = arith.constant 0 : index
    %get3A_35 = vector.load %arg8[%get3A_34] : memref<64xf32, #tpu.memory_space<vmem>>, vector<64xf32>
    %broadcast_in_dim3A_36 = vector.shape_cast %get3A_35 : vector<64xf32> to vector<1x64xf32>
    %add3A_37 = vector.broadcast %broadcast_in_dim3A_36 : vector<1x64xf32> to vector<2048x64xf32>
    %add3A_38 = arith.addf %dot_general3A_33, %add3A_37 : vector<2048x64xf32>
    %max3A_39 = arith.constant 0.000000e+00 : f32
    %max3A_40 = vector.broadcast %max3A_39 : f32 to vector<2048x64xf32>
    %max3A_41 = arith.maximumf %add3A_38, %max3A_40 : vector<2048x64xf32>
    %get3A_42 = arith.constant 0 : index
    %get3A_43 = arith.constant 0 : index
    %get3A_44 = vector.load %arg9[%get3A_42, %get3A_43] : memref<64x1xf32, #tpu.memory_space<vmem>>, vector<64x1xf32>
    %dot_general3A_45 = arith.constant dense<0.000000e+00> : vector<2048x1xf32>
    %dot_general3A_46 = tpu.matmul %max3A_41, %get3A_44, %dot_general3A_45 {dimension_numbers = #tpu.dot_dimension_numbers<[1], [0], [0], [1], [0, 0, 1, 1], [], []>, transpose_lhs_hint = false} : vector<2048x64xf32>, vector<64x1xf32>, vector<2048x1xf32> -> vector<2048x1xf32>
    %get3A_47 = arith.constant 0 : index
    %get3A_48 = vector.load %arg10[%get3A_47] : memref<1xf32, #tpu.memory_space<vmem>>, vector<1xf32>
    %broadcast_in_dim3A_49 = vector.shape_cast %get3A_48 : vector<1xf32> to vector<1x1xf32>
    %add3A_50 = vector.broadcast %broadcast_in_dim3A_49 : vector<1x1xf32> to vector<2048x1xf32>
    %add3A_51 = arith.addf %dot_general3A_46, %add3A_50 : vector<2048x1xf32>
    %get3A_52 = arith.constant 0 : index
    %get3A_53 = arith.constant 0 : index
    %get3A_54 = vector.load %arg2[%get3A_52, %get3A_53] : memref<2048x1xf32, #tpu.memory_space<vmem>>, vector<2048x1xf32>
    %add3A_55 = arith.addf %add3A_51, %get3A_54 : vector<2048x1xf32>
    %swap3A = arith.constant 0 : index
    %swap3A_56 = arith.constant 0 : index
    %swap3A_57 = vector.load %arg11[%swap3A, %swap3A_56] : memref<2048x1xf32, #tpu.memory_space<vmem>>, vector<2048x1xf32>
    tpu.vector_store %arg11[%swap3A, %swap3A_56], %add3A_55 {strides = array<i32>} : memref<2048x1xf32, #tpu.memory_space<vmem>>, vector<2048x1xf32>,
    return
  }
  func.func @transform_0(%arg0: i32) -> (i32, i32, i32) {
    %c0_i32 = arith.constant 0 : i32
    %c0_i32_0 = arith.constant 0 : i32
    %c0_i32_1 = arith.constant 0 : i32
    return %c0_i32, %arg0, %c0_i32_0 : i32, i32, i32
  }
  func.func @transform_1(%arg0: i32) -> (i32, i32) {
    %c0_i32 = arith.constant 0 : i32
    %c0_i32_0 = arith.constant 0 : i32
    return %arg0, %c0_i32 : i32, i32
  }
  func.func @transform_2(%arg0: i32) -> (i32, i32) {
    %c0_i32 = arith.constant 0 : i32
    %c0_i32_0 = arith.constant 0 : i32
    %c0_i32_1 = arith.constant 0 : i32
    return %c0_i32, %c0_i32_0 : i32, i32
  }
  func.func @transform_3(%arg0: i32) -> i32 {
    %c0_i32 = arith.constant 0 : i32
    %c0_i32_0 = arith.constant 0 : i32
    return %c0_i32 : i32
  }
  func.func @transform_4(%arg0: i32) -> (i32, i32) {
    %c0_i32 = arith.constant 0 : i32
    %c0_i32_0 = arith.constant 0 : i32
    %c0_i32_1 = arith.constant 0 : i32
    return %c0_i32, %c0_i32_0 : i32, i32
  }
  func.func @transform_5(%arg0: i32) -> i32 {
    %c0_i32 = arith.constant 0 : i32
    %c0_i32_0 = arith.constant 0 : i32
    return %c0_i32 : i32
  }
  func.func @transform_6(%arg0: i32) -> (i32, i32) {
    %c0_i32 = arith.constant 0 : i32
    %c0_i32_0 = arith.constant 0 : i32
    %c0_i32_1 = arith.constant 0 : i32
    return %c0_i32, %c0_i32_0 : i32, i32
  }
  func.func @transform_7(%arg0: i32) -> i32 {
    %c0_i32 = arith.constant 0 : i32
    %c0_i32_0 = arith.constant 0 : i32
    return %c0_i32 : i32
  }
  func.func @transform_8(%arg0: i32) -> (i32, i32) {
    %c0_i32 = arith.constant 0 : i32
    %c0_i32_0 = arith.constant 0 : i32
    %c0_i32_1 = arith.constant 0 : i32
    return %c0_i32, %c0_i32_0 : i32, i32
  }
  func.func @transform_9(%arg0: i32) -> i32 {
    %c0_i32 = arith.constant 0 : i32
    %c0_i32_0 = arith.constant 0 : i32
    return %c0_i32 : i32
  }
  func.func @transform_10(%arg0: i32) -> (i32, i32) {
    %c0_i32 = arith.constant 0 : i32
    %c0_i32_0 = arith.constant 0 : i32
    return %arg0, %c0_i32 : i32, i32
  }
}

</mosaic_0001>

<sc_bundles>
// kernel: kernel.6.cloned.1.call-start
scs
__scs_entry_jumppad:
0x0: {  	(pc) =	sbr.rel $0x88, $3  }
0x1: {  	(tag) =	ssettag $0x0;
	lr =	simm.s32 $0x1  }
0x2: {  	[smem:$0x3F91] =	sst lr;
	_ =	strace $0xD0000000  }
0x3: {  	_ = 	snop  }
0x4: {  	_ = 	snop  }
0x5: {  	_ = 	snop  }
0x6: {  	_ = 	snop  }
0x7: {  	_ = 	snop  }
__scs_overlays_trampoline_lowered:
0x8: {  	[smem:$0x3FA0] =	sst s0  }
0x9: {  	[smem:$0x3FA1] =	sst s1  }
0xa: {  	[smem:$0x3FA2] =	sst s2  }
0xb: {  	[smem:$0x3FA3] =	sst s3  }
0xc: {  	[smem:$0x3FA4] =	sst s4  }
0xd: {  	[smem:$0x3FA5] =	sst s5  }
0xe: {  	[smem:$0x3FA6] =	sst s6  }
0xf: {  	[smem:$0x3FA7] =	sst s7  }
0x10: {  	[smem:$0x3FA8] =	sst s8  }
0x11: {  	[smem:$0x3FA9] =	sst s9;
	s0 =	simm.s32 @!p0 $0x0  }
0x12: {  	s1 =	sld [smem:$0x3F8F];
	s0 =	simm.s32 @p0 $0x1  }
0x13: {  	[smem:$0x3FAA] =	sst s0;
	s0 =	simm.s32 @!p1 $0x0  }
0x14: {  	s2 =	sld [smem:$0x3F8E];
	s0 =	simm.s32 @p1 $0x1  }
0x15: {  	[smem:$0x3FAB] =	sst s0;
	s0 =	simm.s32 @!p2 $0x0  }
0x16: {  	s3 =	sld [smem:$0x3FDB];
	s0 =	simm.s32 @p2 $0x1  }
0x17: {  	s4 =	simm.s32 $0x1BF5;
	[smem:$0x3FAD] =	sst s0  }
0x18: {  	s0 =	sld [smem:$0x3F90];
	_ =	swait.ge [sflag:s4], $0x0  }
0x19: {  	s7 =	sld [smem:$0x3F91]  }
0x1a: {  	s8 =	sadd.s32 $0xFFFFE003, lr  }
0x1b: {  	s9 =	sadd.s32 $0xFFFFFEF7, lr;
	s5 =	simm.s32 $0xFFFFFFFF;
	p2 =	slt.u32 s8, $0xFFFFF086  }
0x1c: {  	p1 =	slt.u32 s9, $0xF7A;
	s5 =	simm.s32 @!p2 $0x0  }
0x1d: {  	s5 =	simm.s32 @p1 $0x1;
	p0 =	seq.s32 s7, s2  }
0x1e: {  	s7 =	smul.u32 @!p0 $0xF7A, s2;
	p2 =	seq.s32 @!p0 s5, $0x0  }
0x1f: {  	s9 =	smul.u32 $0xF7A, s1;
	s8 =	simm.s32 @!p0 $0x1BF5;
	p2 =	por !p2, p0  }
0x20: {  	[sflag:s8] =	ssyncset.s32 @!p0 $0xFFFFF086;
	s6 =	sadd.s32 @!p0 s3, s7;
	s7 =	simm.s32 @!p0 $0x108  }
0x21: {  	s3 =	sadd.s32 s3, s9;
	s6 =	sadd.s32 @!p0 $0x88, s6;
	s7 =	simm.s32 @p2 $0x1082  }
0x22: {  	[simem:s7], [sflag:s8] =	dma.local @!p0 [hbm:s6], $0xF7A  }
0x23: {  	s9 =	sor.u32 $0xD0000000, s2;
	s6 =	simm.s32 $0x108;
	_ =	swait.ge @!p0 [sflag:s8], $0x0  }
0x24: {  	s3 =	sadd.s32 $0x88, s3;
	s6 =	simm.s32 @!p1 $0x1082;
	[sflag:s4] =	ssyncset.s32 $0xFFFFF086  }
0x25: {  	[simem:s6], [sflag:s4] =	dma.local [hbm:s3], $0xF7A  }
0x26: {  	[smem:$0x3F91] =	sst s1;
	(tag) =	ssettag s2;
	_ =	strace s9  }
0x27: {  	s1 =	sld [smem:$0x3FA1]  }
0x28: {  	s2 =	sld [smem:$0x3FA2]  }
0x29: {  	s4 =	sld [smem:$0x3FA4]  }
0x2a: {  	p0 =	seq.s32 s5, $0x0;
	s5 =	sld [smem:$0x3FA5]  }
0x2b: {  	s6 =	sld [smem:$0x3FA6]  }
0x2c: {  	s7 =	sld [smem:$0x3FA7]  }
0x2d: {  	s3 =	simm.s32 $0x108;
	s8 =	sld [smem:$0x3FA8]  }
0x2e: {  	s3 =	simm.s32 @!p0 $0x1082;
	s9 =	sld [smem:$0x3FA9]  }
0x2f: {  	lr =	sadd.s32 s0, s3;
	s0 =	sld [smem:$0x3FA0]  }
0x30: {  	s3 =	sld [smem:$0x3FA3]  }
0x31: {  	[smem:$0x3FAC] =	sst s10  }
0x32: {  	s10 =	sld [smem:$0x3FAA];
	_ =	sdelay $0x3  }
0x33: {  	p0 =	seq.s32 s10, $0x1;
	s10 =	sld [smem:$0x3FAC];
	_ =	sdelay $0x3  }
0x34: {  	[smem:$0x3FAC] =	sst s10  }
0x35: {  	s10 =	sld [smem:$0x3FAB];
	_ =	sdelay $0x3  }
0x36: {  	p1 =	seq.s32 s10, $0x1;
	s10 =	sld [smem:$0x3FAC];
	_ =	sdelay $0x3  }
0x37: {  	[smem:$0x3FAC] =	sst s10  }
0x38: {  	s10 =	sld [smem:$0x3FAD]  }
0x39: {  	_ = 	snop;
	(pc) =	sbr.ind lr, $3  }
0x3a: {  	_ = 	snop  }
0x3b: {  	_ = 	snop  }
0x3c: {  	p2 =	seq.s32 s10, $0x1;
	s10 =	sld [smem:$0x3FAC]  }
0x3d: {  	_ =	shalt  }
0x3e: {  	_ =	shalt  }
0x3f: {  	_ =	shalt  }
0x40: {  	_ =	shalt  }
0x41: {  	_ =	shalt  }
0x42: {  	_ =	shalt  }
0x43: {  	_ =	shalt  }
0x44: {  	_ =	shalt  }
0x45: {  	_ =	shalt  }
0x46: {  	_ =	shalt  }
0x47: {  	_ =	shalt  }
0x48: {  	_ =	shalt  }
0x49: {  	_ =	shalt  }
0x4a: {  	_ =	shalt  }
0x4b: {  	_ =	shalt  }
0x4c: {  	_ =	shalt  }
0x4d: {  	_ =	shalt  }
0x4e: {  	_ =	shalt  }
0x4f: {  	_ =	shalt  }
0x50: {  	_ =	shalt  }
0x51: {  	_ =	shalt  }
0x52: {  	_ =	shalt  }
0x53: {  	_ =	shalt  }
0x54: {  	_ =	shalt  }
0x55: {  	_ =	shalt  }
0x56: {  	_ =	shalt  }
0x57: {  	_ =	shalt  }
0x58: {  	_ =	shalt  }
0x59: {  	_ =	shalt  }
0x5a: {  	_ =	shalt  }
0x5b: {  	_ =	shalt  }
0x5c: {  	_ =	shalt  }
0x5d: {  	_ =	shalt  }
0x5e: {  	_ =	shalt  }
0x5f: {  	_ =	shalt  }
0x60: {  	_ =	shalt  }
0x61: {  	_ =	shalt  }
0x62: {  	_ =	shalt  }
0x63: {  	_ =	shalt  }
0x64: {  	_ =	shalt  }
0x65: {  	_ =	shalt  }
0x66: {  	_ =	shalt  }
0x67: {  	_ =	shalt  }
0x68: {  	_ =	shalt  }
0x69: {  	_ =	shalt  }
0x6a: {  	_ =	shalt  }
0x6b: {  	_ =	shalt  }
0x6c: {  	_ =	shalt  }
0x6d: {  	_ =	shalt  }
0x6e: {  	_ =	shalt  }
0x6f: {  	_ =	shalt  }
0x70: {  	_ =	shalt  }
0x71: {  	_ =	shalt  }
0x72: {  	_ =	shalt  }
0x73: {  	_ =	shalt  }
0x74: {  	_ =	shalt  }
0x75: {  	_ =	shalt  }
0x76: {  	_ =	shalt  }
0x77: {  	_ =	shalt  }
0x78: {  	_ =	shalt  }
0x79: {  	_ =	shalt  }
0x7a: {  	_ =	shalt  }
0x7b: {  	_ =	shalt  }
0x7c: {  	_ =	shalt  }
0x7d: {  	_ =	shalt  }
0x7e: {  	_ =	shalt  }
0x7f: {  	_ =	shalt  }
0x80: {  	_ =	shalt  }
0x81: {  	_ =	shalt  }
0x82: {  	_ =	shalt  }
0x83: {  	_ =	shalt  }
0x84: {  	_ =	shalt  }
0x85: {  	_ =	shalt  }
0x86: {  	_ =	shalt  }
0x87: {  	_ =	shalt  }
.Lfunc_end0:
.L_simem_size_0:
called_computation_lowered:
.L_overlay_start_0:
0x88: {  	s2 =	sld [smem:$0x3FD9]  }
0x89: {  	s3 =	sld [smem:$0x3FFE];
	_ =	sdelay $0x1  }
0x8a: {  	s1 =	srdreg.scid  }
0x8b: {  	s0 =	sand.u32 $0x1, s1  }
0x8c: {  	s17 =	sshll.u32 s0, $0xA;
	s2 =	sadd.s32 s3, s2  }
0x8d: {  	s2 =	sadd.s32 s2, s17  }
0x8e: {  	[smem:$0x3FB8] =	sst s2  }
0x8f: {  	_ = 	snop  }
0x90: {  	s2 =	sld [smem:$0x3FBD]  }
0x91: {  	s18 =	sld [smem:$0x3FBC]  }
0x92: {  	s4 =	sld [smem:$0x3FD0];
	(tm) =	ssettm $0x1  }
0x93: {  	s5 =	sld [smem:$0x3FFB];
	_ =	sdelay $0x3  }
0x94: {  	_ =	strace s5  }
0x95: {  	s5 =	sld [smem:$0x3FFC];
	_ =	sdelay $0x3  }
0x96: {  	_ =	strace s5  }
0x97: {  	s5 =	sld [smem:$0x3FFD];
	_ =	sdelay $0x3  }
0x98: {  	_ =	strace s5  }
0x99: {  	_ =	strace $0x8FFFFFFF  }
0x9a: {  	s19 =	sld [smem:$0x3FDB];
	_ =	sdelay $0x1  }
0x9b: {  	s6 =	simm.s32 $_scs_section_size  }
0x9c: {  	s7 =	simm.s32 $_size__tile_overlayer_lowered;
	s8 =	simm.s32 $_tile_overlayer_lowered  }
0x9d: {  	s22 =	simm.s32 $0x1BFF;
	s21 =	sshll.u32 s8, $0x1;
	s5 =	sadd.s32 s6, s19  }
0x9e: {  	s9 =	simm.s32 $0x0;
	s20 =	sshll.u32 s7, $0x1;
	s7 =	sadd.s32 s21, s5  }
0x9f: {  	[timem:s9], [sflag:s22] =	dma.local [hbm:s7], s20  }
0xa0: {  	_ =	swait.ge [sflag:s22], s20  }
0xa1: {  	s6 =	ssub.s32 $0x0, s20;
	[sflag:s22] =	ssyncset.done $0x0  }
0xa2: {  	[sflag:s22] =	ssyncadd.s32 s6;
	_ =	sdelay $0x1  }
0xa3: {  	s23 =	simm.s32 $0x1B8B  }
0xa4: {  	_ =	swait.ge [sflag:s23], $0x1  }
0xa5: {  	[sflag:s23] =	ssyncset.done $0x0  }
0xa6: {  	s25 =	simm.s32 $0x1B8E;
	s24 =	sld [smem:$0x3FFE];
	[sflag:s23] =	ssyncadd.s32 $0xFFFFFFFF  }
0xa7: {  	s26 =	simm.s32 $execute0_lowered;
	[smem:$0x3FD2] =	sst s25  }
0xa8: {  	s7 =	sshll.u32 s26, $0x1;
	_ =	strace $0x80000046;
	[dreg:$0x1] =	wrdreg $0xFFFFFFFF  }
0xa9: {  	s28 =	simm.s32 $_size_execute0_lowered;
	s5 =	sadd.s32 s5, s7;
	[dreg:$0x0] =	wrdreg $0x0  }
0xaa: {  	s7 =	sshll.u32 s28, $0x1;
	[dreg:$0x2] =	wrdreg s5  }
0xab: {  	[dreg:$0x3] =	wrdreg s7  }
0xac: {  	[dreg:$0x4] =	wrdreg $0xC0  }
0xad: {  	_ =	task [dreg:s9], $0x5FFFF  }
0xae: {  	[dreg:$0x1] =	wrdreg $0xFFFFFFFF  }
0xaf: {  	[dreg:$0x0] =	wrdreg $0x60  }
0xb0: {  	[dreg:$0x2] =	wrdreg s24  }
0xb1: {  	[dreg:$0x3] =	wrdreg s2  }
0xb2: {  	[dreg:$0x4] =	wrdreg s18  }
0xb3: {  	[dreg:$0x5] =	wrdreg s4  }
0xb4: {  	[dreg:$0x6] =	wrdreg $0x9  }
0xb5: {  	_ =	task.clear_ibuf [dreg:s9], $0x7FFFF;
	_ =	strace $0x90000046  }
0xb6: {  	s29 =	simm.s32 $0x9;
	_ =	strace $0x80000048  }
0xb7: {  	_ =	swait.ge [sflag:s29], $0x1  }
0xb8: {  	[sflag:s29] =	ssyncadd.s32 $0xFFFFFFFF  }
0xb9: {  	_ =	strace $0x90000048  }
0xba: {  	_ =	sfence  }
0xbb: {  	s30 =	sld [smem:$0x0];
	_ =	sdelay $0x2  }
0xbc: {  	s31 =	sshll.u32 s1, $0xD;
	s1 =	sshrl.u32 s1, $0x2  }
0xbd: {  	s3 =	sand.u32 $0x4000, s31;
	s1 =	sadd.s32 s1, s30  }
0xbe: {  	s0 =	sor.u32 s3, s0;
	s1 =	sshll.u32 s1, $0x11  }
0xbf: {  	s0 =	sor.u32 s1, s0  }
0xc0: {  	s0 =	sadd.s32 $0x8F2B, s0  }
0xc1: {  	[sflag:s0] =	ssyncadd.remote.s32 $0x1  }
0xc2: {  	_ =	sfence.sel $0xFFFF  }
0xc3: {  	[dreg:$0x0] =	wrdreg $0xFFFFFFFF;
	(pc) =	sbr.abs _section_cstart, $3  }
0xc4: {  	[dreg:$0x1] =	wrdreg $0xFFFFFFFF  }
0xc5: {  	_ =	task.clear_ibuf [dreg:s9], $0x2FFFF;
	_ =	strace $0x9FFFFFFF  }
0xc6: {  	(tm) =	ssettm $0x7FFFFFFF  }
0xc7: {  	_ =	shalt  }
tec
execute0_lowered:
.L_overlay_start_1:
0x0: {  	(tag) =	ssettag $0x1  }
0x1: {  	s0 =	rddreg [dreg:$0x0];
	s1 =	simm.s32 $0x0  }
0x2: {  	s16 =	srdreg.scid;
	[smem:$0x7FF] =	sst s1;
	s14 =	sadd.s32 $0x900200, s0  }
0x3: {  	s15 =	sadd.s32 $0x8E1800, s0;
	_ =	strace $0x80000047;
	[dreg:$0x5] =	wrdreg s14  }
0x4: {  	s17 =	stileid.u32;
	s2 =	sadd.s32 $0x91EC00, s0;
	[dreg:$0x6] =	wrdreg s15  }
0x5: {  	s28 =	simm.s32 $0x1;
	s4 =	sadd.s32 $0x91EC04, s0;
	[dreg:$0x7] =	wrdreg s2  }
0x6: {  	s29 =	simm.s32 $0xC00;
	s18 =	sadd.s32 $0x91EC08, s0;
	[dreg:$0x8] =	wrdreg s4  }
0x7: {  	s12 =	simm.s32 $0x3;
	s19 =	sadd.s32 $0x91EC0C, s0;
	[dreg:$0x9] =	wrdreg s18  }
0x8: {  	s13 =	simm.s32 $0x2C00;
	s20 =	sadd.s32 $0x95EC00, s0;
	[dreg:$0xa] =	wrdreg s19  }
0x9: {  	s30 =	simm.s32 $0x20;
	s21 =	sadd.s32 $0x95EC04, s0;
	[dreg:$0xb] =	wrdreg s20  }
0xa: {  	s5 =	sadd.s32 $0x509800, s0;
	s9 =	sadd.s32 $0x95EC08, s0;
	[dreg:$0xc] =	wrdreg s21  }
0xb: {  	s6 =	sadd.s32 $0x131800, s0;
	s23 =	sadd.s32 $0x95EC0C, s0;
	[dreg:$0xd] =	wrdreg s9  }
0xc: {  	s7 =	sadd.s32 $0x98C00, s0;
	s24 =	sadd.s32 $0x99EC00, s0;
	[dreg:$0xe] =	wrdreg s23  }
0xd: {  	s8 =	sadd.s32 $0x200, s0;
	s25 =	sadd.s32 $0x99EC04, s0;
	[dreg:$0xf] =	wrdreg s24  }
0xe: {  	s1 =	sand.u32 $0x1, s16;
	s26 =	sadd.s32 $0x99EC08, s0;
	[dreg:$0x10] =	wrdreg s25  }
0xf: {  	s0 =	sadd.s32 $0x99EC0C, s0;
	s2 =	sshll.u32 s17, $0xA;
	[dreg:$0x12] =	wrdreg s26  }
0x10: {  	s3 =	sshll.u32 s1, $0x9;
	s1 =	ssub.s32 $0x2, s1;
	[dreg:$0x13] =	wrdreg s0  }
.Ltmp0:
0x11: {  	s26 =	simm.s32 $0x80;
	s23 =	simm.s32 $0x2;
	(pc) =	sbr.rel .LBB2_1-.Ltmp0, $4  }
0x12: {  	s24 =	simm.s32 $0x4;
	s9 =	simm.s32 $0x5;
	s22 =	sshrl.u32 s1, $0x1  }
0x13: {  	s0 =	simm.s32 $0x0;
	s2 =	sor.u32 s3, s2;
	s1 =	ssub.s32 s1, s22  }
0x14: {  	v0 =	vlaneseq.u32;
	s20 =	simm.s32 $0x4C00;
	[dreg:$0x11] =	wrdreg s2;
	s31 =	smax.u32 s1, $0x1  }
0x15: {  	v1 =	vimm.f32 $0.0e+00;
	v0 =	vmul.u32 $0x20, v0;
	s21 =	simm.s32 $0x5C00;
	s22 =	simm.s32 $0xBC00;
	[dreg:$0x14] =	wrdreg s31  }
.LBB2_43:
0x16: {  	s0 =	rddreg [dreg:$0x15]  }
0x17: {  	s1 =	rddreg [dreg:$0x14];
	s0 =	sadd.s32 $0x1, s0  }
0x18: {  	p0 =	sne.s32 s0, s1  }
.Ltmp1:
0x19: {  	_ = 	snop;
	(pc) =	sbr.rel @!p0 .LBB2_44-.Ltmp1, $1  }
0x1a: {  	_ =	sdelay $0x3  }
.LBB2_1:
.Ltmp2:
0x1b: {  	(pc) =	sbr.rel .LBB2_2-.Ltmp2, $2  }
0x1c: {  	_ =	sdelay $0x2  }
0x1d: {  	[dreg:$0x15] =	wrdreg s0;
	s1 =	simm.s32 $0x0  }
.LBB2_42:
0x1e: {  	v2 =	vld [tilespmem:$0xCC00]  }
0x1f: {  	v3 =	vld [tilespmem:$0xCC80]  }
0x20: {  	v4 =	vld [tilespmem:$0xCC10]  }
0x21: {  	v5 =	vld [tilespmem:$0xCC90]  }
0x22: {  	v6 =	vld [tilespmem:$0xCC20]  }
0x23: {  	v7 =	vld [tilespmem:$0xCCA0]  }
0x24: {  	v8 =	vld [tilespmem:$0xCC30]  }
0x25: {  	v9 =	vld [tilespmem:$0xCCB0]  }
0x26: {  	v10 =	vld [tilespmem:$0xCC40]  }
0x27: {  	v11 =	vld [tilespmem:$0xCCC0]  }
0x28: {  	v12 =	vld [tilespmem:$0xCC50]  }
0x29: {  	v13 =	vld [tilespmem:$0xCCD0]  }
0x2a: {  	v14 =	vld [tilespmem:$0xCC60]  }
0x2b: {  	v60 =	vld [tilespmem:$0xCC70];
	v2 =	vadd.f32 v3, v2  }
0x2c: {  	v3 =	vld [tilespmem:$0xCCE0];
	v4 =	vadd.f32 v5, v4  }
0x2d: {  	v61 =	vld [tilespmem:$0xCCF0];
	[tilespmem:$0xCD00] =	vst v2;
	v2 =	vadd.f32 v7, v6  }
0x2e: {  	v62 =	vadd.f32 v9, v8;
	[tilespmem:$0xCD10] =	vst v4  }
0x2f: {  	[tilespmem:$0xCD20] =	vst v2;
	v2 =	vadd.f32 v11, v10  }
0x30: {  	v63 =	vadd.f32 v13, v12;
	[tilespmem:$0xCD30] =	vst v62  }
0x31: {  	[tilespmem:$0xCD40] =	vst v2;
	v2 =	vadd.f32 v3, v14  }
0x32: {  	[tilespmem:$0xCD50] =	vst v63;
	v3 =	vadd.f32 v61, v60  }
0x33: {  	s4 =	sshll.u32 s4, $0x4;
	s25 =	rddreg [dreg:$0x7];
	[tilespmem:$0xCD60] =	vst v2  }
0x34: {  	s29 =	simm.s32 $0xC00;
	s18 =	rddreg [dreg:$0x8];
	s25 =	sadd.s32 s25, s4;
	[tilespmem:$0xCD70] =	vst v3  }
0x35: {  	[hbm4b:s25+s30] =	stream.strided.scatter [tilespmem:s29], [sflag:$0x5], $0x1000, s26, s30, $0x38;
	[tilespmem:$0xCD80] =	vst v63  }
0x36: {  	s31 =	rddreg [dreg:$0x9];
	s25 =	sadd.s32 s4, s18  }
0x37: {  	[hbm4b:s25+s30] =	stream.strided.scatter [tilespmem:s13], [sflag:$0x5], $0x1000, s26, s30, $0x38;
	[tilespmem:$0xCD80] =	vst v63  }
0x38: {  	s17 =	rddreg [dreg:$0xa];
	s25 =	sadd.s32 s4, s31  }
0x39: {  	[hbm4b:s25+s30] =	stream.strided.scatter [tilespmem:s19], [sflag:$0x5], $0x1000, s26, s30, $0x38;
	[tilespmem:$0xCD80] =	vst v63  }
0x3a: {  	s18 =	rddreg [dreg:$0xb];
	s25 =	sadd.s32 s4, s17  }
0x3b: {  	[hbm4b:s25+s30] =	stream.strided.scatter [tilespmem:s0], [sflag:$0x5], $0x1000, s26, s30, $0x38;
	[tilespmem:$0xCD80] =	vst v63  }
0x3c: {  	s19 =	rddreg [dreg:$0xc];
	s25 =	sadd.s32 s4, s18  }
0x3d: {  	[hbm4b:s25+s30] =	stream.strided.scatter [tilespmem:s3], [sflag:$0x5], $0x1000, s26, s30, $0x38;
	[tilespmem:$0xCD80] =	vst v63  }
0x3e: {  	s31 =	rddreg [dreg:$0xd];
	s25 =	sadd.s32 s4, s19  }
0x3f: {  	[hbm4b:s25+s30] =	stream.strided.scatter [tilespmem:s10], [sflag:$0x5], $0x1000, s26, s30, $0x38;
	[tilespmem:$0xCD80] =	vst v63  }
0x40: {  	s0 =	simm.s32 $0x1C00;
	s25 =	sadd.s32 s4, s31;
	s10 =	rddreg [dreg:$0xe]  }
0x41: {  	[hbm4b:s25+s30] =	stream.strided.scatter [tilespmem:s0], [sflag:$0x5], $0x1000, s26, s30, $0x38;
	[tilespmem:$0xCD80] =	vst v63  }
0x42: {  	s25 =	sadd.s32 s4, s10  }
0x43: {  	[hbm4b:s25+s30] =	stream.strided.scatter [tilespmem:s11], [sflag:$0x5], $0x1000, s26, s30, $0x38;
	[tilespmem:$0xCD80] =	vst v63  }
0x44: {  	s11 =	rddreg [dreg:$0xf]  }
0x45: {  	s25 =	sadd.s32 s4, s11  }
0x46: {  	[hbm4b:s25+s30] =	stream.strided.scatter [tilespmem:s14], [sflag:$0x5], $0x1000, s26, s30, $0x38;
	[tilespmem:$0xCD80] =	vst v63  }
0x47: {  	s14 =	rddreg [dreg:$0x10]  }
0x48: {  	s17 =	rddreg [dreg:$0x12];
	s25 =	sadd.s32 s4, s14  }
0x49: {  	[hbm4b:s25+s30] =	stream.strided.scatter [tilespmem:s15], [sflag:$0x5], $0x1000, s26, s30, $0x38;
	[tilespmem:$0xCD80] =	vst v63  }
0x4a: {  	s18 =	rddreg [dreg:$0x13];
	s25 =	sadd.s32 s4, s17  }
0x4b: {  	[hbm4b:s25+s30] =	stream.strided.scatter [tilespmem:s16], [sflag:$0x5], $0x1000, s26, s30, $0x38;
	[tilespmem:$0xCD80] =	vst v63  }
0x4c: {  	s19 =	rddreg [dreg:$0x3];
	s4 =	sadd.s32 s4, s18  }
0x4d: {  	[hbm4b:s4+s30] =	stream.strided.scatter [tilespmem:s22], [sflag:$0x5], $0x1000, s26, s30, $0x38;
	[tilespmem:$0xCD80] =	vst v63  }
0x4e: {  	s2 =	sadd.s32 s19, s2;
	s31 =	simm.s32 $0xCD00;
	s25 =	simm.s32 $0x0  }
0x4f: {  	[hbm4b:s2+s25] =	stream.linear.scatter [tilespmem:s31], [sflag:$0x5], $0x80, $0x38;
	[tilespmem:$0xCD80] =	vst v63  }
0x50: {  	_ =	swait.ge [sflag:s9], $0x1000  }
0x51: {  	[sflag:s9] =	ssyncset.done $0x0  }
0x52: {  	[sflag:s9] =	ssyncadd.s32 $0xFFFFF000  }
0x53: {  	_ =	swait.ge [sflag:s9], $0x1000  }
0x54: {  	[sflag:s9] =	ssyncset.done $0x0  }
0x55: {  	[sflag:s9] =	ssyncadd.s32 $0xFFFFF000  }
0x56: {  	_ =	swait.ge [sflag:s9], $0x1000  }
0x57: {  	[sflag:s9] =	ssyncset.done $0x0  }
0x58: {  	[sflag:s9] =	ssyncadd.s32 $0xFFFFF000  }
0x59: {  	_ =	swait.ge [sflag:s9], $0x1000  }
0x5a: {  	[sflag:s9] =	ssyncset.done $0x0  }
0x5b: {  	[sflag:s9] =	ssyncadd.s32 $0xFFFFF000  }
0x5c: {  	_ =	swait.ge [sflag:s9], $0x1000  }
0x5d: {  	[sflag:s9] =	ssyncset.done $0x0  }
0x5e: {  	[sflag:s9] =	ssyncadd.s32 $0xFFFFF000  }
0x5f: {  	_ =	swait.ge [sflag:s9], $0x1000  }
0x60: {  	[sflag:s9] =	ssyncset.done $0x0  }
0x61: {  	[sflag:s9] =	ssyncadd.s32 $0xFFFFF000  }
0x62: {  	_ =	swait.ge [sflag:s9], $0x1000  }
0x63: {  	[sflag:s9] =	ssyncset.done $0x0  }
0x64: {  	[sflag:s9] =	ssyncadd.s32 $0xFFFFF000  }
0x65: {  	_ =	swait.ge [sflag:s9], $0x1000  }
0x66: {  	[sflag:s9] =	ssyncset.done $0x0  }
0x67: {  	[sflag:s9] =	ssyncadd.s32 $0xFFFFF000  }
0x68: {  	_ =	swait.ge [sflag:s9], $0x1000  }
0x69: {  	[sflag:s9] =	ssyncset.done $0x0  }
0x6a: {  	[sflag:s9] =	ssyncadd.s32 $0xFFFFF000  }
0x6b: {  	_ =	swait.ge [sflag:s9], $0x1000  }
0x6c: {  	[sflag:s9] =	ssyncset.done $0x0  }
0x6d: {  	[sflag:s9] =	ssyncadd.s32 $0xFFFFF000  }
0x6e: {  	_ =	swait.ge [sflag:s9], $0x1000  }
0x6f: {  	[sflag:s9] =	ssyncset.done $0x0  }
0x70: {  	s1 =	sadd.s32 $0x1, s1;
	[sflag:s9] =	ssyncadd.s32 $0xFFFFF000  }
0x71: {  	p0 =	sne.s32 s1, $0x4;
	_ =	swait.ge [sflag:s9], $0x1000  }
.Ltmp3:
0x72: {  	[sflag:s9] =	ssyncset.done $0x0;
	(pc) =	sbr.rel @!p0 .LBB2_43-.Ltmp3, $4  }
0x73: {  	[sflag:s9] =	ssyncadd.s32 $0xFFFFF000  }
0x74: {  	_ =	swait.ge [sflag:s9], $0x80  }
0x75: {  	[sflag:s9] =	ssyncset.done $0x0  }
0x76: {  	[sflag:s9] =	ssyncadd.s32 $0xFFFFFF80  }
.LBB2_2:
0x77: {  	s2 =	sshll.u32 s1, $0x7;
	s4 =	rddreg [dreg:$0x11]  }
0x78: {  	s4 =	sadd.s32 s4, s2  }
0x79: {  	s25 =	rddreg [dreg:$0x1];
	s2 =	sshrl.u32 s4, $0x3  }
0x7a: {  	s31 =	simm.s32 $0x0;
	s14 =	rddreg [dreg:$0x2];
	s25 =	sadd.s32 s25, s2  }
0x7b: {  	[tilespmem:s31], [sflag:$0x1] =	stream.linear.gather [hbm4b:s25+s31], $0x80, $0x38;
	[tilespmem:$0xCD80] =	vst v63  }
0x7c: {  	s25 =	sadd.s32 s14, s2  }
0x7d: {  	[tilespmem:s26], [sflag:$0x1] =	stream.linear.gather [hbm4b:s25+s31], $0x80, $0x38;
	[tilespmem:$0xCD80] =	vst v63  }
0x7e: {  	_ =	swait.ge [sflag:s28], $0x80  }
0x7f: {  	[sflag:s28] =	ssyncset.done $0x0  }
0x80: {  	[sflag:s28] =	ssyncadd.s32 $0xFFFFFF80  }
0x81: {  	_ =	swait.ge [sflag:s28], $0x80  }
0x82: {  	[sflag:s28] =	ssyncset.done $0x0  }
0x83: {  	[sflag:s28] =	ssyncadd.s32 $0xFFFFFF80  }
0x84: {  	v2 =	vld [tilespmem:$0x0]  }
0x85: {  	v3 =	vld [tilespmem:$0x10]  }
0x86: {  	v5 =	vld [tilespmem:$0x20]  }
0x87: {  	v7 =	vld [tilespmem:$0x30]  }
0x88: {  	v23 =	vld [tilespmem:$0x40]  }
0x89: {  	v9 =	vld [tilespmem:$0x50]  }
0x8a: {  	v10 =	vld [tilespmem:$0x60]  }
0x8b: {  	v30 =	vld [tilespmem:$0x70];
	v4 =	vshll.u32 v2, $0x2;
	v6 =	vand.u32 $0xFFFFE000, v2;
	v2 =	vshrl.u32 v2, $0xB  }
0x8c: {  	v12 =	vld [tilespmem:$0x80];
	v22 =	vshll.u32 v3, $0x2;
	v8 =	vand.u32 $0xFFFFE000, v3;
	v3 =	vshrl.u32 v3, $0xB  }
0x8d: {  	v13 =	vld [tilespmem:$0x90];
	v24 =	vshll.u32 v5, $0x2;
	v25 =	vand.u32 $0xFFFFE000, v5;
	v5 =	vshrl.u32 v5, $0xB  }
0x8e: {  	v39 =	vld [tilespmem:$0xA0];
	v26 =	vshll.u32 v7, $0x2;
	v27 =	vand.u32 $0xFFFFE000, v7;
	v28 =	vshrl.u32 v7, $0xB  }
0x8f: {  	v15 =	vld [tilespmem:$0xB0];
	v29 =	vshll.u32 v23, $0x2;
	v11 =	vand.u32 $0xFFFFE000, v23;
	v32 =	vshll.u32 v9, $0x2  }
0x90: {  	v16 =	vld [tilespmem:$0xC0];
	v33 =	vand.u32 $0xFFFFE000, v9;
	v9 =	vshrl.u32 v9, $0xB;
	v35 =	vshll.u32 v10, $0x2  }
0x91: {  	v49 =	vld [tilespmem:$0xD0];
	v36 =	vand.u32 $0xFFFFE000, v10;
	v37 =	vshrl.u32 v10, $0xB;
	v38 =	vshll.u32 v30, $0x2  }
0x92: {  	v14 =	vand.u32 $0xFFFFE000, v30;
	v41 =	vshll.u32 v12, $0x2;
	v42 =	vand.u32 $0xFFFFE000, v12  }
0x93: {  	v12 =	vshrl.u32 v12, $0xB;
	v44 =	vshll.u32 v13, $0x2;
	v45 =	vand.u32 $0xFFFFE000, v13  }
0x94: {  	v46 =	vshrl.u32 v13, $0xB;
	v47 =	vshll.u32 v39, $0x2;
	v50 =	vshll.u32 v15, $0x2  }
0x95: {  	v51 =	vand.u32 $0xFFFFE000, v15;
	v52 =	vshrl.u32 v15, $0xB;
	v54 =	vshll.u32 v16, $0x2  }
0x96: {  	v56 =	vand.u32 $0xFFFFE000, v16;
	v57 =	vshrl.u32 v16, $0xB;
	v58 =	vshll.u32 v49, $0x2  }
0x97: {  	v60 =	vand.u32 $0xFFFFE000, v49;
	v61 =	vshrl.u32 v49, $0xB;
	v4 =	vand.u32 $0x1FFC, v4  }
0x98: {  	v2 =	vand.u32 $0x3, v2;
	v3 =	vand.u32 $0x3, v3;
	v5 =	vand.u32 $0x3, v5  }
0x99: {  	v7 =	vand.u32 $0x1FFC, v29;
	v34 =	vand.u32 $0x3, v9;
	v9 =	vand.u32 $0x1FFC, v35  }
0x9a: {  	v10 =	vand.u32 $0x1FFC, v38;
	v43 =	vand.u32 $0x3, v12;
	v12 =	vand.u32 $0x1FFC, v44  }
0x9b: {  	v13 =	vand.u32 $0x1FFC, v47;
	v53 =	vand.u32 $0x3, v52;
	v62 =	vand.u32 $0x3, v61  }
0x9c: {  	v4 =	vor.u32 v6, v4;
	v6 =	vand.u32 $0x1FFC, v22;
	v7 =	vor.u32 v11, v7  }
0x9d: {  	v59 =	vld [tilespmem:$0xF0];
	v11 =	vshrl.u32 v30, $0xB;
	v10 =	vor.u32 v14, v10;
	v14 =	vshrl.u32 v39, $0xB  }
0x9e: {  	v6 =	vor.u32 v8, v6;
	v2 =	vor.u32 v2, v4;
	v4 =	vand.u32 $0x1FFC, v24  }
0x9f: {  	v8 =	vshrl.u32 v23, $0xB;
	v11 =	vand.u32 $0x3, v11;
	v48 =	vand.u32 $0x3, v14  }
0xa0: {  	v3 =	vor.u32 v3, v6;
	v4 =	vor.u32 v25, v4;
	v6 =	vand.u32 $0x1FFC, v26  }
0xa1: {  	v8 =	vand.u32 $0x3, v8;
	v40 =	vor.u32 v11, v10;
	v10 =	vand.u32 $0x1FFC, v41  }
0xa2: {  	v11 =	vor.u32 v45, v12;
	[tilespmem:$0x100] =	vst v2;
	v2 =	vand.u32 $0xFFFFE000, v39;
	v12 =	vshll.u32 v59, $0x2  }
0xa3: {  	v4 =	vor.u32 v5, v4;
	v5 =	vor.u32 v27, v6;
	v6 =	vand.u32 $0x3, v28;
	[tilespmem:$0x110] =	vst v3  }
0xa4: {  	v55 =	vld [tilespmem:$0xE0];
	v31 =	vor.u32 v8, v7;
	v7 =	vand.u32 $0x1FFC, v32;
	v8 =	vor.u32 v36, v9;
	[tilespmem:$0x170] =	vst v40  }
0xa5: {  	v9 =	vand.u32 $0x3, v37;
	v10 =	vor.u32 v42, v10;
	v3 =	vand.u32 $0x3, v46;
	[tilespmem:$0x120] =	vst v4  }
0xa6: {  	v2 =	vor.u32 v2, v13;
	v13 =	vshrl.u32 v59, $0xB;
	v5 =	vor.u32 v6, v5;
	[tilespmem:$0x140] =	vst v31  }
0xa7: {  	v7 =	vor.u32 v33, v7;
	v8 =	vor.u32 v9, v8;
	v10 =	vor.u32 v43, v10;
	[tilespmem:$0x130] =	vst v5  }
0xa8: {  	v3 =	vor.u32 v3, v11;
	v2 =	vor.u32 v48, v2;
	v4 =	vand.u32 $0x1FFC, v50;
	[tilespmem:$0x160] =	vst v8  }
0xa9: {  	v6 =	vand.u32 $0x1FFC, v54;
	v9 =	vshll.u32 v55, $0x2;
	v7 =	vor.u32 v34, v7;
	[tilespmem:$0x180] =	vst v10  }
0xaa: {  	v4 =	vor.u32 v51, v4;
	v5 =	vor.u32 v56, v6;
	v6 =	vand.u32 $0x3, v57;
	[tilespmem:$0x190] =	vst v3  }
0xab: {  	[tilespmem:$0x1A0] =	vst v2;
	v2 =	vand.u32 $0xFFFFE000, v55;
	v10 =	vshrl.u32 v55, $0xB;
	v4 =	vor.u32 v53, v4  }
0xac: {  	[tilespmem:$0x150] =	vst v7;
	v7 =	vand.u32 $0x1FFC, v58;
	v3 =	vor.u32 v6, v5;
	v6 =	vand.u32 $0x1FFC, v9  }
0xad: {  	v11 =	vand.u32 $0x3, v10;
	v7 =	vor.u32 v60, v7;
	[tilespmem:$0x1B0] =	vst v4;
	v2 =	vor.u32 v2, v6  }
0xae: {  	[tilespmem:$0x1C0] =	vst v3;
	v3 =	vand.u32 $0xFFFFE000, v59;
	v6 =	vand.u32 $0x1FFC, v12;
	v63 =	vor.u32 v62, v7  }
0xaf: {  	v14 =	vand.u32 $0x3, v13;
	v2 =	vor.u32 v11, v2;
	v3 =	vor.u32 v3, v6;
	[tilespmem:$0x1D0] =	vst v63  }
0xb0: {  	[tilespmem:$0x1E0] =	vst v2;
	v2 =	vor.u32 v14, v3  }
0xb1: {  	s15 =	simm.s32 $0x100;
	[tilespmem:$0x1F0] =	vst v2  }
0xb2: {  	[tilespmem:s29], [sflag:$0x2] =	stream.indirect.gather [hbm4b:s5+s26], $0x20, s15, s26, $0xb8;
	[tilespmem:$0xCD80] =	vst v63  }
0xb3: {  	s17 =	simm.s32 $0xCC00;
	s16 =	rddreg [dreg:$0x5]  }
0xb4: {  	[tilespmem:s17], [sflag:$0x2] =	stream.indirect.gather [hbm4b:s16+s26], $0x1, s31, s26, $0xb8;
	[tilespmem:$0xCD80] =	vst v63  }
0xb5: {  	s3 =	simm.s32 $0x1C00;
	s18 =	simm.s32 $0x180  }
0xb6: {  	[tilespmem:s3], [sflag:$0x2] =	stream.indirect.gather [hbm4b:s6+s26], $0x20, s18, s26, $0xb8;
	[tilespmem:$0xCD80] =	vst v63  }
0xb7: {  	s19 =	rddreg [dreg:$0x6];
	s29 =	simm.s32 $0xCC80  }
0xb8: {  	[tilespmem:s29], [sflag:$0x2] =	stream.indirect.gather [hbm4b:s19+s26], $0x1, s26, s26, $0xb8;
	[tilespmem:$0xCD80] =	vst v63  }
0xb9: {  	v2 =	vld [tilespmem:$0x0]  }
0xba: {  	v15 =	vld [tilespmem:$0x10]  }
0xbb: {  	v16 =	vld [tilespmem:$0x30]  }
0xbc: {  	v17 =	vld [tilespmem:$0x50]  }
0xbd: {  	v18 =	vld [tilespmem:$0x70]  }
0xbe: {  	v19 =	vld [tilespmem:$0x90];
	[tilespmem:$0x200] =	vst v2  }
0xbf: {  	v20 =	vld [tilespmem:$0xB0];
	[tilespmem:$0x210] =	vst v15  }
0xc0: {  	v21 =	vld [tilespmem:$0xD0];
	[tilespmem:$0x230] =	vst v16  }
0xc1: {  	v22 =	vld [tilespmem:$0xF0];
	[tilespmem:$0x250] =	vst v17  }
0xc2: {  	[tilespmem:$0x270] =	vst v18  }
0xc3: {  	[tilespmem:$0x490] =	vst v19  }
0xc4: {  	[tilespmem:$0x4B0] =	vst v20  }
0xc5: {  	[tilespmem:$0x4D0] =	vst v21  }
0xc6: {  	v3 =	vadd.s32 $0xF4241, v2;
	[tilespmem:$0x4F0] =	vst v22  }
0xc7: {  	[tilespmem:$0x280] =	vst v3;
	v3 =	vadd.s32 $0x1E8482, v2  }
0xc8: {  	[tilespmem:$0x300] =	vst v3;
	v3 =	vadd.s32 $0x2DC6C3, v2  }
0xc9: {  	v2 =	vadd.s32 $0x3D0904, v2;
	[tilespmem:$0x380] =	vst v3  }
0xca: {  	[tilespmem:$0x400] =	vst v2;
	v2 =	vadd.s32 $0xF4241, v15;
	v3 =	vld [tilespmem:$0x20]  }
0xcb: {  	[tilespmem:$0x290] =	vst v2;
	v2 =	vadd.s32 $0x1E8482, v15  }
0xcc: {  	[tilespmem:$0x310] =	vst v2;
	v2 =	vadd.s32 $0x2DC6C3, v15  }
0xcd: {  	[tilespmem:$0x390] =	vst v2;
	v2 =	vadd.s32 $0x3D0904, v15  }
0xce: {  	[tilespmem:$0x410] =	vst v2  }
0xcf: {  	[tilespmem:$0x220] =	vst v3;
	v2 =	vadd.s32 $0xF4241, v3  }
0xd0: {  	[tilespmem:$0x2A0] =	vst v2;
	v2 =	vadd.s32 $0x1E8482, v3  }
0xd1: {  	[tilespmem:$0x320] =	vst v2;
	v2 =	vadd.s32 $0x2DC6C3, v3  }
0xd2: {  	[tilespmem:$0x3A0] =	vst v2;
	v2 =	vadd.s32 $0x3D0904, v3  }
0xd3: {  	v3 =	vld [tilespmem:$0x40];
	[tilespmem:$0x420] =	vst v2;
	v2 =	vadd.s32 $0xF4241, v16  }
0xd4: {  	[tilespmem:$0x2B0] =	vst v2;
	v2 =	vadd.s32 $0x1E8482, v16  }
0xd5: {  	[tilespmem:$0x330] =	vst v2;
	v2 =	vadd.s32 $0x2DC6C3, v16  }
0xd6: {  	[tilespmem:$0x3B0] =	vst v2;
	v2 =	vadd.s32 $0x3D0904, v16  }
0xd7: {  	[tilespmem:$0x430] =	vst v2  }
0xd8: {  	[tilespmem:$0x240] =	vst v3;
	v2 =	vadd.s32 $0xF4241, v3  }
0xd9: {  	[tilespmem:$0x2C0] =	vst v2;
	v2 =	vadd.s32 $0x1E8482, v3  }
0xda: {  	[tilespmem:$0x340] =	vst v2;
	v2 =	vadd.s32 $0x2DC6C3, v3  }
0xdb: {  	[tilespmem:$0x3C0] =	vst v2;
	v2 =	vadd.s32 $0x3D0904, v3  }
0xdc: {  	v3 =	vld [tilespmem:$0x60];
	[tilespmem:$0x440] =	vst v2;
	v2 =	vadd.s32 $0xF4241, v17  }
0xdd: {  	[tilespmem:$0x2D0] =	vst v2;
	v2 =	vadd.s32 $0x1E8482, v17  }
0xde: {  	[tilespmem:$0x350] =	vst v2;
	v2 =	vadd.s32 $0x2DC6C3, v17  }
0xdf: {  	[tilespmem:$0x3D0] =	vst v2;
	v2 =	vadd.s32 $0x3D0904, v17  }
0xe0: {  	[tilespmem:$0x450] =	vst v2  }
0xe1: {  	[tilespmem:$0x260] =	vst v3;
	v2 =	vadd.s32 $0xF4241, v3  }
0xe2: {  	[tilespmem:$0x2E0] =	vst v2;
	v2 =	vadd.s32 $0x1E8482, v3  }
0xe3: {  	[tilespmem:$0x360] =	vst v2;
	v2 =	vadd.s32 $0x2DC6C3, v3  }
0xe4: {  	[tilespmem:$0x3E0] =	vst v2;
	v2 =	vadd.s32 $0x3D0904, v3  }
0xe5: {  	v3 =	vld [tilespmem:$0x80];
	[tilespmem:$0x460] =	vst v2;
	v2 =	vadd.s32 $0xF4241, v18  }
0xe6: {  	[tilespmem:$0x2F0] =	vst v2;
	v2 =	vadd.s32 $0x1E8482, v18  }
0xe7: {  	[tilespmem:$0x370] =	vst v2;
	v2 =	vadd.s32 $0x2DC6C3, v18  }
0xe8: {  	[tilespmem:$0x3F0] =	vst v2;
	v2 =	vadd.s32 $0x3D0904, v18  }
0xe9: {  	[tilespmem:$0x470] =	vst v2  }
0xea: {  	[tilespmem:$0x480] =	vst v3;
	v2 =	vadd.s32 $0xF4241, v3  }
0xeb: {  	[tilespmem:$0x500] =	vst v2;
	v2 =	vadd.s32 $0x1E8482, v3  }
0xec: {  	[tilespmem:$0x580] =	vst v2;
	v2 =	vadd.s32 $0x2DC6C3, v3  }
0xed: {  	[tilespmem:$0x600] =	vst v2;
	v2 =	vadd.s32 $0x3D0904, v3  }
0xee: {  	v3 =	vld [tilespmem:$0xA0];
	[tilespmem:$0x680] =	vst v2;
	v2 =	vadd.s32 $0xF4241, v19  }
0xef: {  	[tilespmem:$0x510] =	vst v2;
	v2 =	vadd.s32 $0x1E8482, v19  }
0xf0: {  	[tilespmem:$0x590] =	vst v2;
	v2 =	vadd.s32 $0x2DC6C3, v19  }
0xf1: {  	[tilespmem:$0x610] =	vst v2;
	v2 =	vadd.s32 $0x3D0904, v19  }
0xf2: {  	[tilespmem:$0x690] =	vst v2  }
0xf3: {  	[tilespmem:$0x4A0] =	vst v3;
	v2 =	vadd.s32 $0xF4241, v3  }
0xf4: {  	[tilespmem:$0x520] =	vst v2;
	v2 =	vadd.s32 $0x1E8482, v3  }
0xf5: {  	[tilespmem:$0x5A0] =	vst v2;
	v2 =	vadd.s32 $0x2DC6C3, v3  }
0xf6: {  	[tilespmem:$0x620] =	vst v2;
	v2 =	vadd.s32 $0x3D0904, v3  }
0xf7: {  	v3 =	vld [tilespmem:$0xC0];
	[tilespmem:$0x6A0] =	vst v2;
	v2 =	vadd.s32 $0xF4241, v20  }
0xf8: {  	[tilespmem:$0x530] =	vst v2;
	v2 =	vadd.s32 $0x1E8482, v20  }
0xf9: {  	[tilespmem:$0x5B0] =	vst v2;
	v2 =	vadd.s32 $0x2DC6C3, v20  }
0xfa: {  	[tilespmem:$0x630] =	vst v2;
	v2 =	vadd.s32 $0x3D0904, v20  }
0xfb: {  	[tilespmem:$0x6B0] =	vst v2  }
0xfc: {  	[tilespmem:$0x4C0] =	vst v3;
	v2 =	vadd.s32 $0xF4241, v3  }
0xfd: {  	[tilespmem:$0x540] =	vst v2;
	v2 =	vadd.s32 $0x1E8482, v3  }
0xfe: {  	[tilespmem:$0x5C0] =	vst v2;
	v2 =	vadd.s32 $0x2DC6C3, v3  }
0xff: {  	[tilespmem:$0x640] =	vst v2;
	v2 =	vadd.s32 $0x3D0904, v3  }
0x100: {  	v3 =	vld [tilespmem:$0xE0];
	[tilespmem:$0x6C0] =	vst v2;
	v2 =	vadd.s32 $0xF4241, v21  }
0x101: {  	[tilespmem:$0x550] =	vst v2;
	v2 =	vadd.s32 $0x1E8482, v21  }
0x102: {  	[tilespmem:$0x5D0] =	vst v2;
	v2 =	vadd.s32 $0x2DC6C3, v21  }
0x103: {  	[tilespmem:$0x650] =	vst v2;
	v2 =	vadd.s32 $0x3D0904, v21  }
0x104: {  	[tilespmem:$0x6D0] =	vst v2  }
0x105: {  	[tilespmem:$0x4E0] =	vst v3;
	v2 =	vadd.s32 $0xF4241, v3  }
0x106: {  	[tilespmem:$0x560] =	vst v2;
	v2 =	vadd.s32 $0x1E8482, v3  }
0x107: {  	[tilespmem:$0x5E0] =	vst v2;
	v2 =	vadd.s32 $0x2DC6C3, v3  }
0x108: {  	[tilespmem:$0x660] =	vst v2;
	v2 =	vadd.s32 $0x3D0904, v3  }
0x109: {  	[tilespmem:$0x6E0] =	vst v2;
	v2 =	vadd.s32 $0xF4241, v22  }
0x10a: {  	[tilespmem:$0x570] =	vst v2;
	v2 =	vadd.s32 $0x1E8482, v22  }
0x10b: {  	[tilespmem:$0x5F0] =	vst v2;
	v2 =	vadd.s32 $0x2DC6C3, v22  }
0x10c: {  	[tilespmem:$0x670] =	vst v2;
	v2 =	vadd.s32 $0x3D0904, v22  }
0x10d: {  	s25 =	simm.s32 $0x700;
	s3 =	simm.s32 $0x200;
	[tilespmem:$0x6F0] =	vst v2  }
0x10e: {  	[tilespmem:s25], [sflag:$0x3] =	stream.indirect.gather [hbm4b:s7+s26], $0x1, s3, s26, $0xb8;
	[tilespmem:$0xCD80] =	vst v63  }
0x10f: {  	s0 =	simm.s32 $0x780;
	s29 =	simm.s32 $0x280  }
0x110: {  	[tilespmem:s0], [sflag:$0x3] =	stream.indirect.gather [hbm4b:s7+s26], $0x1, s29, s26, $0xb8;
	[tilespmem:$0xCD80] =	vst v63  }
0x111: {  	s10 =	simm.s32 $0x800;
	s0 =	simm.s32 $0x300  }
0x112: {  	[tilespmem:s10], [sflag:$0x3] =	stream.indirect.gather [hbm4b:s7+s26], $0x1, s0, s26, $0xb8;
	[tilespmem:$0xCD80] =	vst v63  }
0x113: {  	s11 =	simm.s32 $0x880;
	s10 =	simm.s32 $0x380  }
0x114: {  	[tilespmem:s11], [sflag:$0x3] =	stream.indirect.gather [hbm4b:s7+s26], $0x1, s10, s26, $0xb8;
	[tilespmem:$0xCD80] =	vst v63  }
0x115: {  	s14 =	simm.s32 $0x900;
	s11 =	simm.s32 $0x400  }
0x116: {  	[tilespmem:s14], [sflag:$0x3] =	stream.indirect.gather [hbm4b:s7+s26], $0x1, s11, s26, $0xb8;
	[tilespmem:$0xCD80] =	vst v63  }
0x117: {  	s15 =	simm.s32 $0x980;
	s14 =	simm.s32 $0x480  }
0x118: {  	[tilespmem:s15], [sflag:$0x3] =	stream.indirect.gather [hbm4b:s8+s26], $0x1, s14, s26, $0xb8;
	[tilespmem:$0xCD80] =	vst v63  }
0x119: {  	s16 =	simm.s32 $0xA00;
	s15 =	simm.s32 $0x500  }
0x11a: {  	[tilespmem:s16], [sflag:$0x3] =	stream.indirect.gather [hbm4b:s8+s26], $0x1, s15, s26, $0xb8;
	[tilespmem:$0xCD80] =	vst v63  }
0x11b: {  	s17 =	simm.s32 $0xA80;
	s16 =	simm.s32 $0x580  }
0x11c: {  	[tilespmem:s17], [sflag:$0x3] =	stream.indirect.gather [hbm4b:s8+s26], $0x1, s16, s26, $0xb8;
	[tilespmem:$0xCD80] =	vst v63  }
0x11d: {  	s18 =	simm.s32 $0xB00;
	s17 =	simm.s32 $0x600  }
0x11e: {  	[tilespmem:s18], [sflag:$0x3] =	stream.indirect.gather [hbm4b:s8+s26], $0x1, s17, s26, $0xb8;
	[tilespmem:$0xCD80] =	vst v63  }
0x11f: {  	s19 =	simm.s32 $0xB80;
	s18 =	simm.s32 $0x680  }
0x120: {  	[tilespmem:s19], [sflag:$0x3] =	stream.indirect.gather [hbm4b:s8+s26], $0x1, s18, s26, $0xb8;
	[tilespmem:$0xCD80] =	vst v63  }
0x121: {  	_ =	swait.ge [sflag:s12], $0x80  }
0x122: {  	[sflag:s12] =	ssyncset.done $0x0  }
0x123: {  	[sflag:s12] =	ssyncadd.s32 $0xFFFFFF80  }
0x124: {  	_ =	swait.ge [sflag:s12], $0x80  }
0x125: {  	[sflag:s12] =	ssyncset.done $0x0  }
0x126: {  	[sflag:s12] =	ssyncadd.s32 $0xFFFFFF80  }
0x127: {  	_ =	swait.ge [sflag:s12], $0x80  }
0x128: {  	[sflag:s12] =	ssyncset.done $0x0  }
0x129: {  	[sflag:s12] =	ssyncadd.s32 $0xFFFFFF80  }
0x12a: {  	_ =	swait.ge [sflag:s12], $0x80  }
0x12b: {  	[sflag:s12] =	ssyncset.done $0x0  }
0x12c: {  	[sflag:s12] =	ssyncadd.s32 $0xFFFFFF80  }
0x12d: {  	_ =	swait.ge [sflag:s12], $0x80  }
0x12e: {  	[sflag:s12] =	ssyncset.done $0x0  }
0x12f: {  	[sflag:s12] =	ssyncadd.s32 $0xFFFFFF80  }
0x130: {  	_ =	swait.ge [sflag:s12], $0x80  }
0x131: {  	[sflag:s12] =	ssyncset.done $0x0  }
0x132: {  	[sflag:s12] =	ssyncadd.s32 $0xFFFFFF80  }
0x133: {  	_ =	swait.ge [sflag:s12], $0x80  }
0x134: {  	[sflag:s12] =	ssyncset.done $0x0  }
0x135: {  	[sflag:s12] =	ssyncadd.s32 $0xFFFFFF80  }
0x136: {  	_ =	swait.ge [sflag:s12], $0x80  }
0x137: {  	[sflag:s12] =	ssyncset.done $0x0  }
0x138: {  	[sflag:s12] =	ssyncadd.s32 $0xFFFFFF80  }
0x139: {  	_ =	swait.ge [sflag:s12], $0x80  }
0x13a: {  	[sflag:s12] =	ssyncset.done $0x0  }
0x13b: {  	[sflag:s12] =	ssyncadd.s32 $0xFFFFFF80  }
0x13c: {  	_ =	swait.ge [sflag:s12], $0x80  }
0x13d: {  	[sflag:s12] =	ssyncset.done $0x0  }
0x13e: {  	[sflag:s12] =	ssyncadd.s32 $0xFFFFFF80  }
0x13f: {  	v2 =	vld [tilespmem:$0x700]  }
0x140: {  	v3 =	vld [tilespmem:$0x710]  }
0x141: {  	v23 =	vld [tilespmem:$0x720]  }
0x142: {  	v27 =	vld [tilespmem:$0x730]  }
0x143: {  	v30 =	vld [tilespmem:$0x740]  }
0x144: {  	v33 =	vld [tilespmem:$0x750]  }
0x145: {  	v38 =	vld [tilespmem:$0x760];
	v24 =	vshll.u32 v2, $0x2  }
0x146: {  	v42 =	vld [tilespmem:$0x770];
	v25 =	vand.u32 $0xFFFFE000, v2;
	v2 =	vshrl.u32 v2, $0xB;
	v26 =	vshll.u32 v3, $0x2  }
0x147: {  	v44 =	vld [tilespmem:$0x780];
	v28 =	vand.u32 $0xFFFFE000, v3;
	v3 =	vshrl.u32 v3, $0xB;
	v29 =	vshll.u32 v23, $0x2  }
0x148: {  	v48 =	vld [tilespmem:$0x790];
	v31 =	vand.u32 $0xFFFFE000, v23;
	v4 =	vshrl.u32 v23, $0xB;
	v34 =	vshll.u32 v27, $0x2  }
0x149: {  	v52 =	vld [tilespmem:$0x7A0];
	v35 =	vand.u32 $0xFFFFE000, v27;
	v7 =	vshrl.u32 v27, $0xB;
	v37 =	vshll.u32 v30, $0x2  }
0x14a: {  	v54 =	vld [tilespmem:$0x7B0];
	v39 =	vand.u32 $0xFFFFE000, v30;
	v40 =	vshrl.u32 v30, $0xB;
	v41 =	vshll.u32 v33, $0x2  }
0x14b: {  	v59 =	vld [tilespmem:$0x7C0];
	v43 =	vand.u32 $0xFFFFE000, v33;
	v10 =	vshrl.u32 v33, $0xB;
	v45 =	vshll.u32 v38, $0x2  }
0x14c: {  	v17 =	vld [tilespmem:$0x7D0];
	v46 =	vand.u32 $0xFFFFE000, v38;
	v9 =	vshrl.u32 v38, $0xB;
	v47 =	vshll.u32 v42, $0x2  }
0x14d: {  	v63 =	vld [tilespmem:$0x7E0];
	v49 =	vand.u32 $0xFFFFE000, v42;
	v50 =	vshrl.u32 v42, $0xB;
	v51 =	vshll.u32 v44, $0x2  }
0x14e: {  	v19 =	vld [tilespmem:$0x7F0];
	v53 =	vand.u32 $0xFFFFE000, v44;
	v12 =	vshrl.u32 v44, $0xB;
	v55 =	vshll.u32 v48, $0x2  }
0x14f: {  	v56 =	vand.u32 $0xFFFFE000, v48;
	v13 =	vshrl.u32 v48, $0xB;
	v58 =	vshll.u32 v52, $0x2  }
0x150: {  	v60 =	vand.u32 $0xFFFFE000, v52;
	v61 =	vshrl.u32 v52, $0xB;
	v62 =	vshll.u32 v54, $0x2  }
0x151: {  	v18 =	vand.u32 $0xFFFFE000, v54;
	v15 =	vshrl.u32 v54, $0xB;
	v16 =	vshrl.u32 v59, $0xB  }
0x152: {  	v27 =	vshll.u32 v17, $0x2;
	v30 =	vshll.u32 v63, $0x2;
	v21 =	vand.u32 $0xFFFFE000, v63  }
0x153: {  	v33 =	vand.u32 $0xFFFFE000, v19;
	v5 =	vand.u32 $0x1FFC, v24;
	v2 =	vand.u32 $0x3, v2  }
0x154: {  	v20 =	vld [tilespmem:$0x800];
	v6 =	vand.u32 $0x1FFC, v26;
	v3 =	vand.u32 $0x3, v3;
	v32 =	vand.u32 $0x3, v4  }
0x155: {  	v22 =	vld [tilespmem:$0x820];
	v36 =	vand.u32 $0x3, v7;
	v7 =	vand.u32 $0x1FFC, v37;
	v8 =	vand.u32 $0x1FFC, v41  }
0x156: {  	v10 =	vand.u32 $0x3, v10;
	v9 =	vand.u32 $0x3, v9;
	v11 =	vand.u32 $0x1FFC, v51  }
0x157: {  	v12 =	vand.u32 $0x3, v12;
	v57 =	vand.u32 $0x3, v13;
	v13 =	vand.u32 $0x1FFC, v58  }
0x158: {  	v14 =	vand.u32 $0x1FFC, v62;
	v15 =	vand.u32 $0x3, v15;
	v24 =	vshll.u32 v59, $0x2  }
0x159: {  	v26 =	vand.u32 $0x3, v16;
	v16 =	vand.u32 $0x1FFC, v27;
	v37 =	vshrl.u32 v20, $0xB  }
0x15a: {  	v41 =	vand.u32 $0xFFFFE000, v22;
	v5 =	vor.u32 v25, v5;
	v8 =	vor.u32 v43, v8  }
0x15b: {  	v11 =	vor.u32 v53, v11;
	v14 =	vor.u32 v18, v14;
	v25 =	vand.u32 $0xFFFFE000, v59  }
0x15c: {  	v18 =	vshrl.u32 v63, $0xB;
	v2 =	vor.u32 v2, v5;
	v5 =	vor.u32 v28, v6  }
0x15d: {  	v6 =	vand.u32 $0x1FFC, v29;
	v28 =	vand.u32 $0xFFFFE000, v17;
	v29 =	vshrl.u32 v17, $0xB  }
0x15e: {  	v23 =	vld [tilespmem:$0x830];
	v17 =	vand.u32 $0x1FFC, v30;
	v18 =	vand.u32 $0x3, v18;
	v6 =	vor.u32 v31, v6  }
0x15f: {  	v4 =	vor.u32 v3, v5;
	v5 =	vand.u32 $0x1FFC, v34;
	v17 =	vor.u32 v21, v17  }
0x160: {  	v3 =	vor.u32 v32, v6;
	v5 =	vor.u32 v35, v5;
	v6 =	vor.u32 v39, v7  }
0x161: {  	v7 =	vand.u32 $0x3, v40;
	v32 =	vshll.u32 v19, $0x2;
	v19 =	vshrl.u32 v19, $0xB  }
0x162: {  	v35 =	vshll.u32 v20, $0x2;
	v40 =	vshll.u32 v22, $0x2;
	v22 =	vshrl.u32 v22, $0xB  }
0x163: {  	v43 =	vshll.u32 v23, $0x2;
	v44 =	vand.u32 $0xFFFFE000, v23;
	v5 =	vor.u32 v36, v5  }
0x164: {  	v7 =	vor.u32 v7, v6;
	v6 =	vor.u32 v10, v8;
	v8 =	vand.u32 $0x1FFC, v45  }
0x165: {  	v31 =	vld [tilespmem:$0x810];
	v10 =	vand.u32 $0x1FFC, v47;
	v34 =	vand.u32 $0x3, v19;
	v36 =	vand.u32 $0xFFFFE000, v20  }
0x166: {  	v19 =	vand.u32 $0x1FFC, v35;
	v42 =	vand.u32 $0x3, v22;
	v8 =	vor.u32 v46, v8  }
0x167: {  	v8 =	vor.u32 v9, v8;
	v9 =	vor.u32 v49, v10;
	v10 =	vand.u32 $0x3, v50  }
0x168: {  	v22 =	vand.u32 $0x1FFC, v43;
	v45 =	vshrl.u32 v23, $0xB;
	v10 =	vor.u32 v10, v9  }
0x169: {  	v39 =	vld [tilespmem:$0x840];
	v9 =	vor.u32 v12, v11;
	v11 =	vand.u32 $0x1FFC, v55;
	v12 =	vor.u32 v60, v13  }
0x16a: {  	v13 =	vand.u32 $0x3, v61;
	v38 =	vshll.u32 v31, $0x2;
	v21 =	vshrl.u32 v31, $0xB  }
0x16b: {  	v11 =	vor.u32 v56, v11;
	v13 =	vor.u32 v13, v12;
	v12 =	vor.u32 v15, v14  }
0x16c: {  	v63 =	vld [tilespmem:$0x8D0];
	v14 =	vand.u32 $0x1FFC, v24;
	v15 =	vor.u32 v28, v16;
	v16 =	vand.u32 $0x3, v29  }
0x16d: {  	v47 =	vld [tilespmem:$0x870];
	v24 =	vand.u32 $0xFFFFE000, v31;
	v20 =	vand.u32 $0x1FFC, v38;
	v21 =	vand.u32 $0x3, v21  }
0x16e: {  	v46 =	vshll.u32 v39, $0x2;
	v27 =	vand.u32 $0xFFFFE000, v39;
	v11 =	vor.u32 v57, v11  }
0x16f: {  	v14 =	vor.u32 v25, v14;
	v16 =	vor.u32 v16, v15;
	v15 =	vor.u32 v18, v17  }
0x170: {  	v17 =	vand.u32 $0x1FFC, v32;
	v18 =	vor.u32 v36, v19;
	v19 =	vand.u32 $0x3, v37  }
0x171: {  	v20 =	vor.u32 v24, v20;
	v23 =	vand.u32 $0x1FFC, v46;
	v24 =	vshrl.u32 v39, $0xB  }
0x172: {  	v54 =	vshll.u32 v47, $0x2;
	v30 =	vand.u32 $0xFFFFE000, v47;
	v46 =	vshll.u32 v63, $0x2  }
0x173: {  	v55 =	vld [tilespmem:$0x8A0];
	v36 =	vand.u32 $0xFFFFE000, v63;
	v14 =	vor.u32 v26, v14;
	v17 =	vor.u32 v33, v17  }
0x174: {  	v28 =	vld [tilespmem:$0x880];
	v19 =	vor.u32 v19, v18;
	v18 =	vor.u32 v21, v20;
	v20 =	vand.u32 $0x1FFC, v40  }
0x175: {  	v29 =	vld [tilespmem:$0x890];
	v21 =	vor.u32 v44, v22;
	v22 =	vand.u32 $0x3, v45;
	v23 =	vor.u32 v27, v23  }
0x176: {  	v31 =	vld [tilespmem:$0x8B0];
	v24 =	vand.u32 $0x3, v24;
	v27 =	vshrl.u32 v47, $0xB;
	v17 =	vor.u32 v34, v17  }
0x177: {  	v25 =	vld [tilespmem:$0x850];
	v20 =	vor.u32 v41, v20;
	v22 =	vor.u32 v22, v21;
	v21 =	vor.u32 v24, v23  }
0x178: {  	v27 =	vand.u32 $0x3, v27;
	v20 =	vor.u32 v42, v20;
	v62 =	vshll.u32 v55, $0x2  }
0x179: {  	v33 =	vand.u32 $0xFFFFE000, v55;
	v56 =	vshll.u32 v28, $0x2;
	v57 =	vand.u32 $0xFFFFE000, v28  }
0x17a: {  	v32 =	vld [tilespmem:$0x8C0];
	v28 =	vshrl.u32 v28, $0xB;
	v59 =	vshll.u32 v29, $0x2;
	v60 =	vand.u32 $0xFFFFE000, v29  }
0x17b: {  	v38 =	vld [tilespmem:$0x920];
	v61 =	vshrl.u32 v29, $0xB;
	v29 =	vand.u32 $0x1FFC, v62;
	v40 =	vshll.u32 v31, $0x2  }
0x17c: {  	v26 =	vld [tilespmem:$0x860];
	v41 =	vand.u32 $0xFFFFE000, v31;
	v31 =	vshrl.u32 v31, $0xB;
	v48 =	vshll.u32 v25, $0x2  }
0x17d: {  	v49 =	vand.u32 $0xFFFFE000, v25;
	v25 =	vshrl.u32 v25, $0xB;
	v58 =	vand.u32 $0x3, v28  }
0x17e: {  	v28 =	vand.u32 $0x1FFC, v59;
	v29 =	vor.u32 v33, v29;
	v42 =	vand.u32 $0x3, v31  }
0x17f: {  	v47 =	vld [tilespmem:$0x900];
	v43 =	vshll.u32 v32, $0x2;
	v44 =	vand.u32 $0xFFFFE000, v32;
	v45 =	vshrl.u32 v32, $0xB  }
0x180: {  	v32 =	vand.u32 $0x1FFC, v46;
	v33 =	vshrl.u32 v63, $0xB;
	v59 =	vshll.u32 v38, $0x2  }
0x181: {  	v34 =	vld [tilespmem:$0x8E0];
	v23 =	vand.u32 $0x1FFC, v48;
	v50 =	vand.u32 $0x3, v25;
	v51 =	vshll.u32 v26, $0x2  }
0x182: {  	v35 =	vld [tilespmem:$0x8F0];
	v52 =	vand.u32 $0xFFFFE000, v26;
	v53 =	vshrl.u32 v26, $0xB;
	v26 =	vand.u32 $0x1FFC, v54  }
0x183: {  	v31 =	vand.u32 $0x1FFC, v43;
	v32 =	vor.u32 v36, v32;
	v33 =	vand.u32 $0x3, v33  }
0x184: {  	v54 =	vshll.u32 v47, $0x2;
	v39 =	vand.u32 $0xFFFFE000, v47;
	v36 =	vshrl.u32 v47, $0xB  }
0x185: {  	v23 =	vor.u32 v49, v23;
	v25 =	vand.u32 $0x1FFC, v51;
	v26 =	vor.u32 v30, v26  }
0x186: {  	v30 =	vshrl.u32 v55, $0xB;
	v48 =	vshll.u32 v34, $0x2;
	v49 =	vand.u32 $0xFFFFE000, v34  }
0x187: {  	v34 =	vshrl.u32 v34, $0xB;
	v51 =	vshll.u32 v35, $0x2;
	v36 =	vand.u32 $0x3, v36  }
0x188: {  	v37 =	vld [tilespmem:$0x910];
	v23 =	vor.u32 v50, v23;
	v24 =	vor.u32 v52, v25;
	v25 =	vand.u32 $0x3, v53  }
0x189: {  	[tilespmem:$0x320] =	vst v20;
	v20 =	vld [tilespmem:$0xA90];
	v30 =	vand.u32 $0x3, v30;
	v50 =	vand.u32 $0x3, v34;
	v52 =	vand.u32 $0xFFFFE000, v35  }
0x18a: {  	v34 =	vand.u32 $0x1FFC, v51;
	v53 =	vshrl.u32 v35, $0xB;
	v35 =	vand.u32 $0x1FFC, v54  }
0x18b: {  	v25 =	vor.u32 v25, v24;
	v24 =	vor.u32 v27, v26;
	v26 =	vand.u32 $0x1FFC, v56  }
0x18c: {  	v63 =	vld [tilespmem:$0x960];
	v27 =	vor.u32 v60, v28;
	v28 =	vand.u32 $0x3, v61;
	v35 =	vor.u32 v39, v35  }
0x18d: {  	v56 =	vshll.u32 v37, $0x2;
	v60 =	vand.u32 $0xFFFFE000, v38;
	v61 =	vshrl.u32 v38, $0xB  }
0x18e: {  	[tilespmem:$0x2E0] =	vst v15;
	v15 =	vshrl.u32 v20, $0xB;
	v26 =	vor.u32 v57, v26;
	v28 =	vor.u32 v28, v27  }
0x18f: {  	v27 =	vor.u32 v30, v29;
	v29 =	vand.u32 $0x1FFC, v40;
	v30 =	vor.u32 v44, v31  }
0x190: {  	v31 =	vand.u32 $0x3, v45;
	v57 =	vand.u32 $0xFFFFE000, v37;
	v37 =	vshrl.u32 v37, $0xB  }
0x191: {  	v55 =	vld [tilespmem:$0x930];
	v54 =	vshll.u32 v63, $0x2;
	v45 =	vand.u32 $0xFFFFE000, v63;
	v26 =	vor.u32 v58, v26  }
0x192: {  	v29 =	vor.u32 v41, v29;
	v31 =	vor.u32 v31, v30;
	v30 =	vor.u32 v33, v32  }
0x193: {  	v43 =	vld [tilespmem:$0x970];
	v32 =	vand.u32 $0x1FFC, v48;
	v33 =	vor.u32 v52, v34;
	v34 =	vand.u32 $0x3, v53  }
0x194: {  	v58 =	vand.u32 $0x3, v37;
	v37 =	vand.u32 $0x1FFC, v59;
	v29 =	vor.u32 v42, v29  }
0x195: {  	v32 =	vor.u32 v49, v32;
	v34 =	vor.u32 v34, v33;
	v33 =	vor.u32 v36, v35  }
0x196: {  	v35 =	vand.u32 $0x1FFC, v56;
	v36 =	vor.u32 v60, v37;
	v62 =	vshll.u32 v55, $0x2  }
0x197: {  	v40 =	vld [tilespmem:$0x940];
	v42 =	vand.u32 $0xFFFFE000, v55;
	v39 =	vshrl.u32 v55, $0xB;
	v37 =	vand.u32 $0x3, v61  }
0x198: {  	v44 =	vld [tilespmem:$0x980];
	v56 =	vshll.u32 v43, $0x2;
	v32 =	vor.u32 v50, v32;
	v35 =	vor.u32 v57, v35  }
0x199: {  	v46 =	vld [tilespmem:$0x9A0];
	v38 =	vand.u32 $0x1FFC, v62;
	v39 =	vand.u32 $0x3, v39;
	v37 =	vor.u32 v37, v36  }
0x19a: {  	v41 =	vld [tilespmem:$0x950];
	v57 =	vand.u32 $0xFFFFE000, v43;
	v43 =	vshrl.u32 v43, $0xB;
	v35 =	vor.u32 v58, v35  }
0x19b: {  	v47 =	vld [tilespmem:$0x9B0];
	v38 =	vor.u32 v42, v38;
	v42 =	vshrl.u32 v63, $0xB;
	v58 =	vand.u32 $0x3, v43  }
0x19c: {  	[tilespmem:$0x390] =	vst v28;
	v28 =	vld [tilespmem:$0xAF0];
	v36 =	vor.u32 v39, v38;
	v48 =	vshll.u32 v40, $0x2;
	v49 =	vand.u32 $0xFFFFE000, v40  }
0x19d: {  	v40 =	vshrl.u32 v40, $0xB;
	v42 =	vand.u32 $0x3, v42;
	v59 =	vshll.u32 v44, $0x2  }
0x19e: {  	v55 =	vld [tilespmem:$0x990];
	v60 =	vand.u32 $0xFFFFE000, v44;
	v61 =	vshrl.u32 v44, $0xB;
	v38 =	vand.u32 $0x1FFC, v48  }
0x19f: {  	[tilespmem:$0x340] =	vst v21;
	v50 =	vand.u32 $0x3, v40;
	v51 =	vshll.u32 v41, $0x2;
	v52 =	vand.u32 $0xFFFFE000, v41  }
0x1a0: {  	[tilespmem:$0x3F0] =	vst v34;
	v53 =	vshrl.u32 v41, $0xB;
	v41 =	vand.u32 $0x1FFC, v54;
	v43 =	vand.u32 $0x1FFC, v59  }
0x1a1: {  	[tilespmem:$0x410] =	vst v35;
	v54 =	vshll.u32 v46, $0x2;
	v59 =	vshrl.u32 v47, $0xB;
	v35 =	vshll.u32 v28, $0x2  }
0x1a2: {  	v34 =	vld [tilespmem:$0xB10];
	[tilespmem:$0x430] =	vst v36;
	v36 =	vand.u32 $0xFFFFE000, v28;
	v21 =	vshrl.u32 v28, $0xB;
	v38 =	vor.u32 v49, v38  }
0x1a3: {  	v40 =	vand.u32 $0x1FFC, v51;
	v41 =	vor.u32 v45, v41;
	v62 =	vshll.u32 v55, $0x2  }
0x1a4: {  	v48 =	vand.u32 $0xFFFFE000, v55;
	v45 =	vshrl.u32 v55, $0xB;
	v55 =	vand.u32 $0xFFFFE000, v46  }
0x1a5: {  	v63 =	vld [tilespmem:$0x9C0];
	[tilespmem:$0x420] =	vst v37;
	v46 =	vshrl.u32 v46, $0xB;
	v37 =	vand.u32 $0x3, v21;
	v38 =	vor.u32 v50, v38  }
0x1a6: {  	[tilespmem:$0x3E0] =	vst v32;
	v32 =	vld [tilespmem:$0xB00];
	v39 =	vor.u32 v52, v40;
	v40 =	vand.u32 $0x3, v53;
	v44 =	vand.u32 $0x1FFC, v62  }
0x1a7: {  	[tilespmem:$0x350] =	vst v23;
	v45 =	vand.u32 $0x3, v45;
	v23 =	vshrl.u32 v34, $0xB;
	v40 =	vor.u32 v40, v39  }
0x1a8: {  	v39 =	vor.u32 v42, v41;
	v41 =	vand.u32 $0x1FFC, v56;
	v42 =	vor.u32 v60, v43  }
0x1a9: {  	v43 =	vand.u32 $0x3, v61;
	v44 =	vor.u32 v48, v44;
	v56 =	vand.u32 $0x3, v46  }
0x1aa: {  	v60 =	vshll.u32 v63, $0x2;
	v51 =	vand.u32 $0xFFFFE000, v63;
	v48 =	vshrl.u32 v63, $0xB  }
0x1ab: {  	[tilespmem:$0x440] =	vst v38;
	v38 =	vshll.u32 v32, $0x2;
	v23 =	vand.u32 $0x3, v23;
	v41 =	vor.u32 v57, v41  }
0x1ac: {  	v49 =	vld [tilespmem:$0x9D0];
	v43 =	vor.u32 v43, v42;
	v42 =	vor.u32 v45, v44;
	v44 =	vand.u32 $0x1FFC, v54  }
0x1ad: {  	v57 =	vshll.u32 v47, $0x2;
	v48 =	vand.u32 $0x3, v48;
	[tilespmem:$0x450] =	vst v40;
	v40 =	vand.u32 $0xFFFFE000, v32  }
0x1ae: {  	v21 =	vand.u32 $0x1FFC, v38;
	v41 =	vor.u32 v58, v41;
	v44 =	vor.u32 v55, v44  }
0x1af: {  	v50 =	vld [tilespmem:$0x9E0];
	v58 =	vand.u32 $0xFFFFE000, v47;
	v46 =	vand.u32 $0x1FFC, v57;
	v47 =	vand.u32 $0x1FFC, v60  }
0x1b0: {  	v52 =	vld [tilespmem:$0xA00];
	[tilespmem:$0x490] =	vst v42;
	v42 =	vshll.u32 v34, $0x2;
	v44 =	vor.u32 v56, v44;
	v45 =	vor.u32 v58, v46  }
0x1b1: {  	v46 =	vand.u32 $0x3, v59;
	v47 =	vor.u32 v51, v47;
	v61 =	vshll.u32 v49, $0x2  }
0x1b2: {  	v62 =	vand.u32 $0xFFFFE000, v49;
	v49 =	vshrl.u32 v49, $0xB;
	[tilespmem:$0x470] =	vst v41;
	v41 =	vshrl.u32 v32, $0xB  }
0x1b3: {  	v60 =	vld [tilespmem:$0xA10];
	v46 =	vor.u32 v46, v45;
	v45 =	vor.u32 v48, v47;
	v47 =	vand.u32 $0x1FFC, v61  }
0x1b4: {  	[tilespmem:$0x200] =	vst v2;
	v51 =	vld [tilespmem:$0x9F0];
	v63 =	vand.u32 $0x3, v49;
	v56 =	vshll.u32 v50, $0x2;
	v57 =	vand.u32 $0xFFFFE000, v50  }
0x1b5: {  	[tilespmem:$0x460] =	vst v39;
	v39 =	vld [tilespmem:$0xB20];
	v58 =	vshrl.u32 v50, $0xB;
	v53 =	vand.u32 $0xFFFFE000, v52;
	v54 =	vshrl.u32 v52, $0xB  }
0x1b6: {  	[tilespmem:$0x4A0] =	vst v44;
	v44 =	vand.u32 $0xFFFFE000, v34;
	v47 =	vor.u32 v62, v47;
	v49 =	vand.u32 $0x1FFC, v56  }
0x1b7: {  	[tilespmem:$0x220] =	vst v3;
	v3 =	vand.u32 $0x3, v58;
	v55 =	vand.u32 $0x3, v54;
	v2 =	vor.u32 v57, v49  }
0x1b8: {  	v47 =	vor.u32 v63, v47;
	v3 =	vor.u32 v3, v2;
	v56 =	vshll.u32 v60, $0x2  }
0x1b9: {  	[tilespmem:$0x250] =	vst v6;
	v63 =	vld [tilespmem:$0xA20];
	v58 =	vand.u32 $0xFFFFE000, v60;
	v59 =	vshll.u32 v51, $0x2;
	v61 =	vand.u32 $0xFFFFE000, v51  }
0x1ba: {  	v57 =	vld [tilespmem:$0xA30];
	v51 =	vshrl.u32 v51, $0xB;
	v6 =	vand.u32 $0x1FFC, v56;
	[tilespmem:$0x4E0] =	vst v3;
	v3 =	vand.u32 $0xFFFFE000, v39  }
0x1bb: {  	[tilespmem:$0x210] =	vst v4;
	v49 =	vand.u32 $0x1FFC, v59;
	v62 =	vand.u32 $0x3, v51;
	v51 =	vshll.u32 v52, $0x2  }
0x1bc: {  	[tilespmem:$0x230] =	vst v5;
	v5 =	vor.u32 v58, v6;
	v59 =	vshrl.u32 v60, $0xB;
	v4 =	vor.u32 v61, v49  }
0x1bd: {  	v6 =	vand.u32 $0x3, v59;
	v2 =	vor.u32 v62, v4;
	v4 =	vand.u32 $0x1FFC, v51  }
0x1be: {  	v61 =	vld [tilespmem:$0xA40];
	v60 =	vshll.u32 v63, $0x2;
	v62 =	vand.u32 $0xFFFFE000, v63;
	v63 =	vshrl.u32 v63, $0xB  }
0x1bf: {  	[tilespmem:$0x240] =	vst v7;
	v6 =	vor.u32 v6, v5;
	v54 =	vshll.u32 v57, $0x2;
	v7 =	vshrl.u32 v57, $0xB  }
0x1c0: {  	[tilespmem:$0x260] =	vst v8;
	v50 =	vld [tilespmem:$0xAA0];
	v4 =	vor.u32 v53, v4;
	v8 =	vand.u32 $0x1FFC, v60;
	v52 =	vand.u32 $0x3, v63  }
0x1c1: {  	v53 =	vld [tilespmem:$0xA50];
	v7 =	vand.u32 $0x3, v7;
	v4 =	vor.u32 v55, v4;
	v8 =	vor.u32 v62, v8  }
0x1c2: {  	v63 =	vld [tilespmem:$0xA80];
	v55 =	vand.u32 $0xFFFFE000, v57;
	v5 =	vor.u32 v52, v8;
	v8 =	vand.u32 $0x1FFC, v54  }
0x1c3: {  	[tilespmem:$0x280] =	vst v9;
	v54 =	vand.u32 $0xFFFFE000, v20;
	v8 =	vor.u32 v55, v8;
	v56 =	vshll.u32 v61, $0x2  }
0x1c4: {  	[tilespmem:$0x480] =	vst v43;
	v43 =	vld [tilespmem:$0xB30];
	v58 =	vand.u32 $0xFFFFE000, v61;
	v59 =	vshrl.u32 v61, $0xB;
	v55 =	vand.u32 $0x3, v15  }
0x1c5: {  	[tilespmem:$0x4B0] =	vst v46;
	v46 =	vld [tilespmem:$0xB40];
	v7 =	vor.u32 v7, v8;
	v9 =	vand.u32 $0x1FFC, v56;
	v56 =	vshll.u32 v50, $0x2  }
0x1c6: {  	[tilespmem:$0x270] =	vst v10;
	v57 =	vld [tilespmem:$0xA60];
	v8 =	vor.u32 v58, v9;
	v60 =	vshll.u32 v53, $0x2;
	v62 =	vand.u32 $0xFFFFE000, v53  }
0x1c7: {  	[tilespmem:$0x290] =	vst v11;
	v11 =	vshrl.u32 v53, $0xB;
	v9 =	vand.u32 $0x3, v59;
	v49 =	vshll.u32 v63, $0x2  }
0x1c8: {  	[tilespmem:$0x2C0] =	vst v14;
	v51 =	vand.u32 $0xFFFFE000, v63;
	v14 =	vshrl.u32 v63, $0xB;
	v53 =	vshll.u32 v20, $0x2  }
0x1c9: {  	[tilespmem:$0x2A0] =	vst v13;
	v52 =	vld [tilespmem:$0xAB0];
	v58 =	vand.u32 $0xFFFFE000, v50;
	v15 =	vand.u32 $0x1FFC, v56;
	v59 =	vshrl.u32 v50, $0xB  }
0x1ca: {  	[tilespmem:$0x2B0] =	vst v12;
	v50 =	vshll.u32 v43, $0x2;
	v56 =	vand.u32 $0xFFFFE000, v46;
	v10 =	vand.u32 $0x1FFC, v60  }
0x1cb: {  	[tilespmem:$0x2D0] =	vst v16;
	v61 =	vld [tilespmem:$0xA70];
	v11 =	vand.u32 $0x3, v11;
	v9 =	vor.u32 v9, v8;
	v16 =	vshll.u32 v57, $0x2  }
0x1cc: {  	[tilespmem:$0x2F0] =	vst v17;
	v17 =	vand.u32 $0xFFFFE000, v57;
	v12 =	vshrl.u32 v57, $0xB;
	v13 =	vand.u32 $0x1FFC, v49  }
0x1cd: {  	v14 =	vand.u32 $0x3, v14;
	v49 =	vshrl.u32 v39, $0xB;
	v10 =	vor.u32 v62, v10  }
0x1ce: {  	[tilespmem:$0x310] =	vst v18;
	v18 =	vand.u32 $0x3, v12;
	v13 =	vor.u32 v51, v13;
	v60 =	vshll.u32 v52, $0x2  }
0x1cf: {  	[tilespmem:$0x300] =	vst v19;
	v63 =	vld [tilespmem:$0xAE0];
	v62 =	vand.u32 $0xFFFFE000, v52;
	v8 =	vor.u32 v11, v10;
	v10 =	vand.u32 $0x1FFC, v16  }
0x1d0: {  	[tilespmem:$0x330] =	vst v22;
	v19 =	vshll.u32 v61, $0x2;
	v22 =	vand.u32 $0xFFFFE000, v61;
	v48 =	vshrl.u32 v61, $0xB  }
0x1d1: {  	v16 =	vand.u32 $0x1FFC, v60;
	v10 =	vor.u32 v17, v10;
	v12 =	vand.u32 $0x1FFC, v19  }
0x1d2: {  	v57 =	vld [tilespmem:$0xAC0];
	v17 =	vshrl.u32 v52, $0xB;
	v16 =	vor.u32 v62, v16;
	v52 =	vand.u32 $0x1FFC, v50  }
0x1d3: {  	[tilespmem:$0x3C0] =	vst v31;
	v10 =	vor.u32 v18, v10;
	v11 =	vor.u32 v22, v12;
	v12 =	vand.u32 $0x3, v48  }
0x1d4: {  	[tilespmem:$0x400] =	vst v33;
	v17 =	vand.u32 $0x3, v17;
	v31 =	vshll.u32 v63, $0x2;
	v33 =	vand.u32 $0xFFFFE000, v63  }
0x1d5: {  	v20 =	vshrl.u32 v63, $0xB;
	v22 =	vand.u32 $0x1FFC, v42;
	v48 =	vshll.u32 v39, $0x2  }
0x1d6: {  	v12 =	vor.u32 v12, v11;
	v11 =	vor.u32 v14, v13;
	v13 =	vand.u32 $0x1FFC, v53  }
0x1d7: {  	[tilespmem:$0x370] =	vst v24;
	v14 =	vor.u32 v58, v15;
	v15 =	vand.u32 $0x3, v59;
	v24 =	vshll.u32 v57, $0x2  }
0x1d8: {  	[tilespmem:$0x360] =	vst v25;
	v25 =	vand.u32 $0xFFFFE000, v57;
	v18 =	vshrl.u32 v57, $0xB;
	v19 =	vand.u32 $0x1FFC, v31  }
0x1d9: {  	v51 =	vld [tilespmem:$0xB50];
	v20 =	vand.u32 $0x3, v20;
	v22 =	vor.u32 v44, v22;
	v53 =	vshrl.u32 v43, $0xB  }
0x1da: {  	[tilespmem:$0x3A0] =	vst v27;
	v61 =	vld [tilespmem:$0xAD0];
	v57 =	vshrl.u32 v46, $0xB;
	v13 =	vor.u32 v54, v13;
	v14 =	vor.u32 v15, v14  }
0x1db: {  	[tilespmem:$0x380] =	vst v26;
	v15 =	vor.u32 v17, v16;
	v16 =	vand.u32 $0x1FFC, v24;
	v26 =	vand.u32 $0x3, v18  }
0x1dc: {  	[tilespmem:$0x4D0] =	vst v47;
	v19 =	vor.u32 v33, v19;
	v47 =	vor.u32 v23, v22;
	v22 =	vand.u32 $0x1FFC, v48  }
0x1dd: {  	[tilespmem:$0x500] =	vst v4;
	v54 =	vshll.u32 v46, $0x2;
	v4 =	vand.u32 $0x3, v53;
	v58 =	vand.u32 $0x3, v57  }
0x1de: {  	[tilespmem:$0x3D0] =	vst v30;
	v62 =	vand.u32 $0xFFFFE000, v51;
	v63 =	vshrl.u32 v51, $0xB;
	v13 =	vor.u32 v55, v13  }
0x1df: {  	[tilespmem:$0x3B0] =	vst v29;
	v16 =	vor.u32 v25, v16;
	v27 =	vshll.u32 v61, $0x2;
	v29 =	vand.u32 $0xFFFFE000, v61  }
0x1e0: {  	[tilespmem:$0x4F0] =	vst v2;
	v39 =	vld [tilespmem:$0xBC0];
	v30 =	vshrl.u32 v61, $0xB;
	v2 =	vor.u32 v3, v22;
	v3 =	vand.u32 $0x3, v49  }
0x1e1: {  	[tilespmem:$0x510] =	vst v6;
	v6 =	vand.u32 $0x1FFC, v54;
	v61 =	vshll.u32 v51, $0x2;
	v23 =	vand.u32 $0x3, v63  }
0x1e2: {  	v16 =	vor.u32 v26, v16;
	v18 =	vand.u32 $0x1FFC, v27;
	v2 =	vor.u32 v3, v2  }
0x1e3: {  	[tilespmem:$0x520] =	vst v5;
	v59 =	vld [tilespmem:$0xB70];
	v3 =	vand.u32 $0xFFFFE000, v43;
	v5 =	vor.u32 v56, v6;
	v17 =	vor.u32 v29, v18  }
0x1e4: {  	[tilespmem:$0x4C0] =	vst v45;
	v31 =	vld [tilespmem:$0xBA0];
	v18 =	vand.u32 $0x3, v30;
	v3 =	vor.u32 v3, v52;
	v60 =	vor.u32 v58, v5  }
0x1e5: {  	[tilespmem:$0x530] =	vst v7;
	v5 =	vand.u32 $0x1FFC, v61;
	v46 =	vshll.u32 v39, $0x2;
	v48 =	vand.u32 $0xFFFFE000, v39  }
0x1e6: {  	[tilespmem:$0x540] =	vst v9;
	v50 =	vshrl.u32 v39, $0xB;
	v17 =	vor.u32 v18, v17;
	v18 =	vor.u32 v20, v19  }
0x1e7: {  	[tilespmem:$0x550] =	vst v8;
	v19 =	vand.u32 $0x1FFC, v35;
	v20 =	vor.u32 v40, v21;
	v21 =	vand.u32 $0x3, v41  }
0x1e8: {  	[tilespmem:$0x560] =	vst v10;
	v3 =	vor.u32 v4, v3;
	v5 =	vor.u32 v62, v5;
	v28 =	vshll.u32 v59, $0x2  }
0x1e9: {  	[tilespmem:$0x570] =	vst v12;
	v55 =	vld [tilespmem:$0xB60];
	v30 =	vand.u32 $0xFFFFE000, v59;
	v7 =	vshrl.u32 v59, $0xB;
	v38 =	vshll.u32 v31, $0x2  }
0x1ea: {  	[tilespmem:$0x580] =	vst v11;
	v25 =	vld [tilespmem:$0xB80];
	v40 =	vand.u32 $0xFFFFE000, v31;
	v12 =	vshrl.u32 v31, $0xB;
	v49 =	vand.u32 $0x1FFC, v46  }
0x1eb: {  	[tilespmem:$0x5A0] =	vst v14;
	v19 =	vor.u32 v36, v19;
	v20 =	vor.u32 v21, v20;
	v5 =	vor.u32 v23, v5  }
0x1ec: {  	[tilespmem:$0x610] =	vst v47;
	v47 =	vld [tilespmem:$0xBE0];
	v10 =	vand.u32 $0x1FFC, v28;
	v7 =	vand.u32 $0x3, v7;
	v11 =	vand.u32 $0x1FFC, v38  }
0x1ed: {  	[tilespmem:$0x5B0] =	vst v15;
	v12 =	vand.u32 $0x3, v12;
	v4 =	vor.u32 v48, v49;
	v19 =	vor.u32 v37, v19  }
0x1ee: {  	[tilespmem:$0x590] =	vst v13;
	v24 =	vshll.u32 v55, $0x2;
	v26 =	vand.u32 $0xFFFFE000, v55;
	v27 =	vshrl.u32 v55, $0xB  }
0x1ef: {  	v29 =	vld [tilespmem:$0xB90];
	[tilespmem:$0x5C0] =	vst v16;
	v10 =	vor.u32 v30, v10;
	v32 =	vshll.u32 v25, $0x2;
	v33 =	vand.u32 $0xFFFFE000, v25  }
0x1f0: {  	v52 =	vld [tilespmem:$0xBF0];
	v9 =	vshrl.u32 v25, $0xB;
	v11 =	vor.u32 v40, v11;
	[tilespmem:$0x650] =	vst v5;
	v5 =	vand.u32 $0x3, v50  }
0x1f1: {  	[tilespmem:$0x620] =	vst v2;
	v57 =	vshll.u32 v47, $0x2;
	v58 =	vand.u32 $0xFFFFE000, v47;
	v59 =	vshrl.u32 v47, $0xB  }
0x1f2: {  	v35 =	vld [tilespmem:$0xBB0];
	[tilespmem:$0x640] =	vst v60;
	v8 =	vand.u32 $0x1FFC, v24;
	v7 =	vor.u32 v7, v10;
	v9 =	vand.u32 $0x3, v9  }
0x1f3: {  	v41 =	vld [tilespmem:$0xBD0];
	[tilespmem:$0x5D0] =	vst v17;
	v42 =	vor.u32 v12, v11;
	v60 =	vand.u32 $0x3, v59;
	v6 =	vor.u32 v26, v8  }
0x1f4: {  	[tilespmem:$0x5E0] =	vst v18;
	v8 =	vand.u32 $0x3, v27;
	v34 =	vshll.u32 v29, $0x2;
	v36 =	vand.u32 $0xFFFFE000, v29  }
0x1f5: {  	[tilespmem:$0x630] =	vst v3;
	v37 =	vshrl.u32 v29, $0xB;
	v61 =	vshll.u32 v52, $0x2;
	v62 =	vshrl.u32 v52, $0xB  }
0x1f6: {  	[tilespmem:$0x600] =	vst v20;
	v6 =	vor.u32 v8, v6;
	v8 =	vand.u32 $0x1FFC, v32;
	v10 =	vand.u32 $0x1FFC, v34  }
0x1f7: {  	[tilespmem:$0x5F0] =	vst v19;
	v43 =	vshll.u32 v35, $0x2;
	v3 =	vand.u32 $0xFFFFE000, v35;
	v44 =	vshrl.u32 v35, $0xB  }
0x1f8: {  	[tilespmem:$0x670] =	vst v7;
	v51 =	vshll.u32 v41, $0x2;
	v53 =	vand.u32 $0xFFFFE000, v41;
	v54 =	vshrl.u32 v41, $0xB  }
0x1f9: {  	v8 =	vor.u32 v33, v8;
	v45 =	vand.u32 $0x3, v44;
	[tilespmem:$0x660] =	vst v6;
	v6 =	vand.u32 $0x1FFC, v51  }
0x1fa: {  	[tilespmem:$0x6A0] =	vst v42;
	v8 =	vor.u32 v9, v8;
	v9 =	vor.u32 v36, v10;
	v10 =	vand.u32 $0x3, v37  }
0x1fb: {  	v55 =	vand.u32 $0x3, v54;
	v2 =	vor.u32 v10, v9;
	v10 =	vand.u32 $0x1FFC, v43;
	[tilespmem:$0x680] =	vst v8  }
0x1fc: {  	v6 =	vor.u32 v53, v6;
	v3 =	vor.u32 v3, v10;
	[tilespmem:$0x690] =	vst v2;
	v2 =	vor.u32 v5, v4  }
0x1fd: {  	v56 =	vor.u32 v55, v6;
	v5 =	vand.u32 $0x1FFC, v57;
	v3 =	vor.u32 v45, v3;
	[tilespmem:$0x6C0] =	vst v2  }
0x1fe: {  	v6 =	vand.u32 $0x1FFC, v61;
	v2 =	vand.u32 $0xFFFFE000, v52;
	[tilespmem:$0x6B0] =	vst v3;
	v3 =	vor.u32 v58, v5  }
0x1ff: {  	v63 =	vand.u32 $0x3, v62;
	[tilespmem:$0x6D0] =	vst v56;
	v2 =	vor.u32 v2, v6;
	v3 =	vor.u32 v60, v3  }
0x200: {  	v2 =	vor.u32 v63, v2;
	[tilespmem:$0x6E0] =	vst v3  }
0x201: {  	[tilespmem:$0x6F0] =	vst v2  }
0x202: {  	[tilespmem:s13], [sflag:$0x4] =	stream.indirect.gather [hbm4b:s5+s26], $0x20, s3, s26, $0xb8;
	[tilespmem:$0xCD80] =	vst v63  }
0x203: {  	s19 =	simm.s32 $0x3C00  }
0x204: {  	[tilespmem:s19], [sflag:$0x4] =	stream.indirect.gather [hbm4b:s5+s26], $0x20, s29, s26, $0xb8;
	[tilespmem:$0xCD80] =	vst v63  }
0x205: {  	_ = 	snop  }
0x206: {  	[tilespmem:s20], [sflag:$0x4] =	stream.indirect.gather [hbm4b:s5+s26], $0x20, s0, s26, $0xb8;
	[tilespmem:$0xCD80] =	vst v63  }
0x207: {  	_ = 	snop  }
0x208: {  	[tilespmem:s21], [sflag:$0x4] =	stream.indirect.gather [hbm4b:s5+s26], $0x20, s10, s26, $0xb8;
	[tilespmem:$0xCD80] =	vst v63  }
0x209: {  	s10 =	simm.s32 $0x6C00  }
0x20a: {  	[tilespmem:s10], [sflag:$0x4] =	stream.indirect.gather [hbm4b:s5+s26], $0x20, s11, s26, $0xb8;
	[tilespmem:$0xCD80] =	vst v63  }
0x20b: {  	s11 =	simm.s32 $0x7C00  }
0x20c: {  	[tilespmem:s11], [sflag:$0x4] =	stream.indirect.gather [hbm4b:s6+s26], $0x20, s14, s26, $0xb8;
	[tilespmem:$0xCD80] =	vst v63  }
0x20d: {  	s14 =	simm.s32 $0x8C00  }
0x20e: {  	[tilespmem:s14], [sflag:$0x4] =	stream.indirect.gather [hbm4b:s6+s26], $0x20, s15, s26, $0xb8;
	[tilespmem:$0xCD80] =	vst v63  }
0x20f: {  	s15 =	simm.s32 $0x9C00  }
0x210: {  	[tilespmem:s15], [sflag:$0x4] =	stream.indirect.gather [hbm4b:s6+s26], $0x20, s16, s26, $0xb8;
	[tilespmem:$0xCD80] =	vst v63  }
0x211: {  	s16 =	simm.s32 $0xAC00  }
0x212: {  	[tilespmem:s16], [sflag:$0x4] =	stream.indirect.gather [hbm4b:s6+s26], $0x20, s17, s26, $0xb8;
	[tilespmem:$0xCD80] =	vst v63  }
0x213: {  	_ = 	snop  }
0x214: {  	[tilespmem:s22], [sflag:$0x4] =	stream.indirect.gather [hbm4b:s6+s26], $0x20, s18, s26, $0xb8;
	[tilespmem:$0xCD80] =	vst v63  }
0x215: {  	_ =	swait.ge [sflag:s23], $0x1000  }
0x216: {  	[sflag:s23] =	ssyncset.done $0x0  }
0x217: {  	[sflag:s23] =	ssyncadd.s32 $0xFFFFF000  }
0x218: {  	_ =	swait.ge [sflag:s23], $0x80  }
0x219: {  	[sflag:s23] =	ssyncset.done $0x0  }
0x21a: {  	[sflag:s23] =	ssyncadd.s32 $0xFFFFFF80  }
0x21b: {  	_ =	swait.ge [sflag:s23], $0x1000  }
0x21c: {  	[sflag:s23] =	ssyncset.done $0x0  }
0x21d: {  	[sflag:s23] =	ssyncadd.s32 $0xFFFFF000  }
0x21e: {  	_ =	swait.ge [sflag:s23], $0x80  }
0x21f: {  	[sflag:s23] =	ssyncset.done $0x0  }
0x220: {  	[sflag:s23] =	ssyncadd.s32 $0xFFFFFF80  }
0x221: {  	_ =	swait.ge [sflag:s24], $0x1000  }
0x222: {  	[sflag:s24] =	ssyncset.done $0x0  }
0x223: {  	[sflag:s24] =	ssyncadd.s32 $0xFFFFF000  }
0x224: {  	_ =	swait.ge [sflag:s24], $0x1000  }
0x225: {  	[sflag:s24] =	ssyncset.done $0x0  }
0x226: {  	[sflag:s24] =	ssyncadd.s32 $0xFFFFF000  }
0x227: {  	_ =	swait.ge [sflag:s24], $0x1000  }
0x228: {  	[sflag:s24] =	ssyncset.done $0x0  }
0x229: {  	[sflag:s24] =	ssyncadd.s32 $0xFFFFF000  }
0x22a: {  	_ =	swait.ge [sflag:s24], $0x1000  }
0x22b: {  	[sflag:s24] =	ssyncset.done $0x0  }
0x22c: {  	[sflag:s24] =	ssyncadd.s32 $0xFFFFF000  }
0x22d: {  	_ =	swait.ge [sflag:s24], $0x1000  }
0x22e: {  	[sflag:s24] =	ssyncset.done $0x0  }
0x22f: {  	[sflag:s24] =	ssyncadd.s32 $0xFFFFF000  }
0x230: {  	_ =	swait.ge [sflag:s24], $0x1000  }
0x231: {  	[sflag:s24] =	ssyncset.done $0x0  }
0x232: {  	[sflag:s24] =	ssyncadd.s32 $0xFFFFF000  }
0x233: {  	_ =	swait.ge [sflag:s24], $0x1000  }
0x234: {  	[sflag:s24] =	ssyncset.done $0x0  }
0x235: {  	[sflag:s24] =	ssyncadd.s32 $0xFFFFF000  }
0x236: {  	_ =	swait.ge [sflag:s24], $0x1000  }
0x237: {  	[sflag:s24] =	ssyncset.done $0x0  }
0x238: {  	[sflag:s24] =	ssyncadd.s32 $0xFFFFF000  }
0x239: {  	_ =	swait.ge [sflag:s24], $0x1000  }
.Ltmp4:
0x23a: {  	[sflag:s24] =	ssyncset.done $0x0;
	(pc) =	sbr.rel .LBB2_3-.Ltmp4, $4  }
0x23b: {  	[sflag:s24] =	ssyncadd.s32 $0xFFFFF000  }
0x23c: {  	_ =	swait.ge [sflag:s24], $0x1000  }
0x23d: {  	[sflag:s24] =	ssyncset.done $0x0  }
0x23e: {  	s3 =	simm.s32 $0x5C00;
	s0 =	simm.s32 $0x4C00;
	[sflag:s24] =	ssyncadd.s32 $0xFFFFF000  }
.LBB2_5:
0x23f: {  	s31 =	sadd.s32 $0x10, s31  }
0x240: {  	p0 =	sne.s32 s31, $0x80  }
.Ltmp5:
0x241: {  	_ = 	snop;
	(pc) =	sbr.rel @!p0 .LBB2_6-.Ltmp5, $2  }
0x242: {  	_ =	sdelay $0x2  }
0x243: {  	s25 =	sadd.s32 $0x10, s25  }
.LBB2_3:
0x244: {  	v2 =	vld [tilespmem:s25+$0x0];
	_ =	sdelay $0x4  }
0x245: {  	v3 =	vxor.u32 $0x80000000, v2  }
0x246: {  	(xrf0) =	vmin.scan.msk.u32 $0xffff, v3;
	_ =	sdelay $0x5  }
0x247: {  	v3, _, _ =	vpop (xrf0)  }
0x248: {  	(v2sf) =	vpush v3, $0xF;
	_ =	sdelay $0xe  }
0x249: {  	s29 =	spop (v2sf)  }
0x24a: {  	p0 =	sne.s32 s29, $0x80000000  }
.Ltmp6:
0x24b: {  	_ = 	snop;
	(pc) =	sbr.rel @p0 .LBB2_5-.Ltmp6, $1  }
0x24c: {  	_ =	sdelay $0x3  }
0x24d: {  	v3 =	vmov s31  }
0x24e: {  	vm0 =	veq.s32 v2, $0x0;
	v2 =	vshll.u32 v3, $0x5  }
0x24f: {  	v2 =	vor.u32 v0, v2  }
0x250: {  	v3 =	vor.u32 $0x1, v2  }
0x251: {  	v4 =	vor.u32 $0x2, v2  }
0x252: {  	v5 =	vor.u32 $0x3, v2  }
0x253: {  	v6 =	vor.u32 $0x4, v2  }
0x254: {  	v7 =	vor.u32 $0x5, v2;
	[tilespmem:v2+s13+$0x0] =	vst.idx.msk vm0, v1  }
0x255: {  	[tilespmem:v3+s13+$0x0] =	vst.idx.msk vm0, v1;
	v3 =	vor.u32 $0x6, v2  }
0x256: {  	v44 =	vor.u32 $0x7, v2;
	[tilespmem:v4+s13+$0x0] =	vst.idx.msk vm0, v1  }
0x257: {  	v45 =	vor.u32 $0x8, v2;
	[tilespmem:v5+s13+$0x0] =	vst.idx.msk vm0, v1  }
0x258: {  	v46 =	vor.u32 $0x9, v2;
	[tilespmem:v6+s13+$0x0] =	vst.idx.msk vm0, v1  }
0x259: {  	v47 =	vor.u32 $0xA, v2;
	[tilespmem:v7+s13+$0x0] =	vst.idx.msk vm0, v1  }
0x25a: {  	[tilespmem:v3+s13+$0x0] =	vst.idx.msk vm0, v1;
	v3 =	vor.u32 $0xB, v2  }
0x25b: {  	v48 =	vor.u32 $0xC, v2;
	[tilespmem:v44+s13+$0x0] =	vst.idx.msk vm0, v1  }
0x25c: {  	v49 =	vor.u32 $0xD, v2;
	[tilespmem:v45+s13+$0x0] =	vst.idx.msk vm0, v1  }
0x25d: {  	v50 =	vor.u32 $0xE, v2;
	[tilespmem:v46+s13+$0x0] =	vst.idx.msk vm0, v1  }
0x25e: {  	v51 =	vor.u32 $0xF, v2;
	[tilespmem:v47+s13+$0x0] =	vst.idx.msk vm0, v1  }
0x25f: {  	[tilespmem:v3+s13+$0x0] =	vst.idx.msk vm0, v1;
	v3 =	vor.u32 $0x10, v2  }
0x260: {  	v52 =	vor.u32 $0x11, v2;
	[tilespmem:v48+s13+$0x0] =	vst.idx.msk vm0, v1  }
0x261: {  	v53 =	vor.u32 $0x12, v2;
	[tilespmem:v49+s13+$0x0] =	vst.idx.msk vm0, v1  }
0x262: {  	v54 =	vor.u32 $0x13, v2;
	[tilespmem:v50+s13+$0x0] =	vst.idx.msk vm0, v1  }
0x263: {  	v55 =	vor.u32 $0x14, v2;
	[tilespmem:v51+s13+$0x0] =	vst.idx.msk vm0, v1  }
0x264: {  	[tilespmem:v3+s13+$0x0] =	vst.idx.msk vm0, v1;
	v3 =	vor.u32 $0x15, v2  }
0x265: {  	v56 =	vor.u32 $0x16, v2;
	[tilespmem:v52+s13+$0x0] =	vst.idx.msk vm0, v1  }
0x266: {  	v57 =	vor.u32 $0x17, v2;
	[tilespmem:v53+s13+$0x0] =	vst.idx.msk vm0, v1  }
0x267: {  	v58 =	vor.u32 $0x18, v2;
	[tilespmem:v54+s13+$0x0] =	vst.idx.msk vm0, v1  }
0x268: {  	v59 =	vor.u32 $0x19, v2;
	[tilespmem:v55+s13+$0x0] =	vst.idx.msk vm0, v1  }
0x269: {  	[tilespmem:v3+s13+$0x0] =	vst.idx.msk vm0, v1;
	v3 =	vor.u32 $0x1A, v2  }
0x26a: {  	v60 =	vor.u32 $0x1B, v2;
	[tilespmem:v56+s13+$0x0] =	vst.idx.msk vm0, v1  }
0x26b: {  	v61 =	vor.u32 $0x1C, v2;
	[tilespmem:v57+s13+$0x0] =	vst.idx.msk vm0, v1  }
0x26c: {  	v62 =	vor.u32 $0x1D, v2;
	[tilespmem:v58+s13+$0x0] =	vst.idx.msk vm0, v1  }
0x26d: {  	v63 =	vor.u32 $0x1E, v2;
	[tilespmem:v59+s13+$0x0] =	vst.idx.msk vm0, v1  }
0x26e: {  	v2 =	vor.u32 $0x1F, v2;
	[tilespmem:v3+s13+$0x0] =	vst.idx.msk vm0, v1  }
.Ltmp7:
0x26f: {  	[tilespmem:v60+s13+$0x0] =	vst.idx.msk vm0, v1;
	(pc) =	sbr.rel .LBB2_5-.Ltmp7, $4  }
0x270: {  	[tilespmem:v61+s13+$0x0] =	vst.idx.msk vm0, v1  }
0x271: {  	[tilespmem:v62+s13+$0x0] =	vst.idx.msk vm0, v1  }
0x272: {  	[tilespmem:v63+s13+$0x0] =	vst.idx.msk vm0, v1  }
0x273: {  	[tilespmem:v2+s13+$0x0] =	vst.idx.msk vm0, v1  }
.LBB2_6:
.Ltmp8:
0x274: {  	(pc) =	sbr.rel .LBB2_7-.Ltmp8, $2  }
0x275: {  	_ =	sdelay $0x2  }
0x276: {  	s25 =	simm.s32 $0x0;
	s31 =	simm.s32 $0x780  }
.LBB2_9:
0x277: {  	s25 =	sadd.s32 $0x10, s25  }
0x278: {  	p0 =	sne.s32 s25, $0x80  }
.Ltmp9:
0x279: {  	_ = 	snop;
	(pc) =	sbr.rel @!p0 .LBB2_10-.Ltmp9, $2  }
0x27a: {  	_ =	sdelay $0x2  }
0x27b: {  	s31 =	sadd.s32 $0x10, s31  }
.LBB2_7:
0x27c: {  	v2 =	vld [tilespmem:s31+$0x0];
	_ =	sdelay $0x4  }
0x27d: {  	v3 =	vxor.u32 $0x80000000, v2  }
0x27e: {  	(xrf0) =	vmin.scan.msk.u32 $0xffff, v3;
	_ =	sdelay $0x5  }
0x27f: {  	v3, _, _ =	vpop (xrf0)  }
0x280: {  	(v2sf) =	vpush v3, $0xF;
	_ =	sdelay $0xe  }
0x281: {  	s29 =	spop (v2sf)  }
0x282: {  	p0 =	sne.s32 s29, $0x80000000  }
.Ltmp10:
0x283: {  	_ = 	snop;
	(pc) =	sbr.rel @p0 .LBB2_9-.Ltmp10, $1  }
0x284: {  	_ =	sdelay $0x3  }
0x285: {  	v3 =	vmov s25  }
0x286: {  	v3 =	vshll.u32 v3, $0x5  }
0x287: {  	vm0 =	veq.s32 v2, $0x0;
	v2 =	vor.u32 v0, v3  }
0x288: {  	v3 =	vor.u32 $0x1000, v2  }
0x289: {  	v4 =	vor.u32 $0x1001, v2  }
0x28a: {  	v5 =	vor.u32 $0x1002, v2  }
0x28b: {  	v6 =	vor.u32 $0x1003, v2  }
0x28c: {  	v7 =	vor.u32 $0x1004, v2  }
0x28d: {  	[tilespmem:v3+s13+$0x0] =	vst.idx.msk vm0, v1;
	v3 =	vor.u32 $0x1005, v2  }
0x28e: {  	v44 =	vor.u32 $0x1006, v2;
	[tilespmem:v4+s13+$0x0] =	vst.idx.msk vm0, v1  }
0x28f: {  	v45 =	vor.u32 $0x1007, v2;
	[tilespmem:v5+s13+$0x0] =	vst.idx.msk vm0, v1  }
0x290: {  	v46 =	vor.u32 $0x1008, v2;
	[tilespmem:v6+s13+$0x0] =	vst.idx.msk vm0, v1  }
0x291: {  	v47 =	vor.u32 $0x1009, v2;
	[tilespmem:v7+s13+$0x0] =	vst.idx.msk vm0, v1  }
0x292: {  	[tilespmem:v3+s13+$0x0] =	vst.idx.msk vm0, v1;
	v3 =	vor.u32 $0x100A, v2  }
0x293: {  	v48 =	vor.u32 $0x100B, v2;
	[tilespmem:v44+s13+$0x0] =	vst.idx.msk vm0, v1  }
0x294: {  	v49 =	vor.u32 $0x100C, v2;
	[tilespmem:v45+s13+$0x0] =	vst.idx.msk vm0, v1  }
0x295: {  	v50 =	vor.u32 $0x100D, v2;
	[tilespmem:v46+s13+$0x0] =	vst.idx.msk vm0, v1  }
0x296: {  	v51 =	vor.u32 $0x100E, v2;
	[tilespmem:v47+s13+$0x0] =	vst.idx.msk vm0, v1  }
0x297: {  	[tilespmem:v3+s13+$0x0] =	vst.idx.msk vm0, v1;
	v3 =	vor.u32 $0x100F, v2  }
0x298: {  	v52 =	vor.u32 $0x1010, v2;
	[tilespmem:v48+s13+$0x0] =	vst.idx.msk vm0, v1  }
0x299: {  	v53 =	vor.u32 $0x1011, v2;
	[tilespmem:v49+s13+$0x0] =	vst.idx.msk vm0, v1  }
0x29a: {  	v54 =	vor.u32 $0x1012, v2;
	[tilespmem:v50+s13+$0x0] =	vst.idx.msk vm0, v1  }
0x29b: {  	v55 =	vor.u32 $0x1013, v2;
	[tilespmem:v51+s13+$0x0] =	vst.idx.msk vm0, v1  }
0x29c: {  	[tilespmem:v3+s13+$0x0] =	vst.idx.msk vm0, v1;
	v3 =	vor.u32 $0x1014, v2  }
0x29d: {  	v56 =	vor.u32 $0x1015, v2;
	[tilespmem:v52+s13+$0x0] =	vst.idx.msk vm0, v1  }
0x29e: {  	v57 =	vor.u32 $0x1016, v2;
	[tilespmem:v53+s13+$0x0] =	vst.idx.msk vm0, v1  }
0x29f: {  	v58 =	vor.u32 $0x1017, v2;
	[tilespmem:v54+s13+$0x0] =	vst.idx.msk vm0, v1  }
0x2a0: {  	v59 =	vor.u32 $0x1018, v2;
	[tilespmem:v55+s13+$0x0] =	vst.idx.msk vm0, v1  }
0x2a1: {  	[tilespmem:v3+s13+$0x0] =	vst.idx.msk vm0, v1;
	v3 =	vor.u32 $0x1019, v2  }
0x2a2: {  	v60 =	vor.u32 $0x101A, v2;
	[tilespmem:v56+s13+$0x0] =	vst.idx.msk vm0, v1  }
0x2a3: {  	v61 =	vor.u32 $0x101B, v2;
	[tilespmem:v57+s13+$0x0] =	vst.idx.msk vm0, v1  }
0x2a4: {  	v62 =	vor.u32 $0x101C, v2;
	[tilespmem:v58+s13+$0x0] =	vst.idx.msk vm0, v1  }
0x2a5: {  	v63 =	vor.u32 $0x101D, v2;
	[tilespmem:v59+s13+$0x0] =	vst.idx.msk vm0, v1  }
0x2a6: {  	[tilespmem:v3+s13+$0x0] =	vst.idx.msk vm0, v1;
	v3 =	vor.u32 $0x101E, v2  }
0x2a7: {  	v2 =	vor.u32 $0x101F, v2;
	[tilespmem:v60+s13+$0x0] =	vst.idx.msk vm0, v1  }
.Ltmp11:
0x2a8: {  	[tilespmem:v61+s13+$0x0] =	vst.idx.msk vm0, v1;
	(pc) =	sbr.rel .LBB2_9-.Ltmp11, $4  }
0x2a9: {  	[tilespmem:v62+s13+$0x0] =	vst.idx.msk vm0, v1  }
0x2aa: {  	[tilespmem:v63+s13+$0x0] =	vst.idx.msk vm0, v1  }
0x2ab: {  	[tilespmem:v3+s13+$0x0] =	vst.idx.msk vm0, v1  }
0x2ac: {  	[tilespmem:v2+s13+$0x0] =	vst.idx.msk vm0, v1  }
.LBB2_10:
.Ltmp12:
0x2ad: {  	(pc) =	sbr.rel .LBB2_11-.Ltmp12, $2  }
0x2ae: {  	_ =	sdelay $0x2  }
0x2af: {  	s25 =	simm.s32 $0x0;
	s31 =	simm.s32 $0x800  }
.LBB2_13:
0x2b0: {  	s25 =	sadd.s32 $0x10, s25  }
0x2b1: {  	p0 =	sne.s32 s25, $0x80  }
.Ltmp13:
0x2b2: {  	_ = 	snop;
	(pc) =	sbr.rel @!p0 .LBB2_14-.Ltmp13, $2  }
0x2b3: {  	_ =	sdelay $0x2  }
0x2b4: {  	s31 =	sadd.s32 $0x10, s31  }
.LBB2_11:
0x2b5: {  	v2 =	vld [tilespmem:s31+$0x0];
	_ =	sdelay $0x4  }
0x2b6: {  	v3 =	vxor.u32 $0x80000000, v2  }
0x2b7: {  	(xrf0) =	vmin.scan.msk.u32 $0xffff, v3;
	_ =	sdelay $0x5  }
0x2b8: {  	v3, _, _ =	vpop (xrf0)  }
0x2b9: {  	(v2sf) =	vpush v3, $0xF;
	_ =	sdelay $0xe  }
0x2ba: {  	s29 =	spop (v2sf)  }
0x2bb: {  	p0 =	sne.s32 s29, $0x80000000  }
.Ltmp14:
0x2bc: {  	_ = 	snop;
	(pc) =	sbr.rel @p0 .LBB2_13-.Ltmp14, $1  }
0x2bd: {  	_ =	sdelay $0x3  }
0x2be: {  	v3 =	vmov s25  }
0x2bf: {  	v3 =	vshll.u32 v3, $0x5  }
0x2c0: {  	vm0 =	veq.s32 v2, $0x0;
	v2 =	vor.u32 v0, v3  }
0x2c1: {  	v3 =	vor.u32 $0x2000, v2  }
0x2c2: {  	v4 =	vor.u32 $0x2001, v2  }
0x2c3: {  	v5 =	vor.u32 $0x2002, v2  }
0x2c4: {  	v6 =	vor.u32 $0x2003, v2  }
0x2c5: {  	v7 =	vor.u32 $0x2004, v2  }
0x2c6: {  	[tilespmem:v3+s13+$0x0] =	vst.idx.msk vm0, v1;
	v3 =	vor.u32 $0x2005, v2  }
0x2c7: {  	v44 =	vor.u32 $0x2006, v2;
	[tilespmem:v4+s13+$0x0] =	vst.idx.msk vm0, v1  }
0x2c8: {  	v45 =	vor.u32 $0x2007, v2;
	[tilespmem:v5+s13+$0x0] =	vst.idx.msk vm0, v1  }
0x2c9: {  	v46 =	vor.u32 $0x2008, v2;
	[tilespmem:v6+s13+$0x0] =	vst.idx.msk vm0, v1  }
0x2ca: {  	v47 =	vor.u32 $0x2009, v2;
	[tilespmem:v7+s13+$0x0] =	vst.idx.msk vm0, v1  }
0x2cb: {  	[tilespmem:v3+s13+$0x0] =	vst.idx.msk vm0, v1;
	v3 =	vor.u32 $0x200A, v2  }
0x2cc: {  	v48 =	vor.u32 $0x200B, v2;
	[tilespmem:v44+s13+$0x0] =	vst.idx.msk vm0, v1  }
0x2cd: {  	v49 =	vor.u32 $0x200C, v2;
	[tilespmem:v45+s13+$0x0] =	vst.idx.msk vm0, v1  }
0x2ce: {  	v50 =	vor.u32 $0x200D, v2;
	[tilespmem:v46+s13+$0x0] =	vst.idx.msk vm0, v1  }
0x2cf: {  	v51 =	vor.u32 $0x200E, v2;
	[tilespmem:v47+s13+$0x0] =	vst.idx.msk vm0, v1  }
0x2d0: {  	[tilespmem:v3+s13+$0x0] =	vst.idx.msk vm0, v1;
	v3 =	vor.u32 $0x200F, v2  }
0x2d1: {  	v52 =	vor.u32 $0x2010, v2;
	[tilespmem:v48+s13+$0x0] =	vst.idx.msk vm0, v1  }
0x2d2: {  	v53 =	vor.u32 $0x2011, v2;
	[tilespmem:v49+s13+$0x0] =	vst.idx.msk vm0, v1  }
0x2d3: {  	v54 =	vor.u32 $0x2012, v2;
	[tilespmem:v50+s13+$0x0] =	vst.idx.msk vm0, v1  }
0x2d4: {  	v55 =	vor.u32 $0x2013, v2;
	[tilespmem:v51+s13+$0x0] =	vst.idx.msk vm0, v1  }
0x2d5: {  	[tilespmem:v3+s13+$0x0] =	vst.idx.msk vm0, v1;
	v3 =	vor.u32 $0x2014, v2  }
0x2d6: {  	v56 =	vor.u32 $0x2015, v2;
	[tilespmem:v52+s13+$0x0] =	vst.idx.msk vm0, v1  }
0x2d7: {  	v57 =	vor.u32 $0x2016, v2;
	[tilespmem:v53+s13+$0x0] =	vst.idx.msk vm0, v1  }
0x2d8: {  	v58 =	vor.u32 $0x2017, v2;
	[tilespmem:v54+s13+$0x0] =	vst.idx.msk vm0, v1  }
0x2d9: {  	v59 =	vor.u32 $0x2018, v2;
	[tilespmem:v55+s13+$0x0] =	vst.idx.msk vm0, v1  }
0x2da: {  	[tilespmem:v3+s13+$0x0] =	vst.idx.msk vm0, v1;
	v3 =	vor.u32 $0x2019, v2  }
0x2db: {  	v60 =	vor.u32 $0x201A, v2;
	[tilespmem:v56+s13+$0x0] =	vst.idx.msk vm0, v1  }
0x2dc: {  	v61 =	vor.u32 $0x201B, v2;
	[tilespmem:v57+s13+$0x0] =	vst.idx.msk vm0, v1  }
0x2dd: {  	v62 =	vor.u32 $0x201C, v2;
	[tilespmem:v58+s13+$0x0] =	vst.idx.msk vm0, v1  }
0x2de: {  	v63 =	vor.u32 $0x201D, v2;
	[tilespmem:v59+s13+$0x0] =	vst.idx.msk vm0, v1  }
0x2df: {  	[tilespmem:v3+s13+$0x0] =	vst.idx.msk vm0, v1;
	v3 =	vor.u32 $0x201E, v2  }
0x2e0: {  	v2 =	vor.u32 $0x201F, v2;
	[tilespmem:v60+s13+$0x0] =	vst.idx.msk vm0, v1  }
.Ltmp15:
0x2e1: {  	[tilespmem:v61+s13+$0x0] =	vst.idx.msk vm0, v1;
	(pc) =	sbr.rel .LBB2_13-.Ltmp15, $4  }
0x2e2: {  	[tilespmem:v62+s13+$0x0] =	vst.idx.msk vm0, v1  }
0x2e3: {  	[tilespmem:v63+s13+$0x0] =	vst.idx.msk vm0, v1  }
0x2e4: {  	[tilespmem:v3+s13+$0x0] =	vst.idx.msk vm0, v1  }
0x2e5: {  	[tilespmem:v2+s13+$0x0] =	vst.idx.msk vm0, v1  }
.LBB2_14:
.Ltmp16:
0x2e6: {  	(pc) =	sbr.rel .LBB2_15-.Ltmp16, $2  }
0x2e7: {  	_ =	sdelay $0x2  }
0x2e8: {  	s25 =	simm.s32 $0x0;
	s31 =	simm.s32 $0x880  }
.LBB2_17:
0x2e9: {  	s25 =	sadd.s32 $0x10, s25  }
0x2ea: {  	p0 =	sne.s32 s25, $0x80  }
.Ltmp17:
0x2eb: {  	_ = 	snop;
	(pc) =	sbr.rel @!p0 .LBB2_18-.Ltmp17, $2  }
0x2ec: {  	_ =	sdelay $0x2  }
0x2ed: {  	s31 =	sadd.s32 $0x10, s31  }
.LBB2_15:
0x2ee: {  	v2 =	vld [tilespmem:s31+$0x0];
	_ =	sdelay $0x4  }
0x2ef: {  	v3 =	vxor.u32 $0x80000000, v2  }
0x2f0: {  	(xrf0) =	vmin.scan.msk.u32 $0xffff, v3;
	_ =	sdelay $0x5  }
0x2f1: {  	v3, _, _ =	vpop (xrf0)  }
0x2f2: {  	(v2sf) =	vpush v3, $0xF;
	_ =	sdelay $0xe  }
0x2f3: {  	s29 =	spop (v2sf)  }
0x2f4: {  	p0 =	sne.s32 s29, $0x80000000  }
.Ltmp18:
0x2f5: {  	_ = 	snop;
	(pc) =	sbr.rel @p0 .LBB2_17-.Ltmp18, $1  }
0x2f6: {  	_ =	sdelay $0x3  }
0x2f7: {  	v3 =	vmov s25  }
0x2f8: {  	v3 =	vshll.u32 v3, $0x5  }
0x2f9: {  	vm0 =	veq.s32 v2, $0x0;
	v2 =	vor.u32 v0, v3  }
0x2fa: {  	v3 =	vor.u32 $0x3000, v2  }
0x2fb: {  	v4 =	vor.u32 $0x3001, v2  }
0x2fc: {  	v5 =	vor.u32 $0x3002, v2  }
0x2fd: {  	v6 =	vor.u32 $0x3003, v2  }
0x2fe: {  	v7 =	vor.u32 $0x3004, v2  }
0x2ff: {  	[tilespmem:v3+s13+$0x0] =	vst.idx.msk vm0, v1;
	v3 =	vor.u32 $0x3005, v2  }
0x300: {  	v44 =	vor.u32 $0x3006, v2;
	[tilespmem:v4+s13+$0x0] =	vst.idx.msk vm0, v1  }
0x301: {  	v45 =	vor.u32 $0x3007, v2;
	[tilespmem:v5+s13+$0x0] =	vst.idx.msk vm0, v1  }
0x302: {  	v46 =	vor.u32 $0x3008, v2;
	[tilespmem:v6+s13+$0x0] =	vst.idx.msk vm0, v1  }
0x303: {  	v47 =	vor.u32 $0x3009, v2;
	[tilespmem:v7+s13+$0x0] =	vst.idx.msk vm0, v1  }
0x304: {  	[tilespmem:v3+s13+$0x0] =	vst.idx.msk vm0, v1;
	v3 =	vor.u32 $0x300A, v2  }
0x305: {  	v48 =	vor.u32 $0x300B, v2;
	[tilespmem:v44+s13+$0x0] =	vst.idx.msk vm0, v1  }
0x306: {  	v49 =	vor.u32 $0x300C, v2;
	[tilespmem:v45+s13+$0x0] =	vst.idx.msk vm0, v1  }
0x307: {  	v50 =	vor.u32 $0x300D, v2;
	[tilespmem:v46+s13+$0x0] =	vst.idx.msk vm0, v1  }
0x308: {  	v51 =	vor.u32 $0x300E, v2;
	[tilespmem:v47+s13+$0x0] =	vst.idx.msk vm0, v1  }
0x309: {  	[tilespmem:v3+s13+$0x0] =	vst.idx.msk vm0, v1;
	v3 =	vor.u32 $0x300F, v2  }
0x30a: {  	v52 =	vor.u32 $0x3010, v2;
	[tilespmem:v48+s13+$0x0] =	vst.idx.msk vm0, v1  }
0x30b: {  	v53 =	vor.u32 $0x3011, v2;
	[tilespmem:v49+s13+$0x0] =	vst.idx.msk vm0, v1  }
0x30c: {  	v54 =	vor.u32 $0x3012, v2;
	[tilespmem:v50+s13+$0x0] =	vst.idx.msk vm0, v1  }
0x30d: {  	v55 =	vor.u32 $0x3013, v2;
	[tilespmem:v51+s13+$0x0] =	vst.idx.msk vm0, v1  }
0x30e: {  	[tilespmem:v3+s13+$0x0] =	vst.idx.msk vm0, v1;
	v3 =	vor.u32 $0x3014, v2  }
0x30f: {  	v56 =	vor.u32 $0x3015, v2;
	[tilespmem:v52+s13+$0x0] =	vst.idx.msk vm0, v1  }
0x310: {  	v57 =	vor.u32 $0x3016, v2;
	[tilespmem:v53+s13+$0x0] =	vst.idx.msk vm0, v1  }
0x311: {  	v58 =	vor.u32 $0x3017, v2;
	[tilespmem:v54+s13+$0x0] =	vst.idx.msk vm0, v1  }
0x312: {  	v59 =	vor.u32 $0x3018, v2;
	[tilespmem:v55+s13+$0x0] =	vst.idx.msk vm0, v1  }
0x313: {  	[tilespmem:v3+s13+$0x0] =	vst.idx.msk vm0, v1;
	v3 =	vor.u32 $0x3019, v2  }
0x314: {  	v60 =	vor.u32 $0x301A, v2;
	[tilespmem:v56+s13+$0x0] =	vst.idx.msk vm0, v1  }
0x315: {  	v61 =	vor.u32 $0x301B, v2;
	[tilespmem:v57+s13+$0x0] =	vst.idx.msk vm0, v1  }
0x316: {  	v62 =	vor.u32 $0x301C, v2;
	[tilespmem:v58+s13+$0x0] =	vst.idx.msk vm0, v1  }
0x317: {  	v63 =	vor.u32 $0x301D, v2;
	[tilespmem:v59+s13+$0x0] =	vst.idx.msk vm0, v1  }
0x318: {  	[tilespmem:v3+s13+$0x0] =	vst.idx.msk vm0, v1;
	v3 =	vor.u32 $0x301E, v2  }
0x319: {  	v2 =	vor.u32 $0x301F, v2;
	[tilespmem:v60+s13+$0x0] =	vst.idx.msk vm0, v1  }
.Ltmp19:
0x31a: {  	[tilespmem:v61+s13+$0x0] =	vst.idx.msk vm0, v1;
	(pc) =	sbr.rel .LBB2_17-.Ltmp19, $4  }
0x31b: {  	[tilespmem:v62+s13+$0x0] =	vst.idx.msk vm0, v1  }
0x31c: {  	[tilespmem:v63+s13+$0x0] =	vst.idx.msk vm0, v1  }
0x31d: {  	[tilespmem:v3+s13+$0x0] =	vst.idx.msk vm0, v1  }
0x31e: {  	[tilespmem:v2+s13+$0x0] =	vst.idx.msk vm0, v1  }
.LBB2_18:
.Ltmp20:
0x31f: {  	(pc) =	sbr.rel .LBB2_19-.Ltmp20, $2  }
0x320: {  	_ =	sdelay $0x2  }
0x321: {  	s25 =	simm.s32 $0x0;
	s31 =	simm.s32 $0x900  }
.LBB2_21:
0x322: {  	s25 =	sadd.s32 $0x10, s25  }
0x323: {  	p0 =	sne.s32 s25, $0x80  }
.Ltmp21:
0x324: {  	_ = 	snop;
	(pc) =	sbr.rel @!p0 .LBB2_22-.Ltmp21, $2  }
0x325: {  	_ =	sdelay $0x2  }
0x326: {  	s31 =	sadd.s32 $0x10, s31  }
.LBB2_19:
0x327: {  	v2 =	vld [tilespmem:s31+$0x0];
	_ =	sdelay $0x4  }
0x328: {  	v3 =	vxor.u32 $0x80000000, v2  }
0x329: {  	(xrf0) =	vmin.scan.msk.u32 $0xffff, v3;
	_ =	sdelay $0x5  }
0x32a: {  	v3, _, _ =	vpop (xrf0)  }
0x32b: {  	(v2sf) =	vpush v3, $0xF;
	_ =	sdelay $0xe  }
0x32c: {  	s29 =	spop (v2sf)  }
0x32d: {  	p0 =	sne.s32 s29, $0x80000000  }
.Ltmp22:
0x32e: {  	_ = 	snop;
	(pc) =	sbr.rel @p0 .LBB2_21-.Ltmp22, $1  }
0x32f: {  	_ =	sdelay $0x3  }
0x330: {  	v3 =	vmov s25  }
0x331: {  	v3 =	vshll.u32 v3, $0x5  }
0x332: {  	vm0 =	veq.s32 v2, $0x0;
	v2 =	vor.u32 v0, v3  }
0x333: {  	v3 =	vor.u32 $0x4000, v2  }
0x334: {  	v4 =	vor.u32 $0x4001, v2  }
0x335: {  	v5 =	vor.u32 $0x4002, v2  }
0x336: {  	v6 =	vor.u32 $0x4003, v2  }
0x337: {  	v7 =	vor.u32 $0x4004, v2  }
0x338: {  	[tilespmem:v3+s13+$0x0] =	vst.idx.msk vm0, v1;
	v3 =	vor.u32 $0x4005, v2  }
0x339: {  	v44 =	vor.u32 $0x4006, v2;
	[tilespmem:v4+s13+$0x0] =	vst.idx.msk vm0, v1  }
0x33a: {  	v45 =	vor.u32 $0x4007, v2;
	[tilespmem:v5+s13+$0x0] =	vst.idx.msk vm0, v1  }
0x33b: {  	v46 =	vor.u32 $0x4008, v2;
	[tilespmem:v6+s13+$0x0] =	vst.idx.msk vm0, v1  }
0x33c: {  	v47 =	vor.u32 $0x4009, v2;
	[tilespmem:v7+s13+$0x0] =	vst.idx.msk vm0, v1  }
0x33d: {  	[tilespmem:v3+s13+$0x0] =	vst.idx.msk vm0, v1;
	v3 =	vor.u32 $0x400A, v2  }
0x33e: {  	v48 =	vor.u32 $0x400B, v2;
	[tilespmem:v44+s13+$0x0] =	vst.idx.msk vm0, v1  }
0x33f: {  	v49 =	vor.u32 $0x400C, v2;
	[tilespmem:v45+s13+$0x0] =	vst.idx.msk vm0, v1  }
0x340: {  	v50 =	vor.u32 $0x400D, v2;
	[tilespmem:v46+s13+$0x0] =	vst.idx.msk vm0, v1  }
0x341: {  	v51 =	vor.u32 $0x400E, v2;
	[tilespmem:v47+s13+$0x0] =	vst.idx.msk vm0, v1  }
0x342: {  	[tilespmem:v3+s13+$0x0] =	vst.idx.msk vm0, v1;
	v3 =	vor.u32 $0x400F, v2  }
0x343: {  	v52 =	vor.u32 $0x4010, v2;
	[tilespmem:v48+s13+$0x0] =	vst.idx.msk vm0, v1  }
0x344: {  	v53 =	vor.u32 $0x4011, v2;
	[tilespmem:v49+s13+$0x0] =	vst.idx.msk vm0, v1  }
0x345: {  	v54 =	vor.u32 $0x4012, v2;
	[tilespmem:v50+s13+$0x0] =	vst.idx.msk vm0, v1  }
0x346: {  	v55 =	vor.u32 $0x4013, v2;
	[tilespmem:v51+s13+$0x0] =	vst.idx.msk vm0, v1  }
0x347: {  	[tilespmem:v3+s13+$0x0] =	vst.idx.msk vm0, v1;
	v3 =	vor.u32 $0x4014, v2  }
0x348: {  	v56 =	vor.u32 $0x4015, v2;
	[tilespmem:v52+s13+$0x0] =	vst.idx.msk vm0, v1  }
0x349: {  	v57 =	vor.u32 $0x4016, v2;
	[tilespmem:v53+s13+$0x0] =	vst.idx.msk vm0, v1  }
0x34a: {  	v58 =	vor.u32 $0x4017, v2;
	[tilespmem:v54+s13+$0x0] =	vst.idx.msk vm0, v1  }
0x34b: {  	v59 =	vor.u32 $0x4018, v2;
	[tilespmem:v55+s13+$0x0] =	vst.idx.msk vm0, v1  }
0x34c: {  	[tilespmem:v3+s13+$0x0] =	vst.idx.msk vm0, v1;
	v3 =	vor.u32 $0x4019, v2  }
0x34d: {  	v60 =	vor.u32 $0x401A, v2;
	[tilespmem:v56+s13+$0x0] =	vst.idx.msk vm0, v1  }
0x34e: {  	v61 =	vor.u32 $0x401B, v2;
	[tilespmem:v57+s13+$0x0] =	vst.idx.msk vm0, v1  }
0x34f: {  	v62 =	vor.u32 $0x401C, v2;
	[tilespmem:v58+s13+$0x0] =	vst.idx.msk vm0, v1  }
0x350: {  	v63 =	vor.u32 $0x401D, v2;
	[tilespmem:v59+s13+$0x0] =	vst.idx.msk vm0, v1  }
0x351: {  	[tilespmem:v3+s13+$0x0] =	vst.idx.msk vm0, v1;
	v3 =	vor.u32 $0x401E, v2  }
0x352: {  	v2 =	vor.u32 $0x401F, v2;
	[tilespmem:v60+s13+$0x0] =	vst.idx.msk vm0, v1  }
.Ltmp23:
0x353: {  	[tilespmem:v61+s13+$0x0] =	vst.idx.msk vm0, v1;
	(pc) =	sbr.rel .LBB2_21-.Ltmp23, $4  }
0x354: {  	[tilespmem:v62+s13+$0x0] =	vst.idx.msk vm0, v1  }
0x355: {  	[tilespmem:v63+s13+$0x0] =	vst.idx.msk vm0, v1  }
0x356: {  	[tilespmem:v3+s13+$0x0] =	vst.idx.msk vm0, v1  }
0x357: {  	[tilespmem:v2+s13+$0x0] =	vst.idx.msk vm0, v1  }
.LBB2_22:
.Ltmp24:
0x358: {  	(pc) =	sbr.rel .LBB2_23-.Ltmp24, $2  }
0x359: {  	_ =	sdelay $0x2  }
0x35a: {  	s25 =	simm.s32 $0x0;
	s31 =	simm.s32 $0x980  }
.LBB2_25:
0x35b: {  	s25 =	sadd.s32 $0x10, s25  }
0x35c: {  	p0 =	sne.s32 s25, $0x80  }
.Ltmp25:
0x35d: {  	_ = 	snop;
	(pc) =	sbr.rel @!p0 .LBB2_26-.Ltmp25, $2  }
0x35e: {  	_ =	sdelay $0x2  }
0x35f: {  	s31 =	sadd.s32 $0x10, s31  }
.LBB2_23:
0x360: {  	v2 =	vld [tilespmem:s31+$0x0];
	_ =	sdelay $0x4  }
0x361: {  	v3 =	vxor.u32 $0x80000000, v2  }
0x362: {  	(xrf0) =	vmin.scan.msk.u32 $0xffff, v3;
	_ =	sdelay $0x5  }
0x363: {  	v3, _, _ =	vpop (xrf0)  }
0x364: {  	(v2sf) =	vpush v3, $0xF;
	_ =	sdelay $0xe  }
0x365: {  	s29 =	spop (v2sf)  }
0x366: {  	p0 =	sne.s32 s29, $0x80000000  }
.Ltmp26:
0x367: {  	_ = 	snop;
	(pc) =	sbr.rel @p0 .LBB2_25-.Ltmp26, $1  }
0x368: {  	_ =	sdelay $0x3  }
0x369: {  	v3 =	vmov s25  }
0x36a: {  	v3 =	vshll.u32 v3, $0x5  }
0x36b: {  	vm0 =	veq.s32 v2, $0x0;
	v2 =	vor.u32 v0, v3  }
0x36c: {  	v3 =	vor.u32 $0x5000, v2  }
0x36d: {  	v4 =	vor.u32 $0x5001, v2  }
0x36e: {  	v5 =	vor.u32 $0x5002, v2  }
0x36f: {  	v6 =	vor.u32 $0x5003, v2  }
0x370: {  	v7 =	vor.u32 $0x5004, v2  }
0x371: {  	[tilespmem:v3+s13+$0x0] =	vst.idx.msk vm0, v1;
	v3 =	vor.u32 $0x5005, v2  }
0x372: {  	v44 =	vor.u32 $0x5006, v2;
	[tilespmem:v4+s13+$0x0] =	vst.idx.msk vm0, v1  }
0x373: {  	v45 =	vor.u32 $0x5007, v2;
	[tilespmem:v5+s13+$0x0] =	vst.idx.msk vm0, v1  }
0x374: {  	v46 =	vor.u32 $0x5008, v2;
	[tilespmem:v6+s13+$0x0] =	vst.idx.msk vm0, v1  }
0x375: {  	v47 =	vor.u32 $0x5009, v2;
	[tilespmem:v7+s13+$0x0] =	vst.idx.msk vm0, v1  }
0x376: {  	[tilespmem:v3+s13+$0x0] =	vst.idx.msk vm0, v1;
	v3 =	vor.u32 $0x500A, v2  }
0x377: {  	v48 =	vor.u32 $0x500B, v2;
	[tilespmem:v44+s13+$0x0] =	vst.idx.msk vm0, v1  }
0x378: {  	v49 =	vor.u32 $0x500C, v2;
	[tilespmem:v45+s13+$0x0] =	vst.idx.msk vm0, v1  }
0x379: {  	v50 =	vor.u32 $0x500D, v2;
	[tilespmem:v46+s13+$0x0] =	vst.idx.msk vm0, v1  }
0x37a: {  	v51 =	vor.u32 $0x500E, v2;
	[tilespmem:v47+s13+$0x0] =	vst.idx.msk vm0, v1  }
0x37b: {  	[tilespmem:v3+s13+$0x0] =	vst.idx.msk vm0, v1;
	v3 =	vor.u32 $0x500F, v2  }
0x37c: {  	v52 =	vor.u32 $0x5010, v2;
	[tilespmem:v48+s13+$0x0] =	vst.idx.msk vm0, v1  }
0x37d: {  	v53 =	vor.u32 $0x5011, v2;
	[tilespmem:v49+s13+$0x0] =	vst.idx.msk vm0, v1  }
0x37e: {  	v54 =	vor.u32 $0x5012, v2;
	[tilespmem:v50+s13+$0x0] =	vst.idx.msk vm0, v1  }
0x37f: {  	v55 =	vor.u32 $0x5013, v2;
	[tilespmem:v51+s13+$0x0] =	vst.idx.msk vm0, v1  }
0x380: {  	[tilespmem:v3+s13+$0x0] =	vst.idx.msk vm0, v1;
	v3 =	vor.u32 $0x5014, v2  }
0x381: {  	v56 =	vor.u32 $0x5015, v2;
	[tilespmem:v52+s13+$0x0] =	vst.idx.msk vm0, v1  }
0x382: {  	v57 =	vor.u32 $0x5016, v2;
	[tilespmem:v53+s13+$0x0] =	vst.idx.msk vm0, v1  }
0x383: {  	v58 =	vor.u32 $0x5017, v2;
	[tilespmem:v54+s13+$0x0] =	vst.idx.msk vm0, v1  }
0x384: {  	v59 =	vor.u32 $0x5018, v2;
	[tilespmem:v55+s13+$0x0] =	vst.idx.msk vm0, v1  }
0x385: {  	[tilespmem:v3+s13+$0x0] =	vst.idx.msk vm0, v1;
	v3 =	vor.u32 $0x5019, v2  }
0x386: {  	v60 =	vor.u32 $0x501A, v2;
	[tilespmem:v56+s13+$0x0] =	vst.idx.msk vm0, v1  }
0x387: {  	v61 =	vor.u32 $0x501B, v2;
	[tilespmem:v57+s13+$0x0] =	vst.idx.msk vm0, v1  }
0x388: {  	v62 =	vor.u32 $0x501C, v2;
	[tilespmem:v58+s13+$0x0] =	vst.idx.msk vm0, v1  }
0x389: {  	v63 =	vor.u32 $0x501D, v2;
	[tilespmem:v59+s13+$0x0] =	vst.idx.msk vm0, v1  }
0x38a: {  	[tilespmem:v3+s13+$0x0] =	vst.idx.msk vm0, v1;
	v3 =	vor.u32 $0x501E, v2  }
0x38b: {  	v2 =	vor.u32 $0x501F, v2;
	[tilespmem:v60+s13+$0x0] =	vst.idx.msk vm0, v1  }
.Ltmp27:
0x38c: {  	[tilespmem:v61+s13+$0x0] =	vst.idx.msk vm0, v1;
	(pc) =	sbr.rel .LBB2_25-.Ltmp27, $4  }
0x38d: {  	[tilespmem:v62+s13+$0x0] =	vst.idx.msk vm0, v1  }
0x38e: {  	[tilespmem:v63+s13+$0x0] =	vst.idx.msk vm0, v1  }
0x38f: {  	[tilespmem:v3+s13+$0x0] =	vst.idx.msk vm0, v1  }
0x390: {  	[tilespmem:v2+s13+$0x0] =	vst.idx.msk vm0, v1  }
.LBB2_26:
.Ltmp28:
0x391: {  	(pc) =	sbr.rel .LBB2_27-.Ltmp28, $2  }
0x392: {  	_ =	sdelay $0x2  }
0x393: {  	s25 =	simm.s32 $0x0;
	s31 =	simm.s32 $0xA00  }
.LBB2_29:
0x394: {  	s25 =	sadd.s32 $0x10, s25  }
0x395: {  	p0 =	sne.s32 s25, $0x80  }
.Ltmp29:
0x396: {  	_ = 	snop;
	(pc) =	sbr.rel @!p0 .LBB2_30-.Ltmp29, $2  }
0x397: {  	_ =	sdelay $0x2  }
0x398: {  	s31 =	sadd.s32 $0x10, s31  }
.LBB2_27:
0x399: {  	v2 =	vld [tilespmem:s31+$0x0];
	_ =	sdelay $0x4  }
0x39a: {  	v3 =	vxor.u32 $0x80000000, v2  }
0x39b: {  	(xrf0) =	vmin.scan.msk.u32 $0xffff, v3;
	_ =	sdelay $0x5  }
0x39c: {  	v3, _, _ =	vpop (xrf0)  }
0x39d: {  	(v2sf) =	vpush v3, $0xF;
	_ =	sdelay $0xe  }
0x39e: {  	s29 =	spop (v2sf)  }
0x39f: {  	p0 =	sne.s32 s29, $0x80000000  }
.Ltmp30:
0x3a0: {  	_ = 	snop;
	(pc) =	sbr.rel @p0 .LBB2_29-.Ltmp30, $1  }
0x3a1: {  	_ =	sdelay $0x3  }
0x3a2: {  	v3 =	vmov s25  }
0x3a3: {  	v3 =	vshll.u32 v3, $0x5  }
0x3a4: {  	vm0 =	veq.s32 v2, $0x0;
	v2 =	vor.u32 v0, v3  }
0x3a5: {  	v3 =	vor.u32 $0x6000, v2  }
0x3a6: {  	v4 =	vor.u32 $0x6001, v2  }
0x3a7: {  	v5 =	vor.u32 $0x6002, v2  }
0x3a8: {  	v6 =	vor.u32 $0x6003, v2  }
0x3a9: {  	v7 =	vor.u32 $0x6004, v2  }
0x3aa: {  	[tilespmem:v3+s13+$0x0] =	vst.idx.msk vm0, v1;
	v3 =	vor.u32 $0x6005, v2  }
0x3ab: {  	v44 =	vor.u32 $0x6006, v2;
	[tilespmem:v4+s13+$0x0] =	vst.idx.msk vm0, v1  }
0x3ac: {  	v45 =	vor.u32 $0x6007, v2;
	[tilespmem:v5+s13+$0x0] =	vst.idx.msk vm0, v1  }
0x3ad: {  	v46 =	vor.u32 $0x6008, v2;
	[tilespmem:v6+s13+$0x0] =	vst.idx.msk vm0, v1  }
0x3ae: {  	v47 =	vor.u32 $0x6009, v2;
	[tilespmem:v7+s13+$0x0] =	vst.idx.msk vm0, v1  }
0x3af: {  	[tilespmem:v3+s13+$0x0] =	vst.idx.msk vm0, v1;
	v3 =	vor.u32 $0x600A, v2  }
0x3b0: {  	v48 =	vor.u32 $0x600B, v2;
	[tilespmem:v44+s13+$0x0] =	vst.idx.msk vm0, v1  }
0x3b1: {  	v49 =	vor.u32 $0x600C, v2;
	[tilespmem:v45+s13+$0x0] =	vst.idx.msk vm0, v1  }
0x3b2: {  	v50 =	vor.u32 $0x600D, v2;
	[tilespmem:v46+s13+$0x0] =	vst.idx.msk vm0, v1  }
0x3b3: {  	v51 =	vor.u32 $0x600E, v2;
	[tilespmem:v47+s13+$0x0] =	vst.idx.msk vm0, v1  }
0x3b4: {  	[tilespmem:v3+s13+$0x0] =	vst.idx.msk vm0, v1;
	v3 =	vor.u32 $0x600F, v2  }
0x3b5: {  	v52 =	vor.u32 $0x6010, v2;
	[tilespmem:v48+s13+$0x0] =	vst.idx.msk vm0, v1  }
0x3b6: {  	v53 =	vor.u32 $0x6011, v2;
	[tilespmem:v49+s13+$0x0] =	vst.idx.msk vm0, v1  }
0x3b7: {  	v54 =	vor.u32 $0x6012, v2;
	[tilespmem:v50+s13+$0x0] =	vst.idx.msk vm0, v1  }
0x3b8: {  	v55 =	vor.u32 $0x6013, v2;
	[tilespmem:v51+s13+$0x0] =	vst.idx.msk vm0, v1  }
0x3b9: {  	[tilespmem:v3+s13+$0x0] =	vst.idx.msk vm0, v1;
	v3 =	vor.u32 $0x6014, v2  }
0x3ba: {  	v56 =	vor.u32 $0x6015, v2;
	[tilespmem:v52+s13+$0x0] =	vst.idx.msk vm0, v1  }
0x3bb: {  	v57 =	vor.u32 $0x6016, v2;
	[tilespmem:v53+s13+$0x0] =	vst.idx.msk vm0, v1  }
0x3bc: {  	v58 =	vor.u32 $0x6017, v2;
	[tilespmem:v54+s13+$0x0] =	vst.idx.msk vm0, v1  }
0x3bd: {  	v59 =	vor.u32 $0x6018, v2;
	[tilespmem:v55+s13+$0x0] =	vst.idx.msk vm0, v1  }
0x3be: {  	[tilespmem:v3+s13+$0x0] =	vst.idx.msk vm0, v1;
	v3 =	vor.u32 $0x6019, v2  }
0x3bf: {  	v60 =	vor.u32 $0x601A, v2;
	[tilespmem:v56+s13+$0x0] =	vst.idx.msk vm0, v1  }
0x3c0: {  	v61 =	vor.u32 $0x601B, v2;
	[tilespmem:v57+s13+$0x0] =	vst.idx.msk vm0, v1  }
0x3c1: {  	v62 =	vor.u32 $0x601C, v2;
	[tilespmem:v58+s13+$0x0] =	vst.idx.msk vm0, v1  }
0x3c2: {  	v63 =	vor.u32 $0x601D, v2;
	[tilespmem:v59+s13+$0x0] =	vst.idx.msk vm0, v1  }
0x3c3: {  	[tilespmem:v3+s13+$0x0] =	vst.idx.msk vm0, v1;
	v3 =	vor.u32 $0x601E, v2  }
0x3c4: {  	v2 =	vor.u32 $0x601F, v2;
	[tilespmem:v60+s13+$0x0] =	vst.idx.msk vm0, v1  }
.Ltmp31:
0x3c5: {  	[tilespmem:v61+s13+$0x0] =	vst.idx.msk vm0, v1;
	(pc) =	sbr.rel .LBB2_29-.Ltmp31, $4  }
0x3c6: {  	[tilespmem:v62+s13+$0x0] =	vst.idx.msk vm0, v1  }
0x3c7: {  	[tilespmem:v63+s13+$0x0] =	vst.idx.msk vm0, v1  }
0x3c8: {  	[tilespmem:v3+s13+$0x0] =	vst.idx.msk vm0, v1  }
0x3c9: {  	[tilespmem:v2+s13+$0x0] =	vst.idx.msk vm0, v1  }
.LBB2_30:
.Ltmp32:
0x3ca: {  	(pc) =	sbr.rel .LBB2_31-.Ltmp32, $2  }
0x3cb: {  	_ =	sdelay $0x2  }
0x3cc: {  	s25 =	simm.s32 $0x0;
	s31 =	simm.s32 $0xA80  }
.LBB2_33:
0x3cd: {  	s25 =	sadd.s32 $0x10, s25  }
0x3ce: {  	p0 =	sne.s32 s25, $0x80  }
.Ltmp33:
0x3cf: {  	_ = 	snop;
	(pc) =	sbr.rel @!p0 .LBB2_34-.Ltmp33, $2  }
0x3d0: {  	_ =	sdelay $0x2  }
0x3d1: {  	s31 =	sadd.s32 $0x10, s31  }
.LBB2_31:
0x3d2: {  	v2 =	vld [tilespmem:s31+$0x0];
	_ =	sdelay $0x4  }
0x3d3: {  	v3 =	vxor.u32 $0x80000000, v2  }
0x3d4: {  	(xrf0) =	vmin.scan.msk.u32 $0xffff, v3;
	_ =	sdelay $0x5  }
0x3d5: {  	v3, _, _ =	vpop (xrf0)  }
0x3d6: {  	(v2sf) =	vpush v3, $0xF;
	_ =	sdelay $0xe  }
0x3d7: {  	s29 =	spop (v2sf)  }
0x3d8: {  	p0 =	sne.s32 s29, $0x80000000  }
.Ltmp34:
0x3d9: {  	_ = 	snop;
	(pc) =	sbr.rel @p0 .LBB2_33-.Ltmp34, $1  }
0x3da: {  	_ =	sdelay $0x3  }
0x3db: {  	v3 =	vmov s25  }
0x3dc: {  	v3 =	vshll.u32 v3, $0x5  }
0x3dd: {  	vm0 =	veq.s32 v2, $0x0;
	v2 =	vor.u32 v0, v3  }
0x3de: {  	v3 =	vor.u32 $0x7000, v2  }
0x3df: {  	v4 =	vor.u32 $0x7001, v2  }
0x3e0: {  	v5 =	vor.u32 $0x7002, v2  }
0x3e1: {  	v6 =	vor.u32 $0x7003, v2  }
0x3e2: {  	v7 =	vor.u32 $0x7004, v2  }
0x3e3: {  	[tilespmem:v3+s13+$0x0] =	vst.idx.msk vm0, v1;
	v3 =	vor.u32 $0x7005, v2  }
0x3e4: {  	v44 =	vor.u32 $0x7006, v2;
	[tilespmem:v4+s13+$0x0] =	vst.idx.msk vm0, v1  }
0x3e5: {  	v45 =	vor.u32 $0x7007, v2;
	[tilespmem:v5+s13+$0x0] =	vst.idx.msk vm0, v1  }
0x3e6: {  	v46 =	vor.u32 $0x7008, v2;
	[tilespmem:v6+s13+$0x0] =	vst.idx.msk vm0, v1  }
0x3e7: {  	v47 =	vor.u32 $0x7009, v2;
	[tilespmem:v7+s13+$0x0] =	vst.idx.msk vm0, v1  }
0x3e8: {  	[tilespmem:v3+s13+$0x0] =	vst.idx.msk vm0, v1;
	v3 =	vor.u32 $0x700A, v2  }
0x3e9: {  	v48 =	vor.u32 $0x700B, v2;
	[tilespmem:v44+s13+$0x0] =	vst.idx.msk vm0, v1  }
0x3ea: {  	v49 =	vor.u32 $0x700C, v2;
	[tilespmem:v45+s13+$0x0] =	vst.idx.msk vm0, v1  }
0x3eb: {  	v50 =	vor.u32 $0x700D, v2;
	[tilespmem:v46+s13+$0x0] =	vst.idx.msk vm0, v1  }
0x3ec: {  	v51 =	vor.u32 $0x700E, v2;
	[tilespmem:v47+s13+$0x0] =	vst.idx.msk vm0, v1  }
0x3ed: {  	[tilespmem:v3+s13+$0x0] =	vst.idx.msk vm0, v1;
	v3 =	vor.u32 $0x700F, v2  }
0x3ee: {  	v52 =	vor.u32 $0x7010, v2;
	[tilespmem:v48+s13+$0x0] =	vst.idx.msk vm0, v1  }
0x3ef: {  	v53 =	vor.u32 $0x7011, v2;
	[tilespmem:v49+s13+$0x0] =	vst.idx.msk vm0, v1  }
0x3f0: {  	v54 =	vor.u32 $0x7012, v2;
	[tilespmem:v50+s13+$0x0] =	vst.idx.msk vm0, v1  }
0x3f1: {  	v55 =	vor.u32 $0x7013, v2;
	[tilespmem:v51+s13+$0x0] =	vst.idx.msk vm0, v1  }
0x3f2: {  	[tilespmem:v3+s13+$0x0] =	vst.idx.msk vm0, v1;
	v3 =	vor.u32 $0x7014, v2  }
0x3f3: {  	v56 =	vor.u32 $0x7015, v2;
	[tilespmem:v52+s13+$0x0] =	vst.idx.msk vm0, v1  }
0x3f4: {  	v57 =	vor.u32 $0x7016, v2;
	[tilespmem:v53+s13+$0x0] =	vst.idx.msk vm0, v1  }
0x3f5: {  	v58 =	vor.u32 $0x7017, v2;
	[tilespmem:v54+s13+$0x0] =	vst.idx.msk vm0, v1  }
0x3f6: {  	v59 =	vor.u32 $0x7018, v2;
	[tilespmem:v55+s13+$0x0] =	vst.idx.msk vm0, v1  }
0x3f7: {  	[tilespmem:v3+s13+$0x0] =	vst.idx.msk vm0, v1;
	v3 =	vor.u32 $0x7019, v2  }
0x3f8: {  	v60 =	vor.u32 $0x701A, v2;
	[tilespmem:v56+s13+$0x0] =	vst.idx.msk vm0, v1  }
0x3f9: {  	v61 =	vor.u32 $0x701B, v2;
	[tilespmem:v57+s13+$0x0] =	vst.idx.msk vm0, v1  }
0x3fa: {  	v62 =	vor.u32 $0x701C, v2;
	[tilespmem:v58+s13+$0x0] =	vst.idx.msk vm0, v1  }
0x3fb: {  	v63 =	vor.u32 $0x701D, v2;
	[tilespmem:v59+s13+$0x0] =	vst.idx.msk vm0, v1  }
0x3fc: {  	[tilespmem:v3+s13+$0x0] =	vst.idx.msk vm0, v1;
	v3 =	vor.u32 $0x701E, v2  }
0x3fd: {  	v2 =	vor.u32 $0x701F, v2;
	[tilespmem:v60+s13+$0x0] =	vst.idx.msk vm0, v1  }
.Ltmp35:
0x3fe: {  	[tilespmem:v61+s13+$0x0] =	vst.idx.msk vm0, v1;
	(pc) =	sbr.rel .LBB2_33-.Ltmp35, $4  }
0x3ff: {  	[tilespmem:v62+s13+$0x0] =	vst.idx.msk vm0, v1  }
0x400: {  	[tilespmem:v63+s13+$0x0] =	vst.idx.msk vm0, v1  }
0x401: {  	[tilespmem:v3+s13+$0x0] =	vst.idx.msk vm0, v1  }
0x402: {  	[tilespmem:v2+s13+$0x0] =	vst.idx.msk vm0, v1  }
.LBB2_34:
.Ltmp36:
0x403: {  	(pc) =	sbr.rel .LBB2_35-.Ltmp36, $2  }
0x404: {  	_ =	sdelay $0x2  }
0x405: {  	s25 =	simm.s32 $0x0;
	s31 =	simm.s32 $0xB00  }
.LBB2_37:
0x406: {  	s25 =	sadd.s32 $0x10, s25  }
0x407: {  	p0 =	sne.s32 s25, $0x80  }
.Ltmp37:
0x408: {  	_ = 	snop;
	(pc) =	sbr.rel @!p0 .LBB2_38-.Ltmp37, $2  }
0x409: {  	_ =	sdelay $0x2  }
0x40a: {  	s31 =	sadd.s32 $0x10, s31  }
.LBB2_35:
0x40b: {  	v2 =	vld [tilespmem:s31+$0x0];
	_ =	sdelay $0x4  }
0x40c: {  	v3 =	vxor.u32 $0x80000000, v2  }
0x40d: {  	(xrf0) =	vmin.scan.msk.u32 $0xffff, v3;
	_ =	sdelay $0x5  }
0x40e: {  	v3, _, _ =	vpop (xrf0)  }
0x40f: {  	(v2sf) =	vpush v3, $0xF;
	_ =	sdelay $0xe  }
0x410: {  	s29 =	spop (v2sf)  }
0x411: {  	p0 =	sne.s32 s29, $0x80000000  }
.Ltmp38:
0x412: {  	_ = 	snop;
	(pc) =	sbr.rel @p0 .LBB2_37-.Ltmp38, $1  }
0x413: {  	_ =	sdelay $0x3  }
0x414: {  	v3 =	vmov s25  }
0x415: {  	v3 =	vshll.u32 v3, $0x5  }
0x416: {  	vm0 =	veq.s32 v2, $0x0;
	v2 =	vor.u32 v0, v3  }
0x417: {  	v3 =	vor.u32 $0x8000, v2  }
0x418: {  	v4 =	vor.u32 $0x8001, v2  }
0x419: {  	v5 =	vor.u32 $0x8002, v2  }
0x41a: {  	v6 =	vor.u32 $0x8003, v2  }
0x41b: {  	v7 =	vor.u32 $0x8004, v2  }
0x41c: {  	[tilespmem:v3+s13+$0x0] =	vst.idx.msk vm0, v1;
	v3 =	vor.u32 $0x8005, v2  }
0x41d: {  	v44 =	vor.u32 $0x8006, v2;
	[tilespmem:v4+s13+$0x0] =	vst.idx.msk vm0, v1  }
0x41e: {  	v45 =	vor.u32 $0x8007, v2;
	[tilespmem:v5+s13+$0x0] =	vst.idx.msk vm0, v1  }
0x41f: {  	v46 =	vor.u32 $0x8008, v2;
	[tilespmem:v6+s13+$0x0] =	vst.idx.msk vm0, v1  }
0x420: {  	v47 =	vor.u32 $0x8009, v2;
	[tilespmem:v7+s13+$0x0] =	vst.idx.msk vm0, v1  }
0x421: {  	[tilespmem:v3+s13+$0x0] =	vst.idx.msk vm0, v1;
	v3 =	vor.u32 $0x800A, v2  }
0x422: {  	v48 =	vor.u32 $0x800B, v2;
	[tilespmem:v44+s13+$0x0] =	vst.idx.msk vm0, v1  }
0x423: {  	v49 =	vor.u32 $0x800C, v2;
	[tilespmem:v45+s13+$0x0] =	vst.idx.msk vm0, v1  }
0x424: {  	v50 =	vor.u32 $0x800D, v2;
	[tilespmem:v46+s13+$0x0] =	vst.idx.msk vm0, v1  }
0x425: {  	v51 =	vor.u32 $0x800E, v2;
	[tilespmem:v47+s13+$0x0] =	vst.idx.msk vm0, v1  }
0x426: {  	[tilespmem:v3+s13+$0x0] =	vst.idx.msk vm0, v1;
	v3 =	vor.u32 $0x800F, v2  }
0x427: {  	v52 =	vor.u32 $0x8010, v2;
	[tilespmem:v48+s13+$0x0] =	vst.idx.msk vm0, v1  }
0x428: {  	v53 =	vor.u32 $0x8011, v2;
	[tilespmem:v49+s13+$0x0] =	vst.idx.msk vm0, v1  }
0x429: {  	v54 =	vor.u32 $0x8012, v2;
	[tilespmem:v50+s13+$0x0] =	vst.idx.msk vm0, v1  }
0x42a: {  	v55 =	vor.u32 $0x8013, v2;
	[tilespmem:v51+s13+$0x0] =	vst.idx.msk vm0, v1  }
0x42b: {  	[tilespmem:v3+s13+$0x0] =	vst.idx.msk vm0, v1;
	v3 =	vor.u32 $0x8014, v2  }
0x42c: {  	v56 =	vor.u32 $0x8015, v2;
	[tilespmem:v52+s13+$0x0] =	vst.idx.msk vm0, v1  }
0x42d: {  	v57 =	vor.u32 $0x8016, v2;
	[tilespmem:v53+s13+$0x0] =	vst.idx.msk vm0, v1  }
0x42e: {  	v58 =	vor.u32 $0x8017, v2;
	[tilespmem:v54+s13+$0x0] =	vst.idx.msk vm0, v1  }
0x42f: {  	v59 =	vor.u32 $0x8018, v2;
	[tilespmem:v55+s13+$0x0] =	vst.idx.msk vm0, v1  }
0x430: {  	[tilespmem:v3+s13+$0x0] =	vst.idx.msk vm0, v1;
	v3 =	vor.u32 $0x8019, v2  }
0x431: {  	v60 =	vor.u32 $0x801A, v2;
	[tilespmem:v56+s13+$0x0] =	vst.idx.msk vm0, v1  }
0x432: {  	v61 =	vor.u32 $0x801B, v2;
	[tilespmem:v57+s13+$0x0] =	vst.idx.msk vm0, v1  }
0x433: {  	v62 =	vor.u32 $0x801C, v2;
	[tilespmem:v58+s13+$0x0] =	vst.idx.msk vm0, v1  }
0x434: {  	v63 =	vor.u32 $0x801D, v2;
	[tilespmem:v59+s13+$0x0] =	vst.idx.msk vm0, v1  }
0x435: {  	[tilespmem:v3+s13+$0x0] =	vst.idx.msk vm0, v1;
	v3 =	vor.u32 $0x801E, v2  }
0x436: {  	v2 =	vor.u32 $0x801F, v2;
	[tilespmem:v60+s13+$0x0] =	vst.idx.msk vm0, v1  }
.Ltmp39:
0x437: {  	[tilespmem:v61+s13+$0x0] =	vst.idx.msk vm0, v1;
	(pc) =	sbr.rel .LBB2_37-.Ltmp39, $4  }
0x438: {  	[tilespmem:v62+s13+$0x0] =	vst.idx.msk vm0, v1  }
0x439: {  	[tilespmem:v63+s13+$0x0] =	vst.idx.msk vm0, v1  }
0x43a: {  	[tilespmem:v3+s13+$0x0] =	vst.idx.msk vm0, v1  }
0x43b: {  	[tilespmem:v2+s13+$0x0] =	vst.idx.msk vm0, v1  }
.LBB2_38:
.Ltmp40:
0x43c: {  	(pc) =	sbr.rel .LBB2_39-.Ltmp40, $2  }
0x43d: {  	_ =	sdelay $0x2  }
0x43e: {  	s25 =	simm.s32 $0x0;
	s31 =	simm.s32 $0xB80  }
.LBB2_41:
0x43f: {  	s25 =	sadd.s32 $0x10, s25  }
0x440: {  	p0 =	sne.s32 s25, $0x80  }
.Ltmp41:
0x441: {  	_ = 	snop;
	(pc) =	sbr.rel @!p0 .LBB2_42-.Ltmp41, $2  }
0x442: {  	_ =	sdelay $0x2  }
0x443: {  	s31 =	sadd.s32 $0x10, s31  }
.LBB2_39:
0x444: {  	v2 =	vld [tilespmem:s31+$0x0];
	_ =	sdelay $0x4  }
0x445: {  	v3 =	vxor.u32 $0x80000000, v2  }
0x446: {  	(xrf0) =	vmin.scan.msk.u32 $0xffff, v3;
	_ =	sdelay $0x5  }
0x447: {  	v3, _, _ =	vpop (xrf0)  }
0x448: {  	(v2sf) =	vpush v3, $0xF;
	_ =	sdelay $0xe  }
0x449: {  	s29 =	spop (v2sf)  }
0x44a: {  	p0 =	sne.s32 s29, $0x80000000  }
.Ltmp42:
0x44b: {  	_ = 	snop;
	(pc) =	sbr.rel @p0 .LBB2_41-.Ltmp42, $1  }
0x44c: {  	_ =	sdelay $0x3  }
0x44d: {  	v3 =	vmov s25  }
0x44e: {  	v3 =	vshll.u32 v3, $0x5  }
0x44f: {  	vm0 =	veq.s32 v2, $0x0;
	v2 =	vor.u32 v0, v3  }
0x450: {  	v3 =	vor.u32 $0x9000, v2  }
0x451: {  	v4 =	vor.u32 $0x9001, v2  }
0x452: {  	v5 =	vor.u32 $0x9002, v2  }
0x453: {  	v6 =	vor.u32 $0x9003, v2  }
0x454: {  	v7 =	vor.u32 $0x9004, v2  }
0x455: {  	[tilespmem:v3+s13+$0x0] =	vst.idx.msk vm0, v1;
	v3 =	vor.u32 $0x9005, v2  }
0x456: {  	v44 =	vor.u32 $0x9006, v2;
	[tilespmem:v4+s13+$0x0] =	vst.idx.msk vm0, v1  }
0x457: {  	v45 =	vor.u32 $0x9007, v2;
	[tilespmem:v5+s13+$0x0] =	vst.idx.msk vm0, v1  }
0x458: {  	v46 =	vor.u32 $0x9008, v2;
	[tilespmem:v6+s13+$0x0] =	vst.idx.msk vm0, v1  }
0x459: {  	v47 =	vor.u32 $0x9009, v2;
	[tilespmem:v7+s13+$0x0] =	vst.idx.msk vm0, v1  }
0x45a: {  	[tilespmem:v3+s13+$0x0] =	vst.idx.msk vm0, v1;
	v3 =	vor.u32 $0x900A, v2  }
0x45b: {  	v48 =	vor.u32 $0x900B, v2;
	[tilespmem:v44+s13+$0x0] =	vst.idx.msk vm0, v1  }
0x45c: {  	v49 =	vor.u32 $0x900C, v2;
	[tilespmem:v45+s13+$0x0] =	vst.idx.msk vm0, v1  }
0x45d: {  	v50 =	vor.u32 $0x900D, v2;
	[tilespmem:v46+s13+$0x0] =	vst.idx.msk vm0, v1  }
0x45e: {  	v51 =	vor.u32 $0x900E, v2;
	[tilespmem:v47+s13+$0x0] =	vst.idx.msk vm0, v1  }
0x45f: {  	[tilespmem:v3+s13+$0x0] =	vst.idx.msk vm0, v1;
	v3 =	vor.u32 $0x900F, v2  }
0x460: {  	v52 =	vor.u32 $0x9010, v2;
	[tilespmem:v48+s13+$0x0] =	vst.idx.msk vm0, v1  }
0x461: {  	v53 =	vor.u32 $0x9011, v2;
	[tilespmem:v49+s13+$0x0] =	vst.idx.msk vm0, v1  }
0x462: {  	v54 =	vor.u32 $0x9012, v2;
	[tilespmem:v50+s13+$0x0] =	vst.idx.msk vm0, v1  }
0x463: {  	v55 =	vor.u32 $0x9013, v2;
	[tilespmem:v51+s13+$0x0] =	vst.idx.msk vm0, v1  }
0x464: {  	[tilespmem:v3+s13+$0x0] =	vst.idx.msk vm0, v1;
	v3 =	vor.u32 $0x9014, v2  }
0x465: {  	v56 =	vor.u32 $0x9015, v2;
	[tilespmem:v52+s13+$0x0] =	vst.idx.msk vm0, v1  }
0x466: {  	v57 =	vor.u32 $0x9016, v2;
	[tilespmem:v53+s13+$0x0] =	vst.idx.msk vm0, v1  }
0x467: {  	v58 =	vor.u32 $0x9017, v2;
	[tilespmem:v54+s13+$0x0] =	vst.idx.msk vm0, v1  }
0x468: {  	v59 =	vor.u32 $0x9018, v2;
	[tilespmem:v55+s13+$0x0] =	vst.idx.msk vm0, v1  }
0x469: {  	[tilespmem:v3+s13+$0x0] =	vst.idx.msk vm0, v1;
	v3 =	vor.u32 $0x9019, v2  }
0x46a: {  	v60 =	vor.u32 $0x901A, v2;
	[tilespmem:v56+s13+$0x0] =	vst.idx.msk vm0, v1  }
0x46b: {  	v61 =	vor.u32 $0x901B, v2;
	[tilespmem:v57+s13+$0x0] =	vst.idx.msk vm0, v1  }
0x46c: {  	v62 =	vor.u32 $0x901C, v2;
	[tilespmem:v58+s13+$0x0] =	vst.idx.msk vm0, v1  }
0x46d: {  	v63 =	vor.u32 $0x901D, v2;
	[tilespmem:v59+s13+$0x0] =	vst.idx.msk vm0, v1  }
0x46e: {  	[tilespmem:v3+s13+$0x0] =	vst.idx.msk vm0, v1;
	v3 =	vor.u32 $0x901E, v2  }
0x46f: {  	v2 =	vor.u32 $0x901F, v2;
	[tilespmem:v60+s13+$0x0] =	vst.idx.msk vm0, v1  }
.Ltmp43:
0x470: {  	[tilespmem:v61+s13+$0x0] =	vst.idx.msk vm0, v1;
	(pc) =	sbr.rel .LBB2_41-.Ltmp43, $4  }
0x471: {  	[tilespmem:v62+s13+$0x0] =	vst.idx.msk vm0, v1  }
0x472: {  	[tilespmem:v63+s13+$0x0] =	vst.idx.msk vm0, v1  }
0x473: {  	[tilespmem:v3+s13+$0x0] =	vst.idx.msk vm0, v1  }
0x474: {  	[tilespmem:v2+s13+$0x0] =	vst.idx.msk vm0, v1  }
.LBB2_44:
0x475: {  	_ =	sfence.sel $0x180000  }
0x476: {  	[bflag:$0x0] =	sbarrier.arrive $0xFFFF  }
0x477: {  	_ =	strace $0x90000047  }
0x478: {  	s0 =	stileid.u32;
	[bflag:$0x2] =	sbarrier.arrive $0xFFFF  }
0x479: {  	p0 =	sne.s32 s0, $0x0;
	s0 =	rddreg [dreg:$0x4]  }
0x47a: {  	s0 =	sadd.s32 @!p0 $0x100000, s0  }
0x47b: {  	[sflag:s0] =	ssyncadd.tile.s32 @!p0 $0x1;
	_ =	shalt  }
.Lfunc_end2:
_tile_overlayer_lowered:
.L_overlay_start_2:
0x47c: {  	(tag) =	ssettag $0x2  }
0x47d: {  	s0 =	rddreg [dreg:$0x0];
	s2 =	stileid.u32  }
0x47e: {  	s1 =	rddreg [dreg:$0x1];
	p0 =	sne.s32 s2, $0x0  }
0x47f: {  	s3 =	rddreg [dreg:$0x2];
	[bflag:$0x3] =	sbarrier.arrive $0xFFFF;
	s2 =	simm.s32 @!p0 $0x1C06  }
0x480: {  	[timem:s3], [sflag:s2] =	dma.local @!p0 [hbm:s0], s1  }
0x481: {  	s0 =	simm.s32 @!p0 $0x6  }
0x482: {  	_ =	swait.ge @!p0 [sflag:s0], s1  }
0x483: {  	s1 =	ssub.s32 @!p0 $0x0, s1;
	[sflag:s0] =	ssyncset.done @!p0 $0x0  }
0x484: {  	[sflag:s0] =	ssyncadd.s32 @!p0 s1  }
0x485: {  	[bflag:$0x3] =	sbarrier.arrive $0xFFFF  }
0x486: {  	_ =	shalt  }

</sc_bundles>
